<compile_context>
chip_gen: v7x
topology: tpu7x:2x2x1
jax: 0.10.2.dev20260603
libtpu: 0.0.44.dev20260713+nightly
codegen_flags: <defaults>
</compile_context>

<pallas_src>
import functools

import jax
import jax.numpy as jnp
from jax import lax
from jax.experimental import pallas as pl
from jax.experimental.pallas import tpu as pltpu
from jax.experimental.pallas import tpu_sc as plsc

N = 10000
E = 160000
D = 256
H = 256
NCLS = 2

NC = 2
NS = 16
HALF = 128
CW = 16
NCNT = N + 16
W2PAD = 16
RB = 1000
GRID = N // RB

K1 = 128
NB1 = 80
EPT1 = E // NS
CNT_SPLIT = 40
K2 = 128
NB2 = 40
EPT2 = E // (NC * NS)
NCH = 5


def _tc_a_body(x_ref, w_ref, out_ref):
    out_ref[...] = lax.dot_general(
        x_ref[...], w_ref[...], (((1,), (1,)), ((), ())),
        preferred_element_type=jnp.float32).astype(jnp.bfloat16)


_tc_a = pl.pallas_call(
    _tc_a_body,
    grid=(NC * GRID,),
    in_specs=[
        pl.BlockSpec((RB, D), lambda j: (j % GRID, 0)),
        pl.BlockSpec((HALF, D), lambda j: (j // GRID, 0)),
    ],
    out_specs=pl.BlockSpec((RB, HALF), lambda j: (j, 0)),
    out_shape=jax.ShapeDtypeStruct((NC * N, HALF), jnp.bfloat16),
)


@functools.lru_cache(maxsize=None)
def _make_seg_sum(width, nb, k, shared_idx, src_stride, acc_rows, with_cnt,
                  dtype=jnp.float32):

    cb = nb // NCH
    rpt = acc_rows // NS
    crpt = NCNT // NS

    def body(table_ref, src_ref, dst_ref, *rest):
        if with_cnt:
            (out_ref, cnt_ref, src_a, src_b, dst_a, dst_b, rows0, rows1,
             ones, acc, acc_cnt, semi_a, semi_b, semg0, semg1) = rest
        else:
            (out_ref, src_a, src_b, dst_a, dst_b, rows0, rows1,
             acc, semi_a, semi_b, semg0, semg1) = rest
        c = lax.axis_index("c")
        s = lax.axis_index("s")

        vl = 16 if dtype == jnp.float32 else 32
        nlane = width // vl

        def _z(i, carry):
            r = i // nlane
            j = i % nlane
            rows0[r, pl.ds(j * vl, vl)] = jnp.zeros((vl,), dtype)
            return carry

        lax.fori_loop(0, k * nlane, _z, 0)
        nfull = rpt // k
        rem = rpt - nfull * k
        for q in range(nfull):
            pltpu.sync_copy(rows0, acc.at[pl.ds(s * rpt + q * k, k)])
        if rem:
            pltpu.sync_copy(rows0.at[pl.ds(0, rem)],
                            acc.at[pl.ds(s * rpt + nfull * k, rem)])

        if with_cnt:
            def _zc(i, carry):
                ones[i, pl.ds(0, 16)] = jnp.zeros((16,), jnp.float32)
                return carry

            lax.fori_loop(0, k, _zc, 0)
            cfull = crpt // k
            crem = crpt - cfull * k
            for q in range(cfull):
                pltpu.sync_copy(ones, acc_cnt.at[pl.ds(s * crpt + q * k, k)])
            if crem:
                pltpu.sync_copy(
                    ones.at[pl.ds(0, crem)],
                    acc_cnt.at[pl.ds(s * crpt + cfull * k, crem)])

            def _o(i, carry):
                ones[i, pl.ds(0, 16)] = jnp.ones((16,), jnp.float32)
                return carry

            lax.fori_loop(0, k, _o, 0)

        def _src_chunk(ch):
            if shared_idx:
                return src_ref.at[s, pl.ds(ch * cb, cb)]
            return src_ref.at[c, s, pl.ds(ch * cb, cb)]

        def _dst_chunk(ch):
            if shared_idx:
                return dst_ref.at[s, pl.ds(ch * cb, cb)]
            return dst_ref.at[c, s, pl.ds(ch * cb, cb)]

        pltpu.sync_copy(_src_chunk(0), src_a)
        pltpu.sync_copy(_dst_chunk(0), dst_a)
        plsc.subcore_barrier()

        bufs = [(src_a, dst_a, semi_a), (src_b, dst_b, semi_b)]
        for ch in range(NCH):
            sbuf, dbuf, semi = bufs[ch % 2]
            sbuf_n, dbuf_n, semi_n = bufs[(ch + 1) % 2]
            if ch > 0:
                pltpu.make_async_copy(_src_chunk(ch), sbuf, semi).wait()
                pltpu.make_async_copy(_dst_chunk(ch), dbuf, semi).wait()
            if ch + 1 < NCH:
                pltpu.async_copy(_src_chunk(ch + 1), sbuf_n, semi_n)
                pltpu.async_copy(_dst_chunk(ch + 1), dbuf_n, semi_n)

            if shared_idx:
                coff = c * src_stride

                def _ofs(i, carry, sbuf=sbuf):
                    r = i // (k // 16)
                    j = i % (k // 16)
                    sbuf[r, pl.ds(j * 16, 16)] = (
                        sbuf[r, pl.ds(j * 16, 16)] + coff)
                    return carry

                lax.fori_loop(0, cb * (k // 16), _ofs, 0)

            pltpu.async_copy(table_ref.at[sbuf.at[0]], rows0, semg0)

            def _blk(b, carry, sbuf=sbuf, dbuf=dbuf, ch=ch):
                @pl.when(jnp.logical_and(b + 1 < cb, (b + 1) % 2 == 0))
                def _():
                    pltpu.async_copy(table_ref.at[sbuf.at[b + 1]], rows0,
                                     semg0)

                @pl.when(jnp.logical_and(b + 1 < cb, (b + 1) % 2 == 1))
                def _():
                    pltpu.async_copy(table_ref.at[sbuf.at[b + 1]], rows1,
                                     semg1)

                if with_cnt:
                    inlow = (ch * cb + b) < CNT_SPLIT
                    mine = jnp.where(c == 0, inlow, jnp.logical_not(inlow))

                    @pl.when(mine)
                    def _():
                        pltpu.sync_copy(ones, acc_cnt.at[dbuf.at[b]],
                                        add=True)

                @pl.when(b % 2 == 0)
                def _():
                    pltpu.make_async_copy(
                        table_ref.at[sbuf.at[b]], rows0, semg0).wait()
                    pltpu.sync_copy(rows0, acc.at[dbuf.at[b]], add=True)

                @pl.when(b % 2 == 1)
                def _():
                    pltpu.make_async_copy(
                        table_ref.at[sbuf.at[b]], rows1, semg1).wait()
                    pltpu.sync_copy(rows1, acc.at[dbuf.at[b]], add=True)

                return carry

            lax.fori_loop(0, cb, _blk, 0)

        plsc.subcore_barrier()
        pltpu.sync_copy(acc.at[pl.ds(s * rpt, rpt)],
                        out_ref.at[c, pl.ds(s * rpt, rpt)])
        if with_cnt:
            pltpu.sync_copy(acc_cnt.at[pl.ds(s * crpt, crpt)],
                            cnt_ref.at[c, pl.ds(s * crpt, crpt)])

    out_type = [jax.ShapeDtypeStruct((NC, acc_rows, width), dtype)]
    scratch = [
        pltpu.VMEM((cb, k), jnp.int32),
        pltpu.VMEM((cb, k), jnp.int32),
        pltpu.VMEM((cb, k), jnp.int32),
        pltpu.VMEM((cb, k), jnp.int32),
        pltpu.VMEM((k, width), dtype),
        pltpu.VMEM((k, width), dtype),
    ]
    if with_cnt:
        out_type.append(jax.ShapeDtypeStruct((NC, NCNT, CW), jnp.float32))
        scratch.append(pltpu.VMEM((k, CW), jnp.float32))
    scratch.append(pltpu.VMEM_SHARED((acc_rows, width), dtype))
    if with_cnt:
        scratch.append(pltpu.VMEM_SHARED((NCNT, CW), jnp.float32))
    scratch += [pltpu.SemaphoreType.DMA] * 4

    return pl.kernel(
        body,
        out_type=out_type,
        mesh=plsc.VectorSubcoreMesh(core_axis_name="c", subcore_axis_name="s"),
        scratch_types=scratch,
        compiler_params=pltpu.CompilerParams(use_tc_tiling_on_sc=False),
    )


def _tc_b_body(seg_ref, cnt_ref, x_ref, w1r_ref, b1_ref, w2l_ref, w2r_ref,
               b2_ref, qaug_ref, r2c_ref):
    sums = jnp.concatenate(
        [seg_ref[0], seg_ref[1]], axis=1).astype(jnp.float32)
    denom = jnp.maximum(cnt_ref[0, :, :1] + cnt_ref[1, :, :1], 1.0)
    r = lax.dot_general(x_ref[...], w1r_ref[...], (((1,), (1,)), ((), ())),
                        preferred_element_type=jnp.float32) + b1_ref[...]
    h = jnp.maximum(sums / denom + r, 0.0)
    q = lax.dot_general(h, w2l_ref[...], (((1,), (1,)), ((), ())),
                        preferred_element_type=jnp.float32)
    r2 = lax.dot_general(h, w2r_ref[...], (((1,), (1,)), ((), ())),
                         preferred_element_type=jnp.float32) + b2_ref[...]
    qaug_ref[...] = q
    r2c_ref[...] = jnp.concatenate(
        [r2[:, :NCLS], denom, jnp.zeros((RB, W2PAD - NCLS - 1), jnp.float32)],
        axis=1)


_tc_b = pl.pallas_call(
    _tc_b_body,
    grid=(GRID,),
    in_specs=[
        pl.BlockSpec((NC, RB, HALF), lambda i: (0, i, 0)),
        pl.BlockSpec((NC, RB, CW), lambda i: (0, i, 0)),
        pl.BlockSpec((RB, D), lambda i: (i, 0)),
        pl.BlockSpec((H, D), lambda i: (0, 0)),
        pl.BlockSpec((1, H), lambda i: (0, 0)),
        pl.BlockSpec((W2PAD, H), lambda i: (0, 0)),
        pl.BlockSpec((W2PAD, H), lambda i: (0, 0)),
        pl.BlockSpec((1, W2PAD), lambda i: (0, 0)),
    ],
    out_specs=[
        pl.BlockSpec((RB, W2PAD), lambda i: (i, 0)),
        pl.BlockSpec((RB, W2PAD), lambda i: (i, 0)),
    ],
    out_shape=[
        jax.ShapeDtypeStruct((N, W2PAD), jnp.float32),
        jax.ShapeDtypeStruct((N, W2PAD), jnp.float32),
    ],
)


def _tc_c_body(seg2_ref, r2c_ref, out_ref):
    s2 = seg2_ref[0] + seg2_ref[1]
    r2c = r2c_ref[...]
    out_ref[...] = s2[:, :NCLS] / r2c[:, NCLS:NCLS + 1] + r2c[:, :NCLS]


RBC = 2000

_tc_c = pl.pallas_call(
    _tc_c_body,
    grid=(N // RBC,),
    in_specs=[
        pl.BlockSpec((NC, RBC, W2PAD), lambda i: (0, i, 0)),
        pl.BlockSpec((RBC, W2PAD), lambda i: (i, 0)),
    ],
    out_specs=pl.BlockSpec((RBC, NCLS), lambda i: (i, 0)),
    out_shape=jax.ShapeDtypeStruct((N, NCLS), jnp.float32),
)


def kernel(x, edge_index, W1l, b1, W1r, W2l, b2, W2r):
    src = edge_index[0].astype(jnp.int32)
    dst = edge_index[1].astype(jnp.int32)

    table1 = _tc_a(x, W1l)

    npad1 = NB1 * K1 - EPT1
    sgarb = jnp.broadcast_to(jnp.arange(npad1, dtype=jnp.int32) * 37 % N,
                             (NS, npad1))
    dgarb = jnp.broadcast_to(
        N + (jnp.arange(npad1, dtype=jnp.int32) % 16), (NS, npad1))
    src3 = jnp.concatenate([src.reshape(NS, EPT1), sgarb],
                           axis=1).reshape(NS, NB1, K1)
    dst3 = jnp.concatenate([dst.reshape(NS, EPT1), dgarb],
                           axis=1).reshape(NS, NB1, K1)
    seg1, cnt1 = _make_seg_sum(HALF, NB1, K1, True, N, NCNT, True,
                               jnp.bfloat16)(table1, src3, dst3)

    w2lp = jnp.zeros((W2PAD, H), jnp.float32).at[:NCLS].set(W2l)
    w2rp = jnp.zeros((W2PAD, H), jnp.float32).at[:NCLS].set(W2r)
    b2p = jnp.zeros((1, W2PAD), jnp.float32).at[0, :NCLS].set(b2)
    qaug, r2c = _tc_b(seg1, cnt1, x, W1r, b1.reshape(1, H), w2lp, w2rp, b2p)

    padc = ((0, 0), (0, NB2 * K2 - EPT2))
    src2 = jnp.pad(src.reshape(NC * NS, EPT2), padc).reshape(NC, NS, NB2, K2)
    dst2 = jnp.pad(dst.reshape(NC * NS, EPT2), padc,
                   constant_values=N).reshape(NC, NS, NB2, K2)
    (seg2,) = _make_seg_sum(W2PAD, NB2, K2, False, 0, NCNT, False)(
        qaug, src2, dst2)

    return _tc_c(seg2, r2c)

# --- scband reference (transcript-rebuilt; emitter-appended) ---
"""Pipeline reference for scband-fraud-sage-60679297958528 (READ-ONLY COPY).

The authoritative reference and input builder live on the scoring server;
editing this copy changes nothing except your own understanding.
"""

import jax, jax.numpy as jnp
import numpy as np

N_NODES = 10000
N_EDGES = 160000
D_FEAT = 256
HIDDEN = 256
N_CLASSES = 2


def setup_inputs(seed: int = 0) -> dict:
    key = jax.random.key(seed)
    ks = jax.random.split(key, 8)
    x = jax.random.normal(ks[0], (N_NODES, D_FEAT), dtype=jnp.float32)
    edge_index = jax.random.randint(ks[1], (2, N_EDGES), 0, N_NODES, dtype=jnp.int64)
    # SAGEConv params (PyG convention: lin_l on aggregated neighbors w/ bias, lin_r on root, no bias)
    s1 = 1.0 / np.sqrt(D_FEAT)
    s2 = 1.0 / np.sqrt(HIDDEN)
    W1l = jax.random.uniform(ks[2], (HIDDEN, D_FEAT), jnp.float32, -s1, s1)
    b1 = jax.random.uniform(ks[3], (HIDDEN,), jnp.float32, -s1, s1)
    W1r = jax.random.uniform(ks[4], (HIDDEN, D_FEAT), jnp.float32, -s1, s1)
    W2l = jax.random.uniform(ks[5], (N_CLASSES, HIDDEN), jnp.float32, -s2, s2)
    b2 = jax.random.uniform(ks[6], (N_CLASSES,), jnp.float32, -s2, s2)
    W2r = jax.random.uniform(ks[7], (N_CLASSES, HIDDEN), jnp.float32, -s2, s2)
    return {"x": x, "edge_index": edge_index, "W1l": W1l, "b1": b1, "W1r": W1r, "W2l": W2l, "b2": b2, "W2r": W2r}


def _sage_conv(h, src, dst, Wl, bl, Wr, num_nodes):
    # mean aggregation of neighbor features at dst
    msg = jnp.take(h, src, axis=0)
    summed = jax.ops.segment_sum(msg, dst, num_segments=num_nodes)
    cnt = jax.ops.segment_sum(jnp.ones((src.shape[0],), h.dtype), dst, num_segments=num_nodes)
    agg = summed / jnp.maximum(cnt, 1.0)[:, None]
    return agg @ Wl.T + bl + h @ Wr.T


def reference(x, edge_index, W1l, b1, W1r, W2l, b2, W2r):
    src = edge_index[0]
    dst = edge_index[1]
    n = x.shape[0]
    h = _sage_conv(x, src, dst, W1l, b1, W1r, n)
    h = jax.nn.relu(h)
    # dropout p=0.5 is identity in eval mode
    out = _sage_conv(h, src, dst, W2l, b2, W2r, n)
    return out

if __name__ == "__main__":
    import jax
    _d = setup_inputs()
    print(jax.jit(kernel)(*tuple(_d.values())))

</pallas_src>

<mosaic_0001>
#map = affine_map<(d0, d1) -> (0, 0)>
#map1 = affine_map<(d0, d1) -> (0, 0, 0, 0)>
#map2 = affine_map<(d0, d1) -> (0, 0, 0)>
module attributes {stable_mosaic.version = 14 : i64} {
  func.func @body(%arg0: i32, %arg1: i32, %arg2: memref<10000x16xf32, #tpu.memory_space<hbm>>, %arg3: memref<2x16x40x128xi32, #tpu.memory_space<hbm>>, %arg4: memref<2x16x40x128xi32, #tpu.memory_space<hbm>>, %arg5: memref<2x10016x16xf32, #tpu.memory_space<hbm>>, %arg6: memref<8x128xi32, #tpu.memory_space<vmem>>, %arg7: memref<8x128xi32, #tpu.memory_space<vmem>>, %arg8: memref<8x128xi32, #tpu.memory_space<vmem>>, %arg9: memref<8x128xi32, #tpu.memory_space<vmem>>, %arg10: memref<128x16xf32, #tpu.memory_space<vmem>>, %arg11: memref<128x16xf32, #tpu.memory_space<vmem>>, %arg12: memref<10016x16xf32, #tpu.memory_space<vmem_shared>>, %arg13: memref<!tpu.dma_semaphore, #tpu.memory_space<semaphore_mem>>, %arg14: memref<!tpu.dma_semaphore, #tpu.memory_space<semaphore_mem>>, %arg15: memref<!tpu.dma_semaphore, #tpu.memory_space<semaphore_mem>>, %arg16: memref<!tpu.dma_semaphore, #tpu.memory_space<semaphore_mem>>) attributes {dimension_semantics = [#tpu.dimension_semantics<core_parallel>, #tpu.dimension_semantics<subcore_parallel>], iteration_bounds = array<i64: 2, 16>, scalar_prefetch = 0 : i64, scratch_operands = 11 : i64, tpu.core_type = #tpu.core_type<sc_vector_subcore>, window_params = [{transform_indices = #map}, {transform_indices = #map1}, {transform_indices = #map1}, {transform_indices = #map2}]} {
    %scan3A = arith.constant 0 : i32
    %scan3A_0 = arith.constant 0 : i32
    %scan3A_1 = arith.constant 128 : i32
    %scan3A_2 = arith.addi %scan3A_0, %scan3A_1 : i32
    %scan3A_3 = arith.constant 1 : i32
    scf.for %scan3A_219 = %scan3A_0 to %scan3A_2 step %scan3A_3  : i32 {
      %jit3A = arith.constant 1 : i32
      %div3A = arith.divsi %scan3A_219, %jit3A : i32
      %sign3A = arith.constant 0 : i32
      %sign3A_220 = arith.cmpi sgt, %scan3A_219, %sign3A : i32
      %sign3A_221 = arith.extui %sign3A_220 : i1 to i32
      %sign3A_222 = arith.constant 0 : i32
      %sign3A_223 = arith.cmpi slt, %scan3A_219, %sign3A_222 : i32
      %sign3A_224 = arith.extui %sign3A_223 : i1 to i32
      %sign3A_225 = arith.subi %sign3A_221, %sign3A_224 : i32
      %sign3A_226 = arith.constant 0 : i32
      %sign3A_227 = arith.cmpi sgt, %jit3A, %sign3A_226 : i32
      %sign3A_228 = arith.extui %sign3A_227 : i1 to i32
      %sign3A_229 = arith.constant 0 : i32
      %sign3A_230 = arith.cmpi slt, %jit3A, %sign3A_229 : i32
      %sign3A_231 = arith.extui %sign3A_230 : i1 to i32
      %sign3A_232 = arith.subi %sign3A_228, %sign3A_231 : i32
      %ne3A = arith.cmpi ne, %sign3A_225, %sign3A_232 : i32
      %rem3A = arith.remsi %scan3A_219, %jit3A : i32
      %ne3A_233 = arith.constant 0 : i32
      %ne3A_234 = arith.cmpi ne, %rem3A, %ne3A_233 : i32
      %and3A = arith.andi %ne3A, %ne3A_234 : i1
      %sub3A = arith.constant 1 : i32
      %sub3A_235 = arith.subi %div3A, %sub3A : i32
      %select_n3A = arith.select %and3A, %sub3A_235, %div3A : i32
      %jit3A_236 = arith.constant 1 : i32
      %eq3A = arith.constant 0 : i32
      %eq3A_237 = arith.cmpi eq, %jit3A_236, %eq3A : i32
      %jit3A_238 = arith.constant 1 : i32
      %select_n3A_239 = arith.select %eq3A_237, %jit3A_238, %jit3A_236 : i32
      %rem3A_240 = arith.remsi %scan3A_219, %select_n3A_239 : i32
      %ne3A_241 = arith.constant 0 : i32
      %ne3A_242 = arith.cmpi ne, %rem3A_240, %ne3A_241 : i32
      %lt3A = arith.constant 0 : i32
      %lt3A_243 = arith.cmpi slt, %rem3A_240, %lt3A : i32
      %lt3A_244 = arith.constant 0 : i32
      %lt3A_245 = arith.cmpi slt, %select_n3A_239, %lt3A_244 : i32
      %ne3A_246 = arith.xori %lt3A_243, %lt3A_245 : i1
      %and3A_247 = arith.andi %ne3A_246, %ne3A_242 : i1
      %add3A_248 = arith.addi %rem3A_240, %select_n3A_239 : i32
      %select_n3A_249 = arith.select %and3A_247, %add3A_248, %rem3A_240 : i32
      %broadcast_in_dim3A = arith.constant 0.000000e+00 : f32
      %broadcast_in_dim3A_250 = vector.broadcast %broadcast_in_dim3A : f32 to vector<16xf32>
      %mul3A_251 = arith.constant 16 : i32
      %mul3A_252 = arith.muli %select_n3A_249, %mul3A_251 : i32
      %swap3A = arith.index_cast %select_n3A : i32 to index
      %swap3A_253 = arith.index_cast %mul3A_252 : i32 to index
      %swap3A_254 = tpu.vector_load %arg10[%swap3A, %swap3A_253] {strides = array<i32>} : memref<128x16xf32, #tpu.memory_space<vmem>>, vector<1x16xf32>,
      %swap3A_255 = vector.shape_cast %swap3A_254 : vector<1x16xf32> to vector<16xf32>
      %swap3A_256 = vector.shape_cast %broadcast_in_dim3A_250 : vector<16xf32> to vector<1x16xf32>
      tpu.vector_store %arg10[%swap3A, %swap3A_253], %swap3A_256 {strides = array<i32>} : memref<128x16xf32, #tpu.memory_space<vmem>>, vector<1x16xf32>,
    }
    %scan3A_4 = arith.constant 128 : i32
    %mul3A = arith.constant 626 : i32
    %mul3A_5 = arith.muli %arg1, %mul3A : i32
    %add3A = arith.constant 0 : i32
    %add3A_6 = arith.addi %mul3A_5, %add3A : i32
    "tpu.region"() ({
      %run_scoped3A = tpu.sem_alloc : memref<!tpu.dma_semaphore, #tpu.memory_space<semaphore_mem>>
      %dma_start3A_219 = arith.constant 0 : i32
      %dma_start3A_220 = tpu.memref_slice %arg12[%add3A_6, %dma_start3A_219] : memref<10016x16xf32, #tpu.memory_space<vmem_shared>> -> memref<128x16xf32, #tpu.memory_space<vmem_shared>>
      %dma_start3A_221 = arith.constant 0 : i32
      %dma_start3A_222 = tpu.memref_slice %arg12[%add3A_6, %dma_start3A_221] : memref<10016x16xf32, #tpu.memory_space<vmem_shared>> -> memref<128x16xf32, #tpu.memory_space<vmem_shared>>
      tpu.enqueue_dma source(%arg10 : memref<128x16xf32, #tpu.memory_space<vmem>>) target(%dma_start3A_222 : memref<128x16xf32, #tpu.memory_space<vmem_shared>>) target_semaphore(%run_scoped3A : memref<!tpu.dma_semaphore, #tpu.memory_space<semaphore_mem>>)
      %dma_wait3A_223 = arith.constant 0 : i32
      %dma_wait3A_224 = tpu.memref_slice %arg12[%add3A_6, %dma_wait3A_223] : memref<10016x16xf32, #tpu.memory_space<vmem_shared>> -> memref<128x16xf32, #tpu.memory_space<vmem_shared>>
      %dma_wait3A_225 = arith.constant 0 : i32
      %dma_wait3A_226 = tpu.memref_slice %arg12[%add3A_6, %dma_wait3A_225] : memref<10016x16xf32, #tpu.memory_space<vmem_shared>> -> memref<128x16xf32, #tpu.memory_space<vmem_shared>>
      tpu.wait_dma2 semaphore(%run_scoped3A : memref<!tpu.dma_semaphore, #tpu.memory_space<semaphore_mem>>) src(%arg10 : memref<128x16xf32, #tpu.memory_space<vmem>>) dst(%dma_wait3A_226 : memref<128x16xf32, #tpu.memory_space<vmem_shared>>)
      tpu.yield
    }) : () -> ()
    %mul3A_7 = arith.constant 626 : i32
    %mul3A_8 = arith.muli %arg1, %mul3A_7 : i32
    %add3A_9 = arith.constant 128 : i32
    %add3A_10 = arith.addi %mul3A_8, %add3A_9 : i32
    "tpu.region"() ({
      %run_scoped3A = tpu.sem_alloc : memref<!tpu.dma_semaphore, #tpu.memory_space<semaphore_mem>>
      %dma_start3A_219 = arith.constant 0 : i32
      %dma_start3A_220 = tpu.memref_slice %arg12[%add3A_10, %dma_start3A_219] : memref<10016x16xf32, #tpu.memory_space<vmem_shared>> -> memref<128x16xf32, #tpu.memory_space<vmem_shared>>
      %dma_start3A_221 = arith.constant 0 : i32
      %dma_start3A_222 = tpu.memref_slice %arg12[%add3A_10, %dma_start3A_221] : memref<10016x16xf32, #tpu.memory_space<vmem_shared>> -> memref<128x16xf32, #tpu.memory_space<vmem_shared>>
      tpu.enqueue_dma source(%arg10 : memref<128x16xf32, #tpu.memory_space<vmem>>) target(%dma_start3A_222 : memref<128x16xf32, #tpu.memory_space<vmem_shared>>) target_semaphore(%run_scoped3A : memref<!tpu.dma_semaphore, #tpu.memory_space<semaphore_mem>>)
      %dma_wait3A_223 = arith.constant 0 : i32
      %dma_wait3A_224 = tpu.memref_slice %arg12[%add3A_10, %dma_wait3A_223] : memref<10016x16xf32, #tpu.memory_space<vmem_shared>> -> memref<128x16xf32, #tpu.memory_space<vmem_shared>>
      %dma_wait3A_225 = arith.constant 0 : i32
      %dma_wait3A_226 = tpu.memref_slice %arg12[%add3A_10, %dma_wait3A_225] : memref<10016x16xf32, #tpu.memory_space<vmem_shared>> -> memref<128x16xf32, #tpu.memory_space<vmem_shared>>
      tpu.wait_dma2 semaphore(%run_scoped3A : memref<!tpu.dma_semaphore, #tpu.memory_space<semaphore_mem>>) src(%arg10 : memref<128x16xf32, #tpu.memory_space<vmem>>) dst(%dma_wait3A_226 : memref<128x16xf32, #tpu.memory_space<vmem_shared>>)
      tpu.yield
    }) : () -> ()
    %mul3A_11 = arith.constant 626 : i32
    %mul3A_12 = arith.muli %arg1, %mul3A_11 : i32
    %add3A_13 = arith.constant 256 : i32
    %add3A_14 = arith.addi %mul3A_12, %add3A_13 : i32
    "tpu.region"() ({
      %run_scoped3A = tpu.sem_alloc : memref<!tpu.dma_semaphore, #tpu.memory_space<semaphore_mem>>
      %dma_start3A_219 = arith.constant 0 : i32
      %dma_start3A_220 = tpu.memref_slice %arg12[%add3A_14, %dma_start3A_219] : memref<10016x16xf32, #tpu.memory_space<vmem_shared>> -> memref<128x16xf32, #tpu.memory_space<vmem_shared>>
      %dma_start3A_221 = arith.constant 0 : i32
      %dma_start3A_222 = tpu.memref_slice %arg12[%add3A_14, %dma_start3A_221] : memref<10016x16xf32, #tpu.memory_space<vmem_shared>> -> memref<128x16xf32, #tpu.memory_space<vmem_shared>>
      tpu.enqueue_dma source(%arg10 : memref<128x16xf32, #tpu.memory_space<vmem>>) target(%dma_start3A_222 : memref<128x16xf32, #tpu.memory_space<vmem_shared>>) target_semaphore(%run_scoped3A : memref<!tpu.dma_semaphore, #tpu.memory_space<semaphore_mem>>)
      %dma_wait3A_223 = arith.constant 0 : i32
      %dma_wait3A_224 = tpu.memref_slice %arg12[%add3A_14, %dma_wait3A_223] : memref<10016x16xf32, #tpu.memory_space<vmem_shared>> -> memref<128x16xf32, #tpu.memory_space<vmem_shared>>
      %dma_wait3A_225 = arith.constant 0 : i32
      %dma_wait3A_226 = tpu.memref_slice %arg12[%add3A_14, %dma_wait3A_225] : memref<10016x16xf32, #tpu.memory_space<vmem_shared>> -> memref<128x16xf32, #tpu.memory_space<vmem_shared>>
      tpu.wait_dma2 semaphore(%run_scoped3A : memref<!tpu.dma_semaphore, #tpu.memory_space<semaphore_mem>>) src(%arg10 : memref<128x16xf32, #tpu.memory_space<vmem>>) dst(%dma_wait3A_226 : memref<128x16xf32, #tpu.memory_space<vmem_shared>>)
      tpu.yield
    }) : () -> ()
    %mul3A_15 = arith.constant 626 : i32
    %mul3A_16 = arith.muli %arg1, %mul3A_15 : i32
    %add3A_17 = arith.constant 384 : i32
    %add3A_18 = arith.addi %mul3A_16, %add3A_17 : i32
    "tpu.region"() ({
      %run_scoped3A = tpu.sem_alloc : memref<!tpu.dma_semaphore, #tpu.memory_space<semaphore_mem>>
      %dma_start3A_219 = arith.constant 0 : i32
      %dma_start3A_220 = tpu.memref_slice %arg12[%add3A_18, %dma_start3A_219] : memref<10016x16xf32, #tpu.memory_space<vmem_shared>> -> memref<128x16xf32, #tpu.memory_space<vmem_shared>>
      %dma_start3A_221 = arith.constant 0 : i32
      %dma_start3A_222 = tpu.memref_slice %arg12[%add3A_18, %dma_start3A_221] : memref<10016x16xf32, #tpu.memory_space<vmem_shared>> -> memref<128x16xf32, #tpu.memory_space<vmem_shared>>
      tpu.enqueue_dma source(%arg10 : memref<128x16xf32, #tpu.memory_space<vmem>>) target(%dma_start3A_222 : memref<128x16xf32, #tpu.memory_space<vmem_shared>>) target_semaphore(%run_scoped3A : memref<!tpu.dma_semaphore, #tpu.memory_space<semaphore_mem>>)
      %dma_wait3A_223 = arith.constant 0 : i32
      %dma_wait3A_224 = tpu.memref_slice %arg12[%add3A_18, %dma_wait3A_223] : memref<10016x16xf32, #tpu.memory_space<vmem_shared>> -> memref<128x16xf32, #tpu.memory_space<vmem_shared>>
      %dma_wait3A_225 = arith.constant 0 : i32
      %dma_wait3A_226 = tpu.memref_slice %arg12[%add3A_18, %dma_wait3A_225] : memref<10016x16xf32, #tpu.memory_space<vmem_shared>> -> memref<128x16xf32, #tpu.memory_space<vmem_shared>>
      tpu.wait_dma2 semaphore(%run_scoped3A : memref<!tpu.dma_semaphore, #tpu.memory_space<semaphore_mem>>) src(%arg10 : memref<128x16xf32, #tpu.memory_space<vmem>>) dst(%dma_wait3A_226 : memref<128x16xf32, #tpu.memory_space<vmem_shared>>)
      tpu.yield
    }) : () -> ()
    %mul3A_19 = arith.constant 626 : i32
    %mul3A_20 = arith.muli %arg1, %mul3A_19 : i32
    %add3A_21 = arith.constant 512 : i32
    %add3A_22 = arith.addi %mul3A_20, %add3A_21 : i32
    "tpu.region"() ({
      %run_scoped3A = tpu.sem_alloc : memref<!tpu.dma_semaphore, #tpu.memory_space<semaphore_mem>>
      %dma_start3A_219 = arith.constant 0 : i32
      %dma_start3A_220 = arith.constant 0 : i32
      %dma_start3A_221 = tpu.memref_slice %arg10[%dma_start3A_219, %dma_start3A_220] : memref<128x16xf32, #tpu.memory_space<vmem>> -> memref<114x16xf32, #tpu.memory_space<vmem>>
      %dma_start3A_222 = arith.constant 0 : i32
      %dma_start3A_223 = tpu.memref_slice %arg12[%add3A_22, %dma_start3A_222] : memref<10016x16xf32, #tpu.memory_space<vmem_shared>> -> memref<114x16xf32, #tpu.memory_space<vmem_shared>>
      %dma_start3A_224 = arith.constant 0 : i32
      %dma_start3A_225 = tpu.memref_slice %arg12[%add3A_22, %dma_start3A_224] : memref<10016x16xf32, #tpu.memory_space<vmem_shared>> -> memref<114x16xf32, #tpu.memory_space<vmem_shared>>
      %dma_start3A_226 = arith.constant 0 : i32
      %dma_start3A_227 = arith.constant 0 : i32
      %dma_start3A_228 = tpu.memref_slice %arg10[%dma_start3A_226, %dma_start3A_227] : memref<128x16xf32, #tpu.memory_space<vmem>> -> memref<114x16xf32, #tpu.memory_space<vmem>>
      tpu.enqueue_dma source(%dma_start3A_228 : memref<114x16xf32, #tpu.memory_space<vmem>>) target(%dma_start3A_225 : memref<114x16xf32, #tpu.memory_space<vmem_shared>>) target_semaphore(%run_scoped3A : memref<!tpu.dma_semaphore, #tpu.memory_space<semaphore_mem>>)
      %dma_wait3A_229 = arith.constant 0 : i32
      %dma_wait3A_230 = arith.constant 0 : i32
      %dma_wait3A_231 = tpu.memref_slice %arg10[%dma_wait3A_229, %dma_wait3A_230] : memref<128x16xf32, #tpu.memory_space<vmem>> -> memref<114x16xf32, #tpu.memory_space<vmem>>
      %dma_wait3A_232 = arith.constant 0 : i32
      %dma_wait3A_233 = tpu.memref_slice %arg12[%add3A_22, %dma_wait3A_232] : memref<10016x16xf32, #tpu.memory_space<vmem_shared>> -> memref<114x16xf32, #tpu.memory_space<vmem_shared>>
      %dma_wait3A_234 = arith.constant 0 : i32
      %dma_wait3A_235 = tpu.memref_slice %arg12[%add3A_22, %dma_wait3A_234] : memref<10016x16xf32, #tpu.memory_space<vmem_shared>> -> memref<114x16xf32, #tpu.memory_space<vmem_shared>>
      %dma_wait3A_236 = arith.constant 0 : i32
      %dma_wait3A_237 = arith.constant 0 : i32
      %dma_wait3A_238 = tpu.memref_slice %arg10[%dma_wait3A_236, %dma_wait3A_237] : memref<128x16xf32, #tpu.memory_space<vmem>> -> memref<114x16xf32, #tpu.memory_space<vmem>>
      tpu.wait_dma2 semaphore(%run_scoped3A : memref<!tpu.dma_semaphore, #tpu.memory_space<semaphore_mem>>) src(%dma_wait3A_238 : memref<114x16xf32, #tpu.memory_space<vmem>>) dst(%dma_wait3A_235 : memref<114x16xf32, #tpu.memory_space<vmem_shared>>)
      tpu.yield
    }) : () -> ()
    "tpu.region"() ({
      %run_scoped3A = tpu.sem_alloc : memref<!tpu.dma_semaphore, #tpu.memory_space<semaphore_mem>>
      %dma_start3A_219 = arith.constant 0 : i32
      %dma_start3A_220 = arith.constant 0 : i32
      %dma_start3A_221 = tpu.memref_slice %arg3[%arg0, %arg1, %dma_start3A_219, %dma_start3A_220] : memref<2x16x40x128xi32, #tpu.memory_space<hbm>> -> memref<1x1x8x128xi32, #tpu.memory_space<hbm>>
      %dma_start3A_222 = tpu.memref_squeeze %dma_start3A_221 : memref<1x1x8x128xi32, #tpu.memory_space<hbm>> -> memref<8x128xi32, #tpu.memory_space<hbm>>
      %dma_start3A_223 = arith.constant 0 : i32
      %dma_start3A_224 = arith.constant 0 : i32
      %dma_start3A_225 = tpu.memref_slice %arg3[%arg0, %arg1, %dma_start3A_223, %dma_start3A_224] : memref<2x16x40x128xi32, #tpu.memory_space<hbm>> -> memref<1x1x8x128xi32, #tpu.memory_space<hbm>>
      %dma_start3A_226 = tpu.memref_squeeze %dma_start3A_225 : memref<1x1x8x128xi32, #tpu.memory_space<hbm>> -> memref<8x128xi32, #tpu.memory_space<hbm>>
      tpu.enqueue_dma source(%dma_start3A_226 : memref<8x128xi32, #tpu.memory_space<hbm>>) target(%arg6 : memref<8x128xi32, #tpu.memory_space<vmem>>) target_semaphore(%run_scoped3A : memref<!tpu.dma_semaphore, #tpu.memory_space<semaphore_mem>>)
      %dma_wait3A_227 = arith.constant 0 : i32
      %dma_wait3A_228 = arith.constant 0 : i32
      %dma_wait3A_229 = tpu.memref_slice %arg3[%arg0, %arg1, %dma_wait3A_227, %dma_wait3A_228] : memref<2x16x40x128xi32, #tpu.memory_space<hbm>> -> memref<1x1x8x128xi32, #tpu.memory_space<hbm>>
      %dma_wait3A_230 = tpu.memref_squeeze %dma_wait3A_229 : memref<1x1x8x128xi32, #tpu.memory_space<hbm>> -> memref<8x128xi32, #tpu.memory_space<hbm>>
      %dma_wait3A_231 = arith.constant 0 : i32
      %dma_wait3A_232 = arith.constant 0 : i32
      %dma_wait3A_233 = tpu.memref_slice %arg3[%arg0, %arg1, %dma_wait3A_231, %dma_wait3A_232] : memref<2x16x40x128xi32, #tpu.memory_space<hbm>> -> memref<1x1x8x128xi32, #tpu.memory_space<hbm>>
      %dma_wait3A_234 = tpu.memref_squeeze %dma_wait3A_233 : memref<1x1x8x128xi32, #tpu.memory_space<hbm>> -> memref<8x128xi32, #tpu.memory_space<hbm>>
      tpu.wait_dma2 semaphore(%run_scoped3A : memref<!tpu.dma_semaphore, #tpu.memory_space<semaphore_mem>>) src(%dma_wait3A_234 : memref<8x128xi32, #tpu.memory_space<hbm>>) dst(%arg6 : memref<8x128xi32, #tpu.memory_space<vmem>>)
      tpu.yield
    }) : () -> ()
    "tpu.region"() ({
      %run_scoped3A = tpu.sem_alloc : memref<!tpu.dma_semaphore, #tpu.memory_space<semaphore_mem>>
      %dma_start3A_219 = arith.constant 0 : i32
      %dma_start3A_220 = arith.constant 0 : i32
      %dma_start3A_221 = tpu.memref_slice %arg4[%arg0, %arg1, %dma_start3A_219, %dma_start3A_220] : memref<2x16x40x128xi32, #tpu.memory_space<hbm>> -> memref<1x1x8x128xi32, #tpu.memory_space<hbm>>
      %dma_start3A_222 = tpu.memref_squeeze %dma_start3A_221 : memref<1x1x8x128xi32, #tpu.memory_space<hbm>> -> memref<8x128xi32, #tpu.memory_space<hbm>>
      %dma_start3A_223 = arith.constant 0 : i32
      %dma_start3A_224 = arith.constant 0 : i32
      %dma_start3A_225 = tpu.memref_slice %arg4[%arg0, %arg1, %dma_start3A_223, %dma_start3A_224] : memref<2x16x40x128xi32, #tpu.memory_space<hbm>> -> memref<1x1x8x128xi32, #tpu.memory_space<hbm>>
      %dma_start3A_226 = tpu.memref_squeeze %dma_start3A_225 : memref<1x1x8x128xi32, #tpu.memory_space<hbm>> -> memref<8x128xi32, #tpu.memory_space<hbm>>
      tpu.enqueue_dma source(%dma_start3A_226 : memref<8x128xi32, #tpu.memory_space<hbm>>) target(%arg8 : memref<8x128xi32, #tpu.memory_space<vmem>>) target_semaphore(%run_scoped3A : memref<!tpu.dma_semaphore, #tpu.memory_space<semaphore_mem>>)
      %dma_wait3A_227 = arith.constant 0 : i32
      %dma_wait3A_228 = arith.constant 0 : i32
      %dma_wait3A_229 = tpu.memref_slice %arg4[%arg0, %arg1, %dma_wait3A_227, %dma_wait3A_228] : memref<2x16x40x128xi32, #tpu.memory_space<hbm>> -> memref<1x1x8x128xi32, #tpu.memory_space<hbm>>
      %dma_wait3A_230 = tpu.memref_squeeze %dma_wait3A_229 : memref<1x1x8x128xi32, #tpu.memory_space<hbm>> -> memref<8x128xi32, #tpu.memory_space<hbm>>
      %dma_wait3A_231 = arith.constant 0 : i32
      %dma_wait3A_232 = arith.constant 0 : i32
      %dma_wait3A_233 = tpu.memref_slice %arg4[%arg0, %arg1, %dma_wait3A_231, %dma_wait3A_232] : memref<2x16x40x128xi32, #tpu.memory_space<hbm>> -> memref<1x1x8x128xi32, #tpu.memory_space<hbm>>
      %dma_wait3A_234 = tpu.memref_squeeze %dma_wait3A_233 : memref<1x1x8x128xi32, #tpu.memory_space<hbm>> -> memref<8x128xi32, #tpu.memory_space<hbm>>
      tpu.wait_dma2 semaphore(%run_scoped3A : memref<!tpu.dma_semaphore, #tpu.memory_space<semaphore_mem>>) src(%dma_wait3A_234 : memref<8x128xi32, #tpu.memory_space<hbm>>) dst(%arg8 : memref<8x128xi32, #tpu.memory_space<vmem>>)
      tpu.yield
    }) : () -> ()
    %barrier3A = arith.constant 0 : index
    tpu.barrier barrier_id(%barrier3A)
    %dma_start3A = arith.constant 8 : i32
    %dma_start3A_23 = arith.constant 0 : i32
    %dma_start3A_24 = tpu.memref_slice %arg3[%arg0, %arg1, %dma_start3A, %dma_start3A_23] : memref<2x16x40x128xi32, #tpu.memory_space<hbm>> -> memref<1x1x8x128xi32, #tpu.memory_space<hbm>>
    %dma_start3A_25 = tpu.memref_squeeze %dma_start3A_24 : memref<1x1x8x128xi32, #tpu.memory_space<hbm>> -> memref<8x128xi32, #tpu.memory_space<hbm>>
    %dma_start3A_26 = arith.constant 8 : i32
    %dma_start3A_27 = arith.constant 0 : i32
    %dma_start3A_28 = tpu.memref_slice %arg3[%arg0, %arg1, %dma_start3A_26, %dma_start3A_27] : memref<2x16x40x128xi32, #tpu.memory_space<hbm>> -> memref<1x1x8x128xi32, #tpu.memory_space<hbm>>
    %dma_start3A_29 = tpu.memref_squeeze %dma_start3A_28 : memref<1x1x8x128xi32, #tpu.memory_space<hbm>> -> memref<8x128xi32, #tpu.memory_space<hbm>>
    tpu.enqueue_dma source(%dma_start3A_29 : memref<8x128xi32, #tpu.memory_space<hbm>>) target(%arg7 : memref<8x128xi32, #tpu.memory_space<vmem>>) target_semaphore(%arg14 : memref<!tpu.dma_semaphore, #tpu.memory_space<semaphore_mem>>)
    %dma_start3A_30 = arith.constant 8 : i32
    %dma_start3A_31 = arith.constant 0 : i32
    %dma_start3A_32 = tpu.memref_slice %arg4[%arg0, %arg1, %dma_start3A_30, %dma_start3A_31] : memref<2x16x40x128xi32, #tpu.memory_space<hbm>> -> memref<1x1x8x128xi32, #tpu.memory_space<hbm>>
    %dma_start3A_33 = tpu.memref_squeeze %dma_start3A_32 : memref<1x1x8x128xi32, #tpu.memory_space<hbm>> -> memref<8x128xi32, #tpu.memory_space<hbm>>
    %dma_start3A_34 = arith.constant 8 : i32
    %dma_start3A_35 = arith.constant 0 : i32
    %dma_start3A_36 = tpu.memref_slice %arg4[%arg0, %arg1, %dma_start3A_34, %dma_start3A_35] : memref<2x16x40x128xi32, #tpu.memory_space<hbm>> -> memref<1x1x8x128xi32, #tpu.memory_space<hbm>>
    %dma_start3A_37 = tpu.memref_squeeze %dma_start3A_36 : memref<1x1x8x128xi32, #tpu.memory_space<hbm>> -> memref<8x128xi32, #tpu.memory_space<hbm>>
    tpu.enqueue_dma source(%dma_start3A_37 : memref<8x128xi32, #tpu.memory_space<hbm>>) target(%arg9 : memref<8x128xi32, #tpu.memory_space<vmem>>) target_semaphore(%arg14 : memref<!tpu.dma_semaphore, #tpu.memory_space<semaphore_mem>>)
    %dma_start3A_38 = arith.constant 0 : i32
    %dma_start3A_39 = arith.constant 0 : i32
    %dma_start3A_40 = tpu.memref_slice %arg6[%dma_start3A_38, %dma_start3A_39] : memref<8x128xi32, #tpu.memory_space<vmem>> -> memref<1x128xi32, #tpu.memory_space<vmem>>
    %dma_start3A_41 = tpu.memref_squeeze %dma_start3A_40 : memref<1x128xi32, #tpu.memory_space<vmem>> -> memref<128xi32, #tpu.memory_space<vmem>>
    %dma_start3A_42 = arith.constant 0 : i32
    %dma_start3A_43 = arith.constant 0 : i32
    %dma_start3A_44 = tpu.memref_slice %arg2[%dma_start3A_42, %dma_start3A_43] : memref<10000x16xf32, #tpu.memory_space<hbm>> -> memref<10000x16xf32, #tpu.memory_space<hbm>>
    tpu.enqueue_indirect_dma source(%dma_start3A_44 : memref<10000x16xf32, #tpu.memory_space<hbm>>) target(%arg10 : memref<128x16xf32, #tpu.memory_space<vmem>>) offsets(%dma_start3A_41 : memref<128xi32, #tpu.memory_space<vmem>>) semaphore(%arg15 : memref<!tpu.dma_semaphore, #tpu.memory_space<semaphore_mem>>)
    %scan3A_45 = arith.constant 0 : i32
    %scan3A_46 = arith.constant 0 : i32
    %scan3A_47 = arith.constant 8 : i32
    %scan3A_48 = arith.addi %scan3A_46, %scan3A_47 : i32
    %scan3A_49 = arith.constant 1 : i32
    scf.for %scan3A_219 = %scan3A_46 to %scan3A_48 step %scan3A_49  : i32 {
      %add3A_220 = arith.constant 1 : i32
      %add3A_221 = arith.addi %scan3A_219, %add3A_220 : i32
      %lt3A = arith.constant 8 : i32
      %lt3A_222 = arith.cmpi slt, %add3A_221, %lt3A : i32
      %add3A_223 = arith.constant 1 : i32
      %add3A_224 = arith.addi %scan3A_219, %add3A_223 : i32
      %jit3A = arith.constant 2 : i32
      %eq3A = arith.constant 0 : i32
      %eq3A_225 = arith.cmpi eq, %jit3A, %eq3A : i32
      %jit3A_226 = arith.constant 1 : i32
      %select_n3A = arith.select %eq3A_225, %jit3A_226, %jit3A : i32
      %rem3A = arith.remsi %add3A_224, %select_n3A : i32
      %ne3A = arith.constant 0 : i32
      %ne3A_227 = arith.cmpi ne, %rem3A, %ne3A : i32
      %lt3A_228 = arith.constant 0 : i32
      %lt3A_229 = arith.cmpi slt, %rem3A, %lt3A_228 : i32
      %lt3A_230 = arith.constant 0 : i32
      %lt3A_231 = arith.cmpi slt, %select_n3A, %lt3A_230 : i32
      %ne3A_232 = arith.xori %lt3A_229, %lt3A_231 : i1
      %and3A = arith.andi %ne3A_232, %ne3A_227 : i1
      %add3A_233 = arith.addi %rem3A, %select_n3A : i32
      %select_n3A_234 = arith.select %and3A, %add3A_233, %rem3A : i32
      %eq3A_235 = arith.constant 0 : i32
      %eq3A_236 = arith.cmpi eq, %select_n3A_234, %eq3A_235 : i32
      %and3A_237 = arith.andi %lt3A_222, %eq3A_236 : i1
      %convert_element_type3A = arith.extui %and3A_237 : i1 to i32
      %cond3A = arith.constant 0 : i32
      %cond3A_238 = arith.cmpi ne, %convert_element_type3A, %cond3A : i32
      scf.if %cond3A_238 {
        %add3A_309 = arith.constant 1 : i32
        %add3A_310 = arith.addi %scan3A_219, %add3A_309 : i32
        %dma_start3A_311 = arith.constant 0 : i32
        %dma_start3A_312 = tpu.memref_slice %arg6[%add3A_310, %dma_start3A_311] : memref<8x128xi32, #tpu.memory_space<vmem>> -> memref<1x128xi32, #tpu.memory_space<vmem>>
        %dma_start3A_313 = tpu.memref_squeeze %dma_start3A_312 : memref<1x128xi32, #tpu.memory_space<vmem>> -> memref<128xi32, #tpu.memory_space<vmem>>
        %dma_start3A_314 = arith.constant 0 : i32
        %dma_start3A_315 = arith.constant 0 : i32
        %dma_start3A_316 = tpu.memref_slice %arg2[%dma_start3A_314, %dma_start3A_315] : memref<10000x16xf32, #tpu.memory_space<hbm>> -> memref<10000x16xf32, #tpu.memory_space<hbm>>
        tpu.enqueue_indirect_dma source(%dma_start3A_316 : memref<10000x16xf32, #tpu.memory_space<hbm>>) target(%arg10 : memref<128x16xf32, #tpu.memory_space<vmem>>) offsets(%dma_start3A_313 : memref<128xi32, #tpu.memory_space<vmem>>) semaphore(%arg15 : memref<!tpu.dma_semaphore, #tpu.memory_space<semaphore_mem>>)
      } else {
      }
      %add3A_239 = arith.constant 1 : i32
      %add3A_240 = arith.addi %scan3A_219, %add3A_239 : i32
      %lt3A_241 = arith.constant 8 : i32
      %lt3A_242 = arith.cmpi slt, %add3A_240, %lt3A_241 : i32
      %add3A_243 = arith.constant 1 : i32
      %add3A_244 = arith.addi %scan3A_219, %add3A_243 : i32
      %jit3A_245 = arith.constant 2 : i32
      %eq3A_246 = arith.constant 0 : i32
      %eq3A_247 = arith.cmpi eq, %jit3A_245, %eq3A_246 : i32
      %jit3A_248 = arith.constant 1 : i32
      %select_n3A_249 = arith.select %eq3A_247, %jit3A_248, %jit3A_245 : i32
      %rem3A_250 = arith.remsi %add3A_244, %select_n3A_249 : i32
      %ne3A_251 = arith.constant 0 : i32
      %ne3A_252 = arith.cmpi ne, %rem3A_250, %ne3A_251 : i32
      %lt3A_253 = arith.constant 0 : i32
      %lt3A_254 = arith.cmpi slt, %rem3A_250, %lt3A_253 : i32
      %lt3A_255 = arith.constant 0 : i32
      %lt3A_256 = arith.cmpi slt, %select_n3A_249, %lt3A_255 : i32
      %ne3A_257 = arith.xori %lt3A_254, %lt3A_256 : i1
      %and3A_258 = arith.andi %ne3A_257, %ne3A_252 : i1
      %add3A_259 = arith.addi %rem3A_250, %select_n3A_249 : i32
      %select_n3A_260 = arith.select %and3A_258, %add3A_259, %rem3A_250 : i32
      %eq3A_261 = arith.constant 1 : i32
      %eq3A_262 = arith.cmpi eq, %select_n3A_260, %eq3A_261 : i32
      %and3A_263 = arith.andi %lt3A_242, %eq3A_262 : i1
      %convert_element_type3A_264 = arith.extui %and3A_263 : i1 to i32
      %cond3A_265 = arith.constant 0 : i32
      %cond3A_266 = arith.cmpi ne, %convert_element_type3A_264, %cond3A_265 : i32
      scf.if %cond3A_266 {
        %add3A_309 = arith.constant 1 : i32
        %add3A_310 = arith.addi %scan3A_219, %add3A_309 : i32
        %dma_start3A_311 = arith.constant 0 : i32
        %dma_start3A_312 = tpu.memref_slice %arg6[%add3A_310, %dma_start3A_311] : memref<8x128xi32, #tpu.memory_space<vmem>> -> memref<1x128xi32, #tpu.memory_space<vmem>>
        %dma_start3A_313 = tpu.memref_squeeze %dma_start3A_312 : memref<1x128xi32, #tpu.memory_space<vmem>> -> memref<128xi32, #tpu.memory_space<vmem>>
        %dma_start3A_314 = arith.constant 0 : i32
        %dma_start3A_315 = arith.constant 0 : i32
        %dma_start3A_316 = tpu.memref_slice %arg2[%dma_start3A_314, %dma_start3A_315] : memref<10000x16xf32, #tpu.memory_space<hbm>> -> memref<10000x16xf32, #tpu.memory_space<hbm>>
        tpu.enqueue_indirect_dma source(%dma_start3A_316 : memref<10000x16xf32, #tpu.memory_space<hbm>>) target(%arg11 : memref<128x16xf32, #tpu.memory_space<vmem>>) offsets(%dma_start3A_313 : memref<128xi32, #tpu.memory_space<vmem>>) semaphore(%arg16 : memref<!tpu.dma_semaphore, #tpu.memory_space<semaphore_mem>>)
      } else {
      }
      %jit3A_267 = arith.constant 2 : i32
      %eq3A_268 = arith.constant 0 : i32
      %eq3A_269 = arith.cmpi eq, %jit3A_267, %eq3A_268 : i32
      %jit3A_270 = arith.constant 1 : i32
      %select_n3A_271 = arith.select %eq3A_269, %jit3A_270, %jit3A_267 : i32
      %rem3A_272 = arith.remsi %scan3A_219, %select_n3A_271 : i32
      %ne3A_273 = arith.constant 0 : i32
      %ne3A_274 = arith.cmpi ne, %rem3A_272, %ne3A_273 : i32
      %lt3A_275 = arith.constant 0 : i32
      %lt3A_276 = arith.cmpi slt, %rem3A_272, %lt3A_275 : i32
      %lt3A_277 = arith.constant 0 : i32
      %lt3A_278 = arith.cmpi slt, %select_n3A_271, %lt3A_277 : i32
      %ne3A_279 = arith.xori %lt3A_276, %lt3A_278 : i1
      %and3A_280 = arith.andi %ne3A_279, %ne3A_274 : i1
      %add3A_281 = arith.addi %rem3A_272, %select_n3A_271 : i32
      %select_n3A_282 = arith.select %and3A_280, %add3A_281, %rem3A_272 : i32
      %eq3A_283 = arith.constant 0 : i32
      %eq3A_284 = arith.cmpi eq, %select_n3A_282, %eq3A_283 : i32
      %convert_element_type3A_285 = arith.extui %eq3A_284 : i1 to i32
      %cond3A_286 = arith.constant 0 : i32
      %cond3A_287 = arith.cmpi ne, %convert_element_type3A_285, %cond3A_286 : i32
      scf.if %cond3A_287 {
        %dma_wait3A_309 = arith.constant 0 : i32
        %dma_wait3A_310 = tpu.memref_slice %arg6[%scan3A_219, %dma_wait3A_309] : memref<8x128xi32, #tpu.memory_space<vmem>> -> memref<1x128xi32, #tpu.memory_space<vmem>>
        %dma_wait3A_311 = tpu.memref_squeeze %dma_wait3A_310 : memref<1x128xi32, #tpu.memory_space<vmem>> -> memref<128xi32, #tpu.memory_space<vmem>>
        %dma_wait3A_312 = arith.constant 0 : i32
        %dma_wait3A_313 = arith.constant 0 : i32
        %dma_wait3A_314 = tpu.memref_slice %arg2[%dma_wait3A_312, %dma_wait3A_313] : memref<10000x16xf32, #tpu.memory_space<hbm>> -> memref<10000x16xf32, #tpu.memory_space<hbm>>
        tpu.wait_indirect_dma semaphore(%arg15 : memref<!tpu.dma_semaphore, #tpu.memory_space<semaphore_mem>>) src(%dma_wait3A_314 : memref<10000x16xf32, #tpu.memory_space<hbm>>) dst(%arg10 : memref<128x16xf32, #tpu.memory_space<vmem>>)
        "tpu.region"() ({
          %run_scoped3A = tpu.sem_alloc : memref<!tpu.dma_semaphore, #tpu.memory_space<semaphore_mem>>
          %dma_start3A_315 = arith.constant 0 : i32
          %dma_start3A_316 = tpu.memref_slice %arg8[%scan3A_219, %dma_start3A_315] : memref<8x128xi32, #tpu.memory_space<vmem>> -> memref<1x128xi32, #tpu.memory_space<vmem>>
          %dma_start3A_317 = tpu.memref_squeeze %dma_start3A_316 : memref<1x128xi32, #tpu.memory_space<vmem>> -> memref<128xi32, #tpu.memory_space<vmem>>
          %dma_start3A_318 = arith.constant 0 : i32
          %dma_start3A_319 = arith.constant 0 : i32
          %dma_start3A_320 = tpu.memref_slice %arg12[%dma_start3A_318, %dma_start3A_319] : memref<10016x16xf32, #tpu.memory_space<vmem_shared>> -> memref<10016x16xf32, #tpu.memory_space<vmem_shared>>
          tpu.enqueue_indirect_dma source(%arg10 : memref<128x16xf32, #tpu.memory_space<vmem>>) target(%dma_start3A_320 : memref<10016x16xf32, #tpu.memory_space<vmem_shared>>) offsets(%dma_start3A_317 : memref<128xi32, #tpu.memory_space<vmem>>) semaphore(%run_scoped3A : memref<!tpu.dma_semaphore, #tpu.memory_space<semaphore_mem>>) {add = true}
          %dma_wait3A_321 = arith.constant 0 : i32
          %dma_wait3A_322 = tpu.memref_slice %arg8[%scan3A_219, %dma_wait3A_321] : memref<8x128xi32, #tpu.memory_space<vmem>> -> memref<1x128xi32, #tpu.memory_space<vmem>>
          %dma_wait3A_323 = tpu.memref_squeeze %dma_wait3A_322 : memref<1x128xi32, #tpu.memory_space<vmem>> -> memref<128xi32, #tpu.memory_space<vmem>>
          %dma_wait3A_324 = arith.constant 0 : i32
          %dma_wait3A_325 = arith.constant 0 : i32
          %dma_wait3A_326 = tpu.memref_slice %arg12[%dma_wait3A_324, %dma_wait3A_325] : memref<10016x16xf32, #tpu.memory_space<vmem_shared>> -> memref<10016x16xf32, #tpu.memory_space<vmem_shared>>
          tpu.wait_indirect_dma semaphore(%run_scoped3A : memref<!tpu.dma_semaphore, #tpu.memory_space<semaphore_mem>>) src(%arg10 : memref<128x16xf32, #tpu.memory_space<vmem>>) dst(%dma_wait3A_326 : memref<10016x16xf32, #tpu.memory_space<vmem_shared>>)
          tpu.yield
        }) : () -> ()
      } else {
      }
      %jit3A_288 = arith.constant 2 : i32
      %eq3A_289 = arith.constant 0 : i32
      %eq3A_290 = arith.cmpi eq, %jit3A_288, %eq3A_289 : i32
      %jit3A_291 = arith.constant 1 : i32
      %select_n3A_292 = arith.select %eq3A_290, %jit3A_291, %jit3A_288 : i32
      %rem3A_293 = arith.remsi %scan3A_219, %select_n3A_292 : i32
      %ne3A_294 = arith.constant 0 : i32
      %ne3A_295 = arith.cmpi ne, %rem3A_293, %ne3A_294 : i32
      %lt3A_296 = arith.constant 0 : i32
      %lt3A_297 = arith.cmpi slt, %rem3A_293, %lt3A_296 : i32
      %lt3A_298 = arith.constant 0 : i32
      %lt3A_299 = arith.cmpi slt, %select_n3A_292, %lt3A_298 : i32
      %ne3A_300 = arith.xori %lt3A_297, %lt3A_299 : i1
      %and3A_301 = arith.andi %ne3A_300, %ne3A_295 : i1
      %add3A_302 = arith.addi %rem3A_293, %select_n3A_292 : i32
      %select_n3A_303 = arith.select %and3A_301, %add3A_302, %rem3A_293 : i32
      %eq3A_304 = arith.constant 1 : i32
      %eq3A_305 = arith.cmpi eq, %select_n3A_303, %eq3A_304 : i32
      %convert_element_type3A_306 = arith.extui %eq3A_305 : i1 to i32
      %cond3A_307 = arith.constant 0 : i32
      %cond3A_308 = arith.cmpi ne, %convert_element_type3A_306, %cond3A_307 : i32
      scf.if %cond3A_308 {
        %dma_wait3A_309 = arith.constant 0 : i32
        %dma_wait3A_310 = tpu.memref_slice %arg6[%scan3A_219, %dma_wait3A_309] : memref<8x128xi32, #tpu.memory_space<vmem>> -> memref<1x128xi32, #tpu.memory_space<vmem>>
        %dma_wait3A_311 = tpu.memref_squeeze %dma_wait3A_310 : memref<1x128xi32, #tpu.memory_space<vmem>> -> memref<128xi32, #tpu.memory_space<vmem>>
        %dma_wait3A_312 = arith.constant 0 : i32
        %dma_wait3A_313 = arith.constant 0 : i32
        %dma_wait3A_314 = tpu.memref_slice %arg2[%dma_wait3A_312, %dma_wait3A_313] : memref<10000x16xf32, #tpu.memory_space<hbm>> -> memref<10000x16xf32, #tpu.memory_space<hbm>>
        tpu.wait_indirect_dma semaphore(%arg16 : memref<!tpu.dma_semaphore, #tpu.memory_space<semaphore_mem>>) src(%dma_wait3A_314 : memref<10000x16xf32, #tpu.memory_space<hbm>>) dst(%arg11 : memref<128x16xf32, #tpu.memory_space<vmem>>)
        "tpu.region"() ({
          %run_scoped3A = tpu.sem_alloc : memref<!tpu.dma_semaphore, #tpu.memory_space<semaphore_mem>>
          %dma_start3A_315 = arith.constant 0 : i32
          %dma_start3A_316 = tpu.memref_slice %arg8[%scan3A_219, %dma_start3A_315] : memref<8x128xi32, #tpu.memory_space<vmem>> -> memref<1x128xi32, #tpu.memory_space<vmem>>
          %dma_start3A_317 = tpu.memref_squeeze %dma_start3A_316 : memref<1x128xi32, #tpu.memory_space<vmem>> -> memref<128xi32, #tpu.memory_space<vmem>>
          %dma_start3A_318 = arith.constant 0 : i32
          %dma_start3A_319 = arith.constant 0 : i32
          %dma_start3A_320 = tpu.memref_slice %arg12[%dma_start3A_318, %dma_start3A_319] : memref<10016x16xf32, #tpu.memory_space<vmem_shared>> -> memref<10016x16xf32, #tpu.memory_space<vmem_shared>>
          tpu.enqueue_indirect_dma source(%arg11 : memref<128x16xf32, #tpu.memory_space<vmem>>) target(%dma_start3A_320 : memref<10016x16xf32, #tpu.memory_space<vmem_shared>>) offsets(%dma_start3A_317 : memref<128xi32, #tpu.memory_space<vmem>>) semaphore(%run_scoped3A : memref<!tpu.dma_semaphore, #tpu.memory_space<semaphore_mem>>) {add = true}
          %dma_wait3A_321 = arith.constant 0 : i32
          %dma_wait3A_322 = tpu.memref_slice %arg8[%scan3A_219, %dma_wait3A_321] : memref<8x128xi32, #tpu.memory_space<vmem>> -> memref<1x128xi32, #tpu.memory_space<vmem>>
          %dma_wait3A_323 = tpu.memref_squeeze %dma_wait3A_322 : memref<1x128xi32, #tpu.memory_space<vmem>> -> memref<128xi32, #tpu.memory_space<vmem>>
          %dma_wait3A_324 = arith.constant 0 : i32
          %dma_wait3A_325 = arith.constant 0 : i32
          %dma_wait3A_326 = tpu.memref_slice %arg12[%dma_wait3A_324, %dma_wait3A_325] : memref<10016x16xf32, #tpu.memory_space<vmem_shared>> -> memref<10016x16xf32, #tpu.memory_space<vmem_shared>>
          tpu.wait_indirect_dma semaphore(%run_scoped3A : memref<!tpu.dma_semaphore, #tpu.memory_space<semaphore_mem>>) src(%arg11 : memref<128x16xf32, #tpu.memory_space<vmem>>) dst(%dma_wait3A_326 : memref<10016x16xf32, #tpu.memory_space<vmem_shared>>)
          tpu.yield
        }) : () -> ()
      } else {
      }
    }
    %scan3A_50 = arith.constant 8 : i32
    %dma_wait3A = arith.constant 8 : i32
    %dma_wait3A_51 = arith.constant 0 : i32
    %dma_wait3A_52 = tpu.memref_slice %arg3[%arg0, %arg1, %dma_wait3A, %dma_wait3A_51] : memref<2x16x40x128xi32, #tpu.memory_space<hbm>> -> memref<1x1x8x128xi32, #tpu.memory_space<hbm>>
    %dma_wait3A_53 = tpu.memref_squeeze %dma_wait3A_52 : memref<1x1x8x128xi32, #tpu.memory_space<hbm>> -> memref<8x128xi32, #tpu.memory_space<hbm>>
    %dma_wait3A_54 = arith.constant 8 : i32
    %dma_wait3A_55 = arith.constant 0 : i32
    %dma_wait3A_56 = tpu.memref_slice %arg3[%arg0, %arg1, %dma_wait3A_54, %dma_wait3A_55] : memref<2x16x40x128xi32, #tpu.memory_space<hbm>> -> memref<1x1x8x128xi32, #tpu.memory_space<hbm>>
    %dma_wait3A_57 = tpu.memref_squeeze %dma_wait3A_56 : memref<1x1x8x128xi32, #tpu.memory_space<hbm>> -> memref<8x128xi32, #tpu.memory_space<hbm>>
    tpu.wait_dma2 semaphore(%arg14 : memref<!tpu.dma_semaphore, #tpu.memory_space<semaphore_mem>>) src(%dma_wait3A_57 : memref<8x128xi32, #tpu.memory_space<hbm>>) dst(%arg7 : memref<8x128xi32, #tpu.memory_space<vmem>>)
    %dma_wait3A_58 = arith.constant 8 : i32
    %dma_wait3A_59 = arith.constant 0 : i32
    %dma_wait3A_60 = tpu.memref_slice %arg4[%arg0, %arg1, %dma_wait3A_58, %dma_wait3A_59] : memref<2x16x40x128xi32, #tpu.memory_space<hbm>> -> memref<1x1x8x128xi32, #tpu.memory_space<hbm>>
    %dma_wait3A_61 = tpu.memref_squeeze %dma_wait3A_60 : memref<1x1x8x128xi32, #tpu.memory_space<hbm>> -> memref<8x128xi32, #tpu.memory_space<hbm>>
    %dma_wait3A_62 = arith.constant 8 : i32
    %dma_wait3A_63 = arith.constant 0 : i32
    %dma_wait3A_64 = tpu.memref_slice %arg4[%arg0, %arg1, %dma_wait3A_62, %dma_wait3A_63] : memref<2x16x40x128xi32, #tpu.memory_space<hbm>> -> memref<1x1x8x128xi32, #tpu.memory_space<hbm>>
    %dma_wait3A_65 = tpu.memref_squeeze %dma_wait3A_64 : memref<1x1x8x128xi32, #tpu.memory_space<hbm>> -> memref<8x128xi32, #tpu.memory_space<hbm>>
    tpu.wait_dma2 semaphore(%arg14 : memref<!tpu.dma_semaphore, #tpu.memory_space<semaphore_mem>>) src(%dma_wait3A_65 : memref<8x128xi32, #tpu.memory_space<hbm>>) dst(%arg9 : memref<8x128xi32, #tpu.memory_space<vmem>>)
    %dma_start3A_66 = arith.constant 16 : i32
    %dma_start3A_67 = arith.constant 0 : i32
    %dma_start3A_68 = tpu.memref_slice %arg3[%arg0, %arg1, %dma_start3A_66, %dma_start3A_67] : memref<2x16x40x128xi32, #tpu.memory_space<hbm>> -> memref<1x1x8x128xi32, #tpu.memory_space<hbm>>
    %dma_start3A_69 = tpu.memref_squeeze %dma_start3A_68 : memref<1x1x8x128xi32, #tpu.memory_space<hbm>> -> memref<8x128xi32, #tpu.memory_space<hbm>>
    %dma_start3A_70 = arith.constant 16 : i32
    %dma_start3A_71 = arith.constant 0 : i32
    %dma_start3A_72 = tpu.memref_slice %arg3[%arg0, %arg1, %dma_start3A_70, %dma_start3A_71] : memref<2x16x40x128xi32, #tpu.memory_space<hbm>> -> memref<1x1x8x128xi32, #tpu.memory_space<hbm>>
    %dma_start3A_73 = tpu.memref_squeeze %dma_start3A_72 : memref<1x1x8x128xi32, #tpu.memory_space<hbm>> -> memref<8x128xi32, #tpu.memory_space<hbm>>
    tpu.enqueue_dma source(%dma_start3A_73 : memref<8x128xi32, #tpu.memory_space<hbm>>) target(%arg6 : memref<8x128xi32, #tpu.memory_space<vmem>>) target_semaphore(%arg13 : memref<!tpu.dma_semaphore, #tpu.memory_space<semaphore_mem>>)
    %dma_start3A_74 = arith.constant 16 : i32
    %dma_start3A_75 = arith.constant 0 : i32
    %dma_start3A_76 = tpu.memref_slice %arg4[%arg0, %arg1, %dma_start3A_74, %dma_start3A_75] : memref<2x16x40x128xi32, #tpu.memory_space<hbm>> -> memref<1x1x8x128xi32, #tpu.memory_space<hbm>>
    %dma_start3A_77 = tpu.memref_squeeze %dma_start3A_76 : memref<1x1x8x128xi32, #tpu.memory_space<hbm>> -> memref<8x128xi32, #tpu.memory_space<hbm>>
    %dma_start3A_78 = arith.constant 16 : i32
    %dma_start3A_79 = arith.constant 0 : i32
    %dma_start3A_80 = tpu.memref_slice %arg4[%arg0, %arg1, %dma_start3A_78, %dma_start3A_79] : memref<2x16x40x128xi32, #tpu.memory_space<hbm>> -> memref<1x1x8x128xi32, #tpu.memory_space<hbm>>
    %dma_start3A_81 = tpu.memref_squeeze %dma_start3A_80 : memref<1x1x8x128xi32, #tpu.memory_space<hbm>> -> memref<8x128xi32, #tpu.memory_space<hbm>>
    tpu.enqueue_dma source(%dma_start3A_81 : memref<8x128xi32, #tpu.memory_space<hbm>>) target(%arg8 : memref<8x128xi32, #tpu.memory_space<vmem>>) target_semaphore(%arg13 : memref<!tpu.dma_semaphore, #tpu.memory_space<semaphore_mem>>)
    %dma_start3A_82 = arith.constant 0 : i32
    %dma_start3A_83 = arith.constant 0 : i32
    %dma_start3A_84 = tpu.memref_slice %arg7[%dma_start3A_82, %dma_start3A_83] : memref<8x128xi32, #tpu.memory_space<vmem>> -> memref<1x128xi32, #tpu.memory_space<vmem>>
    %dma_start3A_85 = tpu.memref_squeeze %dma_start3A_84 : memref<1x128xi32, #tpu.memory_space<vmem>> -> memref<128xi32, #tpu.memory_space<vmem>>
    %dma_start3A_86 = arith.constant 0 : i32
    %dma_start3A_87 = arith.constant 0 : i32
    %dma_start3A_88 = tpu.memref_slice %arg2[%dma_start3A_86, %dma_start3A_87] : memref<10000x16xf32, #tpu.memory_space<hbm>> -> memref<10000x16xf32, #tpu.memory_space<hbm>>
    tpu.enqueue_indirect_dma source(%dma_start3A_88 : memref<10000x16xf32, #tpu.memory_space<hbm>>) target(%arg10 : memref<128x16xf32, #tpu.memory_space<vmem>>) offsets(%dma_start3A_85 : memref<128xi32, #tpu.memory_space<vmem>>) semaphore(%arg15 : memref<!tpu.dma_semaphore, #tpu.memory_space<semaphore_mem>>)
    %scan3A_89 = arith.constant 0 : i32
    %scan3A_90 = arith.constant 0 : i32
    %scan3A_91 = arith.constant 8 : i32
    %scan3A_92 = arith.addi %scan3A_90, %scan3A_91 : i32
    %scan3A_93 = arith.constant 1 : i32
    scf.for %scan3A_219 = %scan3A_90 to %scan3A_92 step %scan3A_93  : i32 {
      %add3A_220 = arith.constant 1 : i32
      %add3A_221 = arith.addi %scan3A_219, %add3A_220 : i32
      %lt3A = arith.constant 8 : i32
      %lt3A_222 = arith.cmpi slt, %add3A_221, %lt3A : i32
      %add3A_223 = arith.constant 1 : i32
      %add3A_224 = arith.addi %scan3A_219, %add3A_223 : i32
      %jit3A = arith.constant 2 : i32
      %eq3A = arith.constant 0 : i32
      %eq3A_225 = arith.cmpi eq, %jit3A, %eq3A : i32
      %jit3A_226 = arith.constant 1 : i32
      %select_n3A = arith.select %eq3A_225, %jit3A_226, %jit3A : i32
      %rem3A = arith.remsi %add3A_224, %select_n3A : i32
      %ne3A = arith.constant 0 : i32
      %ne3A_227 = arith.cmpi ne, %rem3A, %ne3A : i32
      %lt3A_228 = arith.constant 0 : i32
      %lt3A_229 = arith.cmpi slt, %rem3A, %lt3A_228 : i32
      %lt3A_230 = arith.constant 0 : i32
      %lt3A_231 = arith.cmpi slt, %select_n3A, %lt3A_230 : i32
      %ne3A_232 = arith.xori %lt3A_229, %lt3A_231 : i1
      %and3A = arith.andi %ne3A_232, %ne3A_227 : i1
      %add3A_233 = arith.addi %rem3A, %select_n3A : i32
      %select_n3A_234 = arith.select %and3A, %add3A_233, %rem3A : i32
      %eq3A_235 = arith.constant 0 : i32
      %eq3A_236 = arith.cmpi eq, %select_n3A_234, %eq3A_235 : i32
      %and3A_237 = arith.andi %lt3A_222, %eq3A_236 : i1
      %convert_element_type3A = arith.extui %and3A_237 : i1 to i32
      %cond3A = arith.constant 0 : i32
      %cond3A_238 = arith.cmpi ne, %convert_element_type3A, %cond3A : i32
      scf.if %cond3A_238 {
        %add3A_309 = arith.constant 1 : i32
        %add3A_310 = arith.addi %scan3A_219, %add3A_309 : i32
        %dma_start3A_311 = arith.constant 0 : i32
        %dma_start3A_312 = tpu.memref_slice %arg7[%add3A_310, %dma_start3A_311] : memref<8x128xi32, #tpu.memory_space<vmem>> -> memref<1x128xi32, #tpu.memory_space<vmem>>
        %dma_start3A_313 = tpu.memref_squeeze %dma_start3A_312 : memref<1x128xi32, #tpu.memory_space<vmem>> -> memref<128xi32, #tpu.memory_space<vmem>>
        %dma_start3A_314 = arith.constant 0 : i32
        %dma_start3A_315 = arith.constant 0 : i32
        %dma_start3A_316 = tpu.memref_slice %arg2[%dma_start3A_314, %dma_start3A_315] : memref<10000x16xf32, #tpu.memory_space<hbm>> -> memref<10000x16xf32, #tpu.memory_space<hbm>>
        tpu.enqueue_indirect_dma source(%dma_start3A_316 : memref<10000x16xf32, #tpu.memory_space<hbm>>) target(%arg10 : memref<128x16xf32, #tpu.memory_space<vmem>>) offsets(%dma_start3A_313 : memref<128xi32, #tpu.memory_space<vmem>>) semaphore(%arg15 : memref<!tpu.dma_semaphore, #tpu.memory_space<semaphore_mem>>)
      } else {
      }
      %add3A_239 = arith.constant 1 : i32
      %add3A_240 = arith.addi %scan3A_219, %add3A_239 : i32
      %lt3A_241 = arith.constant 8 : i32
      %lt3A_242 = arith.cmpi slt, %add3A_240, %lt3A_241 : i32
      %add3A_243 = arith.constant 1 : i32
      %add3A_244 = arith.addi %scan3A_219, %add3A_243 : i32
      %jit3A_245 = arith.constant 2 : i32
      %eq3A_246 = arith.constant 0 : i32
      %eq3A_247 = arith.cmpi eq, %jit3A_245, %eq3A_246 : i32
      %jit3A_248 = arith.constant 1 : i32
      %select_n3A_249 = arith.select %eq3A_247, %jit3A_248, %jit3A_245 : i32
      %rem3A_250 = arith.remsi %add3A_244, %select_n3A_249 : i32
      %ne3A_251 = arith.constant 0 : i32
      %ne3A_252 = arith.cmpi ne, %rem3A_250, %ne3A_251 : i32
      %lt3A_253 = arith.constant 0 : i32
      %lt3A_254 = arith.cmpi slt, %rem3A_250, %lt3A_253 : i32
      %lt3A_255 = arith.constant 0 : i32
      %lt3A_256 = arith.cmpi slt, %select_n3A_249, %lt3A_255 : i32
      %ne3A_257 = arith.xori %lt3A_254, %lt3A_256 : i1
      %and3A_258 = arith.andi %ne3A_257, %ne3A_252 : i1
      %add3A_259 = arith.addi %rem3A_250, %select_n3A_249 : i32
      %select_n3A_260 = arith.select %and3A_258, %add3A_259, %rem3A_250 : i32
      %eq3A_261 = arith.constant 1 : i32
      %eq3A_262 = arith.cmpi eq, %select_n3A_260, %eq3A_261 : i32
      %and3A_263 = arith.andi %lt3A_242, %eq3A_262 : i1
      %convert_element_type3A_264 = arith.extui %and3A_263 : i1 to i32
      %cond3A_265 = arith.constant 0 : i32
      %cond3A_266 = arith.cmpi ne, %convert_element_type3A_264, %cond3A_265 : i32
      scf.if %cond3A_266 {
        %add3A_309 = arith.constant 1 : i32
        %add3A_310 = arith.addi %scan3A_219, %add3A_309 : i32
        %dma_start3A_311 = arith.constant 0 : i32
        %dma_start3A_312 = tpu.memref_slice %arg7[%add3A_310, %dma_start3A_311] : memref<8x128xi32, #tpu.memory_space<vmem>> -> memref<1x128xi32, #tpu.memory_space<vmem>>
        %dma_start3A_313 = tpu.memref_squeeze %dma_start3A_312 : memref<1x128xi32, #tpu.memory_space<vmem>> -> memref<128xi32, #tpu.memory_space<vmem>>
        %dma_start3A_314 = arith.constant 0 : i32
        %dma_start3A_315 = arith.constant 0 : i32
        %dma_start3A_316 = tpu.memref_slice %arg2[%dma_start3A_314, %dma_start3A_315] : memref<10000x16xf32, #tpu.memory_space<hbm>> -> memref<10000x16xf32, #tpu.memory_space<hbm>>
        tpu.enqueue_indirect_dma source(%dma_start3A_316 : memref<10000x16xf32, #tpu.memory_space<hbm>>) target(%arg11 : memref<128x16xf32, #tpu.memory_space<vmem>>) offsets(%dma_start3A_313 : memref<128xi32, #tpu.memory_space<vmem>>) semaphore(%arg16 : memref<!tpu.dma_semaphore, #tpu.memory_space<semaphore_mem>>)
      } else {
      }
      %jit3A_267 = arith.constant 2 : i32
      %eq3A_268 = arith.constant 0 : i32
      %eq3A_269 = arith.cmpi eq, %jit3A_267, %eq3A_268 : i32
      %jit3A_270 = arith.constant 1 : i32
      %select_n3A_271 = arith.select %eq3A_269, %jit3A_270, %jit3A_267 : i32
      %rem3A_272 = arith.remsi %scan3A_219, %select_n3A_271 : i32
      %ne3A_273 = arith.constant 0 : i32
      %ne3A_274 = arith.cmpi ne, %rem3A_272, %ne3A_273 : i32
      %lt3A_275 = arith.constant 0 : i32
      %lt3A_276 = arith.cmpi slt, %rem3A_272, %lt3A_275 : i32
      %lt3A_277 = arith.constant 0 : i32
      %lt3A_278 = arith.cmpi slt, %select_n3A_271, %lt3A_277 : i32
      %ne3A_279 = arith.xori %lt3A_276, %lt3A_278 : i1
      %and3A_280 = arith.andi %ne3A_279, %ne3A_274 : i1
      %add3A_281 = arith.addi %rem3A_272, %select_n3A_271 : i32
      %select_n3A_282 = arith.select %and3A_280, %add3A_281, %rem3A_272 : i32
      %eq3A_283 = arith.constant 0 : i32
      %eq3A_284 = arith.cmpi eq, %select_n3A_282, %eq3A_283 : i32
      %convert_element_type3A_285 = arith.extui %eq3A_284 : i1 to i32
      %cond3A_286 = arith.constant 0 : i32
      %cond3A_287 = arith.cmpi ne, %convert_element_type3A_285, %cond3A_286 : i32
      scf.if %cond3A_287 {
        %dma_wait3A_309 = arith.constant 0 : i32
        %dma_wait3A_310 = tpu.memref_slice %arg7[%scan3A_219, %dma_wait3A_309] : memref<8x128xi32, #tpu.memory_space<vmem>> -> memref<1x128xi32, #tpu.memory_space<vmem>>
        %dma_wait3A_311 = tpu.memref_squeeze %dma_wait3A_310 : memref<1x128xi32, #tpu.memory_space<vmem>> -> memref<128xi32, #tpu.memory_space<vmem>>
        %dma_wait3A_312 = arith.constant 0 : i32
        %dma_wait3A_313 = arith.constant 0 : i32
        %dma_wait3A_314 = tpu.memref_slice %arg2[%dma_wait3A_312, %dma_wait3A_313] : memref<10000x16xf32, #tpu.memory_space<hbm>> -> memref<10000x16xf32, #tpu.memory_space<hbm>>
        tpu.wait_indirect_dma semaphore(%arg15 : memref<!tpu.dma_semaphore, #tpu.memory_space<semaphore_mem>>) src(%dma_wait3A_314 : memref<10000x16xf32, #tpu.memory_space<hbm>>) dst(%arg10 : memref<128x16xf32, #tpu.memory_space<vmem>>)
        "tpu.region"() ({
          %run_scoped3A = tpu.sem_alloc : memref<!tpu.dma_semaphore, #tpu.memory_space<semaphore_mem>>
          %dma_start3A_315 = arith.constant 0 : i32
          %dma_start3A_316 = tpu.memref_slice %arg9[%scan3A_219, %dma_start3A_315] : memref<8x128xi32, #tpu.memory_space<vmem>> -> memref<1x128xi32, #tpu.memory_space<vmem>>
          %dma_start3A_317 = tpu.memref_squeeze %dma_start3A_316 : memref<1x128xi32, #tpu.memory_space<vmem>> -> memref<128xi32, #tpu.memory_space<vmem>>
          %dma_start3A_318 = arith.constant 0 : i32
          %dma_start3A_319 = arith.constant 0 : i32
          %dma_start3A_320 = tpu.memref_slice %arg12[%dma_start3A_318, %dma_start3A_319] : memref<10016x16xf32, #tpu.memory_space<vmem_shared>> -> memref<10016x16xf32, #tpu.memory_space<vmem_shared>>
          tpu.enqueue_indirect_dma source(%arg10 : memref<128x16xf32, #tpu.memory_space<vmem>>) target(%dma_start3A_320 : memref<10016x16xf32, #tpu.memory_space<vmem_shared>>) offsets(%dma_start3A_317 : memref<128xi32, #tpu.memory_space<vmem>>) semaphore(%run_scoped3A : memref<!tpu.dma_semaphore, #tpu.memory_space<semaphore_mem>>) {add = true}
          %dma_wait3A_321 = arith.constant 0 : i32
          %dma_wait3A_322 = tpu.memref_slice %arg9[%scan3A_219, %dma_wait3A_321] : memref<8x128xi32, #tpu.memory_space<vmem>> -> memref<1x128xi32, #tpu.memory_space<vmem>>
          %dma_wait3A_323 = tpu.memref_squeeze %dma_wait3A_322 : memref<1x128xi32, #tpu.memory_space<vmem>> -> memref<128xi32, #tpu.memory_space<vmem>>
          %dma_wait3A_324 = arith.constant 0 : i32
          %dma_wait3A_325 = arith.constant 0 : i32
          %dma_wait3A_326 = tpu.memref_slice %arg12[%dma_wait3A_324, %dma_wait3A_325] : memref<10016x16xf32, #tpu.memory_space<vmem_shared>> -> memref<10016x16xf32, #tpu.memory_space<vmem_shared>>
          tpu.wait_indirect_dma semaphore(%run_scoped3A : memref<!tpu.dma_semaphore, #tpu.memory_space<semaphore_mem>>) src(%arg10 : memref<128x16xf32, #tpu.memory_space<vmem>>) dst(%dma_wait3A_326 : memref<10016x16xf32, #tpu.memory_space<vmem_shared>>)
          tpu.yield
        }) : () -> ()
      } else {
      }
      %jit3A_288 = arith.constant 2 : i32
      %eq3A_289 = arith.constant 0 : i32
      %eq3A_290 = arith.cmpi eq, %jit3A_288, %eq3A_289 : i32
      %jit3A_291 = arith.constant 1 : i32
      %select_n3A_292 = arith.select %eq3A_290, %jit3A_291, %jit3A_288 : i32
      %rem3A_293 = arith.remsi %scan3A_219, %select_n3A_292 : i32
      %ne3A_294 = arith.constant 0 : i32
      %ne3A_295 = arith.cmpi ne, %rem3A_293, %ne3A_294 : i32
      %lt3A_296 = arith.constant 0 : i32
      %lt3A_297 = arith.cmpi slt, %rem3A_293, %lt3A_296 : i32
      %lt3A_298 = arith.constant 0 : i32
      %lt3A_299 = arith.cmpi slt, %select_n3A_292, %lt3A_298 : i32
      %ne3A_300 = arith.xori %lt3A_297, %lt3A_299 : i1
      %and3A_301 = arith.andi %ne3A_300, %ne3A_295 : i1
      %add3A_302 = arith.addi %rem3A_293, %select_n3A_292 : i32
      %select_n3A_303 = arith.select %and3A_301, %add3A_302, %rem3A_293 : i32
      %eq3A_304 = arith.constant 1 : i32
      %eq3A_305 = arith.cmpi eq, %select_n3A_303, %eq3A_304 : i32
      %convert_element_type3A_306 = arith.extui %eq3A_305 : i1 to i32
      %cond3A_307 = arith.constant 0 : i32
      %cond3A_308 = arith.cmpi ne, %convert_element_type3A_306, %cond3A_307 : i32
      scf.if %cond3A_308 {
        %dma_wait3A_309 = arith.constant 0 : i32
        %dma_wait3A_310 = tpu.memref_slice %arg7[%scan3A_219, %dma_wait3A_309] : memref<8x128xi32, #tpu.memory_space<vmem>> -> memref<1x128xi32, #tpu.memory_space<vmem>>
        %dma_wait3A_311 = tpu.memref_squeeze %dma_wait3A_310 : memref<1x128xi32, #tpu.memory_space<vmem>> -> memref<128xi32, #tpu.memory_space<vmem>>
        %dma_wait3A_312 = arith.constant 0 : i32
        %dma_wait3A_313 = arith.constant 0 : i32
        %dma_wait3A_314 = tpu.memref_slice %arg2[%dma_wait3A_312, %dma_wait3A_313] : memref<10000x16xf32, #tpu.memory_space<hbm>> -> memref<10000x16xf32, #tpu.memory_space<hbm>>
        tpu.wait_indirect_dma semaphore(%arg16 : memref<!tpu.dma_semaphore, #tpu.memory_space<semaphore_mem>>) src(%dma_wait3A_314 : memref<10000x16xf32, #tpu.memory_space<hbm>>) dst(%arg11 : memref<128x16xf32, #tpu.memory_space<vmem>>)
        "tpu.region"() ({
          %run_scoped3A = tpu.sem_alloc : memref<!tpu.dma_semaphore, #tpu.memory_space<semaphore_mem>>
          %dma_start3A_315 = arith.constant 0 : i32
          %dma_start3A_316 = tpu.memref_slice %arg9[%scan3A_219, %dma_start3A_315] : memref<8x128xi32, #tpu.memory_space<vmem>> -> memref<1x128xi32, #tpu.memory_space<vmem>>
          %dma_start3A_317 = tpu.memref_squeeze %dma_start3A_316 : memref<1x128xi32, #tpu.memory_space<vmem>> -> memref<128xi32, #tpu.memory_space<vmem>>
          %dma_start3A_318 = arith.constant 0 : i32
          %dma_start3A_319 = arith.constant 0 : i32
          %dma_start3A_320 = tpu.memref_slice %arg12[%dma_start3A_318, %dma_start3A_319] : memref<10016x16xf32, #tpu.memory_space<vmem_shared>> -> memref<10016x16xf32, #tpu.memory_space<vmem_shared>>
          tpu.enqueue_indirect_dma source(%arg11 : memref<128x16xf32, #tpu.memory_space<vmem>>) target(%dma_start3A_320 : memref<10016x16xf32, #tpu.memory_space<vmem_shared>>) offsets(%dma_start3A_317 : memref<128xi32, #tpu.memory_space<vmem>>) semaphore(%run_scoped3A : memref<!tpu.dma_semaphore, #tpu.memory_space<semaphore_mem>>) {add = true}
          %dma_wait3A_321 = arith.constant 0 : i32
          %dma_wait3A_322 = tpu.memref_slice %arg9[%scan3A_219, %dma_wait3A_321] : memref<8x128xi32, #tpu.memory_space<vmem>> -> memref<1x128xi32, #tpu.memory_space<vmem>>
          %dma_wait3A_323 = tpu.memref_squeeze %dma_wait3A_322 : memref<1x128xi32, #tpu.memory_space<vmem>> -> memref<128xi32, #tpu.memory_space<vmem>>
          %dma_wait3A_324 = arith.constant 0 : i32
          %dma_wait3A_325 = arith.constant 0 : i32
          %dma_wait3A_326 = tpu.memref_slice %arg12[%dma_wait3A_324, %dma_wait3A_325] : memref<10016x16xf32, #tpu.memory_space<vmem_shared>> -> memref<10016x16xf32, #tpu.memory_space<vmem_shared>>
          tpu.wait_indirect_dma semaphore(%run_scoped3A : memref<!tpu.dma_semaphore, #tpu.memory_space<semaphore_mem>>) src(%arg11 : memref<128x16xf32, #tpu.memory_space<vmem>>) dst(%dma_wait3A_326 : memref<10016x16xf32, #tpu.memory_space<vmem_shared>>)
          tpu.yield
        }) : () -> ()
      } else {
      }
    }
    %scan3A_94 = arith.constant 8 : i32
    %dma_wait3A_95 = arith.constant 16 : i32
    %dma_wait3A_96 = arith.constant 0 : i32
    %dma_wait3A_97 = tpu.memref_slice %arg3[%arg0, %arg1, %dma_wait3A_95, %dma_wait3A_96] : memref<2x16x40x128xi32, #tpu.memory_space<hbm>> -> memref<1x1x8x128xi32, #tpu.memory_space<hbm>>
    %dma_wait3A_98 = tpu.memref_squeeze %dma_wait3A_97 : memref<1x1x8x128xi32, #tpu.memory_space<hbm>> -> memref<8x128xi32, #tpu.memory_space<hbm>>
    %dma_wait3A_99 = arith.constant 16 : i32
    %dma_wait3A_100 = arith.constant 0 : i32
    %dma_wait3A_101 = tpu.memref_slice %arg3[%arg0, %arg1, %dma_wait3A_99, %dma_wait3A_100] : memref<2x16x40x128xi32, #tpu.memory_space<hbm>> -> memref<1x1x8x128xi32, #tpu.memory_space<hbm>>
    %dma_wait3A_102 = tpu.memref_squeeze %dma_wait3A_101 : memref<1x1x8x128xi32, #tpu.memory_space<hbm>> -> memref<8x128xi32, #tpu.memory_space<hbm>>
    tpu.wait_dma2 semaphore(%arg13 : memref<!tpu.dma_semaphore, #tpu.memory_space<semaphore_mem>>) src(%dma_wait3A_102 : memref<8x128xi32, #tpu.memory_space<hbm>>) dst(%arg6 : memref<8x128xi32, #tpu.memory_space<vmem>>)
    %dma_wait3A_103 = arith.constant 16 : i32
    %dma_wait3A_104 = arith.constant 0 : i32
    %dma_wait3A_105 = tpu.memref_slice %arg4[%arg0, %arg1, %dma_wait3A_103, %dma_wait3A_104] : memref<2x16x40x128xi32, #tpu.memory_space<hbm>> -> memref<1x1x8x128xi32, #tpu.memory_space<hbm>>
    %dma_wait3A_106 = tpu.memref_squeeze %dma_wait3A_105 : memref<1x1x8x128xi32, #tpu.memory_space<hbm>> -> memref<8x128xi32, #tpu.memory_space<hbm>>
    %dma_wait3A_107 = arith.constant 16 : i32
    %dma_wait3A_108 = arith.constant 0 : i32
    %dma_wait3A_109 = tpu.memref_slice %arg4[%arg0, %arg1, %dma_wait3A_107, %dma_wait3A_108] : memref<2x16x40x128xi32, #tpu.memory_space<hbm>> -> memref<1x1x8x128xi32, #tpu.memory_space<hbm>>
    %dma_wait3A_110 = tpu.memref_squeeze %dma_wait3A_109 : memref<1x1x8x128xi32, #tpu.memory_space<hbm>> -> memref<8x128xi32, #tpu.memory_space<hbm>>
    tpu.wait_dma2 semaphore(%arg13 : memref<!tpu.dma_semaphore, #tpu.memory_space<semaphore_mem>>) src(%dma_wait3A_110 : memref<8x128xi32, #tpu.memory_space<hbm>>) dst(%arg8 : memref<8x128xi32, #tpu.memory_space<vmem>>)
    %dma_start3A_111 = arith.constant 24 : i32
    %dma_start3A_112 = arith.constant 0 : i32
    %dma_start3A_113 = tpu.memref_slice %arg3[%arg0, %arg1, %dma_start3A_111, %dma_start3A_112] : memref<2x16x40x128xi32, #tpu.memory_space<hbm>> -> memref<1x1x8x128xi32, #tpu.memory_space<hbm>>
    %dma_start3A_114 = tpu.memref_squeeze %dma_start3A_113 : memref<1x1x8x128xi32, #tpu.memory_space<hbm>> -> memref<8x128xi32, #tpu.memory_space<hbm>>
    %dma_start3A_115 = arith.constant 24 : i32
    %dma_start3A_116 = arith.constant 0 : i32
    %dma_start3A_117 = tpu.memref_slice %arg3[%arg0, %arg1, %dma_start3A_115, %dma_start3A_116] : memref<2x16x40x128xi32, #tpu.memory_space<hbm>> -> memref<1x1x8x128xi32, #tpu.memory_space<hbm>>
    %dma_start3A_118 = tpu.memref_squeeze %dma_start3A_117 : memref<1x1x8x128xi32, #tpu.memory_space<hbm>> -> memref<8x128xi32, #tpu.memory_space<hbm>>
    tpu.enqueue_dma source(%dma_start3A_118 : memref<8x128xi32, #tpu.memory_space<hbm>>) target(%arg7 : memref<8x128xi32, #tpu.memory_space<vmem>>) target_semaphore(%arg14 : memref<!tpu.dma_semaphore, #tpu.memory_space<semaphore_mem>>)
    %dma_start3A_119 = arith.constant 24 : i32
    %dma_start3A_120 = arith.constant 0 : i32
    %dma_start3A_121 = tpu.memref_slice %arg4[%arg0, %arg1, %dma_start3A_119, %dma_start3A_120] : memref<2x16x40x128xi32, #tpu.memory_space<hbm>> -> memref<1x1x8x128xi32, #tpu.memory_space<hbm>>
    %dma_start3A_122 = tpu.memref_squeeze %dma_start3A_121 : memref<1x1x8x128xi32, #tpu.memory_space<hbm>> -> memref<8x128xi32, #tpu.memory_space<hbm>>
    %dma_start3A_123 = arith.constant 24 : i32
    %dma_start3A_124 = arith.constant 0 : i32
    %dma_start3A_125 = tpu.memref_slice %arg4[%arg0, %arg1, %dma_start3A_123, %dma_start3A_124] : memref<2x16x40x128xi32, #tpu.memory_space<hbm>> -> memref<1x1x8x128xi32, #tpu.memory_space<hbm>>
    %dma_start3A_126 = tpu.memref_squeeze %dma_start3A_125 : memref<1x1x8x128xi32, #tpu.memory_space<hbm>> -> memref<8x128xi32, #tpu.memory_space<hbm>>
    tpu.enqueue_dma source(%dma_start3A_126 : memref<8x128xi32, #tpu.memory_space<hbm>>) target(%arg9 : memref<8x128xi32, #tpu.memory_space<vmem>>) target_semaphore(%arg14 : memref<!tpu.dma_semaphore, #tpu.memory_space<semaphore_mem>>)
    %dma_start3A_127 = arith.constant 0 : i32
    %dma_start3A_128 = arith.constant 0 : i32
    %dma_start3A_129 = tpu.memref_slice %arg6[%dma_start3A_127, %dma_start3A_128] : memref<8x128xi32, #tpu.memory_space<vmem>> -> memref<1x128xi32, #tpu.memory_space<vmem>>
    %dma_start3A_130 = tpu.memref_squeeze %dma_start3A_129 : memref<1x128xi32, #tpu.memory_space<vmem>> -> memref<128xi32, #tpu.memory_space<vmem>>
    %dma_start3A_131 = arith.constant 0 : i32
    %dma_start3A_132 = arith.constant 0 : i32
    %dma_start3A_133 = tpu.memref_slice %arg2[%dma_start3A_131, %dma_start3A_132] : memref<10000x16xf32, #tpu.memory_space<hbm>> -> memref<10000x16xf32, #tpu.memory_space<hbm>>
    tpu.enqueue_indirect_dma source(%dma_start3A_133 : memref<10000x16xf32, #tpu.memory_space<hbm>>) target(%arg10 : memref<128x16xf32, #tpu.memory_space<vmem>>) offsets(%dma_start3A_130 : memref<128xi32, #tpu.memory_space<vmem>>) semaphore(%arg15 : memref<!tpu.dma_semaphore, #tpu.memory_space<semaphore_mem>>)
    %scan3A_134 = arith.constant 0 : i32
    %scan3A_135 = arith.constant 0 : i32
    %scan3A_136 = arith.constant 8 : i32
    %scan3A_137 = arith.addi %scan3A_135, %scan3A_136 : i32
    %scan3A_138 = arith.constant 1 : i32
    scf.for %scan3A_219 = %scan3A_135 to %scan3A_137 step %scan3A_138  : i32 {
      %add3A_220 = arith.constant 1 : i32
      %add3A_221 = arith.addi %scan3A_219, %add3A_220 : i32
      %lt3A = arith.constant 8 : i32
      %lt3A_222 = arith.cmpi slt, %add3A_221, %lt3A : i32
      %add3A_223 = arith.constant 1 : i32
      %add3A_224 = arith.addi %scan3A_219, %add3A_223 : i32
      %jit3A = arith.constant 2 : i32
      %eq3A = arith.constant 0 : i32
      %eq3A_225 = arith.cmpi eq, %jit3A, %eq3A : i32
      %jit3A_226 = arith.constant 1 : i32
      %select_n3A = arith.select %eq3A_225, %jit3A_226, %jit3A : i32
      %rem3A = arith.remsi %add3A_224, %select_n3A : i32
      %ne3A = arith.constant 0 : i32
      %ne3A_227 = arith.cmpi ne, %rem3A, %ne3A : i32
      %lt3A_228 = arith.constant 0 : i32
      %lt3A_229 = arith.cmpi slt, %rem3A, %lt3A_228 : i32
      %lt3A_230 = arith.constant 0 : i32
      %lt3A_231 = arith.cmpi slt, %select_n3A, %lt3A_230 : i32
      %ne3A_232 = arith.xori %lt3A_229, %lt3A_231 : i1
      %and3A = arith.andi %ne3A_232, %ne3A_227 : i1
      %add3A_233 = arith.addi %rem3A, %select_n3A : i32
      %select_n3A_234 = arith.select %and3A, %add3A_233, %rem3A : i32
      %eq3A_235 = arith.constant 0 : i32
      %eq3A_236 = arith.cmpi eq, %select_n3A_234, %eq3A_235 : i32
      %and3A_237 = arith.andi %lt3A_222, %eq3A_236 : i1
      %convert_element_type3A = arith.extui %and3A_237 : i1 to i32
      %cond3A = arith.constant 0 : i32
      %cond3A_238 = arith.cmpi ne, %convert_element_type3A, %cond3A : i32
      scf.if %cond3A_238 {
        %add3A_309 = arith.constant 1 : i32
        %add3A_310 = arith.addi %scan3A_219, %add3A_309 : i32
        %dma_start3A_311 = arith.constant 0 : i32
        %dma_start3A_312 = tpu.memref_slice %arg6[%add3A_310, %dma_start3A_311] : memref<8x128xi32, #tpu.memory_space<vmem>> -> memref<1x128xi32, #tpu.memory_space<vmem>>
        %dma_start3A_313 = tpu.memref_squeeze %dma_start3A_312 : memref<1x128xi32, #tpu.memory_space<vmem>> -> memref<128xi32, #tpu.memory_space<vmem>>
        %dma_start3A_314 = arith.constant 0 : i32
        %dma_start3A_315 = arith.constant 0 : i32
        %dma_start3A_316 = tpu.memref_slice %arg2[%dma_start3A_314, %dma_start3A_315] : memref<10000x16xf32, #tpu.memory_space<hbm>> -> memref<10000x16xf32, #tpu.memory_space<hbm>>
        tpu.enqueue_indirect_dma source(%dma_start3A_316 : memref<10000x16xf32, #tpu.memory_space<hbm>>) target(%arg10 : memref<128x16xf32, #tpu.memory_space<vmem>>) offsets(%dma_start3A_313 : memref<128xi32, #tpu.memory_space<vmem>>) semaphore(%arg15 : memref<!tpu.dma_semaphore, #tpu.memory_space<semaphore_mem>>)
      } else {
      }
      %add3A_239 = arith.constant 1 : i32
      %add3A_240 = arith.addi %scan3A_219, %add3A_239 : i32
      %lt3A_241 = arith.constant 8 : i32
      %lt3A_242 = arith.cmpi slt, %add3A_240, %lt3A_241 : i32
      %add3A_243 = arith.constant 1 : i32
      %add3A_244 = arith.addi %scan3A_219, %add3A_243 : i32
      %jit3A_245 = arith.constant 2 : i32
      %eq3A_246 = arith.constant 0 : i32
      %eq3A_247 = arith.cmpi eq, %jit3A_245, %eq3A_246 : i32
      %jit3A_248 = arith.constant 1 : i32
      %select_n3A_249 = arith.select %eq3A_247, %jit3A_248, %jit3A_245 : i32
      %rem3A_250 = arith.remsi %add3A_244, %select_n3A_249 : i32
      %ne3A_251 = arith.constant 0 : i32
      %ne3A_252 = arith.cmpi ne, %rem3A_250, %ne3A_251 : i32
      %lt3A_253 = arith.constant 0 : i32
      %lt3A_254 = arith.cmpi slt, %rem3A_250, %lt3A_253 : i32
      %lt3A_255 = arith.constant 0 : i32
      %lt3A_256 = arith.cmpi slt, %select_n3A_249, %lt3A_255 : i32
      %ne3A_257 = arith.xori %lt3A_254, %lt3A_256 : i1
      %and3A_258 = arith.andi %ne3A_257, %ne3A_252 : i1
      %add3A_259 = arith.addi %rem3A_250, %select_n3A_249 : i32
      %select_n3A_260 = arith.select %and3A_258, %add3A_259, %rem3A_250 : i32
      %eq3A_261 = arith.constant 1 : i32
      %eq3A_262 = arith.cmpi eq, %select_n3A_260, %eq3A_261 : i32
      %and3A_263 = arith.andi %lt3A_242, %eq3A_262 : i1
      %convert_element_type3A_264 = arith.extui %and3A_263 : i1 to i32
      %cond3A_265 = arith.constant 0 : i32
      %cond3A_266 = arith.cmpi ne, %convert_element_type3A_264, %cond3A_265 : i32
      scf.if %cond3A_266 {
        %add3A_309 = arith.constant 1 : i32
        %add3A_310 = arith.addi %scan3A_219, %add3A_309 : i32
        %dma_start3A_311 = arith.constant 0 : i32
        %dma_start3A_312 = tpu.memref_slice %arg6[%add3A_310, %dma_start3A_311] : memref<8x128xi32, #tpu.memory_space<vmem>> -> memref<1x128xi32, #tpu.memory_space<vmem>>
        %dma_start3A_313 = tpu.memref_squeeze %dma_start3A_312 : memref<1x128xi32, #tpu.memory_space<vmem>> -> memref<128xi32, #tpu.memory_space<vmem>>
        %dma_start3A_314 = arith.constant 0 : i32
        %dma_start3A_315 = arith.constant 0 : i32
        %dma_start3A_316 = tpu.memref_slice %arg2[%dma_start3A_314, %dma_start3A_315] : memref<10000x16xf32, #tpu.memory_space<hbm>> -> memref<10000x16xf32, #tpu.memory_space<hbm>>
        tpu.enqueue_indirect_dma source(%dma_start3A_316 : memref<10000x16xf32, #tpu.memory_space<hbm>>) target(%arg11 : memref<128x16xf32, #tpu.memory_space<vmem>>) offsets(%dma_start3A_313 : memref<128xi32, #tpu.memory_space<vmem>>) semaphore(%arg16 : memref<!tpu.dma_semaphore, #tpu.memory_space<semaphore_mem>>)
      } else {
      }
      %jit3A_267 = arith.constant 2 : i32
      %eq3A_268 = arith.constant 0 : i32
      %eq3A_269 = arith.cmpi eq, %jit3A_267, %eq3A_268 : i32
      %jit3A_270 = arith.constant 1 : i32
      %select_n3A_271 = arith.select %eq3A_269, %jit3A_270, %jit3A_267 : i32
      %rem3A_272 = arith.remsi %scan3A_219, %select_n3A_271 : i32
      %ne3A_273 = arith.constant 0 : i32
      %ne3A_274 = arith.cmpi ne, %rem3A_272, %ne3A_273 : i32
      %lt3A_275 = arith.constant 0 : i32
      %lt3A_276 = arith.cmpi slt, %rem3A_272, %lt3A_275 : i32
      %lt3A_277 = arith.constant 0 : i32
      %lt3A_278 = arith.cmpi slt, %select_n3A_271, %lt3A_277 : i32
      %ne3A_279 = arith.xori %lt3A_276, %lt3A_278 : i1
      %and3A_280 = arith.andi %ne3A_279, %ne3A_274 : i1
      %add3A_281 = arith.addi %rem3A_272, %select_n3A_271 : i32
      %select_n3A_282 = arith.select %and3A_280, %add3A_281, %rem3A_272 : i32
      %eq3A_283 = arith.constant 0 : i32
      %eq3A_284 = arith.cmpi eq, %select_n3A_282, %eq3A_283 : i32
      %convert_element_type3A_285 = arith.extui %eq3A_284 : i1 to i32
      %cond3A_286 = arith.constant 0 : i32
      %cond3A_287 = arith.cmpi ne, %convert_element_type3A_285, %cond3A_286 : i32
      scf.if %cond3A_287 {
        %dma_wait3A_309 = arith.constant 0 : i32
        %dma_wait3A_310 = tpu.memref_slice %arg6[%scan3A_219, %dma_wait3A_309] : memref<8x128xi32, #tpu.memory_space<vmem>> -> memref<1x128xi32, #tpu.memory_space<vmem>>
        %dma_wait3A_311 = tpu.memref_squeeze %dma_wait3A_310 : memref<1x128xi32, #tpu.memory_space<vmem>> -> memref<128xi32, #tpu.memory_space<vmem>>
        %dma_wait3A_312 = arith.constant 0 : i32
        %dma_wait3A_313 = arith.constant 0 : i32
        %dma_wait3A_314 = tpu.memref_slice %arg2[%dma_wait3A_312, %dma_wait3A_313] : memref<10000x16xf32, #tpu.memory_space<hbm>> -> memref<10000x16xf32, #tpu.memory_space<hbm>>
        tpu.wait_indirect_dma semaphore(%arg15 : memref<!tpu.dma_semaphore, #tpu.memory_space<semaphore_mem>>) src(%dma_wait3A_314 : memref<10000x16xf32, #tpu.memory_space<hbm>>) dst(%arg10 : memref<128x16xf32, #tpu.memory_space<vmem>>)
        "tpu.region"() ({
          %run_scoped3A = tpu.sem_alloc : memref<!tpu.dma_semaphore, #tpu.memory_space<semaphore_mem>>
          %dma_start3A_315 = arith.constant 0 : i32
          %dma_start3A_316 = tpu.memref_slice %arg8[%scan3A_219, %dma_start3A_315] : memref<8x128xi32, #tpu.memory_space<vmem>> -> memref<1x128xi32, #tpu.memory_space<vmem>>
          %dma_start3A_317 = tpu.memref_squeeze %dma_start3A_316 : memref<1x128xi32, #tpu.memory_space<vmem>> -> memref<128xi32, #tpu.memory_space<vmem>>
          %dma_start3A_318 = arith.constant 0 : i32
          %dma_start3A_319 = arith.constant 0 : i32
          %dma_start3A_320 = tpu.memref_slice %arg12[%dma_start3A_318, %dma_start3A_319] : memref<10016x16xf32, #tpu.memory_space<vmem_shared>> -> memref<10016x16xf32, #tpu.memory_space<vmem_shared>>
          tpu.enqueue_indirect_dma source(%arg10 : memref<128x16xf32, #tpu.memory_space<vmem>>) target(%dma_start3A_320 : memref<10016x16xf32, #tpu.memory_space<vmem_shared>>) offsets(%dma_start3A_317 : memref<128xi32, #tpu.memory_space<vmem>>) semaphore(%run_scoped3A : memref<!tpu.dma_semaphore, #tpu.memory_space<semaphore_mem>>) {add = true}
          %dma_wait3A_321 = arith.constant 0 : i32
          %dma_wait3A_322 = tpu.memref_slice %arg8[%scan3A_219, %dma_wait3A_321] : memref<8x128xi32, #tpu.memory_space<vmem>> -> memref<1x128xi32, #tpu.memory_space<vmem>>
          %dma_wait3A_323 = tpu.memref_squeeze %dma_wait3A_322 : memref<1x128xi32, #tpu.memory_space<vmem>> -> memref<128xi32, #tpu.memory_space<vmem>>
          %dma_wait3A_324 = arith.constant 0 : i32
          %dma_wait3A_325 = arith.constant 0 : i32
          %dma_wait3A_326 = tpu.memref_slice %arg12[%dma_wait3A_324, %dma_wait3A_325] : memref<10016x16xf32, #tpu.memory_space<vmem_shared>> -> memref<10016x16xf32, #tpu.memory_space<vmem_shared>>
          tpu.wait_indirect_dma semaphore(%run_scoped3A : memref<!tpu.dma_semaphore, #tpu.memory_space<semaphore_mem>>) src(%arg10 : memref<128x16xf32, #tpu.memory_space<vmem>>) dst(%dma_wait3A_326 : memref<10016x16xf32, #tpu.memory_space<vmem_shared>>)
          tpu.yield
        }) : () -> ()
      } else {
      }
      %jit3A_288 = arith.constant 2 : i32
      %eq3A_289 = arith.constant 0 : i32
      %eq3A_290 = arith.cmpi eq, %jit3A_288, %eq3A_289 : i32
      %jit3A_291 = arith.constant 1 : i32
      %select_n3A_292 = arith.select %eq3A_290, %jit3A_291, %jit3A_288 : i32
      %rem3A_293 = arith.remsi %scan3A_219, %select_n3A_292 : i32
      %ne3A_294 = arith.constant 0 : i32
      %ne3A_295 = arith.cmpi ne, %rem3A_293, %ne3A_294 : i32
      %lt3A_296 = arith.constant 0 : i32
      %lt3A_297 = arith.cmpi slt, %rem3A_293, %lt3A_296 : i32
      %lt3A_298 = arith.constant 0 : i32
      %lt3A_299 = arith.cmpi slt, %select_n3A_292, %lt3A_298 : i32
      %ne3A_300 = arith.xori %lt3A_297, %lt3A_299 : i1
      %and3A_301 = arith.andi %ne3A_300, %ne3A_295 : i1
      %add3A_302 = arith.addi %rem3A_293, %select_n3A_292 : i32
      %select_n3A_303 = arith.select %and3A_301, %add3A_302, %rem3A_293 : i32
      %eq3A_304 = arith.constant 1 : i32
      %eq3A_305 = arith.cmpi eq, %select_n3A_303, %eq3A_304 : i32
      %convert_element_type3A_306 = arith.extui %eq3A_305 : i1 to i32
      %cond3A_307 = arith.constant 0 : i32
      %cond3A_308 = arith.cmpi ne, %convert_element_type3A_306, %cond3A_307 : i32
      scf.if %cond3A_308 {
        %dma_wait3A_309 = arith.constant 0 : i32
        %dma_wait3A_310 = tpu.memref_slice %arg6[%scan3A_219, %dma_wait3A_309] : memref<8x128xi32, #tpu.memory_space<vmem>> -> memref<1x128xi32, #tpu.memory_space<vmem>>
        %dma_wait3A_311 = tpu.memref_squeeze %dma_wait3A_310 : memref<1x128xi32, #tpu.memory_space<vmem>> -> memref<128xi32, #tpu.memory_space<vmem>>
        %dma_wait3A_312 = arith.constant 0 : i32
        %dma_wait3A_313 = arith.constant 0 : i32
        %dma_wait3A_314 = tpu.memref_slice %arg2[%dma_wait3A_312, %dma_wait3A_313] : memref<10000x16xf32, #tpu.memory_space<hbm>> -> memref<10000x16xf32, #tpu.memory_space<hbm>>
        tpu.wait_indirect_dma semaphore(%arg16 : memref<!tpu.dma_semaphore, #tpu.memory_space<semaphore_mem>>) src(%dma_wait3A_314 : memref<10000x16xf32, #tpu.memory_space<hbm>>) dst(%arg11 : memref<128x16xf32, #tpu.memory_space<vmem>>)
        "tpu.region"() ({
          %run_scoped3A = tpu.sem_alloc : memref<!tpu.dma_semaphore, #tpu.memory_space<semaphore_mem>>
          %dma_start3A_315 = arith.constant 0 : i32
          %dma_start3A_316 = tpu.memref_slice %arg8[%scan3A_219, %dma_start3A_315] : memref<8x128xi32, #tpu.memory_space<vmem>> -> memref<1x128xi32, #tpu.memory_space<vmem>>
          %dma_start3A_317 = tpu.memref_squeeze %dma_start3A_316 : memref<1x128xi32, #tpu.memory_space<vmem>> -> memref<128xi32, #tpu.memory_space<vmem>>
          %dma_start3A_318 = arith.constant 0 : i32
          %dma_start3A_319 = arith.constant 0 : i32
          %dma_start3A_320 = tpu.memref_slice %arg12[%dma_start3A_318, %dma_start3A_319] : memref<10016x16xf32, #tpu.memory_space<vmem_shared>> -> memref<10016x16xf32, #tpu.memory_space<vmem_shared>>
          tpu.enqueue_indirect_dma source(%arg11 : memref<128x16xf32, #tpu.memory_space<vmem>>) target(%dma_start3A_320 : memref<10016x16xf32, #tpu.memory_space<vmem_shared>>) offsets(%dma_start3A_317 : memref<128xi32, #tpu.memory_space<vmem>>) semaphore(%run_scoped3A : memref<!tpu.dma_semaphore, #tpu.memory_space<semaphore_mem>>) {add = true}
          %dma_wait3A_321 = arith.constant 0 : i32
          %dma_wait3A_322 = tpu.memref_slice %arg8[%scan3A_219, %dma_wait3A_321] : memref<8x128xi32, #tpu.memory_space<vmem>> -> memref<1x128xi32, #tpu.memory_space<vmem>>
          %dma_wait3A_323 = tpu.memref_squeeze %dma_wait3A_322 : memref<1x128xi32, #tpu.memory_space<vmem>> -> memref<128xi32, #tpu.memory_space<vmem>>
          %dma_wait3A_324 = arith.constant 0 : i32
          %dma_wait3A_325 = arith.constant 0 : i32
          %dma_wait3A_326 = tpu.memref_slice %arg12[%dma_wait3A_324, %dma_wait3A_325] : memref<10016x16xf32, #tpu.memory_space<vmem_shared>> -> memref<10016x16xf32, #tpu.memory_space<vmem_shared>>
          tpu.wait_indirect_dma semaphore(%run_scoped3A : memref<!tpu.dma_semaphore, #tpu.memory_space<semaphore_mem>>) src(%arg11 : memref<128x16xf32, #tpu.memory_space<vmem>>) dst(%dma_wait3A_326 : memref<10016x16xf32, #tpu.memory_space<vmem_shared>>)
          tpu.yield
        }) : () -> ()
      } else {
      }
    }
    %scan3A_139 = arith.constant 8 : i32
    %dma_wait3A_140 = arith.constant 24 : i32
    %dma_wait3A_141 = arith.constant 0 : i32
    %dma_wait3A_142 = tpu.memref_slice %arg3[%arg0, %arg1, %dma_wait3A_140, %dma_wait3A_141] : memref<2x16x40x128xi32, #tpu.memory_space<hbm>> -> memref<1x1x8x128xi32, #tpu.memory_space<hbm>>
    %dma_wait3A_143 = tpu.memref_squeeze %dma_wait3A_142 : memref<1x1x8x128xi32, #tpu.memory_space<hbm>> -> memref<8x128xi32, #tpu.memory_space<hbm>>
    %dma_wait3A_144 = arith.constant 24 : i32
    %dma_wait3A_145 = arith.constant 0 : i32
    %dma_wait3A_146 = tpu.memref_slice %arg3[%arg0, %arg1, %dma_wait3A_144, %dma_wait3A_145] : memref<2x16x40x128xi32, #tpu.memory_space<hbm>> -> memref<1x1x8x128xi32, #tpu.memory_space<hbm>>
    %dma_wait3A_147 = tpu.memref_squeeze %dma_wait3A_146 : memref<1x1x8x128xi32, #tpu.memory_space<hbm>> -> memref<8x128xi32, #tpu.memory_space<hbm>>
    tpu.wait_dma2 semaphore(%arg14 : memref<!tpu.dma_semaphore, #tpu.memory_space<semaphore_mem>>) src(%dma_wait3A_147 : memref<8x128xi32, #tpu.memory_space<hbm>>) dst(%arg7 : memref<8x128xi32, #tpu.memory_space<vmem>>)
    %dma_wait3A_148 = arith.constant 24 : i32
    %dma_wait3A_149 = arith.constant 0 : i32
    %dma_wait3A_150 = tpu.memref_slice %arg4[%arg0, %arg1, %dma_wait3A_148, %dma_wait3A_149] : memref<2x16x40x128xi32, #tpu.memory_space<hbm>> -> memref<1x1x8x128xi32, #tpu.memory_space<hbm>>
    %dma_wait3A_151 = tpu.memref_squeeze %dma_wait3A_150 : memref<1x1x8x128xi32, #tpu.memory_space<hbm>> -> memref<8x128xi32, #tpu.memory_space<hbm>>
    %dma_wait3A_152 = arith.constant 24 : i32
    %dma_wait3A_153 = arith.constant 0 : i32
    %dma_wait3A_154 = tpu.memref_slice %arg4[%arg0, %arg1, %dma_wait3A_152, %dma_wait3A_153] : memref<2x16x40x128xi32, #tpu.memory_space<hbm>> -> memref<1x1x8x128xi32, #tpu.memory_space<hbm>>
    %dma_wait3A_155 = tpu.memref_squeeze %dma_wait3A_154 : memref<1x1x8x128xi32, #tpu.memory_space<hbm>> -> memref<8x128xi32, #tpu.memory_space<hbm>>
    tpu.wait_dma2 semaphore(%arg14 : memref<!tpu.dma_semaphore, #tpu.memory_space<semaphore_mem>>) src(%dma_wait3A_155 : memref<8x128xi32, #tpu.memory_space<hbm>>) dst(%arg9 : memref<8x128xi32, #tpu.memory_space<vmem>>)
    %dma_start3A_156 = arith.constant 32 : i32
    %dma_start3A_157 = arith.constant 0 : i32
    %dma_start3A_158 = tpu.memref_slice %arg3[%arg0, %arg1, %dma_start3A_156, %dma_start3A_157] : memref<2x16x40x128xi32, #tpu.memory_space<hbm>> -> memref<1x1x8x128xi32, #tpu.memory_space<hbm>>
    %dma_start3A_159 = tpu.memref_squeeze %dma_start3A_158 : memref<1x1x8x128xi32, #tpu.memory_space<hbm>> -> memref<8x128xi32, #tpu.memory_space<hbm>>
    %dma_start3A_160 = arith.constant 32 : i32
    %dma_start3A_161 = arith.constant 0 : i32
    %dma_start3A_162 = tpu.memref_slice %arg3[%arg0, %arg1, %dma_start3A_160, %dma_start3A_161] : memref<2x16x40x128xi32, #tpu.memory_space<hbm>> -> memref<1x1x8x128xi32, #tpu.memory_space<hbm>>
    %dma_start3A_163 = tpu.memref_squeeze %dma_start3A_162 : memref<1x1x8x128xi32, #tpu.memory_space<hbm>> -> memref<8x128xi32, #tpu.memory_space<hbm>>
    tpu.enqueue_dma source(%dma_start3A_163 : memref<8x128xi32, #tpu.memory_space<hbm>>) target(%arg6 : memref<8x128xi32, #tpu.memory_space<vmem>>) target_semaphore(%arg13 : memref<!tpu.dma_semaphore, #tpu.memory_space<semaphore_mem>>)
    %dma_start3A_164 = arith.constant 32 : i32
    %dma_start3A_165 = arith.constant 0 : i32
    %dma_start3A_166 = tpu.memref_slice %arg4[%arg0, %arg1, %dma_start3A_164, %dma_start3A_165] : memref<2x16x40x128xi32, #tpu.memory_space<hbm>> -> memref<1x1x8x128xi32, #tpu.memory_space<hbm>>
    %dma_start3A_167 = tpu.memref_squeeze %dma_start3A_166 : memref<1x1x8x128xi32, #tpu.memory_space<hbm>> -> memref<8x128xi32, #tpu.memory_space<hbm>>
    %dma_start3A_168 = arith.constant 32 : i32
    %dma_start3A_169 = arith.constant 0 : i32
    %dma_start3A_170 = tpu.memref_slice %arg4[%arg0, %arg1, %dma_start3A_168, %dma_start3A_169] : memref<2x16x40x128xi32, #tpu.memory_space<hbm>> -> memref<1x1x8x128xi32, #tpu.memory_space<hbm>>
    %dma_start3A_171 = tpu.memref_squeeze %dma_start3A_170 : memref<1x1x8x128xi32, #tpu.memory_space<hbm>> -> memref<8x128xi32, #tpu.memory_space<hbm>>
    tpu.enqueue_dma source(%dma_start3A_171 : memref<8x128xi32, #tpu.memory_space<hbm>>) target(%arg8 : memref<8x128xi32, #tpu.memory_space<vmem>>) target_semaphore(%arg13 : memref<!tpu.dma_semaphore, #tpu.memory_space<semaphore_mem>>)
    %dma_start3A_172 = arith.constant 0 : i32
    %dma_start3A_173 = arith.constant 0 : i32
    %dma_start3A_174 = tpu.memref_slice %arg7[%dma_start3A_172, %dma_start3A_173] : memref<8x128xi32, #tpu.memory_space<vmem>> -> memref<1x128xi32, #tpu.memory_space<vmem>>
    %dma_start3A_175 = tpu.memref_squeeze %dma_start3A_174 : memref<1x128xi32, #tpu.memory_space<vmem>> -> memref<128xi32, #tpu.memory_space<vmem>>
    %dma_start3A_176 = arith.constant 0 : i32
    %dma_start3A_177 = arith.constant 0 : i32
    %dma_start3A_178 = tpu.memref_slice %arg2[%dma_start3A_176, %dma_start3A_177] : memref<10000x16xf32, #tpu.memory_space<hbm>> -> memref<10000x16xf32, #tpu.memory_space<hbm>>
    tpu.enqueue_indirect_dma source(%dma_start3A_178 : memref<10000x16xf32, #tpu.memory_space<hbm>>) target(%arg10 : memref<128x16xf32, #tpu.memory_space<vmem>>) offsets(%dma_start3A_175 : memref<128xi32, #tpu.memory_space<vmem>>) semaphore(%arg15 : memref<!tpu.dma_semaphore, #tpu.memory_space<semaphore_mem>>)
    %scan3A_179 = arith.constant 0 : i32
    %scan3A_180 = arith.constant 0 : i32
    %scan3A_181 = arith.constant 8 : i32
    %scan3A_182 = arith.addi %scan3A_180, %scan3A_181 : i32
    %scan3A_183 = arith.constant 1 : i32
    scf.for %scan3A_219 = %scan3A_180 to %scan3A_182 step %scan3A_183  : i32 {
      %add3A_220 = arith.constant 1 : i32
      %add3A_221 = arith.addi %scan3A_219, %add3A_220 : i32
      %lt3A = arith.constant 8 : i32
      %lt3A_222 = arith.cmpi slt, %add3A_221, %lt3A : i32
      %add3A_223 = arith.constant 1 : i32
      %add3A_224 = arith.addi %scan3A_219, %add3A_223 : i32
      %jit3A = arith.constant 2 : i32
      %eq3A = arith.constant 0 : i32
      %eq3A_225 = arith.cmpi eq, %jit3A, %eq3A : i32
      %jit3A_226 = arith.constant 1 : i32
      %select_n3A = arith.select %eq3A_225, %jit3A_226, %jit3A : i32
      %rem3A = arith.remsi %add3A_224, %select_n3A : i32
      %ne3A = arith.constant 0 : i32
      %ne3A_227 = arith.cmpi ne, %rem3A, %ne3A : i32
      %lt3A_228 = arith.constant 0 : i32
      %lt3A_229 = arith.cmpi slt, %rem3A, %lt3A_228 : i32
      %lt3A_230 = arith.constant 0 : i32
      %lt3A_231 = arith.cmpi slt, %select_n3A, %lt3A_230 : i32
      %ne3A_232 = arith.xori %lt3A_229, %lt3A_231 : i1
      %and3A = arith.andi %ne3A_232, %ne3A_227 : i1
      %add3A_233 = arith.addi %rem3A, %select_n3A : i32
      %select_n3A_234 = arith.select %and3A, %add3A_233, %rem3A : i32
      %eq3A_235 = arith.constant 0 : i32
      %eq3A_236 = arith.cmpi eq, %select_n3A_234, %eq3A_235 : i32
      %and3A_237 = arith.andi %lt3A_222, %eq3A_236 : i1
      %convert_element_type3A = arith.extui %and3A_237 : i1 to i32
      %cond3A = arith.constant 0 : i32
      %cond3A_238 = arith.cmpi ne, %convert_element_type3A, %cond3A : i32
      scf.if %cond3A_238 {
        %add3A_309 = arith.constant 1 : i32
        %add3A_310 = arith.addi %scan3A_219, %add3A_309 : i32
        %dma_start3A_311 = arith.constant 0 : i32
        %dma_start3A_312 = tpu.memref_slice %arg7[%add3A_310, %dma_start3A_311] : memref<8x128xi32, #tpu.memory_space<vmem>> -> memref<1x128xi32, #tpu.memory_space<vmem>>
        %dma_start3A_313 = tpu.memref_squeeze %dma_start3A_312 : memref<1x128xi32, #tpu.memory_space<vmem>> -> memref<128xi32, #tpu.memory_space<vmem>>
        %dma_start3A_314 = arith.constant 0 : i32
        %dma_start3A_315 = arith.constant 0 : i32
        %dma_start3A_316 = tpu.memref_slice %arg2[%dma_start3A_314, %dma_start3A_315] : memref<10000x16xf32, #tpu.memory_space<hbm>> -> memref<10000x16xf32, #tpu.memory_space<hbm>>
        tpu.enqueue_indirect_dma source(%dma_start3A_316 : memref<10000x16xf32, #tpu.memory_space<hbm>>) target(%arg10 : memref<128x16xf32, #tpu.memory_space<vmem>>) offsets(%dma_start3A_313 : memref<128xi32, #tpu.memory_space<vmem>>) semaphore(%arg15 : memref<!tpu.dma_semaphore, #tpu.memory_space<semaphore_mem>>)
      } else {
      }
      %add3A_239 = arith.constant 1 : i32
      %add3A_240 = arith.addi %scan3A_219, %add3A_239 : i32
      %lt3A_241 = arith.constant 8 : i32
      %lt3A_242 = arith.cmpi slt, %add3A_240, %lt3A_241 : i32
      %add3A_243 = arith.constant 1 : i32
      %add3A_244 = arith.addi %scan3A_219, %add3A_243 : i32
      %jit3A_245 = arith.constant 2 : i32
      %eq3A_246 = arith.constant 0 : i32
      %eq3A_247 = arith.cmpi eq, %jit3A_245, %eq3A_246 : i32
      %jit3A_248 = arith.constant 1 : i32
      %select_n3A_249 = arith.select %eq3A_247, %jit3A_248, %jit3A_245 : i32
      %rem3A_250 = arith.remsi %add3A_244, %select_n3A_249 : i32
      %ne3A_251 = arith.constant 0 : i32
      %ne3A_252 = arith.cmpi ne, %rem3A_250, %ne3A_251 : i32
      %lt3A_253 = arith.constant 0 : i32
      %lt3A_254 = arith.cmpi slt, %rem3A_250, %lt3A_253 : i32
      %lt3A_255 = arith.constant 0 : i32
      %lt3A_256 = arith.cmpi slt, %select_n3A_249, %lt3A_255 : i32
      %ne3A_257 = arith.xori %lt3A_254, %lt3A_256 : i1
      %and3A_258 = arith.andi %ne3A_257, %ne3A_252 : i1
      %add3A_259 = arith.addi %rem3A_250, %select_n3A_249 : i32
      %select_n3A_260 = arith.select %and3A_258, %add3A_259, %rem3A_250 : i32
      %eq3A_261 = arith.constant 1 : i32
      %eq3A_262 = arith.cmpi eq, %select_n3A_260, %eq3A_261 : i32
      %and3A_263 = arith.andi %lt3A_242, %eq3A_262 : i1
      %convert_element_type3A_264 = arith.extui %and3A_263 : i1 to i32
      %cond3A_265 = arith.constant 0 : i32
      %cond3A_266 = arith.cmpi ne, %convert_element_type3A_264, %cond3A_265 : i32
      scf.if %cond3A_266 {
        %add3A_309 = arith.constant 1 : i32
        %add3A_310 = arith.addi %scan3A_219, %add3A_309 : i32
        %dma_start3A_311 = arith.constant 0 : i32
        %dma_start3A_312 = tpu.memref_slice %arg7[%add3A_310, %dma_start3A_311] : memref<8x128xi32, #tpu.memory_space<vmem>> -> memref<1x128xi32, #tpu.memory_space<vmem>>
        %dma_start3A_313 = tpu.memref_squeeze %dma_start3A_312 : memref<1x128xi32, #tpu.memory_space<vmem>> -> memref<128xi32, #tpu.memory_space<vmem>>
        %dma_start3A_314 = arith.constant 0 : i32
        %dma_start3A_315 = arith.constant 0 : i32
        %dma_start3A_316 = tpu.memref_slice %arg2[%dma_start3A_314, %dma_start3A_315] : memref<10000x16xf32, #tpu.memory_space<hbm>> -> memref<10000x16xf32, #tpu.memory_space<hbm>>
        tpu.enqueue_indirect_dma source(%dma_start3A_316 : memref<10000x16xf32, #tpu.memory_space<hbm>>) target(%arg11 : memref<128x16xf32, #tpu.memory_space<vmem>>) offsets(%dma_start3A_313 : memref<128xi32, #tpu.memory_space<vmem>>) semaphore(%arg16 : memref<!tpu.dma_semaphore, #tpu.memory_space<semaphore_mem>>)
      } else {
      }
      %jit3A_267 = arith.constant 2 : i32
      %eq3A_268 = arith.constant 0 : i32
      %eq3A_269 = arith.cmpi eq, %jit3A_267, %eq3A_268 : i32
      %jit3A_270 = arith.constant 1 : i32
      %select_n3A_271 = arith.select %eq3A_269, %jit3A_270, %jit3A_267 : i32
      %rem3A_272 = arith.remsi %scan3A_219, %select_n3A_271 : i32
      %ne3A_273 = arith.constant 0 : i32
      %ne3A_274 = arith.cmpi ne, %rem3A_272, %ne3A_273 : i32
      %lt3A_275 = arith.constant 0 : i32
      %lt3A_276 = arith.cmpi slt, %rem3A_272, %lt3A_275 : i32
      %lt3A_277 = arith.constant 0 : i32
      %lt3A_278 = arith.cmpi slt, %select_n3A_271, %lt3A_277 : i32
      %ne3A_279 = arith.xori %lt3A_276, %lt3A_278 : i1
      %and3A_280 = arith.andi %ne3A_279, %ne3A_274 : i1
      %add3A_281 = arith.addi %rem3A_272, %select_n3A_271 : i32
      %select_n3A_282 = arith.select %and3A_280, %add3A_281, %rem3A_272 : i32
      %eq3A_283 = arith.constant 0 : i32
      %eq3A_284 = arith.cmpi eq, %select_n3A_282, %eq3A_283 : i32
      %convert_element_type3A_285 = arith.extui %eq3A_284 : i1 to i32
      %cond3A_286 = arith.constant 0 : i32
      %cond3A_287 = arith.cmpi ne, %convert_element_type3A_285, %cond3A_286 : i32
      scf.if %cond3A_287 {
        %dma_wait3A_309 = arith.constant 0 : i32
        %dma_wait3A_310 = tpu.memref_slice %arg7[%scan3A_219, %dma_wait3A_309] : memref<8x128xi32, #tpu.memory_space<vmem>> -> memref<1x128xi32, #tpu.memory_space<vmem>>
        %dma_wait3A_311 = tpu.memref_squeeze %dma_wait3A_310 : memref<1x128xi32, #tpu.memory_space<vmem>> -> memref<128xi32, #tpu.memory_space<vmem>>
        %dma_wait3A_312 = arith.constant 0 : i32
        %dma_wait3A_313 = arith.constant 0 : i32
        %dma_wait3A_314 = tpu.memref_slice %arg2[%dma_wait3A_312, %dma_wait3A_313] : memref<10000x16xf32, #tpu.memory_space<hbm>> -> memref<10000x16xf32, #tpu.memory_space<hbm>>
        tpu.wait_indirect_dma semaphore(%arg15 : memref<!tpu.dma_semaphore, #tpu.memory_space<semaphore_mem>>) src(%dma_wait3A_314 : memref<10000x16xf32, #tpu.memory_space<hbm>>) dst(%arg10 : memref<128x16xf32, #tpu.memory_space<vmem>>)
        "tpu.region"() ({
          %run_scoped3A = tpu.sem_alloc : memref<!tpu.dma_semaphore, #tpu.memory_space<semaphore_mem>>
          %dma_start3A_315 = arith.constant 0 : i32
          %dma_start3A_316 = tpu.memref_slice %arg9[%scan3A_219, %dma_start3A_315] : memref<8x128xi32, #tpu.memory_space<vmem>> -> memref<1x128xi32, #tpu.memory_space<vmem>>
          %dma_start3A_317 = tpu.memref_squeeze %dma_start3A_316 : memref<1x128xi32, #tpu.memory_space<vmem>> -> memref<128xi32, #tpu.memory_space<vmem>>
          %dma_start3A_318 = arith.constant 0 : i32
          %dma_start3A_319 = arith.constant 0 : i32
          %dma_start3A_320 = tpu.memref_slice %arg12[%dma_start3A_318, %dma_start3A_319] : memref<10016x16xf32, #tpu.memory_space<vmem_shared>> -> memref<10016x16xf32, #tpu.memory_space<vmem_shared>>
          tpu.enqueue_indirect_dma source(%arg10 : memref<128x16xf32, #tpu.memory_space<vmem>>) target(%dma_start3A_320 : memref<10016x16xf32, #tpu.memory_space<vmem_shared>>) offsets(%dma_start3A_317 : memref<128xi32, #tpu.memory_space<vmem>>) semaphore(%run_scoped3A : memref<!tpu.dma_semaphore, #tpu.memory_space<semaphore_mem>>) {add = true}
          %dma_wait3A_321 = arith.constant 0 : i32
          %dma_wait3A_322 = tpu.memref_slice %arg9[%scan3A_219, %dma_wait3A_321] : memref<8x128xi32, #tpu.memory_space<vmem>> -> memref<1x128xi32, #tpu.memory_space<vmem>>
          %dma_wait3A_323 = tpu.memref_squeeze %dma_wait3A_322 : memref<1x128xi32, #tpu.memory_space<vmem>> -> memref<128xi32, #tpu.memory_space<vmem>>
          %dma_wait3A_324 = arith.constant 0 : i32
          %dma_wait3A_325 = arith.constant 0 : i32
          %dma_wait3A_326 = tpu.memref_slice %arg12[%dma_wait3A_324, %dma_wait3A_325] : memref<10016x16xf32, #tpu.memory_space<vmem_shared>> -> memref<10016x16xf32, #tpu.memory_space<vmem_shared>>
          tpu.wait_indirect_dma semaphore(%run_scoped3A : memref<!tpu.dma_semaphore, #tpu.memory_space<semaphore_mem>>) src(%arg10 : memref<128x16xf32, #tpu.memory_space<vmem>>) dst(%dma_wait3A_326 : memref<10016x16xf32, #tpu.memory_space<vmem_shared>>)
          tpu.yield
        }) : () -> ()
      } else {
      }
      %jit3A_288 = arith.constant 2 : i32
      %eq3A_289 = arith.constant 0 : i32
      %eq3A_290 = arith.cmpi eq, %jit3A_288, %eq3A_289 : i32
      %jit3A_291 = arith.constant 1 : i32
      %select_n3A_292 = arith.select %eq3A_290, %jit3A_291, %jit3A_288 : i32
      %rem3A_293 = arith.remsi %scan3A_219, %select_n3A_292 : i32
      %ne3A_294 = arith.constant 0 : i32
      %ne3A_295 = arith.cmpi ne, %rem3A_293, %ne3A_294 : i32
      %lt3A_296 = arith.constant 0 : i32
      %lt3A_297 = arith.cmpi slt, %rem3A_293, %lt3A_296 : i32
      %lt3A_298 = arith.constant 0 : i32
      %lt3A_299 = arith.cmpi slt, %select_n3A_292, %lt3A_298 : i32
      %ne3A_300 = arith.xori %lt3A_297, %lt3A_299 : i1
      %and3A_301 = arith.andi %ne3A_300, %ne3A_295 : i1
      %add3A_302 = arith.addi %rem3A_293, %select_n3A_292 : i32
      %select_n3A_303 = arith.select %and3A_301, %add3A_302, %rem3A_293 : i32
      %eq3A_304 = arith.constant 1 : i32
      %eq3A_305 = arith.cmpi eq, %select_n3A_303, %eq3A_304 : i32
      %convert_element_type3A_306 = arith.extui %eq3A_305 : i1 to i32
      %cond3A_307 = arith.constant 0 : i32
      %cond3A_308 = arith.cmpi ne, %convert_element_type3A_306, %cond3A_307 : i32
      scf.if %cond3A_308 {
        %dma_wait3A_309 = arith.constant 0 : i32
        %dma_wait3A_310 = tpu.memref_slice %arg7[%scan3A_219, %dma_wait3A_309] : memref<8x128xi32, #tpu.memory_space<vmem>> -> memref<1x128xi32, #tpu.memory_space<vmem>>
        %dma_wait3A_311 = tpu.memref_squeeze %dma_wait3A_310 : memref<1x128xi32, #tpu.memory_space<vmem>> -> memref<128xi32, #tpu.memory_space<vmem>>
        %dma_wait3A_312 = arith.constant 0 : i32
        %dma_wait3A_313 = arith.constant 0 : i32
        %dma_wait3A_314 = tpu.memref_slice %arg2[%dma_wait3A_312, %dma_wait3A_313] : memref<10000x16xf32, #tpu.memory_space<hbm>> -> memref<10000x16xf32, #tpu.memory_space<hbm>>
        tpu.wait_indirect_dma semaphore(%arg16 : memref<!tpu.dma_semaphore, #tpu.memory_space<semaphore_mem>>) src(%dma_wait3A_314 : memref<10000x16xf32, #tpu.memory_space<hbm>>) dst(%arg11 : memref<128x16xf32, #tpu.memory_space<vmem>>)
        "tpu.region"() ({
          %run_scoped3A = tpu.sem_alloc : memref<!tpu.dma_semaphore, #tpu.memory_space<semaphore_mem>>
          %dma_start3A_315 = arith.constant 0 : i32
          %dma_start3A_316 = tpu.memref_slice %arg9[%scan3A_219, %dma_start3A_315] : memref<8x128xi32, #tpu.memory_space<vmem>> -> memref<1x128xi32, #tpu.memory_space<vmem>>
          %dma_start3A_317 = tpu.memref_squeeze %dma_start3A_316 : memref<1x128xi32, #tpu.memory_space<vmem>> -> memref<128xi32, #tpu.memory_space<vmem>>
          %dma_start3A_318 = arith.constant 0 : i32
          %dma_start3A_319 = arith.constant 0 : i32
          %dma_start3A_320 = tpu.memref_slice %arg12[%dma_start3A_318, %dma_start3A_319] : memref<10016x16xf32, #tpu.memory_space<vmem_shared>> -> memref<10016x16xf32, #tpu.memory_space<vmem_shared>>
          tpu.enqueue_indirect_dma source(%arg11 : memref<128x16xf32, #tpu.memory_space<vmem>>) target(%dma_start3A_320 : memref<10016x16xf32, #tpu.memory_space<vmem_shared>>) offsets(%dma_start3A_317 : memref<128xi32, #tpu.memory_space<vmem>>) semaphore(%run_scoped3A : memref<!tpu.dma_semaphore, #tpu.memory_space<semaphore_mem>>) {add = true}
          %dma_wait3A_321 = arith.constant 0 : i32
          %dma_wait3A_322 = tpu.memref_slice %arg9[%scan3A_219, %dma_wait3A_321] : memref<8x128xi32, #tpu.memory_space<vmem>> -> memref<1x128xi32, #tpu.memory_space<vmem>>
          %dma_wait3A_323 = tpu.memref_squeeze %dma_wait3A_322 : memref<1x128xi32, #tpu.memory_space<vmem>> -> memref<128xi32, #tpu.memory_space<vmem>>
          %dma_wait3A_324 = arith.constant 0 : i32
          %dma_wait3A_325 = arith.constant 0 : i32
          %dma_wait3A_326 = tpu.memref_slice %arg12[%dma_wait3A_324, %dma_wait3A_325] : memref<10016x16xf32, #tpu.memory_space<vmem_shared>> -> memref<10016x16xf32, #tpu.memory_space<vmem_shared>>
          tpu.wait_indirect_dma semaphore(%run_scoped3A : memref<!tpu.dma_semaphore, #tpu.memory_space<semaphore_mem>>) src(%arg11 : memref<128x16xf32, #tpu.memory_space<vmem>>) dst(%dma_wait3A_326 : memref<10016x16xf32, #tpu.memory_space<vmem_shared>>)
          tpu.yield
        }) : () -> ()
      } else {
      }
    }
    %scan3A_184 = arith.constant 8 : i32
    %dma_wait3A_185 = arith.constant 32 : i32
    %dma_wait3A_186 = arith.constant 0 : i32
    %dma_wait3A_187 = tpu.memref_slice %arg3[%arg0, %arg1, %dma_wait3A_185, %dma_wait3A_186] : memref<2x16x40x128xi32, #tpu.memory_space<hbm>> -> memref<1x1x8x128xi32, #tpu.memory_space<hbm>>
    %dma_wait3A_188 = tpu.memref_squeeze %dma_wait3A_187 : memref<1x1x8x128xi32, #tpu.memory_space<hbm>> -> memref<8x128xi32, #tpu.memory_space<hbm>>
    %dma_wait3A_189 = arith.constant 32 : i32
    %dma_wait3A_190 = arith.constant 0 : i32
    %dma_wait3A_191 = tpu.memref_slice %arg3[%arg0, %arg1, %dma_wait3A_189, %dma_wait3A_190] : memref<2x16x40x128xi32, #tpu.memory_space<hbm>> -> memref<1x1x8x128xi32, #tpu.memory_space<hbm>>
    %dma_wait3A_192 = tpu.memref_squeeze %dma_wait3A_191 : memref<1x1x8x128xi32, #tpu.memory_space<hbm>> -> memref<8x128xi32, #tpu.memory_space<hbm>>
    tpu.wait_dma2 semaphore(%arg13 : memref<!tpu.dma_semaphore, #tpu.memory_space<semaphore_mem>>) src(%dma_wait3A_192 : memref<8x128xi32, #tpu.memory_space<hbm>>) dst(%arg6 : memref<8x128xi32, #tpu.memory_space<vmem>>)
    %dma_wait3A_193 = arith.constant 32 : i32
    %dma_wait3A_194 = arith.constant 0 : i32
    %dma_wait3A_195 = tpu.memref_slice %arg4[%arg0, %arg1, %dma_wait3A_193, %dma_wait3A_194] : memref<2x16x40x128xi32, #tpu.memory_space<hbm>> -> memref<1x1x8x128xi32, #tpu.memory_space<hbm>>
    %dma_wait3A_196 = tpu.memref_squeeze %dma_wait3A_195 : memref<1x1x8x128xi32, #tpu.memory_space<hbm>> -> memref<8x128xi32, #tpu.memory_space<hbm>>
    %dma_wait3A_197 = arith.constant 32 : i32
    %dma_wait3A_198 = arith.constant 0 : i32
    %dma_wait3A_199 = tpu.memref_slice %arg4[%arg0, %arg1, %dma_wait3A_197, %dma_wait3A_198] : memref<2x16x40x128xi32, #tpu.memory_space<hbm>> -> memref<1x1x8x128xi32, #tpu.memory_space<hbm>>
    %dma_wait3A_200 = tpu.memref_squeeze %dma_wait3A_199 : memref<1x1x8x128xi32, #tpu.memory_space<hbm>> -> memref<8x128xi32, #tpu.memory_space<hbm>>
    tpu.wait_dma2 semaphore(%arg13 : memref<!tpu.dma_semaphore, #tpu.memory_space<semaphore_mem>>) src(%dma_wait3A_200 : memref<8x128xi32, #tpu.memory_space<hbm>>) dst(%arg8 : memref<8x128xi32, #tpu.memory_space<vmem>>)
    %dma_start3A_201 = arith.constant 0 : i32
    %dma_start3A_202 = arith.constant 0 : i32
    %dma_start3A_203 = tpu.memref_slice %arg6[%dma_start3A_201, %dma_start3A_202] : memref<8x128xi32, #tpu.memory_space<vmem>> -> memref<1x128xi32, #tpu.memory_space<vmem>>
    %dma_start3A_204 = tpu.memref_squeeze %dma_start3A_203 : memref<1x128xi32, #tpu.memory_space<vmem>> -> memref<128xi32, #tpu.memory_space<vmem>>
    %dma_start3A_205 = arith.constant 0 : i32
    %dma_start3A_206 = arith.constant 0 : i32
    %dma_start3A_207 = tpu.memref_slice %arg2[%dma_start3A_205, %dma_start3A_206] : memref<10000x16xf32, #tpu.memory_space<hbm>> -> memref<10000x16xf32, #tpu.memory_space<hbm>>
    tpu.enqueue_indirect_dma source(%dma_start3A_207 : memref<10000x16xf32, #tpu.memory_space<hbm>>) target(%arg10 : memref<128x16xf32, #tpu.memory_space<vmem>>) offsets(%dma_start3A_204 : memref<128xi32, #tpu.memory_space<vmem>>) semaphore(%arg15 : memref<!tpu.dma_semaphore, #tpu.memory_space<semaphore_mem>>)
    %scan3A_208 = arith.constant 0 : i32
    %scan3A_209 = arith.constant 0 : i32
    %scan3A_210 = arith.constant 8 : i32
    %scan3A_211 = arith.addi %scan3A_209, %scan3A_210 : i32
    %scan3A_212 = arith.constant 1 : i32
    scf.for %scan3A_219 = %scan3A_209 to %scan3A_211 step %scan3A_212  : i32 {
      %add3A_220 = arith.constant 1 : i32
      %add3A_221 = arith.addi %scan3A_219, %add3A_220 : i32
      %lt3A = arith.constant 8 : i32
      %lt3A_222 = arith.cmpi slt, %add3A_221, %lt3A : i32
      %add3A_223 = arith.constant 1 : i32
      %add3A_224 = arith.addi %scan3A_219, %add3A_223 : i32
      %jit3A = arith.constant 2 : i32
      %eq3A = arith.constant 0 : i32
      %eq3A_225 = arith.cmpi eq, %jit3A, %eq3A : i32
      %jit3A_226 = arith.constant 1 : i32
      %select_n3A = arith.select %eq3A_225, %jit3A_226, %jit3A : i32
      %rem3A = arith.remsi %add3A_224, %select_n3A : i32
      %ne3A = arith.constant 0 : i32
      %ne3A_227 = arith.cmpi ne, %rem3A, %ne3A : i32
      %lt3A_228 = arith.constant 0 : i32
      %lt3A_229 = arith.cmpi slt, %rem3A, %lt3A_228 : i32
      %lt3A_230 = arith.constant 0 : i32
      %lt3A_231 = arith.cmpi slt, %select_n3A, %lt3A_230 : i32
      %ne3A_232 = arith.xori %lt3A_229, %lt3A_231 : i1
      %and3A = arith.andi %ne3A_232, %ne3A_227 : i1
      %add3A_233 = arith.addi %rem3A, %select_n3A : i32
      %select_n3A_234 = arith.select %and3A, %add3A_233, %rem3A : i32
      %eq3A_235 = arith.constant 0 : i32
      %eq3A_236 = arith.cmpi eq, %select_n3A_234, %eq3A_235 : i32
      %and3A_237 = arith.andi %lt3A_222, %eq3A_236 : i1
      %convert_element_type3A = arith.extui %and3A_237 : i1 to i32
      %cond3A = arith.constant 0 : i32
      %cond3A_238 = arith.cmpi ne, %convert_element_type3A, %cond3A : i32
      scf.if %cond3A_238 {
        %add3A_309 = arith.constant 1 : i32
        %add3A_310 = arith.addi %scan3A_219, %add3A_309 : i32
        %dma_start3A_311 = arith.constant 0 : i32
        %dma_start3A_312 = tpu.memref_slice %arg6[%add3A_310, %dma_start3A_311] : memref<8x128xi32, #tpu.memory_space<vmem>> -> memref<1x128xi32, #tpu.memory_space<vmem>>
        %dma_start3A_313 = tpu.memref_squeeze %dma_start3A_312 : memref<1x128xi32, #tpu.memory_space<vmem>> -> memref<128xi32, #tpu.memory_space<vmem>>
        %dma_start3A_314 = arith.constant 0 : i32
        %dma_start3A_315 = arith.constant 0 : i32
        %dma_start3A_316 = tpu.memref_slice %arg2[%dma_start3A_314, %dma_start3A_315] : memref<10000x16xf32, #tpu.memory_space<hbm>> -> memref<10000x16xf32, #tpu.memory_space<hbm>>
        tpu.enqueue_indirect_dma source(%dma_start3A_316 : memref<10000x16xf32, #tpu.memory_space<hbm>>) target(%arg10 : memref<128x16xf32, #tpu.memory_space<vmem>>) offsets(%dma_start3A_313 : memref<128xi32, #tpu.memory_space<vmem>>) semaphore(%arg15 : memref<!tpu.dma_semaphore, #tpu.memory_space<semaphore_mem>>)
      } else {
      }
      %add3A_239 = arith.constant 1 : i32
      %add3A_240 = arith.addi %scan3A_219, %add3A_239 : i32
      %lt3A_241 = arith.constant 8 : i32
      %lt3A_242 = arith.cmpi slt, %add3A_240, %lt3A_241 : i32
      %add3A_243 = arith.constant 1 : i32
      %add3A_244 = arith.addi %scan3A_219, %add3A_243 : i32
      %jit3A_245 = arith.constant 2 : i32
      %eq3A_246 = arith.constant 0 : i32
      %eq3A_247 = arith.cmpi eq, %jit3A_245, %eq3A_246 : i32
      %jit3A_248 = arith.constant 1 : i32
      %select_n3A_249 = arith.select %eq3A_247, %jit3A_248, %jit3A_245 : i32
      %rem3A_250 = arith.remsi %add3A_244, %select_n3A_249 : i32
      %ne3A_251 = arith.constant 0 : i32
      %ne3A_252 = arith.cmpi ne, %rem3A_250, %ne3A_251 : i32
      %lt3A_253 = arith.constant 0 : i32
      %lt3A_254 = arith.cmpi slt, %rem3A_250, %lt3A_253 : i32
      %lt3A_255 = arith.constant 0 : i32
      %lt3A_256 = arith.cmpi slt, %select_n3A_249, %lt3A_255 : i32
      %ne3A_257 = arith.xori %lt3A_254, %lt3A_256 : i1
      %and3A_258 = arith.andi %ne3A_257, %ne3A_252 : i1
      %add3A_259 = arith.addi %rem3A_250, %select_n3A_249 : i32
      %select_n3A_260 = arith.select %and3A_258, %add3A_259, %rem3A_250 : i32
      %eq3A_261 = arith.constant 1 : i32
      %eq3A_262 = arith.cmpi eq, %select_n3A_260, %eq3A_261 : i32
      %and3A_263 = arith.andi %lt3A_242, %eq3A_262 : i1
      %convert_element_type3A_264 = arith.extui %and3A_263 : i1 to i32
      %cond3A_265 = arith.constant 0 : i32
      %cond3A_266 = arith.cmpi ne, %convert_element_type3A_264, %cond3A_265 : i32
      scf.if %cond3A_266 {
        %add3A_309 = arith.constant 1 : i32
        %add3A_310 = arith.addi %scan3A_219, %add3A_309 : i32
        %dma_start3A_311 = arith.constant 0 : i32
        %dma_start3A_312 = tpu.memref_slice %arg6[%add3A_310, %dma_start3A_311] : memref<8x128xi32, #tpu.memory_space<vmem>> -> memref<1x128xi32, #tpu.memory_space<vmem>>
        %dma_start3A_313 = tpu.memref_squeeze %dma_start3A_312 : memref<1x128xi32, #tpu.memory_space<vmem>> -> memref<128xi32, #tpu.memory_space<vmem>>
        %dma_start3A_314 = arith.constant 0 : i32
        %dma_start3A_315 = arith.constant 0 : i32
        %dma_start3A_316 = tpu.memref_slice %arg2[%dma_start3A_314, %dma_start3A_315] : memref<10000x16xf32, #tpu.memory_space<hbm>> -> memref<10000x16xf32, #tpu.memory_space<hbm>>
        tpu.enqueue_indirect_dma source(%dma_start3A_316 : memref<10000x16xf32, #tpu.memory_space<hbm>>) target(%arg11 : memref<128x16xf32, #tpu.memory_space<vmem>>) offsets(%dma_start3A_313 : memref<128xi32, #tpu.memory_space<vmem>>) semaphore(%arg16 : memref<!tpu.dma_semaphore, #tpu.memory_space<semaphore_mem>>)
      } else {
      }
      %jit3A_267 = arith.constant 2 : i32
      %eq3A_268 = arith.constant 0 : i32
      %eq3A_269 = arith.cmpi eq, %jit3A_267, %eq3A_268 : i32
      %jit3A_270 = arith.constant 1 : i32
      %select_n3A_271 = arith.select %eq3A_269, %jit3A_270, %jit3A_267 : i32
      %rem3A_272 = arith.remsi %scan3A_219, %select_n3A_271 : i32
      %ne3A_273 = arith.constant 0 : i32
      %ne3A_274 = arith.cmpi ne, %rem3A_272, %ne3A_273 : i32
      %lt3A_275 = arith.constant 0 : i32
      %lt3A_276 = arith.cmpi slt, %rem3A_272, %lt3A_275 : i32
      %lt3A_277 = arith.constant 0 : i32
      %lt3A_278 = arith.cmpi slt, %select_n3A_271, %lt3A_277 : i32
      %ne3A_279 = arith.xori %lt3A_276, %lt3A_278 : i1
      %and3A_280 = arith.andi %ne3A_279, %ne3A_274 : i1
      %add3A_281 = arith.addi %rem3A_272, %select_n3A_271 : i32
      %select_n3A_282 = arith.select %and3A_280, %add3A_281, %rem3A_272 : i32
      %eq3A_283 = arith.constant 0 : i32
      %eq3A_284 = arith.cmpi eq, %select_n3A_282, %eq3A_283 : i32
      %convert_element_type3A_285 = arith.extui %eq3A_284 : i1 to i32
      %cond3A_286 = arith.constant 0 : i32
      %cond3A_287 = arith.cmpi ne, %convert_element_type3A_285, %cond3A_286 : i32
      scf.if %cond3A_287 {
        %dma_wait3A_309 = arith.constant 0 : i32
        %dma_wait3A_310 = tpu.memref_slice %arg6[%scan3A_219, %dma_wait3A_309] : memref<8x128xi32, #tpu.memory_space<vmem>> -> memref<1x128xi32, #tpu.memory_space<vmem>>
        %dma_wait3A_311 = tpu.memref_squeeze %dma_wait3A_310 : memref<1x128xi32, #tpu.memory_space<vmem>> -> memref<128xi32, #tpu.memory_space<vmem>>
        %dma_wait3A_312 = arith.constant 0 : i32
        %dma_wait3A_313 = arith.constant 0 : i32
        %dma_wait3A_314 = tpu.memref_slice %arg2[%dma_wait3A_312, %dma_wait3A_313] : memref<10000x16xf32, #tpu.memory_space<hbm>> -> memref<10000x16xf32, #tpu.memory_space<hbm>>
        tpu.wait_indirect_dma semaphore(%arg15 : memref<!tpu.dma_semaphore, #tpu.memory_space<semaphore_mem>>) src(%dma_wait3A_314 : memref<10000x16xf32, #tpu.memory_space<hbm>>) dst(%arg10 : memref<128x16xf32, #tpu.memory_space<vmem>>)
        "tpu.region"() ({
          %run_scoped3A = tpu.sem_alloc : memref<!tpu.dma_semaphore, #tpu.memory_space<semaphore_mem>>
          %dma_start3A_315 = arith.constant 0 : i32
          %dma_start3A_316 = tpu.memref_slice %arg8[%scan3A_219, %dma_start3A_315] : memref<8x128xi32, #tpu.memory_space<vmem>> -> memref<1x128xi32, #tpu.memory_space<vmem>>
          %dma_start3A_317 = tpu.memref_squeeze %dma_start3A_316 : memref<1x128xi32, #tpu.memory_space<vmem>> -> memref<128xi32, #tpu.memory_space<vmem>>
          %dma_start3A_318 = arith.constant 0 : i32
          %dma_start3A_319 = arith.constant 0 : i32
          %dma_start3A_320 = tpu.memref_slice %arg12[%dma_start3A_318, %dma_start3A_319] : memref<10016x16xf32, #tpu.memory_space<vmem_shared>> -> memref<10016x16xf32, #tpu.memory_space<vmem_shared>>
          tpu.enqueue_indirect_dma source(%arg10 : memref<128x16xf32, #tpu.memory_space<vmem>>) target(%dma_start3A_320 : memref<10016x16xf32, #tpu.memory_space<vmem_shared>>) offsets(%dma_start3A_317 : memref<128xi32, #tpu.memory_space<vmem>>) semaphore(%run_scoped3A : memref<!tpu.dma_semaphore, #tpu.memory_space<semaphore_mem>>) {add = true}
          %dma_wait3A_321 = arith.constant 0 : i32
          %dma_wait3A_322 = tpu.memref_slice %arg8[%scan3A_219, %dma_wait3A_321] : memref<8x128xi32, #tpu.memory_space<vmem>> -> memref<1x128xi32, #tpu.memory_space<vmem>>
          %dma_wait3A_323 = tpu.memref_squeeze %dma_wait3A_322 : memref<1x128xi32, #tpu.memory_space<vmem>> -> memref<128xi32, #tpu.memory_space<vmem>>
          %dma_wait3A_324 = arith.constant 0 : i32
          %dma_wait3A_325 = arith.constant 0 : i32
          %dma_wait3A_326 = tpu.memref_slice %arg12[%dma_wait3A_324, %dma_wait3A_325] : memref<10016x16xf32, #tpu.memory_space<vmem_shared>> -> memref<10016x16xf32, #tpu.memory_space<vmem_shared>>
          tpu.wait_indirect_dma semaphore(%run_scoped3A : memref<!tpu.dma_semaphore, #tpu.memory_space<semaphore_mem>>) src(%arg10 : memref<128x16xf32, #tpu.memory_space<vmem>>) dst(%dma_wait3A_326 : memref<10016x16xf32, #tpu.memory_space<vmem_shared>>)
          tpu.yield
        }) : () -> ()
      } else {
      }
      %jit3A_288 = arith.constant 2 : i32
      %eq3A_289 = arith.constant 0 : i32
      %eq3A_290 = arith.cmpi eq, %jit3A_288, %eq3A_289 : i32
      %jit3A_291 = arith.constant 1 : i32
      %select_n3A_292 = arith.select %eq3A_290, %jit3A_291, %jit3A_288 : i32
      %rem3A_293 = arith.remsi %scan3A_219, %select_n3A_292 : i32
      %ne3A_294 = arith.constant 0 : i32
      %ne3A_295 = arith.cmpi ne, %rem3A_293, %ne3A_294 : i32
      %lt3A_296 = arith.constant 0 : i32
      %lt3A_297 = arith.cmpi slt, %rem3A_293, %lt3A_296 : i32
      %lt3A_298 = arith.constant 0 : i32
      %lt3A_299 = arith.cmpi slt, %select_n3A_292, %lt3A_298 : i32
      %ne3A_300 = arith.xori %lt3A_297, %lt3A_299 : i1
      %and3A_301 = arith.andi %ne3A_300, %ne3A_295 : i1
      %add3A_302 = arith.addi %rem3A_293, %select_n3A_292 : i32
      %select_n3A_303 = arith.select %and3A_301, %add3A_302, %rem3A_293 : i32
      %eq3A_304 = arith.constant 1 : i32
      %eq3A_305 = arith.cmpi eq, %select_n3A_303, %eq3A_304 : i32
      %convert_element_type3A_306 = arith.extui %eq3A_305 : i1 to i32
      %cond3A_307 = arith.constant 0 : i32
      %cond3A_308 = arith.cmpi ne, %convert_element_type3A_306, %cond3A_307 : i32
      scf.if %cond3A_308 {
        %dma_wait3A_309 = arith.constant 0 : i32
        %dma_wait3A_310 = tpu.memref_slice %arg6[%scan3A_219, %dma_wait3A_309] : memref<8x128xi32, #tpu.memory_space<vmem>> -> memref<1x128xi32, #tpu.memory_space<vmem>>
        %dma_wait3A_311 = tpu.memref_squeeze %dma_wait3A_310 : memref<1x128xi32, #tpu.memory_space<vmem>> -> memref<128xi32, #tpu.memory_space<vmem>>
        %dma_wait3A_312 = arith.constant 0 : i32
        %dma_wait3A_313 = arith.constant 0 : i32
        %dma_wait3A_314 = tpu.memref_slice %arg2[%dma_wait3A_312, %dma_wait3A_313] : memref<10000x16xf32, #tpu.memory_space<hbm>> -> memref<10000x16xf32, #tpu.memory_space<hbm>>
        tpu.wait_indirect_dma semaphore(%arg16 : memref<!tpu.dma_semaphore, #tpu.memory_space<semaphore_mem>>) src(%dma_wait3A_314 : memref<10000x16xf32, #tpu.memory_space<hbm>>) dst(%arg11 : memref<128x16xf32, #tpu.memory_space<vmem>>)
        "tpu.region"() ({
          %run_scoped3A = tpu.sem_alloc : memref<!tpu.dma_semaphore, #tpu.memory_space<semaphore_mem>>
          %dma_start3A_315 = arith.constant 0 : i32
          %dma_start3A_316 = tpu.memref_slice %arg8[%scan3A_219, %dma_start3A_315] : memref<8x128xi32, #tpu.memory_space<vmem>> -> memref<1x128xi32, #tpu.memory_space<vmem>>
          %dma_start3A_317 = tpu.memref_squeeze %dma_start3A_316 : memref<1x128xi32, #tpu.memory_space<vmem>> -> memref<128xi32, #tpu.memory_space<vmem>>
          %dma_start3A_318 = arith.constant 0 : i32
          %dma_start3A_319 = arith.constant 0 : i32
          %dma_start3A_320 = tpu.memref_slice %arg12[%dma_start3A_318, %dma_start3A_319] : memref<10016x16xf32, #tpu.memory_space<vmem_shared>> -> memref<10016x16xf32, #tpu.memory_space<vmem_shared>>
          tpu.enqueue_indirect_dma source(%arg11 : memref<128x16xf32, #tpu.memory_space<vmem>>) target(%dma_start3A_320 : memref<10016x16xf32, #tpu.memory_space<vmem_shared>>) offsets(%dma_start3A_317 : memref<128xi32, #tpu.memory_space<vmem>>) semaphore(%run_scoped3A : memref<!tpu.dma_semaphore, #tpu.memory_space<semaphore_mem>>) {add = true}
          %dma_wait3A_321 = arith.constant 0 : i32
          %dma_wait3A_322 = tpu.memref_slice %arg8[%scan3A_219, %dma_wait3A_321] : memref<8x128xi32, #tpu.memory_space<vmem>> -> memref<1x128xi32, #tpu.memory_space<vmem>>
          %dma_wait3A_323 = tpu.memref_squeeze %dma_wait3A_322 : memref<1x128xi32, #tpu.memory_space<vmem>> -> memref<128xi32, #tpu.memory_space<vmem>>
          %dma_wait3A_324 = arith.constant 0 : i32
          %dma_wait3A_325 = arith.constant 0 : i32
          %dma_wait3A_326 = tpu.memref_slice %arg12[%dma_wait3A_324, %dma_wait3A_325] : memref<10016x16xf32, #tpu.memory_space<vmem_shared>> -> memref<10016x16xf32, #tpu.memory_space<vmem_shared>>
          tpu.wait_indirect_dma semaphore(%run_scoped3A : memref<!tpu.dma_semaphore, #tpu.memory_space<semaphore_mem>>) src(%arg11 : memref<128x16xf32, #tpu.memory_space<vmem>>) dst(%dma_wait3A_326 : memref<10016x16xf32, #tpu.memory_space<vmem_shared>>)
          tpu.yield
        }) : () -> ()
      } else {
      }
    }
    %scan3A_213 = arith.constant 8 : i32
    %barrier3A_214 = arith.constant 0 : index
    tpu.barrier barrier_id(%barrier3A_214)
    %mul3A_215 = arith.constant 626 : i32
    %mul3A_216 = arith.muli %arg1, %mul3A_215 : i32
    %mul3A_217 = arith.constant 626 : i32
    %mul3A_218 = arith.muli %arg1, %mul3A_217 : i32
    "tpu.region"() ({
      %run_scoped3A = tpu.sem_alloc : memref<!tpu.dma_semaphore, #tpu.memory_space<semaphore_mem>>
      %dma_start3A_219 = arith.constant 0 : i32
      %dma_start3A_220 = tpu.memref_slice %arg5[%arg0, %mul3A_218, %dma_start3A_219] : memref<2x10016x16xf32, #tpu.memory_space<hbm>> -> memref<1x626x16xf32, #tpu.memory_space<hbm>>
      %dma_start3A_221 = tpu.memref_squeeze %dma_start3A_220 : memref<1x626x16xf32, #tpu.memory_space<hbm>> -> memref<626x16xf32, #tpu.memory_space<hbm>>
      %dma_start3A_222 = arith.constant 0 : i32
      %dma_start3A_223 = tpu.memref_slice %arg12[%mul3A_216, %dma_start3A_222] : memref<10016x16xf32, #tpu.memory_space<vmem_shared>> -> memref<626x16xf32, #tpu.memory_space<vmem_shared>>
      tpu.enqueue_dma source(%dma_start3A_223 : memref<626x16xf32, #tpu.memory_space<vmem_shared>>) target(%dma_start3A_221 : memref<626x16xf32, #tpu.memory_space<hbm>>) target_semaphore(%run_scoped3A : memref<!tpu.dma_semaphore, #tpu.memory_space<semaphore_mem>>)
      %dma_wait3A_224 = arith.constant 0 : i32
      %dma_wait3A_225 = tpu.memref_slice %arg5[%arg0, %mul3A_218, %dma_wait3A_224] : memref<2x10016x16xf32, #tpu.memory_space<hbm>> -> memref<1x626x16xf32, #tpu.memory_space<hbm>>
      %dma_wait3A_226 = tpu.memref_squeeze %dma_wait3A_225 : memref<1x626x16xf32, #tpu.memory_space<hbm>> -> memref<626x16xf32, #tpu.memory_space<hbm>>
      %dma_wait3A_227 = arith.constant 0 : i32
      %dma_wait3A_228 = tpu.memref_slice %arg12[%mul3A_216, %dma_wait3A_227] : memref<10016x16xf32, #tpu.memory_space<vmem_shared>> -> memref<626x16xf32, #tpu.memory_space<vmem_shared>>
      tpu.wait_dma2 semaphore(%run_scoped3A : memref<!tpu.dma_semaphore, #tpu.memory_space<semaphore_mem>>) src(%dma_wait3A_228 : memref<626x16xf32, #tpu.memory_space<vmem_shared>>) dst(%dma_wait3A_226 : memref<626x16xf32, #tpu.memory_space<hbm>>)
      tpu.yield
    }) : () -> ()
    return
  }
}

#map = affine_map<(d0, d1) -> (0, 0)>
#map1 = affine_map<(d0, d1) -> (0, 0, 0)>
module attributes {stable_mosaic.version = 14 : i64} {
  func.func @body(%arg0: i32, %arg1: i32, %arg2: memref<20000x128xbf16, #tpu.memory_space<hbm>>, %arg3: memref<16x80x128xi32, #tpu.memory_space<hbm>>, %arg4: memref<16x80x128xi32, #tpu.memory_space<hbm>>, %arg5: memref<2x10016x128xbf16, #tpu.memory_space<hbm>>, %arg6: memref<2x10016x16xf32, #tpu.memory_space<hbm>>, %arg7: memref<16x128xi32, #tpu.memory_space<vmem>>, %arg8: memref<16x128xi32, #tpu.memory_space<vmem>>, %arg9: memref<16x128xi32, #tpu.memory_space<vmem>>, %arg10: memref<16x128xi32, #tpu.memory_space<vmem>>, %arg11: memref<128x128xbf16, #tpu.memory_space<vmem>>, %arg12: memref<128x128xbf16, #tpu.memory_space<vmem>>, %arg13: memref<128x16xf32, #tpu.memory_space<vmem>>, %arg14: memref<10016x128xbf16, #tpu.memory_space<vmem_shared>>, %arg15: memref<10016x16xf32, #tpu.memory_space<vmem_shared>>, %arg16: memref<!tpu.dma_semaphore, #tpu.memory_space<semaphore_mem>>, %arg17: memref<!tpu.dma_semaphore, #tpu.memory_space<semaphore_mem>>, %arg18: memref<!tpu.dma_semaphore, #tpu.memory_space<semaphore_mem>>, %arg19: memref<!tpu.dma_semaphore, #tpu.memory_space<semaphore_mem>>) attributes {dimension_semantics = [#tpu.dimension_semantics<core_parallel>, #tpu.dimension_semantics<subcore_parallel>], iteration_bounds = array<i64: 2, 16>, scalar_prefetch = 0 : i64, scratch_operands = 13 : i64, tpu.core_type = #tpu.core_type<sc_vector_subcore>, window_params = [{transform_indices = #map}, {transform_indices = #map1}, {transform_indices = #map1}, {transform_indices = #map1}, {transform_indices = #map1}]} {
    %scan3A = arith.constant 0 : i32
    %scan3A_0 = arith.constant 0 : i32
    %scan3A_1 = arith.constant 512 : i32
    %scan3A_2 = arith.addi %scan3A_0, %scan3A_1 : i32
    %scan3A_3 = arith.constant 1 : i32
    scf.for %scan3A_295 = %scan3A_0 to %scan3A_2 step %scan3A_3  : i32 {
      %jit3A = arith.constant 4 : i32
      %div3A = arith.divsi %scan3A_295, %jit3A : i32
      %sign3A = arith.constant 0 : i32
      %sign3A_296 = arith.cmpi sgt, %scan3A_295, %sign3A : i32
      %sign3A_297 = arith.extui %sign3A_296 : i1 to i32
      %sign3A_298 = arith.constant 0 : i32
      %sign3A_299 = arith.cmpi slt, %scan3A_295, %sign3A_298 : i32
      %sign3A_300 = arith.extui %sign3A_299 : i1 to i32
      %sign3A_301 = arith.subi %sign3A_297, %sign3A_300 : i32
      %sign3A_302 = arith.constant 0 : i32
      %sign3A_303 = arith.cmpi sgt, %jit3A, %sign3A_302 : i32
      %sign3A_304 = arith.extui %sign3A_303 : i1 to i32
      %sign3A_305 = arith.constant 0 : i32
      %sign3A_306 = arith.cmpi slt, %jit3A, %sign3A_305 : i32
      %sign3A_307 = arith.extui %sign3A_306 : i1 to i32
      %sign3A_308 = arith.subi %sign3A_304, %sign3A_307 : i32
      %ne3A = arith.cmpi ne, %sign3A_301, %sign3A_308 : i32
      %rem3A = arith.remsi %scan3A_295, %jit3A : i32
      %ne3A_309 = arith.constant 0 : i32
      %ne3A_310 = arith.cmpi ne, %rem3A, %ne3A_309 : i32
      %and3A = arith.andi %ne3A, %ne3A_310 : i1
      %sub3A = arith.constant 1 : i32
      %sub3A_311 = arith.subi %div3A, %sub3A : i32
      %select_n3A = arith.select %and3A, %sub3A_311, %div3A : i32
      %jit3A_312 = arith.constant 4 : i32
      %eq3A = arith.constant 0 : i32
      %eq3A_313 = arith.cmpi eq, %jit3A_312, %eq3A : i32
      %jit3A_314 = arith.constant 1 : i32
      %select_n3A_315 = arith.select %eq3A_313, %jit3A_314, %jit3A_312 : i32
      %rem3A_316 = arith.remsi %scan3A_295, %select_n3A_315 : i32
      %ne3A_317 = arith.constant 0 : i32
      %ne3A_318 = arith.cmpi ne, %rem3A_316, %ne3A_317 : i32
      %lt3A = arith.constant 0 : i32
      %lt3A_319 = arith.cmpi slt, %rem3A_316, %lt3A : i32
      %lt3A_320 = arith.constant 0 : i32
      %lt3A_321 = arith.cmpi slt, %select_n3A_315, %lt3A_320 : i32
      %ne3A_322 = arith.xori %lt3A_319, %lt3A_321 : i1
      %and3A_323 = arith.andi %ne3A_322, %ne3A_318 : i1
      %add3A_324 = arith.addi %rem3A_316, %select_n3A_315 : i32
      %select_n3A_325 = arith.select %and3A_323, %add3A_324, %rem3A_316 : i32
      %broadcast_in_dim3A = arith.constant 0.000000e+00 : bf16
      %broadcast_in_dim3A_326 = vector.broadcast %broadcast_in_dim3A : bf16 to vector<32xbf16>
      %mul3A_327 = arith.constant 32 : i32
      %mul3A_328 = arith.muli %select_n3A_325, %mul3A_327 : i32
      %swap3A = arith.index_cast %select_n3A : i32 to index
      %swap3A_329 = arith.index_cast %mul3A_328 : i32 to index
      %swap3A_330 = tpu.vector_load %arg11[%swap3A, %swap3A_329] {strides = array<i32>} : memref<128x128xbf16, #tpu.memory_space<vmem>>, vector<1x32xbf16>,
      %swap3A_331 = vector.shape_cast %swap3A_330 : vector<1x32xbf16> to vector<32xbf16>
      %swap3A_332 = vector.shape_cast %broadcast_in_dim3A_326 : vector<32xbf16> to vector<1x32xbf16>
      tpu.vector_store %arg11[%swap3A, %swap3A_329], %swap3A_332 {strides = array<i32>} : memref<128x128xbf16, #tpu.memory_space<vmem>>, vector<1x32xbf16>,
    }
    %scan3A_4 = arith.constant 512 : i32
    %mul3A = arith.constant 626 : i32
    %mul3A_5 = arith.muli %arg1, %mul3A : i32
    %add3A = arith.constant 0 : i32
    %add3A_6 = arith.addi %mul3A_5, %add3A : i32
    "tpu.region"() ({
      %run_scoped3A = tpu.sem_alloc : memref<!tpu.dma_semaphore, #tpu.memory_space<semaphore_mem>>
      %dma_start3A_295 = arith.constant 0 : i32
      %dma_start3A_296 = tpu.memref_slice %arg14[%add3A_6, %dma_start3A_295] : memref<10016x128xbf16, #tpu.memory_space<vmem_shared>> -> memref<128x128xbf16, #tpu.memory_space<vmem_shared>>
      %dma_start3A_297 = arith.constant 0 : i32
      %dma_start3A_298 = tpu.memref_slice %arg14[%add3A_6, %dma_start3A_297] : memref<10016x128xbf16, #tpu.memory_space<vmem_shared>> -> memref<128x128xbf16, #tpu.memory_space<vmem_shared>>
      tpu.enqueue_dma source(%arg11 : memref<128x128xbf16, #tpu.memory_space<vmem>>) target(%dma_start3A_298 : memref<128x128xbf16, #tpu.memory_space<vmem_shared>>) target_semaphore(%run_scoped3A : memref<!tpu.dma_semaphore, #tpu.memory_space<semaphore_mem>>)
      %dma_wait3A_299 = arith.constant 0 : i32
      %dma_wait3A_300 = tpu.memref_slice %arg14[%add3A_6, %dma_wait3A_299] : memref<10016x128xbf16, #tpu.memory_space<vmem_shared>> -> memref<128x128xbf16, #tpu.memory_space<vmem_shared>>
      %dma_wait3A_301 = arith.constant 0 : i32
      %dma_wait3A_302 = tpu.memref_slice %arg14[%add3A_6, %dma_wait3A_301] : memref<10016x128xbf16, #tpu.memory_space<vmem_shared>> -> memref<128x128xbf16, #tpu.memory_space<vmem_shared>>
      tpu.wait_dma2 semaphore(%run_scoped3A : memref<!tpu.dma_semaphore, #tpu.memory_space<semaphore_mem>>) src(%arg11 : memref<128x128xbf16, #tpu.memory_space<vmem>>) dst(%dma_wait3A_302 : memref<128x128xbf16, #tpu.memory_space<vmem_shared>>)
      tpu.yield
    }) : () -> ()
    %mul3A_7 = arith.constant 626 : i32
    %mul3A_8 = arith.muli %arg1, %mul3A_7 : i32
    %add3A_9 = arith.constant 128 : i32
    %add3A_10 = arith.addi %mul3A_8, %add3A_9 : i32
    "tpu.region"() ({
      %run_scoped3A = tpu.sem_alloc : memref<!tpu.dma_semaphore, #tpu.memory_space<semaphore_mem>>
      %dma_start3A_295 = arith.constant 0 : i32
      %dma_start3A_296 = tpu.memref_slice %arg14[%add3A_10, %dma_start3A_295] : memref<10016x128xbf16, #tpu.memory_space<vmem_shared>> -> memref<128x128xbf16, #tpu.memory_space<vmem_shared>>
      %dma_start3A_297 = arith.constant 0 : i32
      %dma_start3A_298 = tpu.memref_slice %arg14[%add3A_10, %dma_start3A_297] : memref<10016x128xbf16, #tpu.memory_space<vmem_shared>> -> memref<128x128xbf16, #tpu.memory_space<vmem_shared>>
      tpu.enqueue_dma source(%arg11 : memref<128x128xbf16, #tpu.memory_space<vmem>>) target(%dma_start3A_298 : memref<128x128xbf16, #tpu.memory_space<vmem_shared>>) target_semaphore(%run_scoped3A : memref<!tpu.dma_semaphore, #tpu.memory_space<semaphore_mem>>)
      %dma_wait3A_299 = arith.constant 0 : i32
      %dma_wait3A_300 = tpu.memref_slice %arg14[%add3A_10, %dma_wait3A_299] : memref<10016x128xbf16, #tpu.memory_space<vmem_shared>> -> memref<128x128xbf16, #tpu.memory_space<vmem_shared>>
      %dma_wait3A_301 = arith.constant 0 : i32
      %dma_wait3A_302 = tpu.memref_slice %arg14[%add3A_10, %dma_wait3A_301] : memref<10016x128xbf16, #tpu.memory_space<vmem_shared>> -> memref<128x128xbf16, #tpu.memory_space<vmem_shared>>
      tpu.wait_dma2 semaphore(%run_scoped3A : memref<!tpu.dma_semaphore, #tpu.memory_space<semaphore_mem>>) src(%arg11 : memref<128x128xbf16, #tpu.memory_space<vmem>>) dst(%dma_wait3A_302 : memref<128x128xbf16, #tpu.memory_space<vmem_shared>>)
      tpu.yield
    }) : () -> ()
    %mul3A_11 = arith.constant 626 : i32
    %mul3A_12 = arith.muli %arg1, %mul3A_11 : i32
    %add3A_13 = arith.constant 256 : i32
    %add3A_14 = arith.addi %mul3A_12, %add3A_13 : i32
    "tpu.region"() ({
      %run_scoped3A = tpu.sem_alloc : memref<!tpu.dma_semaphore, #tpu.memory_space<semaphore_mem>>
      %dma_start3A_295 = arith.constant 0 : i32
      %dma_start3A_296 = tpu.memref_slice %arg14[%add3A_14, %dma_start3A_295] : memref<10016x128xbf16, #tpu.memory_space<vmem_shared>> -> memref<128x128xbf16, #tpu.memory_space<vmem_shared>>
      %dma_start3A_297 = arith.constant 0 : i32
      %dma_start3A_298 = tpu.memref_slice %arg14[%add3A_14, %dma_start3A_297] : memref<10016x128xbf16, #tpu.memory_space<vmem_shared>> -> memref<128x128xbf16, #tpu.memory_space<vmem_shared>>
      tpu.enqueue_dma source(%arg11 : memref<128x128xbf16, #tpu.memory_space<vmem>>) target(%dma_start3A_298 : memref<128x128xbf16, #tpu.memory_space<vmem_shared>>) target_semaphore(%run_scoped3A : memref<!tpu.dma_semaphore, #tpu.memory_space<semaphore_mem>>)
      %dma_wait3A_299 = arith.constant 0 : i32
      %dma_wait3A_300 = tpu.memref_slice %arg14[%add3A_14, %dma_wait3A_299] : memref<10016x128xbf16, #tpu.memory_space<vmem_shared>> -> memref<128x128xbf16, #tpu.memory_space<vmem_shared>>
      %dma_wait3A_301 = arith.constant 0 : i32
      %dma_wait3A_302 = tpu.memref_slice %arg14[%add3A_14, %dma_wait3A_301] : memref<10016x128xbf16, #tpu.memory_space<vmem_shared>> -> memref<128x128xbf16, #tpu.memory_space<vmem_shared>>
      tpu.wait_dma2 semaphore(%run_scoped3A : memref<!tpu.dma_semaphore, #tpu.memory_space<semaphore_mem>>) src(%arg11 : memref<128x128xbf16, #tpu.memory_space<vmem>>) dst(%dma_wait3A_302 : memref<128x128xbf16, #tpu.memory_space<vmem_shared>>)
      tpu.yield
    }) : () -> ()
    %mul3A_15 = arith.constant 626 : i32
    %mul3A_16 = arith.muli %arg1, %mul3A_15 : i32
    %add3A_17 = arith.constant 384 : i32
    %add3A_18 = arith.addi %mul3A_16, %add3A_17 : i32
    "tpu.region"() ({
      %run_scoped3A = tpu.sem_alloc : memref<!tpu.dma_semaphore, #tpu.memory_space<semaphore_mem>>
      %dma_start3A_295 = arith.constant 0 : i32
      %dma_start3A_296 = tpu.memref_slice %arg14[%add3A_18, %dma_start3A_295] : memref<10016x128xbf16, #tpu.memory_space<vmem_shared>> -> memref<128x128xbf16, #tpu.memory_space<vmem_shared>>
      %dma_start3A_297 = arith.constant 0 : i32
      %dma_start3A_298 = tpu.memref_slice %arg14[%add3A_18, %dma_start3A_297] : memref<10016x128xbf16, #tpu.memory_space<vmem_shared>> -> memref<128x128xbf16, #tpu.memory_space<vmem_shared>>
      tpu.enqueue_dma source(%arg11 : memref<128x128xbf16, #tpu.memory_space<vmem>>) target(%dma_start3A_298 : memref<128x128xbf16, #tpu.memory_space<vmem_shared>>) target_semaphore(%run_scoped3A : memref<!tpu.dma_semaphore, #tpu.memory_space<semaphore_mem>>)
      %dma_wait3A_299 = arith.constant 0 : i32
      %dma_wait3A_300 = tpu.memref_slice %arg14[%add3A_18, %dma_wait3A_299] : memref<10016x128xbf16, #tpu.memory_space<vmem_shared>> -> memref<128x128xbf16, #tpu.memory_space<vmem_shared>>
      %dma_wait3A_301 = arith.constant 0 : i32
      %dma_wait3A_302 = tpu.memref_slice %arg14[%add3A_18, %dma_wait3A_301] : memref<10016x128xbf16, #tpu.memory_space<vmem_shared>> -> memref<128x128xbf16, #tpu.memory_space<vmem_shared>>
      tpu.wait_dma2 semaphore(%run_scoped3A : memref<!tpu.dma_semaphore, #tpu.memory_space<semaphore_mem>>) src(%arg11 : memref<128x128xbf16, #tpu.memory_space<vmem>>) dst(%dma_wait3A_302 : memref<128x128xbf16, #tpu.memory_space<vmem_shared>>)
      tpu.yield
    }) : () -> ()
    %mul3A_19 = arith.constant 626 : i32
    %mul3A_20 = arith.muli %arg1, %mul3A_19 : i32
    %add3A_21 = arith.constant 512 : i32
    %add3A_22 = arith.addi %mul3A_20, %add3A_21 : i32
    "tpu.region"() ({
      %run_scoped3A = tpu.sem_alloc : memref<!tpu.dma_semaphore, #tpu.memory_space<semaphore_mem>>
      %dma_start3A_295 = arith.constant 0 : i32
      %dma_start3A_296 = arith.constant 0 : i32
      %dma_start3A_297 = tpu.memref_slice %arg11[%dma_start3A_295, %dma_start3A_296] : memref<128x128xbf16, #tpu.memory_space<vmem>> -> memref<114x128xbf16, #tpu.memory_space<vmem>>
      %dma_start3A_298 = arith.constant 0 : i32
      %dma_start3A_299 = tpu.memref_slice %arg14[%add3A_22, %dma_start3A_298] : memref<10016x128xbf16, #tpu.memory_space<vmem_shared>> -> memref<114x128xbf16, #tpu.memory_space<vmem_shared>>
      %dma_start3A_300 = arith.constant 0 : i32
      %dma_start3A_301 = tpu.memref_slice %arg14[%add3A_22, %dma_start3A_300] : memref<10016x128xbf16, #tpu.memory_space<vmem_shared>> -> memref<114x128xbf16, #tpu.memory_space<vmem_shared>>
      %dma_start3A_302 = arith.constant 0 : i32
      %dma_start3A_303 = arith.constant 0 : i32
      %dma_start3A_304 = tpu.memref_slice %arg11[%dma_start3A_302, %dma_start3A_303] : memref<128x128xbf16, #tpu.memory_space<vmem>> -> memref<114x128xbf16, #tpu.memory_space<vmem>>
      tpu.enqueue_dma source(%dma_start3A_304 : memref<114x128xbf16, #tpu.memory_space<vmem>>) target(%dma_start3A_301 : memref<114x128xbf16, #tpu.memory_space<vmem_shared>>) target_semaphore(%run_scoped3A : memref<!tpu.dma_semaphore, #tpu.memory_space<semaphore_mem>>)
      %dma_wait3A_305 = arith.constant 0 : i32
      %dma_wait3A_306 = arith.constant 0 : i32
      %dma_wait3A_307 = tpu.memref_slice %arg11[%dma_wait3A_305, %dma_wait3A_306] : memref<128x128xbf16, #tpu.memory_space<vmem>> -> memref<114x128xbf16, #tpu.memory_space<vmem>>
      %dma_wait3A_308 = arith.constant 0 : i32
      %dma_wait3A_309 = tpu.memref_slice %arg14[%add3A_22, %dma_wait3A_308] : memref<10016x128xbf16, #tpu.memory_space<vmem_shared>> -> memref<114x128xbf16, #tpu.memory_space<vmem_shared>>
      %dma_wait3A_310 = arith.constant 0 : i32
      %dma_wait3A_311 = tpu.memref_slice %arg14[%add3A_22, %dma_wait3A_310] : memref<10016x128xbf16, #tpu.memory_space<vmem_shared>> -> memref<114x128xbf16, #tpu.memory_space<vmem_shared>>
      %dma_wait3A_312 = arith.constant 0 : i32
      %dma_wait3A_313 = arith.constant 0 : i32
      %dma_wait3A_314 = tpu.memref_slice %arg11[%dma_wait3A_312, %dma_wait3A_313] : memref<128x128xbf16, #tpu.memory_space<vmem>> -> memref<114x128xbf16, #tpu.memory_space<vmem>>
      tpu.wait_dma2 semaphore(%run_scoped3A : memref<!tpu.dma_semaphore, #tpu.memory_space<semaphore_mem>>) src(%dma_wait3A_314 : memref<114x128xbf16, #tpu.memory_space<vmem>>) dst(%dma_wait3A_311 : memref<114x128xbf16, #tpu.memory_space<vmem_shared>>)
      tpu.yield
    }) : () -> ()
    %scan3A_23 = arith.constant 0 : i32
    %scan3A_24 = arith.constant 0 : i32
    %scan3A_25 = arith.constant 128 : i32
    %scan3A_26 = arith.addi %scan3A_24, %scan3A_25 : i32
    %scan3A_27 = arith.constant 1 : i32
    scf.for %scan3A_295 = %scan3A_24 to %scan3A_26 step %scan3A_27  : i32 {
      %broadcast_in_dim3A = arith.constant 0.000000e+00 : f32
      %broadcast_in_dim3A_296 = vector.broadcast %broadcast_in_dim3A : f32 to vector<16xf32>
      %swap3A = arith.index_cast %scan3A_295 : i32 to index
      %swap3A_297 = arith.constant 0 : index
      %swap3A_298 = tpu.vector_load %arg13[%swap3A, %swap3A_297] {strides = array<i32>} : memref<128x16xf32, #tpu.memory_space<vmem>>, vector<1x16xf32>,
      %swap3A_299 = vector.shape_cast %swap3A_298 : vector<1x16xf32> to vector<16xf32>
      %swap3A_300 = vector.shape_cast %broadcast_in_dim3A_296 : vector<16xf32> to vector<1x16xf32>
      tpu.vector_store %arg13[%swap3A, %swap3A_297], %swap3A_300 {strides = array<i32>} : memref<128x16xf32, #tpu.memory_space<vmem>>, vector<1x16xf32>,
    }
    %scan3A_28 = arith.constant 128 : i32
    %mul3A_29 = arith.constant 626 : i32
    %mul3A_30 = arith.muli %arg1, %mul3A_29 : i32
    %add3A_31 = arith.constant 0 : i32
    %add3A_32 = arith.addi %mul3A_30, %add3A_31 : i32
    "tpu.region"() ({
      %run_scoped3A = tpu.sem_alloc : memref<!tpu.dma_semaphore, #tpu.memory_space<semaphore_mem>>
      %dma_start3A_295 = arith.constant 0 : i32
      %dma_start3A_296 = tpu.memref_slice %arg15[%add3A_32, %dma_start3A_295] : memref<10016x16xf32, #tpu.memory_space<vmem_shared>> -> memref<128x16xf32, #tpu.memory_space<vmem_shared>>
      %dma_start3A_297 = arith.constant 0 : i32
      %dma_start3A_298 = tpu.memref_slice %arg15[%add3A_32, %dma_start3A_297] : memref<10016x16xf32, #tpu.memory_space<vmem_shared>> -> memref<128x16xf32, #tpu.memory_space<vmem_shared>>
      tpu.enqueue_dma source(%arg13 : memref<128x16xf32, #tpu.memory_space<vmem>>) target(%dma_start3A_298 : memref<128x16xf32, #tpu.memory_space<vmem_shared>>) target_semaphore(%run_scoped3A : memref<!tpu.dma_semaphore, #tpu.memory_space<semaphore_mem>>)
      %dma_wait3A_299 = arith.constant 0 : i32
      %dma_wait3A_300 = tpu.memref_slice %arg15[%add3A_32, %dma_wait3A_299] : memref<10016x16xf32, #tpu.memory_space<vmem_shared>> -> memref<128x16xf32, #tpu.memory_space<vmem_shared>>
      %dma_wait3A_301 = arith.constant 0 : i32
      %dma_wait3A_302 = tpu.memref_slice %arg15[%add3A_32, %dma_wait3A_301] : memref<10016x16xf32, #tpu.memory_space<vmem_shared>> -> memref<128x16xf32, #tpu.memory_space<vmem_shared>>
      tpu.wait_dma2 semaphore(%run_scoped3A : memref<!tpu.dma_semaphore, #tpu.memory_space<semaphore_mem>>) src(%arg13 : memref<128x16xf32, #tpu.memory_space<vmem>>) dst(%dma_wait3A_302 : memref<128x16xf32, #tpu.memory_space<vmem_shared>>)
      tpu.yield
    }) : () -> ()
    %mul3A_33 = arith.constant 626 : i32
    %mul3A_34 = arith.muli %arg1, %mul3A_33 : i32
    %add3A_35 = arith.constant 128 : i32
    %add3A_36 = arith.addi %mul3A_34, %add3A_35 : i32
    "tpu.region"() ({
      %run_scoped3A = tpu.sem_alloc : memref<!tpu.dma_semaphore, #tpu.memory_space<semaphore_mem>>
      %dma_start3A_295 = arith.constant 0 : i32
      %dma_start3A_296 = tpu.memref_slice %arg15[%add3A_36, %dma_start3A_295] : memref<10016x16xf32, #tpu.memory_space<vmem_shared>> -> memref<128x16xf32, #tpu.memory_space<vmem_shared>>
      %dma_start3A_297 = arith.constant 0 : i32
      %dma_start3A_298 = tpu.memref_slice %arg15[%add3A_36, %dma_start3A_297] : memref<10016x16xf32, #tpu.memory_space<vmem_shared>> -> memref<128x16xf32, #tpu.memory_space<vmem_shared>>
      tpu.enqueue_dma source(%arg13 : memref<128x16xf32, #tpu.memory_space<vmem>>) target(%dma_start3A_298 : memref<128x16xf32, #tpu.memory_space<vmem_shared>>) target_semaphore(%run_scoped3A : memref<!tpu.dma_semaphore, #tpu.memory_space<semaphore_mem>>)
      %dma_wait3A_299 = arith.constant 0 : i32
      %dma_wait3A_300 = tpu.memref_slice %arg15[%add3A_36, %dma_wait3A_299] : memref<10016x16xf32, #tpu.memory_space<vmem_shared>> -> memref<128x16xf32, #tpu.memory_space<vmem_shared>>
      %dma_wait3A_301 = arith.constant 0 : i32
      %dma_wait3A_302 = tpu.memref_slice %arg15[%add3A_36, %dma_wait3A_301] : memref<10016x16xf32, #tpu.memory_space<vmem_shared>> -> memref<128x16xf32, #tpu.memory_space<vmem_shared>>
      tpu.wait_dma2 semaphore(%run_scoped3A : memref<!tpu.dma_semaphore, #tpu.memory_space<semaphore_mem>>) src(%arg13 : memref<128x16xf32, #tpu.memory_space<vmem>>) dst(%dma_wait3A_302 : memref<128x16xf32, #tpu.memory_space<vmem_shared>>)
      tpu.yield
    }) : () -> ()
    %mul3A_37 = arith.constant 626 : i32
    %mul3A_38 = arith.muli %arg1, %mul3A_37 : i32
    %add3A_39 = arith.constant 256 : i32
    %add3A_40 = arith.addi %mul3A_38, %add3A_39 : i32
    "tpu.region"() ({
      %run_scoped3A = tpu.sem_alloc : memref<!tpu.dma_semaphore, #tpu.memory_space<semaphore_mem>>
      %dma_start3A_295 = arith.constant 0 : i32
      %dma_start3A_296 = tpu.memref_slice %arg15[%add3A_40, %dma_start3A_295] : memref<10016x16xf32, #tpu.memory_space<vmem_shared>> -> memref<128x16xf32, #tpu.memory_space<vmem_shared>>
      %dma_start3A_297 = arith.constant 0 : i32
      %dma_start3A_298 = tpu.memref_slice %arg15[%add3A_40, %dma_start3A_297] : memref<10016x16xf32, #tpu.memory_space<vmem_shared>> -> memref<128x16xf32, #tpu.memory_space<vmem_shared>>
      tpu.enqueue_dma source(%arg13 : memref<128x16xf32, #tpu.memory_space<vmem>>) target(%dma_start3A_298 : memref<128x16xf32, #tpu.memory_space<vmem_shared>>) target_semaphore(%run_scoped3A : memref<!tpu.dma_semaphore, #tpu.memory_space<semaphore_mem>>)
      %dma_wait3A_299 = arith.constant 0 : i32
      %dma_wait3A_300 = tpu.memref_slice %arg15[%add3A_40, %dma_wait3A_299] : memref<10016x16xf32, #tpu.memory_space<vmem_shared>> -> memref<128x16xf32, #tpu.memory_space<vmem_shared>>
      %dma_wait3A_301 = arith.constant 0 : i32
      %dma_wait3A_302 = tpu.memref_slice %arg15[%add3A_40, %dma_wait3A_301] : memref<10016x16xf32, #tpu.memory_space<vmem_shared>> -> memref<128x16xf32, #tpu.memory_space<vmem_shared>>
      tpu.wait_dma2 semaphore(%run_scoped3A : memref<!tpu.dma_semaphore, #tpu.memory_space<semaphore_mem>>) src(%arg13 : memref<128x16xf32, #tpu.memory_space<vmem>>) dst(%dma_wait3A_302 : memref<128x16xf32, #tpu.memory_space<vmem_shared>>)
      tpu.yield
    }) : () -> ()
    %mul3A_41 = arith.constant 626 : i32
    %mul3A_42 = arith.muli %arg1, %mul3A_41 : i32
    %add3A_43 = arith.constant 384 : i32
    %add3A_44 = arith.addi %mul3A_42, %add3A_43 : i32
    "tpu.region"() ({
      %run_scoped3A = tpu.sem_alloc : memref<!tpu.dma_semaphore, #tpu.memory_space<semaphore_mem>>
      %dma_start3A_295 = arith.constant 0 : i32
      %dma_start3A_296 = tpu.memref_slice %arg15[%add3A_44, %dma_start3A_295] : memref<10016x16xf32, #tpu.memory_space<vmem_shared>> -> memref<128x16xf32, #tpu.memory_space<vmem_shared>>
      %dma_start3A_297 = arith.constant 0 : i32
      %dma_start3A_298 = tpu.memref_slice %arg15[%add3A_44, %dma_start3A_297] : memref<10016x16xf32, #tpu.memory_space<vmem_shared>> -> memref<128x16xf32, #tpu.memory_space<vmem_shared>>
      tpu.enqueue_dma source(%arg13 : memref<128x16xf32, #tpu.memory_space<vmem>>) target(%dma_start3A_298 : memref<128x16xf32, #tpu.memory_space<vmem_shared>>) target_semaphore(%run_scoped3A : memref<!tpu.dma_semaphore, #tpu.memory_space<semaphore_mem>>)
      %dma_wait3A_299 = arith.constant 0 : i32
      %dma_wait3A_300 = tpu.memref_slice %arg15[%add3A_44, %dma_wait3A_299] : memref<10016x16xf32, #tpu.memory_space<vmem_shared>> -> memref<128x16xf32, #tpu.memory_space<vmem_shared>>
      %dma_wait3A_301 = arith.constant 0 : i32
      %dma_wait3A_302 = tpu.memref_slice %arg15[%add3A_44, %dma_wait3A_301] : memref<10016x16xf32, #tpu.memory_space<vmem_shared>> -> memref<128x16xf32, #tpu.memory_space<vmem_shared>>
      tpu.wait_dma2 semaphore(%run_scoped3A : memref<!tpu.dma_semaphore, #tpu.memory_space<semaphore_mem>>) src(%arg13 : memref<128x16xf32, #tpu.memory_space<vmem>>) dst(%dma_wait3A_302 : memref<128x16xf32, #tpu.memory_space<vmem_shared>>)
      tpu.yield
    }) : () -> ()
    %mul3A_45 = arith.constant 626 : i32
    %mul3A_46 = arith.muli %arg1, %mul3A_45 : i32
    %add3A_47 = arith.constant 512 : i32
    %add3A_48 = arith.addi %mul3A_46, %add3A_47 : i32
    "tpu.region"() ({
      %run_scoped3A = tpu.sem_alloc : memref<!tpu.dma_semaphore, #tpu.memory_space<semaphore_mem>>
      %dma_start3A_295 = arith.constant 0 : i32
      %dma_start3A_296 = arith.constant 0 : i32
      %dma_start3A_297 = tpu.memref_slice %arg13[%dma_start3A_295, %dma_start3A_296] : memref<128x16xf32, #tpu.memory_space<vmem>> -> memref<114x16xf32, #tpu.memory_space<vmem>>
      %dma_start3A_298 = arith.constant 0 : i32
      %dma_start3A_299 = tpu.memref_slice %arg15[%add3A_48, %dma_start3A_298] : memref<10016x16xf32, #tpu.memory_space<vmem_shared>> -> memref<114x16xf32, #tpu.memory_space<vmem_shared>>
      %dma_start3A_300 = arith.constant 0 : i32
      %dma_start3A_301 = tpu.memref_slice %arg15[%add3A_48, %dma_start3A_300] : memref<10016x16xf32, #tpu.memory_space<vmem_shared>> -> memref<114x16xf32, #tpu.memory_space<vmem_shared>>
      %dma_start3A_302 = arith.constant 0 : i32
      %dma_start3A_303 = arith.constant 0 : i32
      %dma_start3A_304 = tpu.memref_slice %arg13[%dma_start3A_302, %dma_start3A_303] : memref<128x16xf32, #tpu.memory_space<vmem>> -> memref<114x16xf32, #tpu.memory_space<vmem>>
      tpu.enqueue_dma source(%dma_start3A_304 : memref<114x16xf32, #tpu.memory_space<vmem>>) target(%dma_start3A_301 : memref<114x16xf32, #tpu.memory_space<vmem_shared>>) target_semaphore(%run_scoped3A : memref<!tpu.dma_semaphore, #tpu.memory_space<semaphore_mem>>)
      %dma_wait3A_305 = arith.constant 0 : i32
      %dma_wait3A_306 = arith.constant 0 : i32
      %dma_wait3A_307 = tpu.memref_slice %arg13[%dma_wait3A_305, %dma_wait3A_306] : memref<128x16xf32, #tpu.memory_space<vmem>> -> memref<114x16xf32, #tpu.memory_space<vmem>>
      %dma_wait3A_308 = arith.constant 0 : i32
      %dma_wait3A_309 = tpu.memref_slice %arg15[%add3A_48, %dma_wait3A_308] : memref<10016x16xf32, #tpu.memory_space<vmem_shared>> -> memref<114x16xf32, #tpu.memory_space<vmem_shared>>
      %dma_wait3A_310 = arith.constant 0 : i32
      %dma_wait3A_311 = tpu.memref_slice %arg15[%add3A_48, %dma_wait3A_310] : memref<10016x16xf32, #tpu.memory_space<vmem_shared>> -> memref<114x16xf32, #tpu.memory_space<vmem_shared>>
      %dma_wait3A_312 = arith.constant 0 : i32
      %dma_wait3A_313 = arith.constant 0 : i32
      %dma_wait3A_314 = tpu.memref_slice %arg13[%dma_wait3A_312, %dma_wait3A_313] : memref<128x16xf32, #tpu.memory_space<vmem>> -> memref<114x16xf32, #tpu.memory_space<vmem>>
      tpu.wait_dma2 semaphore(%run_scoped3A : memref<!tpu.dma_semaphore, #tpu.memory_space<semaphore_mem>>) src(%dma_wait3A_314 : memref<114x16xf32, #tpu.memory_space<vmem>>) dst(%dma_wait3A_311 : memref<114x16xf32, #tpu.memory_space<vmem_shared>>)
      tpu.yield
    }) : () -> ()
    %scan3A_49 = arith.constant 0 : i32
    %scan3A_50 = arith.constant 0 : i32
    %scan3A_51 = arith.constant 128 : i32
    %scan3A_52 = arith.addi %scan3A_50, %scan3A_51 : i32
    %scan3A_53 = arith.constant 1 : i32
    scf.for %scan3A_295 = %scan3A_50 to %scan3A_52 step %scan3A_53  : i32 {
      %broadcast_in_dim3A = arith.constant 1.000000e+00 : f32
      %broadcast_in_dim3A_296 = vector.broadcast %broadcast_in_dim3A : f32 to vector<16xf32>
      %swap3A = arith.index_cast %scan3A_295 : i32 to index
      %swap3A_297 = arith.constant 0 : index
      %swap3A_298 = tpu.vector_load %arg13[%swap3A, %swap3A_297] {strides = array<i32>} : memref<128x16xf32, #tpu.memory_space<vmem>>, vector<1x16xf32>,
      %swap3A_299 = vector.shape_cast %swap3A_298 : vector<1x16xf32> to vector<16xf32>
      %swap3A_300 = vector.shape_cast %broadcast_in_dim3A_296 : vector<16xf32> to vector<1x16xf32>
      tpu.vector_store %arg13[%swap3A, %swap3A_297], %swap3A_300 {strides = array<i32>} : memref<128x16xf32, #tpu.memory_space<vmem>>, vector<1x16xf32>,
    }
    %scan3A_54 = arith.constant 128 : i32
    "tpu.region"() ({
      %run_scoped3A = tpu.sem_alloc : memref<!tpu.dma_semaphore, #tpu.memory_space<semaphore_mem>>
      %dma_start3A_295 = arith.constant 0 : i32
      %dma_start3A_296 = arith.constant 0 : i32
      %dma_start3A_297 = tpu.memref_slice %arg3[%arg1, %dma_start3A_295, %dma_start3A_296] : memref<16x80x128xi32, #tpu.memory_space<hbm>> -> memref<1x16x128xi32, #tpu.memory_space<hbm>>
      %dma_start3A_298 = tpu.memref_squeeze %dma_start3A_297 : memref<1x16x128xi32, #tpu.memory_space<hbm>> -> memref<16x128xi32, #tpu.memory_space<hbm>>
      %dma_start3A_299 = arith.constant 0 : i32
      %dma_start3A_300 = arith.constant 0 : i32
      %dma_start3A_301 = tpu.memref_slice %arg3[%arg1, %dma_start3A_299, %dma_start3A_300] : memref<16x80x128xi32, #tpu.memory_space<hbm>> -> memref<1x16x128xi32, #tpu.memory_space<hbm>>
      %dma_start3A_302 = tpu.memref_squeeze %dma_start3A_301 : memref<1x16x128xi32, #tpu.memory_space<hbm>> -> memref<16x128xi32, #tpu.memory_space<hbm>>
      tpu.enqueue_dma source(%dma_start3A_302 : memref<16x128xi32, #tpu.memory_space<hbm>>) target(%arg7 : memref<16x128xi32, #tpu.memory_space<vmem>>) target_semaphore(%run_scoped3A : memref<!tpu.dma_semaphore, #tpu.memory_space<semaphore_mem>>)
      %dma_wait3A_303 = arith.constant 0 : i32
      %dma_wait3A_304 = arith.constant 0 : i32
      %dma_wait3A_305 = tpu.memref_slice %arg3[%arg1, %dma_wait3A_303, %dma_wait3A_304] : memref<16x80x128xi32, #tpu.memory_space<hbm>> -> memref<1x16x128xi32, #tpu.memory_space<hbm>>
      %dma_wait3A_306 = tpu.memref_squeeze %dma_wait3A_305 : memref<1x16x128xi32, #tpu.memory_space<hbm>> -> memref<16x128xi32, #tpu.memory_space<hbm>>
      %dma_wait3A_307 = arith.constant 0 : i32
      %dma_wait3A_308 = arith.constant 0 : i32
      %dma_wait3A_309 = tpu.memref_slice %arg3[%arg1, %dma_wait3A_307, %dma_wait3A_308] : memref<16x80x128xi32, #tpu.memory_space<hbm>> -> memref<1x16x128xi32, #tpu.memory_space<hbm>>
      %dma_wait3A_310 = tpu.memref_squeeze %dma_wait3A_309 : memref<1x16x128xi32, #tpu.memory_space<hbm>> -> memref<16x128xi32, #tpu.memory_space<hbm>>
      tpu.wait_dma2 semaphore(%run_scoped3A : memref<!tpu.dma_semaphore, #tpu.memory_space<semaphore_mem>>) src(%dma_wait3A_310 : memref<16x128xi32, #tpu.memory_space<hbm>>) dst(%arg7 : memref<16x128xi32, #tpu.memory_space<vmem>>)
      tpu.yield
    }) : () -> ()
    "tpu.region"() ({
      %run_scoped3A = tpu.sem_alloc : memref<!tpu.dma_semaphore, #tpu.memory_space<semaphore_mem>>
      %dma_start3A_295 = arith.constant 0 : i32
      %dma_start3A_296 = arith.constant 0 : i32
      %dma_start3A_297 = tpu.memref_slice %arg4[%arg1, %dma_start3A_295, %dma_start3A_296] : memref<16x80x128xi32, #tpu.memory_space<hbm>> -> memref<1x16x128xi32, #tpu.memory_space<hbm>>
      %dma_start3A_298 = tpu.memref_squeeze %dma_start3A_297 : memref<1x16x128xi32, #tpu.memory_space<hbm>> -> memref<16x128xi32, #tpu.memory_space<hbm>>
      %dma_start3A_299 = arith.constant 0 : i32
      %dma_start3A_300 = arith.constant 0 : i32
      %dma_start3A_301 = tpu.memref_slice %arg4[%arg1, %dma_start3A_299, %dma_start3A_300] : memref<16x80x128xi32, #tpu.memory_space<hbm>> -> memref<1x16x128xi32, #tpu.memory_space<hbm>>
      %dma_start3A_302 = tpu.memref_squeeze %dma_start3A_301 : memref<1x16x128xi32, #tpu.memory_space<hbm>> -> memref<16x128xi32, #tpu.memory_space<hbm>>
      tpu.enqueue_dma source(%dma_start3A_302 : memref<16x128xi32, #tpu.memory_space<hbm>>) target(%arg9 : memref<16x128xi32, #tpu.memory_space<vmem>>) target_semaphore(%run_scoped3A : memref<!tpu.dma_semaphore, #tpu.memory_space<semaphore_mem>>)
      %dma_wait3A_303 = arith.constant 0 : i32
      %dma_wait3A_304 = arith.constant 0 : i32
      %dma_wait3A_305 = tpu.memref_slice %arg4[%arg1, %dma_wait3A_303, %dma_wait3A_304] : memref<16x80x128xi32, #tpu.memory_space<hbm>> -> memref<1x16x128xi32, #tpu.memory_space<hbm>>
      %dma_wait3A_306 = tpu.memref_squeeze %dma_wait3A_305 : memref<1x16x128xi32, #tpu.memory_space<hbm>> -> memref<16x128xi32, #tpu.memory_space<hbm>>
      %dma_wait3A_307 = arith.constant 0 : i32
      %dma_wait3A_308 = arith.constant 0 : i32
      %dma_wait3A_309 = tpu.memref_slice %arg4[%arg1, %dma_wait3A_307, %dma_wait3A_308] : memref<16x80x128xi32, #tpu.memory_space<hbm>> -> memref<1x16x128xi32, #tpu.memory_space<hbm>>
      %dma_wait3A_310 = tpu.memref_squeeze %dma_wait3A_309 : memref<1x16x128xi32, #tpu.memory_space<hbm>> -> memref<16x128xi32, #tpu.memory_space<hbm>>
      tpu.wait_dma2 semaphore(%run_scoped3A : memref<!tpu.dma_semaphore, #tpu.memory_space<semaphore_mem>>) src(%dma_wait3A_310 : memref<16x128xi32, #tpu.memory_space<hbm>>) dst(%arg9 : memref<16x128xi32, #tpu.memory_space<vmem>>)
      tpu.yield
    }) : () -> ()
    %barrier3A = arith.constant 0 : index
    tpu.barrier barrier_id(%barrier3A)
    %dma_start3A = arith.constant 16 : i32
    %dma_start3A_55 = arith.constant 0 : i32
    %dma_start3A_56 = tpu.memref_slice %arg3[%arg1, %dma_start3A, %dma_start3A_55] : memref<16x80x128xi32, #tpu.memory_space<hbm>> -> memref<1x16x128xi32, #tpu.memory_space<hbm>>
    %dma_start3A_57 = tpu.memref_squeeze %dma_start3A_56 : memref<1x16x128xi32, #tpu.memory_space<hbm>> -> memref<16x128xi32, #tpu.memory_space<hbm>>
    %dma_start3A_58 = arith.constant 16 : i32
    %dma_start3A_59 = arith.constant 0 : i32
    %dma_start3A_60 = tpu.memref_slice %arg3[%arg1, %dma_start3A_58, %dma_start3A_59] : memref<16x80x128xi32, #tpu.memory_space<hbm>> -> memref<1x16x128xi32, #tpu.memory_space<hbm>>
    %dma_start3A_61 = tpu.memref_squeeze %dma_start3A_60 : memref<1x16x128xi32, #tpu.memory_space<hbm>> -> memref<16x128xi32, #tpu.memory_space<hbm>>
    tpu.enqueue_dma source(%dma_start3A_61 : memref<16x128xi32, #tpu.memory_space<hbm>>) target(%arg8 : memref<16x128xi32, #tpu.memory_space<vmem>>) target_semaphore(%arg17 : memref<!tpu.dma_semaphore, #tpu.memory_space<semaphore_mem>>)
    %dma_start3A_62 = arith.constant 16 : i32
    %dma_start3A_63 = arith.constant 0 : i32
    %dma_start3A_64 = tpu.memref_slice %arg4[%arg1, %dma_start3A_62, %dma_start3A_63] : memref<16x80x128xi32, #tpu.memory_space<hbm>> -> memref<1x16x128xi32, #tpu.memory_space<hbm>>
    %dma_start3A_65 = tpu.memref_squeeze %dma_start3A_64 : memref<1x16x128xi32, #tpu.memory_space<hbm>> -> memref<16x128xi32, #tpu.memory_space<hbm>>
    %dma_start3A_66 = arith.constant 16 : i32
    %dma_start3A_67 = arith.constant 0 : i32
    %dma_start3A_68 = tpu.memref_slice %arg4[%arg1, %dma_start3A_66, %dma_start3A_67] : memref<16x80x128xi32, #tpu.memory_space<hbm>> -> memref<1x16x128xi32, #tpu.memory_space<hbm>>
    %dma_start3A_69 = tpu.memref_squeeze %dma_start3A_68 : memref<1x16x128xi32, #tpu.memory_space<hbm>> -> memref<16x128xi32, #tpu.memory_space<hbm>>
    tpu.enqueue_dma source(%dma_start3A_69 : memref<16x128xi32, #tpu.memory_space<hbm>>) target(%arg10 : memref<16x128xi32, #tpu.memory_space<vmem>>) target_semaphore(%arg17 : memref<!tpu.dma_semaphore, #tpu.memory_space<semaphore_mem>>)
    %mul3A_70 = arith.constant 10000 : i32
    %mul3A_71 = arith.muli %arg0, %mul3A_70 : i32
    %scan3A_72 = arith.constant 0 : i32
    %scan3A_73 = arith.constant 0 : i32
    %scan3A_74 = arith.constant 128 : i32
    %scan3A_75 = arith.addi %scan3A_73, %scan3A_74 : i32
    %scan3A_76 = arith.constant 1 : i32
    scf.for %scan3A_295 = %scan3A_73 to %scan3A_75 step %scan3A_76  : i32 {
      %jit3A = arith.constant 8 : i32
      %div3A = arith.divsi %scan3A_295, %jit3A : i32
      %sign3A = arith.constant 0 : i32
      %sign3A_296 = arith.cmpi sgt, %scan3A_295, %sign3A : i32
      %sign3A_297 = arith.extui %sign3A_296 : i1 to i32
      %sign3A_298 = arith.constant 0 : i32
      %sign3A_299 = arith.cmpi slt, %scan3A_295, %sign3A_298 : i32
      %sign3A_300 = arith.extui %sign3A_299 : i1 to i32
      %sign3A_301 = arith.subi %sign3A_297, %sign3A_300 : i32
      %sign3A_302 = arith.constant 0 : i32
      %sign3A_303 = arith.cmpi sgt, %jit3A, %sign3A_302 : i32
      %sign3A_304 = arith.extui %sign3A_303 : i1 to i32
      %sign3A_305 = arith.constant 0 : i32
      %sign3A_306 = arith.cmpi slt, %jit3A, %sign3A_305 : i32
      %sign3A_307 = arith.extui %sign3A_306 : i1 to i32
      %sign3A_308 = arith.subi %sign3A_304, %sign3A_307 : i32
      %ne3A = arith.cmpi ne, %sign3A_301, %sign3A_308 : i32
      %rem3A = arith.remsi %scan3A_295, %jit3A : i32
      %ne3A_309 = arith.constant 0 : i32
      %ne3A_310 = arith.cmpi ne, %rem3A, %ne3A_309 : i32
      %and3A = arith.andi %ne3A, %ne3A_310 : i1
      %sub3A = arith.constant 1 : i32
      %sub3A_311 = arith.subi %div3A, %sub3A : i32
      %select_n3A = arith.select %and3A, %sub3A_311, %div3A : i32
      %jit3A_312 = arith.constant 8 : i32
      %eq3A = arith.constant 0 : i32
      %eq3A_313 = arith.cmpi eq, %jit3A_312, %eq3A : i32
      %jit3A_314 = arith.constant 1 : i32
      %select_n3A_315 = arith.select %eq3A_313, %jit3A_314, %jit3A_312 : i32
      %rem3A_316 = arith.remsi %scan3A_295, %select_n3A_315 : i32
      %ne3A_317 = arith.constant 0 : i32
      %ne3A_318 = arith.cmpi ne, %rem3A_316, %ne3A_317 : i32
      %lt3A = arith.constant 0 : i32
      %lt3A_319 = arith.cmpi slt, %rem3A_316, %lt3A : i32
      %lt3A_320 = arith.constant 0 : i32
      %lt3A_321 = arith.cmpi slt, %select_n3A_315, %lt3A_320 : i32
      %ne3A_322 = arith.xori %lt3A_319, %lt3A_321 : i1
      %and3A_323 = arith.andi %ne3A_322, %ne3A_318 : i1
      %add3A_324 = arith.addi %rem3A_316, %select_n3A_315 : i32
      %select_n3A_325 = arith.select %and3A_323, %add3A_324, %rem3A_316 : i32
      %mul3A_326 = arith.constant 16 : i32
      %mul3A_327 = arith.muli %select_n3A_325, %mul3A_326 : i32
      %get3A = arith.index_cast %select_n3A : i32 to index
      %get3A_328 = arith.index_cast %mul3A_327 : i32 to index
      %get3A_329 = tpu.vector_load %arg7[%get3A, %get3A_328] {strides = array<i32>} : memref<16x128xi32, #tpu.memory_space<vmem>>, vector<1x16xi32>,
      %get3A_330 = vector.shape_cast %get3A_329 : vector<1x16xi32> to vector<16xi32>
      %add3A_331 = vector.broadcast %mul3A_71 : i32 to vector<16xi32>
      %add3A_332 = arith.addi %get3A_330, %add3A_331 : vector<16xi32>
      %mul3A_333 = arith.constant 16 : i32
      %mul3A_334 = arith.muli %select_n3A_325, %mul3A_333 : i32
      %swap3A = arith.index_cast %select_n3A : i32 to index
      %swap3A_335 = arith.index_cast %mul3A_334 : i32 to index
      %swap3A_336 = tpu.vector_load %arg7[%swap3A, %swap3A_335] {strides = array<i32>} : memref<16x128xi32, #tpu.memory_space<vmem>>, vector<1x16xi32>,
      %swap3A_337 = vector.shape_cast %swap3A_336 : vector<1x16xi32> to vector<16xi32>
      %swap3A_338 = vector.shape_cast %add3A_332 : vector<16xi32> to vector<1x16xi32>
      tpu.vector_store %arg7[%swap3A, %swap3A_335], %swap3A_338 {strides = array<i32>} : memref<16x128xi32, #tpu.memory_space<vmem>>, vector<1x16xi32>,
    }
    %scan3A_77 = arith.constant 128 : i32
    %dma_start3A_78 = arith.constant 0 : i32
    %dma_start3A_79 = arith.constant 0 : i32
    %dma_start3A_80 = tpu.memref_slice %arg7[%dma_start3A_78, %dma_start3A_79] : memref<16x128xi32, #tpu.memory_space<vmem>> -> memref<1x128xi32, #tpu.memory_space<vmem>>
    %dma_start3A_81 = tpu.memref_squeeze %dma_start3A_80 : memref<1x128xi32, #tpu.memory_space<vmem>> -> memref<128xi32, #tpu.memory_space<vmem>>
    %dma_start3A_82 = arith.constant 0 : i32
    %dma_start3A_83 = arith.constant 0 : i32
    %dma_start3A_84 = tpu.memref_slice %arg2[%dma_start3A_82, %dma_start3A_83] : memref<20000x128xbf16, #tpu.memory_space<hbm>> -> memref<20000x128xbf16, #tpu.memory_space<hbm>>
    tpu.enqueue_indirect_dma source(%dma_start3A_84 : memref<20000x128xbf16, #tpu.memory_space<hbm>>) target(%arg11 : memref<128x128xbf16, #tpu.memory_space<vmem>>) offsets(%dma_start3A_81 : memref<128xi32, #tpu.memory_space<vmem>>) semaphore(%arg18 : memref<!tpu.dma_semaphore, #tpu.memory_space<semaphore_mem>>)
    %scan3A_85 = arith.constant 0 : i32
    %scan3A_86 = arith.constant 0 : i32
    %scan3A_87 = arith.constant 16 : i32
    %scan3A_88 = arith.addi %scan3A_86, %scan3A_87 : i32
    %scan3A_89 = arith.constant 1 : i32
    scf.for %scan3A_295 = %scan3A_86 to %scan3A_88 step %scan3A_89  : i32 {
      %add3A_296 = arith.constant 1 : i32
      %add3A_297 = arith.addi %scan3A_295, %add3A_296 : i32
      %lt3A = arith.constant 16 : i32
      %lt3A_298 = arith.cmpi slt, %add3A_297, %lt3A : i32
      %add3A_299 = arith.constant 1 : i32
      %add3A_300 = arith.addi %scan3A_295, %add3A_299 : i32
      %jit3A = arith.constant 2 : i32
      %eq3A = arith.constant 0 : i32
      %eq3A_301 = arith.cmpi eq, %jit3A, %eq3A : i32
      %jit3A_302 = arith.constant 1 : i32
      %select_n3A = arith.select %eq3A_301, %jit3A_302, %jit3A : i32
      %rem3A = arith.remsi %add3A_300, %select_n3A : i32
      %ne3A = arith.constant 0 : i32
      %ne3A_303 = arith.cmpi ne, %rem3A, %ne3A : i32
      %lt3A_304 = arith.constant 0 : i32
      %lt3A_305 = arith.cmpi slt, %rem3A, %lt3A_304 : i32
      %lt3A_306 = arith.constant 0 : i32
      %lt3A_307 = arith.cmpi slt, %select_n3A, %lt3A_306 : i32
      %ne3A_308 = arith.xori %lt3A_305, %lt3A_307 : i1
      %and3A = arith.andi %ne3A_308, %ne3A_303 : i1
      %add3A_309 = arith.addi %rem3A, %select_n3A : i32
      %select_n3A_310 = arith.select %and3A, %add3A_309, %rem3A : i32
      %eq3A_311 = arith.constant 0 : i32
      %eq3A_312 = arith.cmpi eq, %select_n3A_310, %eq3A_311 : i32
      %and3A_313 = arith.andi %lt3A_298, %eq3A_312 : i1
      %convert_element_type3A = arith.extui %and3A_313 : i1 to i32
      %cond3A = arith.constant 0 : i32
      %cond3A_314 = arith.cmpi ne, %convert_element_type3A, %cond3A : i32
      scf.if %cond3A_314 {
        %add3A_396 = arith.constant 1 : i32
        %add3A_397 = arith.addi %scan3A_295, %add3A_396 : i32
        %dma_start3A_398 = arith.constant 0 : i32
        %dma_start3A_399 = tpu.memref_slice %arg7[%add3A_397, %dma_start3A_398] : memref<16x128xi32, #tpu.memory_space<vmem>> -> memref<1x128xi32, #tpu.memory_space<vmem>>
        %dma_start3A_400 = tpu.memref_squeeze %dma_start3A_399 : memref<1x128xi32, #tpu.memory_space<vmem>> -> memref<128xi32, #tpu.memory_space<vmem>>
        %dma_start3A_401 = arith.constant 0 : i32
        %dma_start3A_402 = arith.constant 0 : i32
        %dma_start3A_403 = tpu.memref_slice %arg2[%dma_start3A_401, %dma_start3A_402] : memref<20000x128xbf16, #tpu.memory_space<hbm>> -> memref<20000x128xbf16, #tpu.memory_space<hbm>>
        tpu.enqueue_indirect_dma source(%dma_start3A_403 : memref<20000x128xbf16, #tpu.memory_space<hbm>>) target(%arg11 : memref<128x128xbf16, #tpu.memory_space<vmem>>) offsets(%dma_start3A_400 : memref<128xi32, #tpu.memory_space<vmem>>) semaphore(%arg18 : memref<!tpu.dma_semaphore, #tpu.memory_space<semaphore_mem>>)
      } else {
      }
      %add3A_315 = arith.constant 1 : i32
      %add3A_316 = arith.addi %scan3A_295, %add3A_315 : i32
      %lt3A_317 = arith.constant 16 : i32
      %lt3A_318 = arith.cmpi slt, %add3A_316, %lt3A_317 : i32
      %add3A_319 = arith.constant 1 : i32
      %add3A_320 = arith.addi %scan3A_295, %add3A_319 : i32
      %jit3A_321 = arith.constant 2 : i32
      %eq3A_322 = arith.constant 0 : i32
      %eq3A_323 = arith.cmpi eq, %jit3A_321, %eq3A_322 : i32
      %jit3A_324 = arith.constant 1 : i32
      %select_n3A_325 = arith.select %eq3A_323, %jit3A_324, %jit3A_321 : i32
      %rem3A_326 = arith.remsi %add3A_320, %select_n3A_325 : i32
      %ne3A_327 = arith.constant 0 : i32
      %ne3A_328 = arith.cmpi ne, %rem3A_326, %ne3A_327 : i32
      %lt3A_329 = arith.constant 0 : i32
      %lt3A_330 = arith.cmpi slt, %rem3A_326, %lt3A_329 : i32
      %lt3A_331 = arith.constant 0 : i32
      %lt3A_332 = arith.cmpi slt, %select_n3A_325, %lt3A_331 : i32
      %ne3A_333 = arith.xori %lt3A_330, %lt3A_332 : i1
      %and3A_334 = arith.andi %ne3A_333, %ne3A_328 : i1
      %add3A_335 = arith.addi %rem3A_326, %select_n3A_325 : i32
      %select_n3A_336 = arith.select %and3A_334, %add3A_335, %rem3A_326 : i32
      %eq3A_337 = arith.constant 1 : i32
      %eq3A_338 = arith.cmpi eq, %select_n3A_336, %eq3A_337 : i32
      %and3A_339 = arith.andi %lt3A_318, %eq3A_338 : i1
      %convert_element_type3A_340 = arith.extui %and3A_339 : i1 to i32
      %cond3A_341 = arith.constant 0 : i32
      %cond3A_342 = arith.cmpi ne, %convert_element_type3A_340, %cond3A_341 : i32
      scf.if %cond3A_342 {
        %add3A_396 = arith.constant 1 : i32
        %add3A_397 = arith.addi %scan3A_295, %add3A_396 : i32
        %dma_start3A_398 = arith.constant 0 : i32
        %dma_start3A_399 = tpu.memref_slice %arg7[%add3A_397, %dma_start3A_398] : memref<16x128xi32, #tpu.memory_space<vmem>> -> memref<1x128xi32, #tpu.memory_space<vmem>>
        %dma_start3A_400 = tpu.memref_squeeze %dma_start3A_399 : memref<1x128xi32, #tpu.memory_space<vmem>> -> memref<128xi32, #tpu.memory_space<vmem>>
        %dma_start3A_401 = arith.constant 0 : i32
        %dma_start3A_402 = arith.constant 0 : i32
        %dma_start3A_403 = tpu.memref_slice %arg2[%dma_start3A_401, %dma_start3A_402] : memref<20000x128xbf16, #tpu.memory_space<hbm>> -> memref<20000x128xbf16, #tpu.memory_space<hbm>>
        tpu.enqueue_indirect_dma source(%dma_start3A_403 : memref<20000x128xbf16, #tpu.memory_space<hbm>>) target(%arg12 : memref<128x128xbf16, #tpu.memory_space<vmem>>) offsets(%dma_start3A_400 : memref<128xi32, #tpu.memory_space<vmem>>) semaphore(%arg19 : memref<!tpu.dma_semaphore, #tpu.memory_space<semaphore_mem>>)
      } else {
      }
      %add3A_343 = arith.constant 0 : i32
      %add3A_344 = arith.addi %add3A_343, %scan3A_295 : i32
      %lt3A_345 = arith.constant 40 : i32
      %lt3A_346 = arith.cmpi slt, %add3A_344, %lt3A_345 : i32
      %eq3A_347 = arith.constant 0 : i32
      %eq3A_348 = arith.cmpi eq, %arg0, %eq3A_347 : i32
      %not3A = arith.constant true
      %not3A_349 = arith.xori %lt3A_346, %not3A : i1
      %select_n3A_350 = arith.select %eq3A_348, %lt3A_346, %not3A_349 : i1
      %convert_element_type3A_351 = arith.extui %select_n3A_350 : i1 to i32
      %cond3A_352 = arith.constant 0 : i32
      %cond3A_353 = arith.cmpi ne, %convert_element_type3A_351, %cond3A_352 : i32
      scf.if %cond3A_353 {
        "tpu.region"() ({
          %run_scoped3A = tpu.sem_alloc : memref<!tpu.dma_semaphore, #tpu.memory_space<semaphore_mem>>
          %dma_start3A_396 = arith.constant 0 : i32
          %dma_start3A_397 = tpu.memref_slice %arg9[%scan3A_295, %dma_start3A_396] : memref<16x128xi32, #tpu.memory_space<vmem>> -> memref<1x128xi32, #tpu.memory_space<vmem>>
          %dma_start3A_398 = tpu.memref_squeeze %dma_start3A_397 : memref<1x128xi32, #tpu.memory_space<vmem>> -> memref<128xi32, #tpu.memory_space<vmem>>
          %dma_start3A_399 = arith.constant 0 : i32
          %dma_start3A_400 = arith.constant 0 : i32
          %dma_start3A_401 = tpu.memref_slice %arg15[%dma_start3A_399, %dma_start3A_400] : memref<10016x16xf32, #tpu.memory_space<vmem_shared>> -> memref<10016x16xf32, #tpu.memory_space<vmem_shared>>
          tpu.enqueue_indirect_dma source(%arg13 : memref<128x16xf32, #tpu.memory_space<vmem>>) target(%dma_start3A_401 : memref<10016x16xf32, #tpu.memory_space<vmem_shared>>) offsets(%dma_start3A_398 : memref<128xi32, #tpu.memory_space<vmem>>) semaphore(%run_scoped3A : memref<!tpu.dma_semaphore, #tpu.memory_space<semaphore_mem>>) {add = true}
          %dma_wait3A_402 = arith.constant 0 : i32
          %dma_wait3A_403 = tpu.memref_slice %arg9[%scan3A_295, %dma_wait3A_402] : memref<16x128xi32, #tpu.memory_space<vmem>> -> memref<1x128xi32, #tpu.memory_space<vmem>>
          %dma_wait3A_404 = tpu.memref_squeeze %dma_wait3A_403 : memref<1x128xi32, #tpu.memory_space<vmem>> -> memref<128xi32, #tpu.memory_space<vmem>>
          %dma_wait3A_405 = arith.constant 0 : i32
          %dma_wait3A_406 = arith.constant 0 : i32
          %dma_wait3A_407 = tpu.memref_slice %arg15[%dma_wait3A_405, %dma_wait3A_406] : memref<10016x16xf32, #tpu.memory_space<vmem_shared>> -> memref<10016x16xf32, #tpu.memory_space<vmem_shared>>
          tpu.wait_indirect_dma semaphore(%run_scoped3A : memref<!tpu.dma_semaphore, #tpu.memory_space<semaphore_mem>>) src(%arg13 : memref<128x16xf32, #tpu.memory_space<vmem>>) dst(%dma_wait3A_407 : memref<10016x16xf32, #tpu.memory_space<vmem_shared>>)
          tpu.yield
        }) : () -> ()
      } else {
      }
      %jit3A_354 = arith.constant 2 : i32
      %eq3A_355 = arith.constant 0 : i32
      %eq3A_356 = arith.cmpi eq, %jit3A_354, %eq3A_355 : i32
      %jit3A_357 = arith.constant 1 : i32
      %select_n3A_358 = arith.select %eq3A_356, %jit3A_357, %jit3A_354 : i32
      %rem3A_359 = arith.remsi %scan3A_295, %select_n3A_358 : i32
      %ne3A_360 = arith.constant 0 : i32
      %ne3A_361 = arith.cmpi ne, %rem3A_359, %ne3A_360 : i32
      %lt3A_362 = arith.constant 0 : i32
      %lt3A_363 = arith.cmpi slt, %rem3A_359, %lt3A_362 : i32
      %lt3A_364 = arith.constant 0 : i32
      %lt3A_365 = arith.cmpi slt, %select_n3A_358, %lt3A_364 : i32
      %ne3A_366 = arith.xori %lt3A_363, %lt3A_365 : i1
      %and3A_367 = arith.andi %ne3A_366, %ne3A_361 : i1
      %add3A_368 = arith.addi %rem3A_359, %select_n3A_358 : i32
      %select_n3A_369 = arith.select %and3A_367, %add3A_368, %rem3A_359 : i32
      %eq3A_370 = arith.constant 0 : i32
      %eq3A_371 = arith.cmpi eq, %select_n3A_369, %eq3A_370 : i32
      %convert_element_type3A_372 = arith.extui %eq3A_371 : i1 to i32
      %cond3A_373 = arith.constant 0 : i32
      %cond3A_374 = arith.cmpi ne, %convert_element_type3A_372, %cond3A_373 : i32
      scf.if %cond3A_374 {
        %dma_wait3A_396 = arith.constant 0 : i32
        %dma_wait3A_397 = tpu.memref_slice %arg7[%scan3A_295, %dma_wait3A_396] : memref<16x128xi32, #tpu.memory_space<vmem>> -> memref<1x128xi32, #tpu.memory_space<vmem>>
        %dma_wait3A_398 = tpu.memref_squeeze %dma_wait3A_397 : memref<1x128xi32, #tpu.memory_space<vmem>> -> memref<128xi32, #tpu.memory_space<vmem>>
        %dma_wait3A_399 = arith.constant 0 : i32
        %dma_wait3A_400 = arith.constant 0 : i32
        %dma_wait3A_401 = tpu.memref_slice %arg2[%dma_wait3A_399, %dma_wait3A_400] : memref<20000x128xbf16, #tpu.memory_space<hbm>> -> memref<20000x128xbf16, #tpu.memory_space<hbm>>
        tpu.wait_indirect_dma semaphore(%arg18 : memref<!tpu.dma_semaphore, #tpu.memory_space<semaphore_mem>>) src(%dma_wait3A_401 : memref<20000x128xbf16, #tpu.memory_space<hbm>>) dst(%arg11 : memref<128x128xbf16, #tpu.memory_space<vmem>>)
        "tpu.region"() ({
          %run_scoped3A = tpu.sem_alloc : memref<!tpu.dma_semaphore, #tpu.memory_space<semaphore_mem>>
          %dma_start3A_402 = arith.constant 0 : i32
          %dma_start3A_403 = tpu.memref_slice %arg9[%scan3A_295, %dma_start3A_402] : memref<16x128xi32, #tpu.memory_space<vmem>> -> memref<1x128xi32, #tpu.memory_space<vmem>>
          %dma_start3A_404 = tpu.memref_squeeze %dma_start3A_403 : memref<1x128xi32, #tpu.memory_space<vmem>> -> memref<128xi32, #tpu.memory_space<vmem>>
          %dma_start3A_405 = arith.constant 0 : i32
          %dma_start3A_406 = arith.constant 0 : i32
          %dma_start3A_407 = tpu.memref_slice %arg14[%dma_start3A_405, %dma_start3A_406] : memref<10016x128xbf16, #tpu.memory_space<vmem_shared>> -> memref<10016x128xbf16, #tpu.memory_space<vmem_shared>>
          tpu.enqueue_indirect_dma source(%arg11 : memref<128x128xbf16, #tpu.memory_space<vmem>>) target(%dma_start3A_407 : memref<10016x128xbf16, #tpu.memory_space<vmem_shared>>) offsets(%dma_start3A_404 : memref<128xi32, #tpu.memory_space<vmem>>) semaphore(%run_scoped3A : memref<!tpu.dma_semaphore, #tpu.memory_space<semaphore_mem>>) {add = true}
          %dma_wait3A_408 = arith.constant 0 : i32
          %dma_wait3A_409 = tpu.memref_slice %arg9[%scan3A_295, %dma_wait3A_408] : memref<16x128xi32, #tpu.memory_space<vmem>> -> memref<1x128xi32, #tpu.memory_space<vmem>>
          %dma_wait3A_410 = tpu.memref_squeeze %dma_wait3A_409 : memref<1x128xi32, #tpu.memory_space<vmem>> -> memref<128xi32, #tpu.memory_space<vmem>>
          %dma_wait3A_411 = arith.constant 0 : i32
          %dma_wait3A_412 = arith.constant 0 : i32
          %dma_wait3A_413 = tpu.memref_slice %arg14[%dma_wait3A_411, %dma_wait3A_412] : memref<10016x128xbf16, #tpu.memory_space<vmem_shared>> -> memref<10016x128xbf16, #tpu.memory_space<vmem_shared>>
          tpu.wait_indirect_dma semaphore(%run_scoped3A : memref<!tpu.dma_semaphore, #tpu.memory_space<semaphore_mem>>) src(%arg11 : memref<128x128xbf16, #tpu.memory_space<vmem>>) dst(%dma_wait3A_413 : memref<10016x128xbf16, #tpu.memory_space<vmem_shared>>)
          tpu.yield
        }) : () -> ()
      } else {
      }
      %jit3A_375 = arith.constant 2 : i32
      %eq3A_376 = arith.constant 0 : i32
      %eq3A_377 = arith.cmpi eq, %jit3A_375, %eq3A_376 : i32
      %jit3A_378 = arith.constant 1 : i32
      %select_n3A_379 = arith.select %eq3A_377, %jit3A_378, %jit3A_375 : i32
      %rem3A_380 = arith.remsi %scan3A_295, %select_n3A_379 : i32
      %ne3A_381 = arith.constant 0 : i32
      %ne3A_382 = arith.cmpi ne, %rem3A_380, %ne3A_381 : i32
      %lt3A_383 = arith.constant 0 : i32
      %lt3A_384 = arith.cmpi slt, %rem3A_380, %lt3A_383 : i32
      %lt3A_385 = arith.constant 0 : i32
      %lt3A_386 = arith.cmpi slt, %select_n3A_379, %lt3A_385 : i32
      %ne3A_387 = arith.xori %lt3A_384, %lt3A_386 : i1
      %and3A_388 = arith.andi %ne3A_387, %ne3A_382 : i1
      %add3A_389 = arith.addi %rem3A_380, %select_n3A_379 : i32
      %select_n3A_390 = arith.select %and3A_388, %add3A_389, %rem3A_380 : i32
      %eq3A_391 = arith.constant 1 : i32
      %eq3A_392 = arith.cmpi eq, %select_n3A_390, %eq3A_391 : i32
      %convert_element_type3A_393 = arith.extui %eq3A_392 : i1 to i32
      %cond3A_394 = arith.constant 0 : i32
      %cond3A_395 = arith.cmpi ne, %convert_element_type3A_393, %cond3A_394 : i32
      scf.if %cond3A_395 {
        %dma_wait3A_396 = arith.constant 0 : i32
        %dma_wait3A_397 = tpu.memref_slice %arg7[%scan3A_295, %dma_wait3A_396] : memref<16x128xi32, #tpu.memory_space<vmem>> -> memref<1x128xi32, #tpu.memory_space<vmem>>
        %dma_wait3A_398 = tpu.memref_squeeze %dma_wait3A_397 : memref<1x128xi32, #tpu.memory_space<vmem>> -> memref<128xi32, #tpu.memory_space<vmem>>
        %dma_wait3A_399 = arith.constant 0 : i32
        %dma_wait3A_400 = arith.constant 0 : i32
        %dma_wait3A_401 = tpu.memref_slice %arg2[%dma_wait3A_399, %dma_wait3A_400] : memref<20000x128xbf16, #tpu.memory_space<hbm>> -> memref<20000x128xbf16, #tpu.memory_space<hbm>>
        tpu.wait_indirect_dma semaphore(%arg19 : memref<!tpu.dma_semaphore, #tpu.memory_space<semaphore_mem>>) src(%dma_wait3A_401 : memref<20000x128xbf16, #tpu.memory_space<hbm>>) dst(%arg12 : memref<128x128xbf16, #tpu.memory_space<vmem>>)
        "tpu.region"() ({
          %run_scoped3A = tpu.sem_alloc : memref<!tpu.dma_semaphore, #tpu.memory_space<semaphore_mem>>
          %dma_start3A_402 = arith.constant 0 : i32
          %dma_start3A_403 = tpu.memref_slice %arg9[%scan3A_295, %dma_start3A_402] : memref<16x128xi32, #tpu.memory_space<vmem>> -> memref<1x128xi32, #tpu.memory_space<vmem>>
          %dma_start3A_404 = tpu.memref_squeeze %dma_start3A_403 : memref<1x128xi32, #tpu.memory_space<vmem>> -> memref<128xi32, #tpu.memory_space<vmem>>
          %dma_start3A_405 = arith.constant 0 : i32
          %dma_start3A_406 = arith.constant 0 : i32
          %dma_start3A_407 = tpu.memref_slice %arg14[%dma_start3A_405, %dma_start3A_406] : memref<10016x128xbf16, #tpu.memory_space<vmem_shared>> -> memref<10016x128xbf16, #tpu.memory_space<vmem_shared>>
          tpu.enqueue_indirect_dma source(%arg12 : memref<128x128xbf16, #tpu.memory_space<vmem>>) target(%dma_start3A_407 : memref<10016x128xbf16, #tpu.memory_space<vmem_shared>>) offsets(%dma_start3A_404 : memref<128xi32, #tpu.memory_space<vmem>>) semaphore(%run_scoped3A : memref<!tpu.dma_semaphore, #tpu.memory_space<semaphore_mem>>) {add = true}
          %dma_wait3A_408 = arith.constant 0 : i32
          %dma_wait3A_409 = tpu.memref_slice %arg9[%scan3A_295, %dma_wait3A_408] : memref<16x128xi32, #tpu.memory_space<vmem>> -> memref<1x128xi32, #tpu.memory_space<vmem>>
          %dma_wait3A_410 = tpu.memref_squeeze %dma_wait3A_409 : memref<1x128xi32, #tpu.memory_space<vmem>> -> memref<128xi32, #tpu.memory_space<vmem>>
          %dma_wait3A_411 = arith.constant 0 : i32
          %dma_wait3A_412 = arith.constant 0 : i32
          %dma_wait3A_413 = tpu.memref_slice %arg14[%dma_wait3A_411, %dma_wait3A_412] : memref<10016x128xbf16, #tpu.memory_space<vmem_shared>> -> memref<10016x128xbf16, #tpu.memory_space<vmem_shared>>
          tpu.wait_indirect_dma semaphore(%run_scoped3A : memref<!tpu.dma_semaphore, #tpu.memory_space<semaphore_mem>>) src(%arg12 : memref<128x128xbf16, #tpu.memory_space<vmem>>) dst(%dma_wait3A_413 : memref<10016x128xbf16, #tpu.memory_space<vmem_shared>>)
          tpu.yield
        }) : () -> ()
      } else {
      }
    }
    %scan3A_90 = arith.constant 16 : i32
    %dma_wait3A = arith.constant 16 : i32
    %dma_wait3A_91 = arith.constant 0 : i32
    %dma_wait3A_92 = tpu.memref_slice %arg3[%arg1, %dma_wait3A, %dma_wait3A_91] : memref<16x80x128xi32, #tpu.memory_space<hbm>> -> memref<1x16x128xi32, #tpu.memory_space<hbm>>
    %dma_wait3A_93 = tpu.memref_squeeze %dma_wait3A_92 : memref<1x16x128xi32, #tpu.memory_space<hbm>> -> memref<16x128xi32, #tpu.memory_space<hbm>>
    %dma_wait3A_94 = arith.constant 16 : i32
    %dma_wait3A_95 = arith.constant 0 : i32
    %dma_wait3A_96 = tpu.memref_slice %arg3[%arg1, %dma_wait3A_94, %dma_wait3A_95] : memref<16x80x128xi32, #tpu.memory_space<hbm>> -> memref<1x16x128xi32, #tpu.memory_space<hbm>>
    %dma_wait3A_97 = tpu.memref_squeeze %dma_wait3A_96 : memref<1x16x128xi32, #tpu.memory_space<hbm>> -> memref<16x128xi32, #tpu.memory_space<hbm>>
    tpu.wait_dma2 semaphore(%arg17 : memref<!tpu.dma_semaphore, #tpu.memory_space<semaphore_mem>>) src(%dma_wait3A_97 : memref<16x128xi32, #tpu.memory_space<hbm>>) dst(%arg8 : memref<16x128xi32, #tpu.memory_space<vmem>>)
    %dma_wait3A_98 = arith.constant 16 : i32
    %dma_wait3A_99 = arith.constant 0 : i32
    %dma_wait3A_100 = tpu.memref_slice %arg4[%arg1, %dma_wait3A_98, %dma_wait3A_99] : memref<16x80x128xi32, #tpu.memory_space<hbm>> -> memref<1x16x128xi32, #tpu.memory_space<hbm>>
    %dma_wait3A_101 = tpu.memref_squeeze %dma_wait3A_100 : memref<1x16x128xi32, #tpu.memory_space<hbm>> -> memref<16x128xi32, #tpu.memory_space<hbm>>
    %dma_wait3A_102 = arith.constant 16 : i32
    %dma_wait3A_103 = arith.constant 0 : i32
    %dma_wait3A_104 = tpu.memref_slice %arg4[%arg1, %dma_wait3A_102, %dma_wait3A_103] : memref<16x80x128xi32, #tpu.memory_space<hbm>> -> memref<1x16x128xi32, #tpu.memory_space<hbm>>
    %dma_wait3A_105 = tpu.memref_squeeze %dma_wait3A_104 : memref<1x16x128xi32, #tpu.memory_space<hbm>> -> memref<16x128xi32, #tpu.memory_space<hbm>>
    tpu.wait_dma2 semaphore(%arg17 : memref<!tpu.dma_semaphore, #tpu.memory_space<semaphore_mem>>) src(%dma_wait3A_105 : memref<16x128xi32, #tpu.memory_space<hbm>>) dst(%arg10 : memref<16x128xi32, #tpu.memory_space<vmem>>)
    %dma_start3A_106 = arith.constant 32 : i32
    %dma_start3A_107 = arith.constant 0 : i32
    %dma_start3A_108 = tpu.memref_slice %arg3[%arg1, %dma_start3A_106, %dma_start3A_107] : memref<16x80x128xi32, #tpu.memory_space<hbm>> -> memref<1x16x128xi32, #tpu.memory_space<hbm>>
    %dma_start3A_109 = tpu.memref_squeeze %dma_start3A_108 : memref<1x16x128xi32, #tpu.memory_space<hbm>> -> memref<16x128xi32, #tpu.memory_space<hbm>>
    %dma_start3A_110 = arith.constant 32 : i32
    %dma_start3A_111 = arith.constant 0 : i32
    %dma_start3A_112 = tpu.memref_slice %arg3[%arg1, %dma_start3A_110, %dma_start3A_111] : memref<16x80x128xi32, #tpu.memory_space<hbm>> -> memref<1x16x128xi32, #tpu.memory_space<hbm>>
    %dma_start3A_113 = tpu.memref_squeeze %dma_start3A_112 : memref<1x16x128xi32, #tpu.memory_space<hbm>> -> memref<16x128xi32, #tpu.memory_space<hbm>>
    tpu.enqueue_dma source(%dma_start3A_113 : memref<16x128xi32, #tpu.memory_space<hbm>>) target(%arg7 : memref<16x128xi32, #tpu.memory_space<vmem>>) target_semaphore(%arg16 : memref<!tpu.dma_semaphore, #tpu.memory_space<semaphore_mem>>)
    %dma_start3A_114 = arith.constant 32 : i32
    %dma_start3A_115 = arith.constant 0 : i32
    %dma_start3A_116 = tpu.memref_slice %arg4[%arg1, %dma_start3A_114, %dma_start3A_115] : memref<16x80x128xi32, #tpu.memory_space<hbm>> -> memref<1x16x128xi32, #tpu.memory_space<hbm>>
    %dma_start3A_117 = tpu.memref_squeeze %dma_start3A_116 : memref<1x16x128xi32, #tpu.memory_space<hbm>> -> memref<16x128xi32, #tpu.memory_space<hbm>>
    %dma_start3A_118 = arith.constant 32 : i32
    %dma_start3A_119 = arith.constant 0 : i32
    %dma_start3A_120 = tpu.memref_slice %arg4[%arg1, %dma_start3A_118, %dma_start3A_119] : memref<16x80x128xi32, #tpu.memory_space<hbm>> -> memref<1x16x128xi32, #tpu.memory_space<hbm>>
    %dma_start3A_121 = tpu.memref_squeeze %dma_start3A_120 : memref<1x16x128xi32, #tpu.memory_space<hbm>> -> memref<16x128xi32, #tpu.memory_space<hbm>>
    tpu.enqueue_dma source(%dma_start3A_121 : memref<16x128xi32, #tpu.memory_space<hbm>>) target(%arg9 : memref<16x128xi32, #tpu.memory_space<vmem>>) target_semaphore(%arg16 : memref<!tpu.dma_semaphore, #tpu.memory_space<semaphore_mem>>)
    %mul3A_122 = arith.constant 10000 : i32
    %mul3A_123 = arith.muli %arg0, %mul3A_122 : i32
    %scan3A_124 = arith.constant 0 : i32
    %scan3A_125 = arith.constant 0 : i32
    %scan3A_126 = arith.constant 128 : i32
    %scan3A_127 = arith.addi %scan3A_125, %scan3A_126 : i32
    %scan3A_128 = arith.constant 1 : i32
    scf.for %scan3A_295 = %scan3A_125 to %scan3A_127 step %scan3A_128  : i32 {
      %jit3A = arith.constant 8 : i32
      %div3A = arith.divsi %scan3A_295, %jit3A : i32
      %sign3A = arith.constant 0 : i32
      %sign3A_296 = arith.cmpi sgt, %scan3A_295, %sign3A : i32
      %sign3A_297 = arith.extui %sign3A_296 : i1 to i32
      %sign3A_298 = arith.constant 0 : i32
      %sign3A_299 = arith.cmpi slt, %scan3A_295, %sign3A_298 : i32
      %sign3A_300 = arith.extui %sign3A_299 : i1 to i32
      %sign3A_301 = arith.subi %sign3A_297, %sign3A_300 : i32
      %sign3A_302 = arith.constant 0 : i32
      %sign3A_303 = arith.cmpi sgt, %jit3A, %sign3A_302 : i32
      %sign3A_304 = arith.extui %sign3A_303 : i1 to i32
      %sign3A_305 = arith.constant 0 : i32
      %sign3A_306 = arith.cmpi slt, %jit3A, %sign3A_305 : i32
      %sign3A_307 = arith.extui %sign3A_306 : i1 to i32
      %sign3A_308 = arith.subi %sign3A_304, %sign3A_307 : i32
      %ne3A = arith.cmpi ne, %sign3A_301, %sign3A_308 : i32
      %rem3A = arith.remsi %scan3A_295, %jit3A : i32
      %ne3A_309 = arith.constant 0 : i32
      %ne3A_310 = arith.cmpi ne, %rem3A, %ne3A_309 : i32
      %and3A = arith.andi %ne3A, %ne3A_310 : i1
      %sub3A = arith.constant 1 : i32
      %sub3A_311 = arith.subi %div3A, %sub3A : i32
      %select_n3A = arith.select %and3A, %sub3A_311, %div3A : i32
      %jit3A_312 = arith.constant 8 : i32
      %eq3A = arith.constant 0 : i32
      %eq3A_313 = arith.cmpi eq, %jit3A_312, %eq3A : i32
      %jit3A_314 = arith.constant 1 : i32
      %select_n3A_315 = arith.select %eq3A_313, %jit3A_314, %jit3A_312 : i32
      %rem3A_316 = arith.remsi %scan3A_295, %select_n3A_315 : i32
      %ne3A_317 = arith.constant 0 : i32
      %ne3A_318 = arith.cmpi ne, %rem3A_316, %ne3A_317 : i32
      %lt3A = arith.constant 0 : i32
      %lt3A_319 = arith.cmpi slt, %rem3A_316, %lt3A : i32
      %lt3A_320 = arith.constant 0 : i32
      %lt3A_321 = arith.cmpi slt, %select_n3A_315, %lt3A_320 : i32
      %ne3A_322 = arith.xori %lt3A_319, %lt3A_321 : i1
      %and3A_323 = arith.andi %ne3A_322, %ne3A_318 : i1
      %add3A_324 = arith.addi %rem3A_316, %select_n3A_315 : i32
      %select_n3A_325 = arith.select %and3A_323, %add3A_324, %rem3A_316 : i32
      %mul3A_326 = arith.constant 16 : i32
      %mul3A_327 = arith.muli %select_n3A_325, %mul3A_326 : i32
      %get3A = arith.index_cast %select_n3A : i32 to index
      %get3A_328 = arith.index_cast %mul3A_327 : i32 to index
      %get3A_329 = tpu.vector_load %arg8[%get3A, %get3A_328] {strides = array<i32>} : memref<16x128xi32, #tpu.memory_space<vmem>>, vector<1x16xi32>,
      %get3A_330 = vector.shape_cast %get3A_329 : vector<1x16xi32> to vector<16xi32>
      %add3A_331 = vector.broadcast %mul3A_123 : i32 to vector<16xi32>
      %add3A_332 = arith.addi %get3A_330, %add3A_331 : vector<16xi32>
      %mul3A_333 = arith.constant 16 : i32
      %mul3A_334 = arith.muli %select_n3A_325, %mul3A_333 : i32
      %swap3A = arith.index_cast %select_n3A : i32 to index
      %swap3A_335 = arith.index_cast %mul3A_334 : i32 to index
      %swap3A_336 = tpu.vector_load %arg8[%swap3A, %swap3A_335] {strides = array<i32>} : memref<16x128xi32, #tpu.memory_space<vmem>>, vector<1x16xi32>,
      %swap3A_337 = vector.shape_cast %swap3A_336 : vector<1x16xi32> to vector<16xi32>
      %swap3A_338 = vector.shape_cast %add3A_332 : vector<16xi32> to vector<1x16xi32>
      tpu.vector_store %arg8[%swap3A, %swap3A_335], %swap3A_338 {strides = array<i32>} : memref<16x128xi32, #tpu.memory_space<vmem>>, vector<1x16xi32>,
    }
    %scan3A_129 = arith.constant 128 : i32
    %dma_start3A_130 = arith.constant 0 : i32
    %dma_start3A_131 = arith.constant 0 : i32
    %dma_start3A_132 = tpu.memref_slice %arg8[%dma_start3A_130, %dma_start3A_131] : memref<16x128xi32, #tpu.memory_space<vmem>> -> memref<1x128xi32, #tpu.memory_space<vmem>>
    %dma_start3A_133 = tpu.memref_squeeze %dma_start3A_132 : memref<1x128xi32, #tpu.memory_space<vmem>> -> memref<128xi32, #tpu.memory_space<vmem>>
    %dma_start3A_134 = arith.constant 0 : i32
    %dma_start3A_135 = arith.constant 0 : i32
    %dma_start3A_136 = tpu.memref_slice %arg2[%dma_start3A_134, %dma_start3A_135] : memref<20000x128xbf16, #tpu.memory_space<hbm>> -> memref<20000x128xbf16, #tpu.memory_space<hbm>>
    tpu.enqueue_indirect_dma source(%dma_start3A_136 : memref<20000x128xbf16, #tpu.memory_space<hbm>>) target(%arg11 : memref<128x128xbf16, #tpu.memory_space<vmem>>) offsets(%dma_start3A_133 : memref<128xi32, #tpu.memory_space<vmem>>) semaphore(%arg18 : memref<!tpu.dma_semaphore, #tpu.memory_space<semaphore_mem>>)
    %scan3A_137 = arith.constant 0 : i32
    %scan3A_138 = arith.constant 0 : i32
    %scan3A_139 = arith.constant 16 : i32
    %scan3A_140 = arith.addi %scan3A_138, %scan3A_139 : i32
    %scan3A_141 = arith.constant 1 : i32
    scf.for %scan3A_295 = %scan3A_138 to %scan3A_140 step %scan3A_141  : i32 {
      %add3A_296 = arith.constant 1 : i32
      %add3A_297 = arith.addi %scan3A_295, %add3A_296 : i32
      %lt3A = arith.constant 16 : i32
      %lt3A_298 = arith.cmpi slt, %add3A_297, %lt3A : i32
      %add3A_299 = arith.constant 1 : i32
      %add3A_300 = arith.addi %scan3A_295, %add3A_299 : i32
      %jit3A = arith.constant 2 : i32
      %eq3A = arith.constant 0 : i32
      %eq3A_301 = arith.cmpi eq, %jit3A, %eq3A : i32
      %jit3A_302 = arith.constant 1 : i32
      %select_n3A = arith.select %eq3A_301, %jit3A_302, %jit3A : i32
      %rem3A = arith.remsi %add3A_300, %select_n3A : i32
      %ne3A = arith.constant 0 : i32
      %ne3A_303 = arith.cmpi ne, %rem3A, %ne3A : i32
      %lt3A_304 = arith.constant 0 : i32
      %lt3A_305 = arith.cmpi slt, %rem3A, %lt3A_304 : i32
      %lt3A_306 = arith.constant 0 : i32
      %lt3A_307 = arith.cmpi slt, %select_n3A, %lt3A_306 : i32
      %ne3A_308 = arith.xori %lt3A_305, %lt3A_307 : i1
      %and3A = arith.andi %ne3A_308, %ne3A_303 : i1
      %add3A_309 = arith.addi %rem3A, %select_n3A : i32
      %select_n3A_310 = arith.select %and3A, %add3A_309, %rem3A : i32
      %eq3A_311 = arith.constant 0 : i32
      %eq3A_312 = arith.cmpi eq, %select_n3A_310, %eq3A_311 : i32
      %and3A_313 = arith.andi %lt3A_298, %eq3A_312 : i1
      %convert_element_type3A = arith.extui %and3A_313 : i1 to i32
      %cond3A = arith.constant 0 : i32
      %cond3A_314 = arith.cmpi ne, %convert_element_type3A, %cond3A : i32
      scf.if %cond3A_314 {
        %add3A_396 = arith.constant 1 : i32
        %add3A_397 = arith.addi %scan3A_295, %add3A_396 : i32
        %dma_start3A_398 = arith.constant 0 : i32
        %dma_start3A_399 = tpu.memref_slice %arg8[%add3A_397, %dma_start3A_398] : memref<16x128xi32, #tpu.memory_space<vmem>> -> memref<1x128xi32, #tpu.memory_space<vmem>>
        %dma_start3A_400 = tpu.memref_squeeze %dma_start3A_399 : memref<1x128xi32, #tpu.memory_space<vmem>> -> memref<128xi32, #tpu.memory_space<vmem>>
        %dma_start3A_401 = arith.constant 0 : i32
        %dma_start3A_402 = arith.constant 0 : i32
        %dma_start3A_403 = tpu.memref_slice %arg2[%dma_start3A_401, %dma_start3A_402] : memref<20000x128xbf16, #tpu.memory_space<hbm>> -> memref<20000x128xbf16, #tpu.memory_space<hbm>>
        tpu.enqueue_indirect_dma source(%dma_start3A_403 : memref<20000x128xbf16, #tpu.memory_space<hbm>>) target(%arg11 : memref<128x128xbf16, #tpu.memory_space<vmem>>) offsets(%dma_start3A_400 : memref<128xi32, #tpu.memory_space<vmem>>) semaphore(%arg18 : memref<!tpu.dma_semaphore, #tpu.memory_space<semaphore_mem>>)
      } else {
      }
      %add3A_315 = arith.constant 1 : i32
      %add3A_316 = arith.addi %scan3A_295, %add3A_315 : i32
      %lt3A_317 = arith.constant 16 : i32
      %lt3A_318 = arith.cmpi slt, %add3A_316, %lt3A_317 : i32
      %add3A_319 = arith.constant 1 : i32
      %add3A_320 = arith.addi %scan3A_295, %add3A_319 : i32
      %jit3A_321 = arith.constant 2 : i32
      %eq3A_322 = arith.constant 0 : i32
      %eq3A_323 = arith.cmpi eq, %jit3A_321, %eq3A_322 : i32
      %jit3A_324 = arith.constant 1 : i32
      %select_n3A_325 = arith.select %eq3A_323, %jit3A_324, %jit3A_321 : i32
      %rem3A_326 = arith.remsi %add3A_320, %select_n3A_325 : i32
      %ne3A_327 = arith.constant 0 : i32
      %ne3A_328 = arith.cmpi ne, %rem3A_326, %ne3A_327 : i32
      %lt3A_329 = arith.constant 0 : i32
      %lt3A_330 = arith.cmpi slt, %rem3A_326, %lt3A_329 : i32
      %lt3A_331 = arith.constant 0 : i32
      %lt3A_332 = arith.cmpi slt, %select_n3A_325, %lt3A_331 : i32
      %ne3A_333 = arith.xori %lt3A_330, %lt3A_332 : i1
      %and3A_334 = arith.andi %ne3A_333, %ne3A_328 : i1
      %add3A_335 = arith.addi %rem3A_326, %select_n3A_325 : i32
      %select_n3A_336 = arith.select %and3A_334, %add3A_335, %rem3A_326 : i32
      %eq3A_337 = arith.constant 1 : i32
      %eq3A_338 = arith.cmpi eq, %select_n3A_336, %eq3A_337 : i32
      %and3A_339 = arith.andi %lt3A_318, %eq3A_338 : i1
      %convert_element_type3A_340 = arith.extui %and3A_339 : i1 to i32
      %cond3A_341 = arith.constant 0 : i32
      %cond3A_342 = arith.cmpi ne, %convert_element_type3A_340, %cond3A_341 : i32
      scf.if %cond3A_342 {
        %add3A_396 = arith.constant 1 : i32
        %add3A_397 = arith.addi %scan3A_295, %add3A_396 : i32
        %dma_start3A_398 = arith.constant 0 : i32
        %dma_start3A_399 = tpu.memref_slice %arg8[%add3A_397, %dma_start3A_398] : memref<16x128xi32, #tpu.memory_space<vmem>> -> memref<1x128xi32, #tpu.memory_space<vmem>>
        %dma_start3A_400 = tpu.memref_squeeze %dma_start3A_399 : memref<1x128xi32, #tpu.memory_space<vmem>> -> memref<128xi32, #tpu.memory_space<vmem>>
        %dma_start3A_401 = arith.constant 0 : i32
        %dma_start3A_402 = arith.constant 0 : i32
        %dma_start3A_403 = tpu.memref_slice %arg2[%dma_start3A_401, %dma_start3A_402] : memref<20000x128xbf16, #tpu.memory_space<hbm>> -> memref<20000x128xbf16, #tpu.memory_space<hbm>>
        tpu.enqueue_indirect_dma source(%dma_start3A_403 : memref<20000x128xbf16, #tpu.memory_space<hbm>>) target(%arg12 : memref<128x128xbf16, #tpu.memory_space<vmem>>) offsets(%dma_start3A_400 : memref<128xi32, #tpu.memory_space<vmem>>) semaphore(%arg19 : memref<!tpu.dma_semaphore, #tpu.memory_space<semaphore_mem>>)
      } else {
      }
      %add3A_343 = arith.constant 16 : i32
      %add3A_344 = arith.addi %add3A_343, %scan3A_295 : i32
      %lt3A_345 = arith.constant 40 : i32
      %lt3A_346 = arith.cmpi slt, %add3A_344, %lt3A_345 : i32
      %eq3A_347 = arith.constant 0 : i32
      %eq3A_348 = arith.cmpi eq, %arg0, %eq3A_347 : i32
      %not3A = arith.constant true
      %not3A_349 = arith.xori %lt3A_346, %not3A : i1
      %select_n3A_350 = arith.select %eq3A_348, %lt3A_346, %not3A_349 : i1
      %convert_element_type3A_351 = arith.extui %select_n3A_350 : i1 to i32
      %cond3A_352 = arith.constant 0 : i32
      %cond3A_353 = arith.cmpi ne, %convert_element_type3A_351, %cond3A_352 : i32
      scf.if %cond3A_353 {
        "tpu.region"() ({
          %run_scoped3A = tpu.sem_alloc : memref<!tpu.dma_semaphore, #tpu.memory_space<semaphore_mem>>
          %dma_start3A_396 = arith.constant 0 : i32
          %dma_start3A_397 = tpu.memref_slice %arg10[%scan3A_295, %dma_start3A_396] : memref<16x128xi32, #tpu.memory_space<vmem>> -> memref<1x128xi32, #tpu.memory_space<vmem>>
          %dma_start3A_398 = tpu.memref_squeeze %dma_start3A_397 : memref<1x128xi32, #tpu.memory_space<vmem>> -> memref<128xi32, #tpu.memory_space<vmem>>
          %dma_start3A_399 = arith.constant 0 : i32
          %dma_start3A_400 = arith.constant 0 : i32
          %dma_start3A_401 = tpu.memref_slice %arg15[%dma_start3A_399, %dma_start3A_400] : memref<10016x16xf32, #tpu.memory_space<vmem_shared>> -> memref<10016x16xf32, #tpu.memory_space<vmem_shared>>
          tpu.enqueue_indirect_dma source(%arg13 : memref<128x16xf32, #tpu.memory_space<vmem>>) target(%dma_start3A_401 : memref<10016x16xf32, #tpu.memory_space<vmem_shared>>) offsets(%dma_start3A_398 : memref<128xi32, #tpu.memory_space<vmem>>) semaphore(%run_scoped3A : memref<!tpu.dma_semaphore, #tpu.memory_space<semaphore_mem>>) {add = true}
          %dma_wait3A_402 = arith.constant 0 : i32
          %dma_wait3A_403 = tpu.memref_slice %arg10[%scan3A_295, %dma_wait3A_402] : memref<16x128xi32, #tpu.memory_space<vmem>> -> memref<1x128xi32, #tpu.memory_space<vmem>>
          %dma_wait3A_404 = tpu.memref_squeeze %dma_wait3A_403 : memref<1x128xi32, #tpu.memory_space<vmem>> -> memref<128xi32, #tpu.memory_space<vmem>>
          %dma_wait3A_405 = arith.constant 0 : i32
          %dma_wait3A_406 = arith.constant 0 : i32
          %dma_wait3A_407 = tpu.memref_slice %arg15[%dma_wait3A_405, %dma_wait3A_406] : memref<10016x16xf32, #tpu.memory_space<vmem_shared>> -> memref<10016x16xf32, #tpu.memory_space<vmem_shared>>
          tpu.wait_indirect_dma semaphore(%run_scoped3A : memref<!tpu.dma_semaphore, #tpu.memory_space<semaphore_mem>>) src(%arg13 : memref<128x16xf32, #tpu.memory_space<vmem>>) dst(%dma_wait3A_407 : memref<10016x16xf32, #tpu.memory_space<vmem_shared>>)
          tpu.yield
        }) : () -> ()
      } else {
      }
      %jit3A_354 = arith.constant 2 : i32
      %eq3A_355 = arith.constant 0 : i32
      %eq3A_356 = arith.cmpi eq, %jit3A_354, %eq3A_355 : i32
      %jit3A_357 = arith.constant 1 : i32
      %select_n3A_358 = arith.select %eq3A_356, %jit3A_357, %jit3A_354 : i32
      %rem3A_359 = arith.remsi %scan3A_295, %select_n3A_358 : i32
      %ne3A_360 = arith.constant 0 : i32
      %ne3A_361 = arith.cmpi ne, %rem3A_359, %ne3A_360 : i32
      %lt3A_362 = arith.constant 0 : i32
      %lt3A_363 = arith.cmpi slt, %rem3A_359, %lt3A_362 : i32
      %lt3A_364 = arith.constant 0 : i32
      %lt3A_365 = arith.cmpi slt, %select_n3A_358, %lt3A_364 : i32
      %ne3A_366 = arith.xori %lt3A_363, %lt3A_365 : i1
      %and3A_367 = arith.andi %ne3A_366, %ne3A_361 : i1
      %add3A_368 = arith.addi %rem3A_359, %select_n3A_358 : i32
      %select_n3A_369 = arith.select %and3A_367, %add3A_368, %rem3A_359 : i32
      %eq3A_370 = arith.constant 0 : i32
      %eq3A_371 = arith.cmpi eq, %select_n3A_369, %eq3A_370 : i32
      %convert_element_type3A_372 = arith.extui %eq3A_371 : i1 to i32
      %cond3A_373 = arith.constant 0 : i32
      %cond3A_374 = arith.cmpi ne, %convert_element_type3A_372, %cond3A_373 : i32
      scf.if %cond3A_374 {
        %dma_wait3A_396 = arith.constant 0 : i32
        %dma_wait3A_397 = tpu.memref_slice %arg8[%scan3A_295, %dma_wait3A_396] : memref<16x128xi32, #tpu.memory_space<vmem>> -> memref<1x128xi32, #tpu.memory_space<vmem>>
        %dma_wait3A_398 = tpu.memref_squeeze %dma_wait3A_397 : memref<1x128xi32, #tpu.memory_space<vmem>> -> memref<128xi32, #tpu.memory_space<vmem>>
        %dma_wait3A_399 = arith.constant 0 : i32
        %dma_wait3A_400 = arith.constant 0 : i32
        %dma_wait3A_401 = tpu.memref_slice %arg2[%dma_wait3A_399, %dma_wait3A_400] : memref<20000x128xbf16, #tpu.memory_space<hbm>> -> memref<20000x128xbf16, #tpu.memory_space<hbm>>
        tpu.wait_indirect_dma semaphore(%arg18 : memref<!tpu.dma_semaphore, #tpu.memory_space<semaphore_mem>>) src(%dma_wait3A_401 : memref<20000x128xbf16, #tpu.memory_space<hbm>>) dst(%arg11 : memref<128x128xbf16, #tpu.memory_space<vmem>>)
        "tpu.region"() ({
          %run_scoped3A = tpu.sem_alloc : memref<!tpu.dma_semaphore, #tpu.memory_space<semaphore_mem>>
          %dma_start3A_402 = arith.constant 0 : i32
          %dma_start3A_403 = tpu.memref_slice %arg10[%scan3A_295, %dma_start3A_402] : memref<16x128xi32, #tpu.memory_space<vmem>> -> memref<1x128xi32, #tpu.memory_space<vmem>>
          %dma_start3A_404 = tpu.memref_squeeze %dma_start3A_403 : memref<1x128xi32, #tpu.memory_space<vmem>> -> memref<128xi32, #tpu.memory_space<vmem>>
          %dma_start3A_405 = arith.constant 0 : i32
          %dma_start3A_406 = arith.constant 0 : i32
          %dma_start3A_407 = tpu.memref_slice %arg14[%dma_start3A_405, %dma_start3A_406] : memref<10016x128xbf16, #tpu.memory_space<vmem_shared>> -> memref<10016x128xbf16, #tpu.memory_space<vmem_shared>>
          tpu.enqueue_indirect_dma source(%arg11 : memref<128x128xbf16, #tpu.memory_space<vmem>>) target(%dma_start3A_407 : memref<10016x128xbf16, #tpu.memory_space<vmem_shared>>) offsets(%dma_start3A_404 : memref<128xi32, #tpu.memory_space<vmem>>) semaphore(%run_scoped3A : memref<!tpu.dma_semaphore, #tpu.memory_space<semaphore_mem>>) {add = true}
          %dma_wait3A_408 = arith.constant 0 : i32
          %dma_wait3A_409 = tpu.memref_slice %arg10[%scan3A_295, %dma_wait3A_408] : memref<16x128xi32, #tpu.memory_space<vmem>> -> memref<1x128xi32, #tpu.memory_space<vmem>>
          %dma_wait3A_410 = tpu.memref_squeeze %dma_wait3A_409 : memref<1x128xi32, #tpu.memory_space<vmem>> -> memref<128xi32, #tpu.memory_space<vmem>>
          %dma_wait3A_411 = arith.constant 0 : i32
          %dma_wait3A_412 = arith.constant 0 : i32
          %dma_wait3A_413 = tpu.memref_slice %arg14[%dma_wait3A_411, %dma_wait3A_412] : memref<10016x128xbf16, #tpu.memory_space<vmem_shared>> -> memref<10016x128xbf16, #tpu.memory_space<vmem_shared>>
          tpu.wait_indirect_dma semaphore(%run_scoped3A : memref<!tpu.dma_semaphore, #tpu.memory_space<semaphore_mem>>) src(%arg11 : memref<128x128xbf16, #tpu.memory_space<vmem>>) dst(%dma_wait3A_413 : memref<10016x128xbf16, #tpu.memory_space<vmem_shared>>)
          tpu.yield
        }) : () -> ()
      } else {
      }
      %jit3A_375 = arith.constant 2 : i32
      %eq3A_376 = arith.constant 0 : i32
      %eq3A_377 = arith.cmpi eq, %jit3A_375, %eq3A_376 : i32
      %jit3A_378 = arith.constant 1 : i32
      %select_n3A_379 = arith.select %eq3A_377, %jit3A_378, %jit3A_375 : i32
      %rem3A_380 = arith.remsi %scan3A_295, %select_n3A_379 : i32
      %ne3A_381 = arith.constant 0 : i32
      %ne3A_382 = arith.cmpi ne, %rem3A_380, %ne3A_381 : i32
      %lt3A_383 = arith.constant 0 : i32
      %lt3A_384 = arith.cmpi slt, %rem3A_380, %lt3A_383 : i32
      %lt3A_385 = arith.constant 0 : i32
      %lt3A_386 = arith.cmpi slt, %select_n3A_379, %lt3A_385 : i32
      %ne3A_387 = arith.xori %lt3A_384, %lt3A_386 : i1
      %and3A_388 = arith.andi %ne3A_387, %ne3A_382 : i1
      %add3A_389 = arith.addi %rem3A_380, %select_n3A_379 : i32
      %select_n3A_390 = arith.select %and3A_388, %add3A_389, %rem3A_380 : i32
      %eq3A_391 = arith.constant 1 : i32
      %eq3A_392 = arith.cmpi eq, %select_n3A_390, %eq3A_391 : i32
      %convert_element_type3A_393 = arith.extui %eq3A_392 : i1 to i32
      %cond3A_394 = arith.constant 0 : i32
      %cond3A_395 = arith.cmpi ne, %convert_element_type3A_393, %cond3A_394 : i32
      scf.if %cond3A_395 {
        %dma_wait3A_396 = arith.constant 0 : i32
        %dma_wait3A_397 = tpu.memref_slice %arg8[%scan3A_295, %dma_wait3A_396] : memref<16x128xi32, #tpu.memory_space<vmem>> -> memref<1x128xi32, #tpu.memory_space<vmem>>
        %dma_wait3A_398 = tpu.memref_squeeze %dma_wait3A_397 : memref<1x128xi32, #tpu.memory_space<vmem>> -> memref<128xi32, #tpu.memory_space<vmem>>
        %dma_wait3A_399 = arith.constant 0 : i32
        %dma_wait3A_400 = arith.constant 0 : i32
        %dma_wait3A_401 = tpu.memref_slice %arg2[%dma_wait3A_399, %dma_wait3A_400] : memref<20000x128xbf16, #tpu.memory_space<hbm>> -> memref<20000x128xbf16, #tpu.memory_space<hbm>>
        tpu.wait_indirect_dma semaphore(%arg19 : memref<!tpu.dma_semaphore, #tpu.memory_space<semaphore_mem>>) src(%dma_wait3A_401 : memref<20000x128xbf16, #tpu.memory_space<hbm>>) dst(%arg12 : memref<128x128xbf16, #tpu.memory_space<vmem>>)
        "tpu.region"() ({
          %run_scoped3A = tpu.sem_alloc : memref<!tpu.dma_semaphore, #tpu.memory_space<semaphore_mem>>
          %dma_start3A_402 = arith.constant 0 : i32
          %dma_start3A_403 = tpu.memref_slice %arg10[%scan3A_295, %dma_start3A_402] : memref<16x128xi32, #tpu.memory_space<vmem>> -> memref<1x128xi32, #tpu.memory_space<vmem>>
          %dma_start3A_404 = tpu.memref_squeeze %dma_start3A_403 : memref<1x128xi32, #tpu.memory_space<vmem>> -> memref<128xi32, #tpu.memory_space<vmem>>
          %dma_start3A_405 = arith.constant 0 : i32
          %dma_start3A_406 = arith.constant 0 : i32
          %dma_start3A_407 = tpu.memref_slice %arg14[%dma_start3A_405, %dma_start3A_406] : memref<10016x128xbf16, #tpu.memory_space<vmem_shared>> -> memref<10016x128xbf16, #tpu.memory_space<vmem_shared>>
          tpu.enqueue_indirect_dma source(%arg12 : memref<128x128xbf16, #tpu.memory_space<vmem>>) target(%dma_start3A_407 : memref<10016x128xbf16, #tpu.memory_space<vmem_shared>>) offsets(%dma_start3A_404 : memref<128xi32, #tpu.memory_space<vmem>>) semaphore(%run_scoped3A : memref<!tpu.dma_semaphore, #tpu.memory_space<semaphore_mem>>) {add = true}
          %dma_wait3A_408 = arith.constant 0 : i32
          %dma_wait3A_409 = tpu.memref_slice %arg10[%scan3A_295, %dma_wait3A_408] : memref<16x128xi32, #tpu.memory_space<vmem>> -> memref<1x128xi32, #tpu.memory_space<vmem>>
          %dma_wait3A_410 = tpu.memref_squeeze %dma_wait3A_409 : memref<1x128xi32, #tpu.memory_space<vmem>> -> memref<128xi32, #tpu.memory_space<vmem>>
          %dma_wait3A_411 = arith.constant 0 : i32
          %dma_wait3A_412 = arith.constant 0 : i32
          %dma_wait3A_413 = tpu.memref_slice %arg14[%dma_wait3A_411, %dma_wait3A_412] : memref<10016x128xbf16, #tpu.memory_space<vmem_shared>> -> memref<10016x128xbf16, #tpu.memory_space<vmem_shared>>
          tpu.wait_indirect_dma semaphore(%run_scoped3A : memref<!tpu.dma_semaphore, #tpu.memory_space<semaphore_mem>>) src(%arg12 : memref<128x128xbf16, #tpu.memory_space<vmem>>) dst(%dma_wait3A_413 : memref<10016x128xbf16, #tpu.memory_space<vmem_shared>>)
          tpu.yield
        }) : () -> ()
      } else {
      }
    }
    %scan3A_142 = arith.constant 16 : i32
    %dma_wait3A_143 = arith.constant 32 : i32
    %dma_wait3A_144 = arith.constant 0 : i32
    %dma_wait3A_145 = tpu.memref_slice %arg3[%arg1, %dma_wait3A_143, %dma_wait3A_144] : memref<16x80x128xi32, #tpu.memory_space<hbm>> -> memref<1x16x128xi32, #tpu.memory_space<hbm>>
    %dma_wait3A_146 = tpu.memref_squeeze %dma_wait3A_145 : memref<1x16x128xi32, #tpu.memory_space<hbm>> -> memref<16x128xi32, #tpu.memory_space<hbm>>
    %dma_wait3A_147 = arith.constant 32 : i32
    %dma_wait3A_148 = arith.constant 0 : i32
    %dma_wait3A_149 = tpu.memref_slice %arg3[%arg1, %dma_wait3A_147, %dma_wait3A_148] : memref<16x80x128xi32, #tpu.memory_space<hbm>> -> memref<1x16x128xi32, #tpu.memory_space<hbm>>
    %dma_wait3A_150 = tpu.memref_squeeze %dma_wait3A_149 : memref<1x16x128xi32, #tpu.memory_space<hbm>> -> memref<16x128xi32, #tpu.memory_space<hbm>>
    tpu.wait_dma2 semaphore(%arg16 : memref<!tpu.dma_semaphore, #tpu.memory_space<semaphore_mem>>) src(%dma_wait3A_150 : memref<16x128xi32, #tpu.memory_space<hbm>>) dst(%arg7 : memref<16x128xi32, #tpu.memory_space<vmem>>)
    %dma_wait3A_151 = arith.constant 32 : i32
    %dma_wait3A_152 = arith.constant 0 : i32
    %dma_wait3A_153 = tpu.memref_slice %arg4[%arg1, %dma_wait3A_151, %dma_wait3A_152] : memref<16x80x128xi32, #tpu.memory_space<hbm>> -> memref<1x16x128xi32, #tpu.memory_space<hbm>>
    %dma_wait3A_154 = tpu.memref_squeeze %dma_wait3A_153 : memref<1x16x128xi32, #tpu.memory_space<hbm>> -> memref<16x128xi32, #tpu.memory_space<hbm>>
    %dma_wait3A_155 = arith.constant 32 : i32
    %dma_wait3A_156 = arith.constant 0 : i32
    %dma_wait3A_157 = tpu.memref_slice %arg4[%arg1, %dma_wait3A_155, %dma_wait3A_156] : memref<16x80x128xi32, #tpu.memory_space<hbm>> -> memref<1x16x128xi32, #tpu.memory_space<hbm>>
    %dma_wait3A_158 = tpu.memref_squeeze %dma_wait3A_157 : memref<1x16x128xi32, #tpu.memory_space<hbm>> -> memref<16x128xi32, #tpu.memory_space<hbm>>
    tpu.wait_dma2 semaphore(%arg16 : memref<!tpu.dma_semaphore, #tpu.memory_space<semaphore_mem>>) src(%dma_wait3A_158 : memref<16x128xi32, #tpu.memory_space<hbm>>) dst(%arg9 : memref<16x128xi32, #tpu.memory_space<vmem>>)
    %dma_start3A_159 = arith.constant 48 : i32
    %dma_start3A_160 = arith.constant 0 : i32
    %dma_start3A_161 = tpu.memref_slice %arg3[%arg1, %dma_start3A_159, %dma_start3A_160] : memref<16x80x128xi32, #tpu.memory_space<hbm>> -> memref<1x16x128xi32, #tpu.memory_space<hbm>>
    %dma_start3A_162 = tpu.memref_squeeze %dma_start3A_161 : memref<1x16x128xi32, #tpu.memory_space<hbm>> -> memref<16x128xi32, #tpu.memory_space<hbm>>
    %dma_start3A_163 = arith.constant 48 : i32
    %dma_start3A_164 = arith.constant 0 : i32
    %dma_start3A_165 = tpu.memref_slice %arg3[%arg1, %dma_start3A_163, %dma_start3A_164] : memref<16x80x128xi32, #tpu.memory_space<hbm>> -> memref<1x16x128xi32, #tpu.memory_space<hbm>>
    %dma_start3A_166 = tpu.memref_squeeze %dma_start3A_165 : memref<1x16x128xi32, #tpu.memory_space<hbm>> -> memref<16x128xi32, #tpu.memory_space<hbm>>
    tpu.enqueue_dma source(%dma_start3A_166 : memref<16x128xi32, #tpu.memory_space<hbm>>) target(%arg8 : memref<16x128xi32, #tpu.memory_space<vmem>>) target_semaphore(%arg17 : memref<!tpu.dma_semaphore, #tpu.memory_space<semaphore_mem>>)
    %dma_start3A_167 = arith.constant 48 : i32
    %dma_start3A_168 = arith.constant 0 : i32
    %dma_start3A_169 = tpu.memref_slice %arg4[%arg1, %dma_start3A_167, %dma_start3A_168] : memref<16x80x128xi32, #tpu.memory_space<hbm>> -> memref<1x16x128xi32, #tpu.memory_space<hbm>>
    %dma_start3A_170 = tpu.memref_squeeze %dma_start3A_169 : memref<1x16x128xi32, #tpu.memory_space<hbm>> -> memref<16x128xi32, #tpu.memory_space<hbm>>
    %dma_start3A_171 = arith.constant 48 : i32
    %dma_start3A_172 = arith.constant 0 : i32
    %dma_start3A_173 = tpu.memref_slice %arg4[%arg1, %dma_start3A_171, %dma_start3A_172] : memref<16x80x128xi32, #tpu.memory_space<hbm>> -> memref<1x16x128xi32, #tpu.memory_space<hbm>>
    %dma_start3A_174 = tpu.memref_squeeze %dma_start3A_173 : memref<1x16x128xi32, #tpu.memory_space<hbm>> -> memref<16x128xi32, #tpu.memory_space<hbm>>
    tpu.enqueue_dma source(%dma_start3A_174 : memref<16x128xi32, #tpu.memory_space<hbm>>) target(%arg10 : memref<16x128xi32, #tpu.memory_space<vmem>>) target_semaphore(%arg17 : memref<!tpu.dma_semaphore, #tpu.memory_space<semaphore_mem>>)
    %mul3A_175 = arith.constant 10000 : i32
    %mul3A_176 = arith.muli %arg0, %mul3A_175 : i32
    %scan3A_177 = arith.constant 0 : i32
    %scan3A_178 = arith.constant 0 : i32
    %scan3A_179 = arith.constant 128 : i32
    %scan3A_180 = arith.addi %scan3A_178, %scan3A_179 : i32
    %scan3A_181 = arith.constant 1 : i32
    scf.for %scan3A_295 = %scan3A_178 to %scan3A_180 step %scan3A_181  : i32 {
      %jit3A = arith.constant 8 : i32
      %div3A = arith.divsi %scan3A_295, %jit3A : i32
      %sign3A = arith.constant 0 : i32
      %sign3A_296 = arith.cmpi sgt, %scan3A_295, %sign3A : i32
      %sign3A_297 = arith.extui %sign3A_296 : i1 to i32
      %sign3A_298 = arith.constant 0 : i32
      %sign3A_299 = arith.cmpi slt, %scan3A_295, %sign3A_298 : i32
      %sign3A_300 = arith.extui %sign3A_299 : i1 to i32
      %sign3A_301 = arith.subi %sign3A_297, %sign3A_300 : i32
      %sign3A_302 = arith.constant 0 : i32
      %sign3A_303 = arith.cmpi sgt, %jit3A, %sign3A_302 : i32
      %sign3A_304 = arith.extui %sign3A_303 : i1 to i32
      %sign3A_305 = arith.constant 0 : i32
      %sign3A_306 = arith.cmpi slt, %jit3A, %sign3A_305 : i32
      %sign3A_307 = arith.extui %sign3A_306 : i1 to i32
      %sign3A_308 = arith.subi %sign3A_304, %sign3A_307 : i32
      %ne3A = arith.cmpi ne, %sign3A_301, %sign3A_308 : i32
      %rem3A = arith.remsi %scan3A_295, %jit3A : i32
      %ne3A_309 = arith.constant 0 : i32
      %ne3A_310 = arith.cmpi ne, %rem3A, %ne3A_309 : i32
      %and3A = arith.andi %ne3A, %ne3A_310 : i1
      %sub3A = arith.constant 1 : i32
      %sub3A_311 = arith.subi %div3A, %sub3A : i32
      %select_n3A = arith.select %and3A, %sub3A_311, %div3A : i32
      %jit3A_312 = arith.constant 8 : i32
      %eq3A = arith.constant 0 : i32
      %eq3A_313 = arith.cmpi eq, %jit3A_312, %eq3A : i32
      %jit3A_314 = arith.constant 1 : i32
      %select_n3A_315 = arith.select %eq3A_313, %jit3A_314, %jit3A_312 : i32
      %rem3A_316 = arith.remsi %scan3A_295, %select_n3A_315 : i32
      %ne3A_317 = arith.constant 0 : i32
      %ne3A_318 = arith.cmpi ne, %rem3A_316, %ne3A_317 : i32
      %lt3A = arith.constant 0 : i32
      %lt3A_319 = arith.cmpi slt, %rem3A_316, %lt3A : i32
      %lt3A_320 = arith.constant 0 : i32
      %lt3A_321 = arith.cmpi slt, %select_n3A_315, %lt3A_320 : i32
      %ne3A_322 = arith.xori %lt3A_319, %lt3A_321 : i1
      %and3A_323 = arith.andi %ne3A_322, %ne3A_318 : i1
      %add3A_324 = arith.addi %rem3A_316, %select_n3A_315 : i32
      %select_n3A_325 = arith.select %and3A_323, %add3A_324, %rem3A_316 : i32
      %mul3A_326 = arith.constant 16 : i32
      %mul3A_327 = arith.muli %select_n3A_325, %mul3A_326 : i32
      %get3A = arith.index_cast %select_n3A : i32 to index
      %get3A_328 = arith.index_cast %mul3A_327 : i32 to index
      %get3A_329 = tpu.vector_load %arg7[%get3A, %get3A_328] {strides = array<i32>} : memref<16x128xi32, #tpu.memory_space<vmem>>, vector<1x16xi32>,
      %get3A_330 = vector.shape_cast %get3A_329 : vector<1x16xi32> to vector<16xi32>
      %add3A_331 = vector.broadcast %mul3A_176 : i32 to vector<16xi32>
      %add3A_332 = arith.addi %get3A_330, %add3A_331 : vector<16xi32>
      %mul3A_333 = arith.constant 16 : i32
      %mul3A_334 = arith.muli %select_n3A_325, %mul3A_333 : i32
      %swap3A = arith.index_cast %select_n3A : i32 to index
      %swap3A_335 = arith.index_cast %mul3A_334 : i32 to index
      %swap3A_336 = tpu.vector_load %arg7[%swap3A, %swap3A_335] {strides = array<i32>} : memref<16x128xi32, #tpu.memory_space<vmem>>, vector<1x16xi32>,
      %swap3A_337 = vector.shape_cast %swap3A_336 : vector<1x16xi32> to vector<16xi32>
      %swap3A_338 = vector.shape_cast %add3A_332 : vector<16xi32> to vector<1x16xi32>
      tpu.vector_store %arg7[%swap3A, %swap3A_335], %swap3A_338 {strides = array<i32>} : memref<16x128xi32, #tpu.memory_space<vmem>>, vector<1x16xi32>,
    }
    %scan3A_182 = arith.constant 128 : i32
    %dma_start3A_183 = arith.constant 0 : i32
    %dma_start3A_184 = arith.constant 0 : i32
    %dma_start3A_185 = tpu.memref_slice %arg7[%dma_start3A_183, %dma_start3A_184] : memref<16x128xi32, #tpu.memory_space<vmem>> -> memref<1x128xi32, #tpu.memory_space<vmem>>
    %dma_start3A_186 = tpu.memref_squeeze %dma_start3A_185 : memref<1x128xi32, #tpu.memory_space<vmem>> -> memref<128xi32, #tpu.memory_space<vmem>>
    %dma_start3A_187 = arith.constant 0 : i32
    %dma_start3A_188 = arith.constant 0 : i32
    %dma_start3A_189 = tpu.memref_slice %arg2[%dma_start3A_187, %dma_start3A_188] : memref<20000x128xbf16, #tpu.memory_space<hbm>> -> memref<20000x128xbf16, #tpu.memory_space<hbm>>
    tpu.enqueue_indirect_dma source(%dma_start3A_189 : memref<20000x128xbf16, #tpu.memory_space<hbm>>) target(%arg11 : memref<128x128xbf16, #tpu.memory_space<vmem>>) offsets(%dma_start3A_186 : memref<128xi32, #tpu.memory_space<vmem>>) semaphore(%arg18 : memref<!tpu.dma_semaphore, #tpu.memory_space<semaphore_mem>>)
    %scan3A_190 = arith.constant 0 : i32
    %scan3A_191 = arith.constant 0 : i32
    %scan3A_192 = arith.constant 16 : i32
    %scan3A_193 = arith.addi %scan3A_191, %scan3A_192 : i32
    %scan3A_194 = arith.constant 1 : i32
    scf.for %scan3A_295 = %scan3A_191 to %scan3A_193 step %scan3A_194  : i32 {
      %add3A_296 = arith.constant 1 : i32
      %add3A_297 = arith.addi %scan3A_295, %add3A_296 : i32
      %lt3A = arith.constant 16 : i32
      %lt3A_298 = arith.cmpi slt, %add3A_297, %lt3A : i32
      %add3A_299 = arith.constant 1 : i32
      %add3A_300 = arith.addi %scan3A_295, %add3A_299 : i32
      %jit3A = arith.constant 2 : i32
      %eq3A = arith.constant 0 : i32
      %eq3A_301 = arith.cmpi eq, %jit3A, %eq3A : i32
      %jit3A_302 = arith.constant 1 : i32
      %select_n3A = arith.select %eq3A_301, %jit3A_302, %jit3A : i32
      %rem3A = arith.remsi %add3A_300, %select_n3A : i32
      %ne3A = arith.constant 0 : i32
      %ne3A_303 = arith.cmpi ne, %rem3A, %ne3A : i32
      %lt3A_304 = arith.constant 0 : i32
      %lt3A_305 = arith.cmpi slt, %rem3A, %lt3A_304 : i32
      %lt3A_306 = arith.constant 0 : i32
      %lt3A_307 = arith.cmpi slt, %select_n3A, %lt3A_306 : i32
      %ne3A_308 = arith.xori %lt3A_305, %lt3A_307 : i1
      %and3A = arith.andi %ne3A_308, %ne3A_303 : i1
      %add3A_309 = arith.addi %rem3A, %select_n3A : i32
      %select_n3A_310 = arith.select %and3A, %add3A_309, %rem3A : i32
      %eq3A_311 = arith.constant 0 : i32
      %eq3A_312 = arith.cmpi eq, %select_n3A_310, %eq3A_311 : i32
      %and3A_313 = arith.andi %lt3A_298, %eq3A_312 : i1
      %convert_element_type3A = arith.extui %and3A_313 : i1 to i32
      %cond3A = arith.constant 0 : i32
      %cond3A_314 = arith.cmpi ne, %convert_element_type3A, %cond3A : i32
      scf.if %cond3A_314 {
        %add3A_396 = arith.constant 1 : i32
        %add3A_397 = arith.addi %scan3A_295, %add3A_396 : i32
        %dma_start3A_398 = arith.constant 0 : i32
        %dma_start3A_399 = tpu.memref_slice %arg7[%add3A_397, %dma_start3A_398] : memref<16x128xi32, #tpu.memory_space<vmem>> -> memref<1x128xi32, #tpu.memory_space<vmem>>
        %dma_start3A_400 = tpu.memref_squeeze %dma_start3A_399 : memref<1x128xi32, #tpu.memory_space<vmem>> -> memref<128xi32, #tpu.memory_space<vmem>>
        %dma_start3A_401 = arith.constant 0 : i32
        %dma_start3A_402 = arith.constant 0 : i32
        %dma_start3A_403 = tpu.memref_slice %arg2[%dma_start3A_401, %dma_start3A_402] : memref<20000x128xbf16, #tpu.memory_space<hbm>> -> memref<20000x128xbf16, #tpu.memory_space<hbm>>
        tpu.enqueue_indirect_dma source(%dma_start3A_403 : memref<20000x128xbf16, #tpu.memory_space<hbm>>) target(%arg11 : memref<128x128xbf16, #tpu.memory_space<vmem>>) offsets(%dma_start3A_400 : memref<128xi32, #tpu.memory_space<vmem>>) semaphore(%arg18 : memref<!tpu.dma_semaphore, #tpu.memory_space<semaphore_mem>>)
      } else {
      }
      %add3A_315 = arith.constant 1 : i32
      %add3A_316 = arith.addi %scan3A_295, %add3A_315 : i32
      %lt3A_317 = arith.constant 16 : i32
      %lt3A_318 = arith.cmpi slt, %add3A_316, %lt3A_317 : i32
      %add3A_319 = arith.constant 1 : i32
      %add3A_320 = arith.addi %scan3A_295, %add3A_319 : i32
      %jit3A_321 = arith.constant 2 : i32
      %eq3A_322 = arith.constant 0 : i32
      %eq3A_323 = arith.cmpi eq, %jit3A_321, %eq3A_322 : i32
      %jit3A_324 = arith.constant 1 : i32
      %select_n3A_325 = arith.select %eq3A_323, %jit3A_324, %jit3A_321 : i32
      %rem3A_326 = arith.remsi %add3A_320, %select_n3A_325 : i32
      %ne3A_327 = arith.constant 0 : i32
      %ne3A_328 = arith.cmpi ne, %rem3A_326, %ne3A_327 : i32
      %lt3A_329 = arith.constant 0 : i32
      %lt3A_330 = arith.cmpi slt, %rem3A_326, %lt3A_329 : i32
      %lt3A_331 = arith.constant 0 : i32
      %lt3A_332 = arith.cmpi slt, %select_n3A_325, %lt3A_331 : i32
      %ne3A_333 = arith.xori %lt3A_330, %lt3A_332 : i1
      %and3A_334 = arith.andi %ne3A_333, %ne3A_328 : i1
      %add3A_335 = arith.addi %rem3A_326, %select_n3A_325 : i32
      %select_n3A_336 = arith.select %and3A_334, %add3A_335, %rem3A_326 : i32
      %eq3A_337 = arith.constant 1 : i32
      %eq3A_338 = arith.cmpi eq, %select_n3A_336, %eq3A_337 : i32
      %and3A_339 = arith.andi %lt3A_318, %eq3A_338 : i1
      %convert_element_type3A_340 = arith.extui %and3A_339 : i1 to i32
      %cond3A_341 = arith.constant 0 : i32
      %cond3A_342 = arith.cmpi ne, %convert_element_type3A_340, %cond3A_341 : i32
      scf.if %cond3A_342 {
        %add3A_396 = arith.constant 1 : i32
        %add3A_397 = arith.addi %scan3A_295, %add3A_396 : i32
        %dma_start3A_398 = arith.constant 0 : i32
        %dma_start3A_399 = tpu.memref_slice %arg7[%add3A_397, %dma_start3A_398] : memref<16x128xi32, #tpu.memory_space<vmem>> -> memref<1x128xi32, #tpu.memory_space<vmem>>
        %dma_start3A_400 = tpu.memref_squeeze %dma_start3A_399 : memref<1x128xi32, #tpu.memory_space<vmem>> -> memref<128xi32, #tpu.memory_space<vmem>>
        %dma_start3A_401 = arith.constant 0 : i32
        %dma_start3A_402 = arith.constant 0 : i32
        %dma_start3A_403 = tpu.memref_slice %arg2[%dma_start3A_401, %dma_start3A_402] : memref<20000x128xbf16, #tpu.memory_space<hbm>> -> memref<20000x128xbf16, #tpu.memory_space<hbm>>
        tpu.enqueue_indirect_dma source(%dma_start3A_403 : memref<20000x128xbf16, #tpu.memory_space<hbm>>) target(%arg12 : memref<128x128xbf16, #tpu.memory_space<vmem>>) offsets(%dma_start3A_400 : memref<128xi32, #tpu.memory_space<vmem>>) semaphore(%arg19 : memref<!tpu.dma_semaphore, #tpu.memory_space<semaphore_mem>>)
      } else {
      }
      %add3A_343 = arith.constant 32 : i32
      %add3A_344 = arith.addi %add3A_343, %scan3A_295 : i32
      %lt3A_345 = arith.constant 40 : i32
      %lt3A_346 = arith.cmpi slt, %add3A_344, %lt3A_345 : i32
      %eq3A_347 = arith.constant 0 : i32
      %eq3A_348 = arith.cmpi eq, %arg0, %eq3A_347 : i32
      %not3A = arith.constant true
      %not3A_349 = arith.xori %lt3A_346, %not3A : i1
      %select_n3A_350 = arith.select %eq3A_348, %lt3A_346, %not3A_349 : i1
      %convert_element_type3A_351 = arith.extui %select_n3A_350 : i1 to i32
      %cond3A_352 = arith.constant 0 : i32
      %cond3A_353 = arith.cmpi ne, %convert_element_type3A_351, %cond3A_352 : i32
      scf.if %cond3A_353 {
        "tpu.region"() ({
          %run_scoped3A = tpu.sem_alloc : memref<!tpu.dma_semaphore, #tpu.memory_space<semaphore_mem>>
          %dma_start3A_396 = arith.constant 0 : i32
          %dma_start3A_397 = tpu.memref_slice %arg9[%scan3A_295, %dma_start3A_396] : memref<16x128xi32, #tpu.memory_space<vmem>> -> memref<1x128xi32, #tpu.memory_space<vmem>>
          %dma_start3A_398 = tpu.memref_squeeze %dma_start3A_397 : memref<1x128xi32, #tpu.memory_space<vmem>> -> memref<128xi32, #tpu.memory_space<vmem>>
          %dma_start3A_399 = arith.constant 0 : i32
          %dma_start3A_400 = arith.constant 0 : i32
          %dma_start3A_401 = tpu.memref_slice %arg15[%dma_start3A_399, %dma_start3A_400] : memref<10016x16xf32, #tpu.memory_space<vmem_shared>> -> memref<10016x16xf32, #tpu.memory_space<vmem_shared>>
          tpu.enqueue_indirect_dma source(%arg13 : memref<128x16xf32, #tpu.memory_space<vmem>>) target(%dma_start3A_401 : memref<10016x16xf32, #tpu.memory_space<vmem_shared>>) offsets(%dma_start3A_398 : memref<128xi32, #tpu.memory_space<vmem>>) semaphore(%run_scoped3A : memref<!tpu.dma_semaphore, #tpu.memory_space<semaphore_mem>>) {add = true}
          %dma_wait3A_402 = arith.constant 0 : i32
          %dma_wait3A_403 = tpu.memref_slice %arg9[%scan3A_295, %dma_wait3A_402] : memref<16x128xi32, #tpu.memory_space<vmem>> -> memref<1x128xi32, #tpu.memory_space<vmem>>
          %dma_wait3A_404 = tpu.memref_squeeze %dma_wait3A_403 : memref<1x128xi32, #tpu.memory_space<vmem>> -> memref<128xi32, #tpu.memory_space<vmem>>
          %dma_wait3A_405 = arith.constant 0 : i32
          %dma_wait3A_406 = arith.constant 0 : i32
          %dma_wait3A_407 = tpu.memref_slice %arg15[%dma_wait3A_405, %dma_wait3A_406] : memref<10016x16xf32, #tpu.memory_space<vmem_shared>> -> memref<10016x16xf32, #tpu.memory_space<vmem_shared>>
          tpu.wait_indirect_dma semaphore(%run_scoped3A : memref<!tpu.dma_semaphore, #tpu.memory_space<semaphore_mem>>) src(%arg13 : memref<128x16xf32, #tpu.memory_space<vmem>>) dst(%dma_wait3A_407 : memref<10016x16xf32, #tpu.memory_space<vmem_shared>>)
          tpu.yield
        }) : () -> ()
      } else {
      }
      %jit3A_354 = arith.constant 2 : i32
      %eq3A_355 = arith.constant 0 : i32
      %eq3A_356 = arith.cmpi eq, %jit3A_354, %eq3A_355 : i32
      %jit3A_357 = arith.constant 1 : i32
      %select_n3A_358 = arith.select %eq3A_356, %jit3A_357, %jit3A_354 : i32
      %rem3A_359 = arith.remsi %scan3A_295, %select_n3A_358 : i32
      %ne3A_360 = arith.constant 0 : i32
      %ne3A_361 = arith.cmpi ne, %rem3A_359, %ne3A_360 : i32
      %lt3A_362 = arith.constant 0 : i32
      %lt3A_363 = arith.cmpi slt, %rem3A_359, %lt3A_362 : i32
      %lt3A_364 = arith.constant 0 : i32
      %lt3A_365 = arith.cmpi slt, %select_n3A_358, %lt3A_364 : i32
      %ne3A_366 = arith.xori %lt3A_363, %lt3A_365 : i1
      %and3A_367 = arith.andi %ne3A_366, %ne3A_361 : i1
      %add3A_368 = arith.addi %rem3A_359, %select_n3A_358 : i32
      %select_n3A_369 = arith.select %and3A_367, %add3A_368, %rem3A_359 : i32
      %eq3A_370 = arith.constant 0 : i32
      %eq3A_371 = arith.cmpi eq, %select_n3A_369, %eq3A_370 : i32
      %convert_element_type3A_372 = arith.extui %eq3A_371 : i1 to i32
      %cond3A_373 = arith.constant 0 : i32
      %cond3A_374 = arith.cmpi ne, %convert_element_type3A_372, %cond3A_373 : i32
      scf.if %cond3A_374 {
        %dma_wait3A_396 = arith.constant 0 : i32
        %dma_wait3A_397 = tpu.memref_slice %arg7[%scan3A_295, %dma_wait3A_396] : memref<16x128xi32, #tpu.memory_space<vmem>> -> memref<1x128xi32, #tpu.memory_space<vmem>>
        %dma_wait3A_398 = tpu.memref_squeeze %dma_wait3A_397 : memref<1x128xi32, #tpu.memory_space<vmem>> -> memref<128xi32, #tpu.memory_space<vmem>>
        %dma_wait3A_399 = arith.constant 0 : i32
        %dma_wait3A_400 = arith.constant 0 : i32
        %dma_wait3A_401 = tpu.memref_slice %arg2[%dma_wait3A_399, %dma_wait3A_400] : memref<20000x128xbf16, #tpu.memory_space<hbm>> -> memref<20000x128xbf16, #tpu.memory_space<hbm>>
        tpu.wait_indirect_dma semaphore(%arg18 : memref<!tpu.dma_semaphore, #tpu.memory_space<semaphore_mem>>) src(%dma_wait3A_401 : memref<20000x128xbf16, #tpu.memory_space<hbm>>) dst(%arg11 : memref<128x128xbf16, #tpu.memory_space<vmem>>)
        "tpu.region"() ({
          %run_scoped3A = tpu.sem_alloc : memref<!tpu.dma_semaphore, #tpu.memory_space<semaphore_mem>>
          %dma_start3A_402 = arith.constant 0 : i32
          %dma_start3A_403 = tpu.memref_slice %arg9[%scan3A_295, %dma_start3A_402] : memref<16x128xi32, #tpu.memory_space<vmem>> -> memref<1x128xi32, #tpu.memory_space<vmem>>
          %dma_start3A_404 = tpu.memref_squeeze %dma_start3A_403 : memref<1x128xi32, #tpu.memory_space<vmem>> -> memref<128xi32, #tpu.memory_space<vmem>>
          %dma_start3A_405 = arith.constant 0 : i32
          %dma_start3A_406 = arith.constant 0 : i32
          %dma_start3A_407 = tpu.memref_slice %arg14[%dma_start3A_405, %dma_start3A_406] : memref<10016x128xbf16, #tpu.memory_space<vmem_shared>> -> memref<10016x128xbf16, #tpu.memory_space<vmem_shared>>
          tpu.enqueue_indirect_dma source(%arg11 : memref<128x128xbf16, #tpu.memory_space<vmem>>) target(%dma_start3A_407 : memref<10016x128xbf16, #tpu.memory_space<vmem_shared>>) offsets(%dma_start3A_404 : memref<128xi32, #tpu.memory_space<vmem>>) semaphore(%run_scoped3A : memref<!tpu.dma_semaphore, #tpu.memory_space<semaphore_mem>>) {add = true}
          %dma_wait3A_408 = arith.constant 0 : i32
          %dma_wait3A_409 = tpu.memref_slice %arg9[%scan3A_295, %dma_wait3A_408] : memref<16x128xi32, #tpu.memory_space<vmem>> -> memref<1x128xi32, #tpu.memory_space<vmem>>
          %dma_wait3A_410 = tpu.memref_squeeze %dma_wait3A_409 : memref<1x128xi32, #tpu.memory_space<vmem>> -> memref<128xi32, #tpu.memory_space<vmem>>
          %dma_wait3A_411 = arith.constant 0 : i32
          %dma_wait3A_412 = arith.constant 0 : i32
          %dma_wait3A_413 = tpu.memref_slice %arg14[%dma_wait3A_411, %dma_wait3A_412] : memref<10016x128xbf16, #tpu.memory_space<vmem_shared>> -> memref<10016x128xbf16, #tpu.memory_space<vmem_shared>>
          tpu.wait_indirect_dma semaphore(%run_scoped3A : memref<!tpu.dma_semaphore, #tpu.memory_space<semaphore_mem>>) src(%arg11 : memref<128x128xbf16, #tpu.memory_space<vmem>>) dst(%dma_wait3A_413 : memref<10016x128xbf16, #tpu.memory_space<vmem_shared>>)
          tpu.yield
        }) : () -> ()
      } else {
      }
      %jit3A_375 = arith.constant 2 : i32
      %eq3A_376 = arith.constant 0 : i32
      %eq3A_377 = arith.cmpi eq, %jit3A_375, %eq3A_376 : i32
      %jit3A_378 = arith.constant 1 : i32
      %select_n3A_379 = arith.select %eq3A_377, %jit3A_378, %jit3A_375 : i32
      %rem3A_380 = arith.remsi %scan3A_295, %select_n3A_379 : i32
      %ne3A_381 = arith.constant 0 : i32
      %ne3A_382 = arith.cmpi ne, %rem3A_380, %ne3A_381 : i32
      %lt3A_383 = arith.constant 0 : i32
      %lt3A_384 = arith.cmpi slt, %rem3A_380, %lt3A_383 : i32
      %lt3A_385 = arith.constant 0 : i32
      %lt3A_386 = arith.cmpi slt, %select_n3A_379, %lt3A_385 : i32
      %ne3A_387 = arith.xori %lt3A_384, %lt3A_386 : i1
      %and3A_388 = arith.andi %ne3A_387, %ne3A_382 : i1
      %add3A_389 = arith.addi %rem3A_380, %select_n3A_379 : i32
      %select_n3A_390 = arith.select %and3A_388, %add3A_389, %rem3A_380 : i32
      %eq3A_391 = arith.constant 1 : i32
      %eq3A_392 = arith.cmpi eq, %select_n3A_390, %eq3A_391 : i32
      %convert_element_type3A_393 = arith.extui %eq3A_392 : i1 to i32
      %cond3A_394 = arith.constant 0 : i32
      %cond3A_395 = arith.cmpi ne, %convert_element_type3A_393, %cond3A_394 : i32
      scf.if %cond3A_395 {
        %dma_wait3A_396 = arith.constant 0 : i32
        %dma_wait3A_397 = tpu.memref_slice %arg7[%scan3A_295, %dma_wait3A_396] : memref<16x128xi32, #tpu.memory_space<vmem>> -> memref<1x128xi32, #tpu.memory_space<vmem>>
        %dma_wait3A_398 = tpu.memref_squeeze %dma_wait3A_397 : memref<1x128xi32, #tpu.memory_space<vmem>> -> memref<128xi32, #tpu.memory_space<vmem>>
        %dma_wait3A_399 = arith.constant 0 : i32
        %dma_wait3A_400 = arith.constant 0 : i32
        %dma_wait3A_401 = tpu.memref_slice %arg2[%dma_wait3A_399, %dma_wait3A_400] : memref<20000x128xbf16, #tpu.memory_space<hbm>> -> memref<20000x128xbf16, #tpu.memory_space<hbm>>
        tpu.wait_indirect_dma semaphore(%arg19 : memref<!tpu.dma_semaphore, #tpu.memory_space<semaphore_mem>>) src(%dma_wait3A_401 : memref<20000x128xbf16, #tpu.memory_space<hbm>>) dst(%arg12 : memref<128x128xbf16, #tpu.memory_space<vmem>>)
        "tpu.region"() ({
          %run_scoped3A = tpu.sem_alloc : memref<!tpu.dma_semaphore, #tpu.memory_space<semaphore_mem>>
          %dma_start3A_402 = arith.constant 0 : i32
          %dma_start3A_403 = tpu.memref_slice %arg9[%scan3A_295, %dma_start3A_402] : memref<16x128xi32, #tpu.memory_space<vmem>> -> memref<1x128xi32, #tpu.memory_space<vmem>>
          %dma_start3A_404 = tpu.memref_squeeze %dma_start3A_403 : memref<1x128xi32, #tpu.memory_space<vmem>> -> memref<128xi32, #tpu.memory_space<vmem>>
          %dma_start3A_405 = arith.constant 0 : i32
          %dma_start3A_406 = arith.constant 0 : i32
          %dma_start3A_407 = tpu.memref_slice %arg14[%dma_start3A_405, %dma_start3A_406] : memref<10016x128xbf16, #tpu.memory_space<vmem_shared>> -> memref<10016x128xbf16, #tpu.memory_space<vmem_shared>>
          tpu.enqueue_indirect_dma source(%arg12 : memref<128x128xbf16, #tpu.memory_space<vmem>>) target(%dma_start3A_407 : memref<10016x128xbf16, #tpu.memory_space<vmem_shared>>) offsets(%dma_start3A_404 : memref<128xi32, #tpu.memory_space<vmem>>) semaphore(%run_scoped3A : memref<!tpu.dma_semaphore, #tpu.memory_space<semaphore_mem>>) {add = true}
          %dma_wait3A_408 = arith.constant 0 : i32
          %dma_wait3A_409 = tpu.memref_slice %arg9[%scan3A_295, %dma_wait3A_408] : memref<16x128xi32, #tpu.memory_space<vmem>> -> memref<1x128xi32, #tpu.memory_space<vmem>>
          %dma_wait3A_410 = tpu.memref_squeeze %dma_wait3A_409 : memref<1x128xi32, #tpu.memory_space<vmem>> -> memref<128xi32, #tpu.memory_space<vmem>>
          %dma_wait3A_411 = arith.constant 0 : i32
          %dma_wait3A_412 = arith.constant 0 : i32
          %dma_wait3A_413 = tpu.memref_slice %arg14[%dma_wait3A_411, %dma_wait3A_412] : memref<10016x128xbf16, #tpu.memory_space<vmem_shared>> -> memref<10016x128xbf16, #tpu.memory_space<vmem_shared>>
          tpu.wait_indirect_dma semaphore(%run_scoped3A : memref<!tpu.dma_semaphore, #tpu.memory_space<semaphore_mem>>) src(%arg12 : memref<128x128xbf16, #tpu.memory_space<vmem>>) dst(%dma_wait3A_413 : memref<10016x128xbf16, #tpu.memory_space<vmem_shared>>)
          tpu.yield
        }) : () -> ()
      } else {
      }
    }
    %scan3A_195 = arith.constant 16 : i32
    %dma_wait3A_196 = arith.constant 48 : i32
    %dma_wait3A_197 = arith.constant 0 : i32
    %dma_wait3A_198 = tpu.memref_slice %arg3[%arg1, %dma_wait3A_196, %dma_wait3A_197] : memref<16x80x128xi32, #tpu.memory_space<hbm>> -> memref<1x16x128xi32, #tpu.memory_space<hbm>>
    %dma_wait3A_199 = tpu.memref_squeeze %dma_wait3A_198 : memref<1x16x128xi32, #tpu.memory_space<hbm>> -> memref<16x128xi32, #tpu.memory_space<hbm>>
    %dma_wait3A_200 = arith.constant 48 : i32
    %dma_wait3A_201 = arith.constant 0 : i32
    %dma_wait3A_202 = tpu.memref_slice %arg3[%arg1, %dma_wait3A_200, %dma_wait3A_201] : memref<16x80x128xi32, #tpu.memory_space<hbm>> -> memref<1x16x128xi32, #tpu.memory_space<hbm>>
    %dma_wait3A_203 = tpu.memref_squeeze %dma_wait3A_202 : memref<1x16x128xi32, #tpu.memory_space<hbm>> -> memref<16x128xi32, #tpu.memory_space<hbm>>
    tpu.wait_dma2 semaphore(%arg17 : memref<!tpu.dma_semaphore, #tpu.memory_space<semaphore_mem>>) src(%dma_wait3A_203 : memref<16x128xi32, #tpu.memory_space<hbm>>) dst(%arg8 : memref<16x128xi32, #tpu.memory_space<vmem>>)
    %dma_wait3A_204 = arith.constant 48 : i32
    %dma_wait3A_205 = arith.constant 0 : i32
    %dma_wait3A_206 = tpu.memref_slice %arg4[%arg1, %dma_wait3A_204, %dma_wait3A_205] : memref<16x80x128xi32, #tpu.memory_space<hbm>> -> memref<1x16x128xi32, #tpu.memory_space<hbm>>
    %dma_wait3A_207 = tpu.memref_squeeze %dma_wait3A_206 : memref<1x16x128xi32, #tpu.memory_space<hbm>> -> memref<16x128xi32, #tpu.memory_space<hbm>>
    %dma_wait3A_208 = arith.constant 48 : i32
    %dma_wait3A_209 = arith.constant 0 : i32
    %dma_wait3A_210 = tpu.memref_slice %arg4[%arg1, %dma_wait3A_208, %dma_wait3A_209] : memref<16x80x128xi32, #tpu.memory_space<hbm>> -> memref<1x16x128xi32, #tpu.memory_space<hbm>>
    %dma_wait3A_211 = tpu.memref_squeeze %dma_wait3A_210 : memref<1x16x128xi32, #tpu.memory_space<hbm>> -> memref<16x128xi32, #tpu.memory_space<hbm>>
    tpu.wait_dma2 semaphore(%arg17 : memref<!tpu.dma_semaphore, #tpu.memory_space<semaphore_mem>>) src(%dma_wait3A_211 : memref<16x128xi32, #tpu.memory_space<hbm>>) dst(%arg10 : memref<16x128xi32, #tpu.memory_space<vmem>>)
    %dma_start3A_212 = arith.constant 64 : i32
    %dma_start3A_213 = arith.constant 0 : i32
    %dma_start3A_214 = tpu.memref_slice %arg3[%arg1, %dma_start3A_212, %dma_start3A_213] : memref<16x80x128xi32, #tpu.memory_space<hbm>> -> memref<1x16x128xi32, #tpu.memory_space<hbm>>
    %dma_start3A_215 = tpu.memref_squeeze %dma_start3A_214 : memref<1x16x128xi32, #tpu.memory_space<hbm>> -> memref<16x128xi32, #tpu.memory_space<hbm>>
    %dma_start3A_216 = arith.constant 64 : i32
    %dma_start3A_217 = arith.constant 0 : i32
    %dma_start3A_218 = tpu.memref_slice %arg3[%arg1, %dma_start3A_216, %dma_start3A_217] : memref<16x80x128xi32, #tpu.memory_space<hbm>> -> memref<1x16x128xi32, #tpu.memory_space<hbm>>
    %dma_start3A_219 = tpu.memref_squeeze %dma_start3A_218 : memref<1x16x128xi32, #tpu.memory_space<hbm>> -> memref<16x128xi32, #tpu.memory_space<hbm>>
    tpu.enqueue_dma source(%dma_start3A_219 : memref<16x128xi32, #tpu.memory_space<hbm>>) target(%arg7 : memref<16x128xi32, #tpu.memory_space<vmem>>) target_semaphore(%arg16 : memref<!tpu.dma_semaphore, #tpu.memory_space<semaphore_mem>>)
    %dma_start3A_220 = arith.constant 64 : i32
    %dma_start3A_221 = arith.constant 0 : i32
    %dma_start3A_222 = tpu.memref_slice %arg4[%arg1, %dma_start3A_220, %dma_start3A_221] : memref<16x80x128xi32, #tpu.memory_space<hbm>> -> memref<1x16x128xi32, #tpu.memory_space<hbm>>
    %dma_start3A_223 = tpu.memref_squeeze %dma_start3A_222 : memref<1x16x128xi32, #tpu.memory_space<hbm>> -> memref<16x128xi32, #tpu.memory_space<hbm>>
    %dma_start3A_224 = arith.constant 64 : i32
    %dma_start3A_225 = arith.constant 0 : i32
    %dma_start3A_226 = tpu.memref_slice %arg4[%arg1, %dma_start3A_224, %dma_start3A_225] : memref<16x80x128xi32, #tpu.memory_space<hbm>> -> memref<1x16x128xi32, #tpu.memory_space<hbm>>
    %dma_start3A_227 = tpu.memref_squeeze %dma_start3A_226 : memref<1x16x128xi32, #tpu.memory_space<hbm>> -> memref<16x128xi32, #tpu.memory_space<hbm>>
    tpu.enqueue_dma source(%dma_start3A_227 : memref<16x128xi32, #tpu.memory_space<hbm>>) target(%arg9 : memref<16x128xi32, #tpu.memory_space<vmem>>) target_semaphore(%arg16 : memref<!tpu.dma_semaphore, #tpu.memory_space<semaphore_mem>>)
    %mul3A_228 = arith.constant 10000 : i32
    %mul3A_229 = arith.muli %arg0, %mul3A_228 : i32
    %scan3A_230 = arith.constant 0 : i32
    %scan3A_231 = arith.constant 0 : i32
    %scan3A_232 = arith.constant 128 : i32
    %scan3A_233 = arith.addi %scan3A_231, %scan3A_232 : i32
    %scan3A_234 = arith.constant 1 : i32
    scf.for %scan3A_295 = %scan3A_231 to %scan3A_233 step %scan3A_234  : i32 {
      %jit3A = arith.constant 8 : i32
      %div3A = arith.divsi %scan3A_295, %jit3A : i32
      %sign3A = arith.constant 0 : i32
      %sign3A_296 = arith.cmpi sgt, %scan3A_295, %sign3A : i32
      %sign3A_297 = arith.extui %sign3A_296 : i1 to i32
      %sign3A_298 = arith.constant 0 : i32
      %sign3A_299 = arith.cmpi slt, %scan3A_295, %sign3A_298 : i32
      %sign3A_300 = arith.extui %sign3A_299 : i1 to i32
      %sign3A_301 = arith.subi %sign3A_297, %sign3A_300 : i32
      %sign3A_302 = arith.constant 0 : i32
      %sign3A_303 = arith.cmpi sgt, %jit3A, %sign3A_302 : i32
      %sign3A_304 = arith.extui %sign3A_303 : i1 to i32
      %sign3A_305 = arith.constant 0 : i32
      %sign3A_306 = arith.cmpi slt, %jit3A, %sign3A_305 : i32
      %sign3A_307 = arith.extui %sign3A_306 : i1 to i32
      %sign3A_308 = arith.subi %sign3A_304, %sign3A_307 : i32
      %ne3A = arith.cmpi ne, %sign3A_301, %sign3A_308 : i32
      %rem3A = arith.remsi %scan3A_295, %jit3A : i32
      %ne3A_309 = arith.constant 0 : i32
      %ne3A_310 = arith.cmpi ne, %rem3A, %ne3A_309 : i32
      %and3A = arith.andi %ne3A, %ne3A_310 : i1
      %sub3A = arith.constant 1 : i32
      %sub3A_311 = arith.subi %div3A, %sub3A : i32
      %select_n3A = arith.select %and3A, %sub3A_311, %div3A : i32
      %jit3A_312 = arith.constant 8 : i32
      %eq3A = arith.constant 0 : i32
      %eq3A_313 = arith.cmpi eq, %jit3A_312, %eq3A : i32
      %jit3A_314 = arith.constant 1 : i32
      %select_n3A_315 = arith.select %eq3A_313, %jit3A_314, %jit3A_312 : i32
      %rem3A_316 = arith.remsi %scan3A_295, %select_n3A_315 : i32
      %ne3A_317 = arith.constant 0 : i32
      %ne3A_318 = arith.cmpi ne, %rem3A_316, %ne3A_317 : i32
      %lt3A = arith.constant 0 : i32
      %lt3A_319 = arith.cmpi slt, %rem3A_316, %lt3A : i32
      %lt3A_320 = arith.constant 0 : i32
      %lt3A_321 = arith.cmpi slt, %select_n3A_315, %lt3A_320 : i32
      %ne3A_322 = arith.xori %lt3A_319, %lt3A_321 : i1
      %and3A_323 = arith.andi %ne3A_322, %ne3A_318 : i1
      %add3A_324 = arith.addi %rem3A_316, %select_n3A_315 : i32
      %select_n3A_325 = arith.select %and3A_323, %add3A_324, %rem3A_316 : i32
      %mul3A_326 = arith.constant 16 : i32
      %mul3A_327 = arith.muli %select_n3A_325, %mul3A_326 : i32
      %get3A = arith.index_cast %select_n3A : i32 to index
      %get3A_328 = arith.index_cast %mul3A_327 : i32 to index
      %get3A_329 = tpu.vector_load %arg8[%get3A, %get3A_328] {strides = array<i32>} : memref<16x128xi32, #tpu.memory_space<vmem>>, vector<1x16xi32>,
      %get3A_330 = vector.shape_cast %get3A_329 : vector<1x16xi32> to vector<16xi32>
      %add3A_331 = vector.broadcast %mul3A_229 : i32 to vector<16xi32>
      %add3A_332 = arith.addi %get3A_330, %add3A_331 : vector<16xi32>
      %mul3A_333 = arith.constant 16 : i32
      %mul3A_334 = arith.muli %select_n3A_325, %mul3A_333 : i32
      %swap3A = arith.index_cast %select_n3A : i32 to index
      %swap3A_335 = arith.index_cast %mul3A_334 : i32 to index
      %swap3A_336 = tpu.vector_load %arg8[%swap3A, %swap3A_335] {strides = array<i32>} : memref<16x128xi32, #tpu.memory_space<vmem>>, vector<1x16xi32>,
      %swap3A_337 = vector.shape_cast %swap3A_336 : vector<1x16xi32> to vector<16xi32>
      %swap3A_338 = vector.shape_cast %add3A_332 : vector<16xi32> to vector<1x16xi32>
      tpu.vector_store %arg8[%swap3A, %swap3A_335], %swap3A_338 {strides = array<i32>} : memref<16x128xi32, #tpu.memory_space<vmem>>, vector<1x16xi32>,
    }
    %scan3A_235 = arith.constant 128 : i32
    %dma_start3A_236 = arith.constant 0 : i32
    %dma_start3A_237 = arith.constant 0 : i32
    %dma_start3A_238 = tpu.memref_slice %arg8[%dma_start3A_236, %dma_start3A_237] : memref<16x128xi32, #tpu.memory_space<vmem>> -> memref<1x128xi32, #tpu.memory_space<vmem>>
    %dma_start3A_239 = tpu.memref_squeeze %dma_start3A_238 : memref<1x128xi32, #tpu.memory_space<vmem>> -> memref<128xi32, #tpu.memory_space<vmem>>
    %dma_start3A_240 = arith.constant 0 : i32
    %dma_start3A_241 = arith.constant 0 : i32
    %dma_start3A_242 = tpu.memref_slice %arg2[%dma_start3A_240, %dma_start3A_241] : memref<20000x128xbf16, #tpu.memory_space<hbm>> -> memref<20000x128xbf16, #tpu.memory_space<hbm>>
    tpu.enqueue_indirect_dma source(%dma_start3A_242 : memref<20000x128xbf16, #tpu.memory_space<hbm>>) target(%arg11 : memref<128x128xbf16, #tpu.memory_space<vmem>>) offsets(%dma_start3A_239 : memref<128xi32, #tpu.memory_space<vmem>>) semaphore(%arg18 : memref<!tpu.dma_semaphore, #tpu.memory_space<semaphore_mem>>)
    %scan3A_243 = arith.constant 0 : i32
    %scan3A_244 = arith.constant 0 : i32
    %scan3A_245 = arith.constant 16 : i32
    %scan3A_246 = arith.addi %scan3A_244, %scan3A_245 : i32
    %scan3A_247 = arith.constant 1 : i32
    scf.for %scan3A_295 = %scan3A_244 to %scan3A_246 step %scan3A_247  : i32 {
      %add3A_296 = arith.constant 1 : i32
      %add3A_297 = arith.addi %scan3A_295, %add3A_296 : i32
      %lt3A = arith.constant 16 : i32
      %lt3A_298 = arith.cmpi slt, %add3A_297, %lt3A : i32
      %add3A_299 = arith.constant 1 : i32
      %add3A_300 = arith.addi %scan3A_295, %add3A_299 : i32
      %jit3A = arith.constant 2 : i32
      %eq3A = arith.constant 0 : i32
      %eq3A_301 = arith.cmpi eq, %jit3A, %eq3A : i32
      %jit3A_302 = arith.constant 1 : i32
      %select_n3A = arith.select %eq3A_301, %jit3A_302, %jit3A : i32
      %rem3A = arith.remsi %add3A_300, %select_n3A : i32
      %ne3A = arith.constant 0 : i32
      %ne3A_303 = arith.cmpi ne, %rem3A, %ne3A : i32
      %lt3A_304 = arith.constant 0 : i32
      %lt3A_305 = arith.cmpi slt, %rem3A, %lt3A_304 : i32
      %lt3A_306 = arith.constant 0 : i32
      %lt3A_307 = arith.cmpi slt, %select_n3A, %lt3A_306 : i32
      %ne3A_308 = arith.xori %lt3A_305, %lt3A_307 : i1
      %and3A = arith.andi %ne3A_308, %ne3A_303 : i1
      %add3A_309 = arith.addi %rem3A, %select_n3A : i32
      %select_n3A_310 = arith.select %and3A, %add3A_309, %rem3A : i32
      %eq3A_311 = arith.constant 0 : i32
      %eq3A_312 = arith.cmpi eq, %select_n3A_310, %eq3A_311 : i32
      %and3A_313 = arith.andi %lt3A_298, %eq3A_312 : i1
      %convert_element_type3A = arith.extui %and3A_313 : i1 to i32
      %cond3A = arith.constant 0 : i32
      %cond3A_314 = arith.cmpi ne, %convert_element_type3A, %cond3A : i32
      scf.if %cond3A_314 {
        %add3A_396 = arith.constant 1 : i32
        %add3A_397 = arith.addi %scan3A_295, %add3A_396 : i32
        %dma_start3A_398 = arith.constant 0 : i32
        %dma_start3A_399 = tpu.memref_slice %arg8[%add3A_397, %dma_start3A_398] : memref<16x128xi32, #tpu.memory_space<vmem>> -> memref<1x128xi32, #tpu.memory_space<vmem>>
        %dma_start3A_400 = tpu.memref_squeeze %dma_start3A_399 : memref<1x128xi32, #tpu.memory_space<vmem>> -> memref<128xi32, #tpu.memory_space<vmem>>
        %dma_start3A_401 = arith.constant 0 : i32
        %dma_start3A_402 = arith.constant 0 : i32
        %dma_start3A_403 = tpu.memref_slice %arg2[%dma_start3A_401, %dma_start3A_402] : memref<20000x128xbf16, #tpu.memory_space<hbm>> -> memref<20000x128xbf16, #tpu.memory_space<hbm>>
        tpu.enqueue_indirect_dma source(%dma_start3A_403 : memref<20000x128xbf16, #tpu.memory_space<hbm>>) target(%arg11 : memref<128x128xbf16, #tpu.memory_space<vmem>>) offsets(%dma_start3A_400 : memref<128xi32, #tpu.memory_space<vmem>>) semaphore(%arg18 : memref<!tpu.dma_semaphore, #tpu.memory_space<semaphore_mem>>)
      } else {
      }
      %add3A_315 = arith.constant 1 : i32
      %add3A_316 = arith.addi %scan3A_295, %add3A_315 : i32
      %lt3A_317 = arith.constant 16 : i32
      %lt3A_318 = arith.cmpi slt, %add3A_316, %lt3A_317 : i32
      %add3A_319 = arith.constant 1 : i32
      %add3A_320 = arith.addi %scan3A_295, %add3A_319 : i32
      %jit3A_321 = arith.constant 2 : i32
      %eq3A_322 = arith.constant 0 : i32
      %eq3A_323 = arith.cmpi eq, %jit3A_321, %eq3A_322 : i32
      %jit3A_324 = arith.constant 1 : i32
      %select_n3A_325 = arith.select %eq3A_323, %jit3A_324, %jit3A_321 : i32
      %rem3A_326 = arith.remsi %add3A_320, %select_n3A_325 : i32
      %ne3A_327 = arith.constant 0 : i32
      %ne3A_328 = arith.cmpi ne, %rem3A_326, %ne3A_327 : i32
      %lt3A_329 = arith.constant 0 : i32
      %lt3A_330 = arith.cmpi slt, %rem3A_326, %lt3A_329 : i32
      %lt3A_331 = arith.constant 0 : i32
      %lt3A_332 = arith.cmpi slt, %select_n3A_325, %lt3A_331 : i32
      %ne3A_333 = arith.xori %lt3A_330, %lt3A_332 : i1
      %and3A_334 = arith.andi %ne3A_333, %ne3A_328 : i1
      %add3A_335 = arith.addi %rem3A_326, %select_n3A_325 : i32
      %select_n3A_336 = arith.select %and3A_334, %add3A_335, %rem3A_326 : i32
      %eq3A_337 = arith.constant 1 : i32
      %eq3A_338 = arith.cmpi eq, %select_n3A_336, %eq3A_337 : i32
      %and3A_339 = arith.andi %lt3A_318, %eq3A_338 : i1
      %convert_element_type3A_340 = arith.extui %and3A_339 : i1 to i32
      %cond3A_341 = arith.constant 0 : i32
      %cond3A_342 = arith.cmpi ne, %convert_element_type3A_340, %cond3A_341 : i32
      scf.if %cond3A_342 {
        %add3A_396 = arith.constant 1 : i32
        %add3A_397 = arith.addi %scan3A_295, %add3A_396 : i32
        %dma_start3A_398 = arith.constant 0 : i32
        %dma_start3A_399 = tpu.memref_slice %arg8[%add3A_397, %dma_start3A_398] : memref<16x128xi32, #tpu.memory_space<vmem>> -> memref<1x128xi32, #tpu.memory_space<vmem>>
        %dma_start3A_400 = tpu.memref_squeeze %dma_start3A_399 : memref<1x128xi32, #tpu.memory_space<vmem>> -> memref<128xi32, #tpu.memory_space<vmem>>
        %dma_start3A_401 = arith.constant 0 : i32
        %dma_start3A_402 = arith.constant 0 : i32
        %dma_start3A_403 = tpu.memref_slice %arg2[%dma_start3A_401, %dma_start3A_402] : memref<20000x128xbf16, #tpu.memory_space<hbm>> -> memref<20000x128xbf16, #tpu.memory_space<hbm>>
        tpu.enqueue_indirect_dma source(%dma_start3A_403 : memref<20000x128xbf16, #tpu.memory_space<hbm>>) target(%arg12 : memref<128x128xbf16, #tpu.memory_space<vmem>>) offsets(%dma_start3A_400 : memref<128xi32, #tpu.memory_space<vmem>>) semaphore(%arg19 : memref<!tpu.dma_semaphore, #tpu.memory_space<semaphore_mem>>)
      } else {
      }
      %add3A_343 = arith.constant 48 : i32
      %add3A_344 = arith.addi %add3A_343, %scan3A_295 : i32
      %lt3A_345 = arith.constant 40 : i32
      %lt3A_346 = arith.cmpi slt, %add3A_344, %lt3A_345 : i32
      %eq3A_347 = arith.constant 0 : i32
      %eq3A_348 = arith.cmpi eq, %arg0, %eq3A_347 : i32
      %not3A = arith.constant true
      %not3A_349 = arith.xori %lt3A_346, %not3A : i1
      %select_n3A_350 = arith.select %eq3A_348, %lt3A_346, %not3A_349 : i1
      %convert_element_type3A_351 = arith.extui %select_n3A_350 : i1 to i32
      %cond3A_352 = arith.constant 0 : i32
      %cond3A_353 = arith.cmpi ne, %convert_element_type3A_351, %cond3A_352 : i32
      scf.if %cond3A_353 {
        "tpu.region"() ({
          %run_scoped3A = tpu.sem_alloc : memref<!tpu.dma_semaphore, #tpu.memory_space<semaphore_mem>>
          %dma_start3A_396 = arith.constant 0 : i32
          %dma_start3A_397 = tpu.memref_slice %arg10[%scan3A_295, %dma_start3A_396] : memref<16x128xi32, #tpu.memory_space<vmem>> -> memref<1x128xi32, #tpu.memory_space<vmem>>
          %dma_start3A_398 = tpu.memref_squeeze %dma_start3A_397 : memref<1x128xi32, #tpu.memory_space<vmem>> -> memref<128xi32, #tpu.memory_space<vmem>>
          %dma_start3A_399 = arith.constant 0 : i32
          %dma_start3A_400 = arith.constant 0 : i32
          %dma_start3A_401 = tpu.memref_slice %arg15[%dma_start3A_399, %dma_start3A_400] : memref<10016x16xf32, #tpu.memory_space<vmem_shared>> -> memref<10016x16xf32, #tpu.memory_space<vmem_shared>>
          tpu.enqueue_indirect_dma source(%arg13 : memref<128x16xf32, #tpu.memory_space<vmem>>) target(%dma_start3A_401 : memref<10016x16xf32, #tpu.memory_space<vmem_shared>>) offsets(%dma_start3A_398 : memref<128xi32, #tpu.memory_space<vmem>>) semaphore(%run_scoped3A : memref<!tpu.dma_semaphore, #tpu.memory_space<semaphore_mem>>) {add = true}
          %dma_wait3A_402 = arith.constant 0 : i32
          %dma_wait3A_403 = tpu.memref_slice %arg10[%scan3A_295, %dma_wait3A_402] : memref<16x128xi32, #tpu.memory_space<vmem>> -> memref<1x128xi32, #tpu.memory_space<vmem>>
          %dma_wait3A_404 = tpu.memref_squeeze %dma_wait3A_403 : memref<1x128xi32, #tpu.memory_space<vmem>> -> memref<128xi32, #tpu.memory_space<vmem>>
          %dma_wait3A_405 = arith.constant 0 : i32
          %dma_wait3A_406 = arith.constant 0 : i32
          %dma_wait3A_407 = tpu.memref_slice %arg15[%dma_wait3A_405, %dma_wait3A_406] : memref<10016x16xf32, #tpu.memory_space<vmem_shared>> -> memref<10016x16xf32, #tpu.memory_space<vmem_shared>>
          tpu.wait_indirect_dma semaphore(%run_scoped3A : memref<!tpu.dma_semaphore, #tpu.memory_space<semaphore_mem>>) src(%arg13 : memref<128x16xf32, #tpu.memory_space<vmem>>) dst(%dma_wait3A_407 : memref<10016x16xf32, #tpu.memory_space<vmem_shared>>)
          tpu.yield
        }) : () -> ()
      } else {
      }
      %jit3A_354 = arith.constant 2 : i32
      %eq3A_355 = arith.constant 0 : i32
      %eq3A_356 = arith.cmpi eq, %jit3A_354, %eq3A_355 : i32
      %jit3A_357 = arith.constant 1 : i32
      %select_n3A_358 = arith.select %eq3A_356, %jit3A_357, %jit3A_354 : i32
      %rem3A_359 = arith.remsi %scan3A_295, %select_n3A_358 : i32
      %ne3A_360 = arith.constant 0 : i32
      %ne3A_361 = arith.cmpi ne, %rem3A_359, %ne3A_360 : i32
      %lt3A_362 = arith.constant 0 : i32
      %lt3A_363 = arith.cmpi slt, %rem3A_359, %lt3A_362 : i32
      %lt3A_364 = arith.constant 0 : i32
      %lt3A_365 = arith.cmpi slt, %select_n3A_358, %lt3A_364 : i32
      %ne3A_366 = arith.xori %lt3A_363, %lt3A_365 : i1
      %and3A_367 = arith.andi %ne3A_366, %ne3A_361 : i1
      %add3A_368 = arith.addi %rem3A_359, %select_n3A_358 : i32
      %select_n3A_369 = arith.select %and3A_367, %add3A_368, %rem3A_359 : i32
      %eq3A_370 = arith.constant 0 : i32
      %eq3A_371 = arith.cmpi eq, %select_n3A_369, %eq3A_370 : i32
      %convert_element_type3A_372 = arith.extui %eq3A_371 : i1 to i32
      %cond3A_373 = arith.constant 0 : i32
      %cond3A_374 = arith.cmpi ne, %convert_element_type3A_372, %cond3A_373 : i32
      scf.if %cond3A_374 {
        %dma_wait3A_396 = arith.constant 0 : i32
        %dma_wait3A_397 = tpu.memref_slice %arg8[%scan3A_295, %dma_wait3A_396] : memref<16x128xi32, #tpu.memory_space<vmem>> -> memref<1x128xi32, #tpu.memory_space<vmem>>
        %dma_wait3A_398 = tpu.memref_squeeze %dma_wait3A_397 : memref<1x128xi32, #tpu.memory_space<vmem>> -> memref<128xi32, #tpu.memory_space<vmem>>
        %dma_wait3A_399 = arith.constant 0 : i32
        %dma_wait3A_400 = arith.constant 0 : i32
        %dma_wait3A_401 = tpu.memref_slice %arg2[%dma_wait3A_399, %dma_wait3A_400] : memref<20000x128xbf16, #tpu.memory_space<hbm>> -> memref<20000x128xbf16, #tpu.memory_space<hbm>>
        tpu.wait_indirect_dma semaphore(%arg18 : memref<!tpu.dma_semaphore, #tpu.memory_space<semaphore_mem>>) src(%dma_wait3A_401 : memref<20000x128xbf16, #tpu.memory_space<hbm>>) dst(%arg11 : memref<128x128xbf16, #tpu.memory_space<vmem>>)
        "tpu.region"() ({
          %run_scoped3A = tpu.sem_alloc : memref<!tpu.dma_semaphore, #tpu.memory_space<semaphore_mem>>
          %dma_start3A_402 = arith.constant 0 : i32
          %dma_start3A_403 = tpu.memref_slice %arg10[%scan3A_295, %dma_start3A_402] : memref<16x128xi32, #tpu.memory_space<vmem>> -> memref<1x128xi32, #tpu.memory_space<vmem>>
          %dma_start3A_404 = tpu.memref_squeeze %dma_start3A_403 : memref<1x128xi32, #tpu.memory_space<vmem>> -> memref<128xi32, #tpu.memory_space<vmem>>
          %dma_start3A_405 = arith.constant 0 : i32
          %dma_start3A_406 = arith.constant 0 : i32
          %dma_start3A_407 = tpu.memref_slice %arg14[%dma_start3A_405, %dma_start3A_406] : memref<10016x128xbf16, #tpu.memory_space<vmem_shared>> -> memref<10016x128xbf16, #tpu.memory_space<vmem_shared>>
          tpu.enqueue_indirect_dma source(%arg11 : memref<128x128xbf16, #tpu.memory_space<vmem>>) target(%dma_start3A_407 : memref<10016x128xbf16, #tpu.memory_space<vmem_shared>>) offsets(%dma_start3A_404 : memref<128xi32, #tpu.memory_space<vmem>>) semaphore(%run_scoped3A : memref<!tpu.dma_semaphore, #tpu.memory_space<semaphore_mem>>) {add = true}
          %dma_wait3A_408 = arith.constant 0 : i32
          %dma_wait3A_409 = tpu.memref_slice %arg10[%scan3A_295, %dma_wait3A_408] : memref<16x128xi32, #tpu.memory_space<vmem>> -> memref<1x128xi32, #tpu.memory_space<vmem>>
          %dma_wait3A_410 = tpu.memref_squeeze %dma_wait3A_409 : memref<1x128xi32, #tpu.memory_space<vmem>> -> memref<128xi32, #tpu.memory_space<vmem>>
          %dma_wait3A_411 = arith.constant 0 : i32
          %dma_wait3A_412 = arith.constant 0 : i32
          %dma_wait3A_413 = tpu.memref_slice %arg14[%dma_wait3A_411, %dma_wait3A_412] : memref<10016x128xbf16, #tpu.memory_space<vmem_shared>> -> memref<10016x128xbf16, #tpu.memory_space<vmem_shared>>
          tpu.wait_indirect_dma semaphore(%run_scoped3A : memref<!tpu.dma_semaphore, #tpu.memory_space<semaphore_mem>>) src(%arg11 : memref<128x128xbf16, #tpu.memory_space<vmem>>) dst(%dma_wait3A_413 : memref<10016x128xbf16, #tpu.memory_space<vmem_shared>>)
          tpu.yield
        }) : () -> ()
      } else {
      }
      %jit3A_375 = arith.constant 2 : i32
      %eq3A_376 = arith.constant 0 : i32
      %eq3A_377 = arith.cmpi eq, %jit3A_375, %eq3A_376 : i32
      %jit3A_378 = arith.constant 1 : i32
      %select_n3A_379 = arith.select %eq3A_377, %jit3A_378, %jit3A_375 : i32
      %rem3A_380 = arith.remsi %scan3A_295, %select_n3A_379 : i32
      %ne3A_381 = arith.constant 0 : i32
      %ne3A_382 = arith.cmpi ne, %rem3A_380, %ne3A_381 : i32
      %lt3A_383 = arith.constant 0 : i32
      %lt3A_384 = arith.cmpi slt, %rem3A_380, %lt3A_383 : i32
      %lt3A_385 = arith.constant 0 : i32
      %lt3A_386 = arith.cmpi slt, %select_n3A_379, %lt3A_385 : i32
      %ne3A_387 = arith.xori %lt3A_384, %lt3A_386 : i1
      %and3A_388 = arith.andi %ne3A_387, %ne3A_382 : i1
      %add3A_389 = arith.addi %rem3A_380, %select_n3A_379 : i32
      %select_n3A_390 = arith.select %and3A_388, %add3A_389, %rem3A_380 : i32
      %eq3A_391 = arith.constant 1 : i32
      %eq3A_392 = arith.cmpi eq, %select_n3A_390, %eq3A_391 : i32
      %convert_element_type3A_393 = arith.extui %eq3A_392 : i1 to i32
      %cond3A_394 = arith.constant 0 : i32
      %cond3A_395 = arith.cmpi ne, %convert_element_type3A_393, %cond3A_394 : i32
      scf.if %cond3A_395 {
        %dma_wait3A_396 = arith.constant 0 : i32
        %dma_wait3A_397 = tpu.memref_slice %arg8[%scan3A_295, %dma_wait3A_396] : memref<16x128xi32, #tpu.memory_space<vmem>> -> memref<1x128xi32, #tpu.memory_space<vmem>>
        %dma_wait3A_398 = tpu.memref_squeeze %dma_wait3A_397 : memref<1x128xi32, #tpu.memory_space<vmem>> -> memref<128xi32, #tpu.memory_space<vmem>>
        %dma_wait3A_399 = arith.constant 0 : i32
        %dma_wait3A_400 = arith.constant 0 : i32
        %dma_wait3A_401 = tpu.memref_slice %arg2[%dma_wait3A_399, %dma_wait3A_400] : memref<20000x128xbf16, #tpu.memory_space<hbm>> -> memref<20000x128xbf16, #tpu.memory_space<hbm>>
        tpu.wait_indirect_dma semaphore(%arg19 : memref<!tpu.dma_semaphore, #tpu.memory_space<semaphore_mem>>) src(%dma_wait3A_401 : memref<20000x128xbf16, #tpu.memory_space<hbm>>) dst(%arg12 : memref<128x128xbf16, #tpu.memory_space<vmem>>)
        "tpu.region"() ({
          %run_scoped3A = tpu.sem_alloc : memref<!tpu.dma_semaphore, #tpu.memory_space<semaphore_mem>>
          %dma_start3A_402 = arith.constant 0 : i32
          %dma_start3A_403 = tpu.memref_slice %arg10[%scan3A_295, %dma_start3A_402] : memref<16x128xi32, #tpu.memory_space<vmem>> -> memref<1x128xi32, #tpu.memory_space<vmem>>
          %dma_start3A_404 = tpu.memref_squeeze %dma_start3A_403 : memref<1x128xi32, #tpu.memory_space<vmem>> -> memref<128xi32, #tpu.memory_space<vmem>>
          %dma_start3A_405 = arith.constant 0 : i32
          %dma_start3A_406 = arith.constant 0 : i32
          %dma_start3A_407 = tpu.memref_slice %arg14[%dma_start3A_405, %dma_start3A_406] : memref<10016x128xbf16, #tpu.memory_space<vmem_shared>> -> memref<10016x128xbf16, #tpu.memory_space<vmem_shared>>
          tpu.enqueue_indirect_dma source(%arg12 : memref<128x128xbf16, #tpu.memory_space<vmem>>) target(%dma_start3A_407 : memref<10016x128xbf16, #tpu.memory_space<vmem_shared>>) offsets(%dma_start3A_404 : memref<128xi32, #tpu.memory_space<vmem>>) semaphore(%run_scoped3A : memref<!tpu.dma_semaphore, #tpu.memory_space<semaphore_mem>>) {add = true}
          %dma_wait3A_408 = arith.constant 0 : i32
          %dma_wait3A_409 = tpu.memref_slice %arg10[%scan3A_295, %dma_wait3A_408] : memref<16x128xi32, #tpu.memory_space<vmem>> -> memref<1x128xi32, #tpu.memory_space<vmem>>
          %dma_wait3A_410 = tpu.memref_squeeze %dma_wait3A_409 : memref<1x128xi32, #tpu.memory_space<vmem>> -> memref<128xi32, #tpu.memory_space<vmem>>
          %dma_wait3A_411 = arith.constant 0 : i32
          %dma_wait3A_412 = arith.constant 0 : i32
          %dma_wait3A_413 = tpu.memref_slice %arg14[%dma_wait3A_411, %dma_wait3A_412] : memref<10016x128xbf16, #tpu.memory_space<vmem_shared>> -> memref<10016x128xbf16, #tpu.memory_space<vmem_shared>>
          tpu.wait_indirect_dma semaphore(%run_scoped3A : memref<!tpu.dma_semaphore, #tpu.memory_space<semaphore_mem>>) src(%arg12 : memref<128x128xbf16, #tpu.memory_space<vmem>>) dst(%dma_wait3A_413 : memref<10016x128xbf16, #tpu.memory_space<vmem_shared>>)
          tpu.yield
        }) : () -> ()
      } else {
      }
    }
    %scan3A_248 = arith.constant 16 : i32
    %dma_wait3A_249 = arith.constant 64 : i32
    %dma_wait3A_250 = arith.constant 0 : i32
    %dma_wait3A_251 = tpu.memref_slice %arg3[%arg1, %dma_wait3A_249, %dma_wait3A_250] : memref<16x80x128xi32, #tpu.memory_space<hbm>> -> memref<1x16x128xi32, #tpu.memory_space<hbm>>
    %dma_wait3A_252 = tpu.memref_squeeze %dma_wait3A_251 : memref<1x16x128xi32, #tpu.memory_space<hbm>> -> memref<16x128xi32, #tpu.memory_space<hbm>>
    %dma_wait3A_253 = arith.constant 64 : i32
    %dma_wait3A_254 = arith.constant 0 : i32
    %dma_wait3A_255 = tpu.memref_slice %arg3[%arg1, %dma_wait3A_253, %dma_wait3A_254] : memref<16x80x128xi32, #tpu.memory_space<hbm>> -> memref<1x16x128xi32, #tpu.memory_space<hbm>>
    %dma_wait3A_256 = tpu.memref_squeeze %dma_wait3A_255 : memref<1x16x128xi32, #tpu.memory_space<hbm>> -> memref<16x128xi32, #tpu.memory_space<hbm>>
    tpu.wait_dma2 semaphore(%arg16 : memref<!tpu.dma_semaphore, #tpu.memory_space<semaphore_mem>>) src(%dma_wait3A_256 : memref<16x128xi32, #tpu.memory_space<hbm>>) dst(%arg7 : memref<16x128xi32, #tpu.memory_space<vmem>>)
    %dma_wait3A_257 = arith.constant 64 : i32
    %dma_wait3A_258 = arith.constant 0 : i32
    %dma_wait3A_259 = tpu.memref_slice %arg4[%arg1, %dma_wait3A_257, %dma_wait3A_258] : memref<16x80x128xi32, #tpu.memory_space<hbm>> -> memref<1x16x128xi32, #tpu.memory_space<hbm>>
    %dma_wait3A_260 = tpu.memref_squeeze %dma_wait3A_259 : memref<1x16x128xi32, #tpu.memory_space<hbm>> -> memref<16x128xi32, #tpu.memory_space<hbm>>
    %dma_wait3A_261 = arith.constant 64 : i32
    %dma_wait3A_262 = arith.constant 0 : i32
    %dma_wait3A_263 = tpu.memref_slice %arg4[%arg1, %dma_wait3A_261, %dma_wait3A_262] : memref<16x80x128xi32, #tpu.memory_space<hbm>> -> memref<1x16x128xi32, #tpu.memory_space<hbm>>
    %dma_wait3A_264 = tpu.memref_squeeze %dma_wait3A_263 : memref<1x16x128xi32, #tpu.memory_space<hbm>> -> memref<16x128xi32, #tpu.memory_space<hbm>>
    tpu.wait_dma2 semaphore(%arg16 : memref<!tpu.dma_semaphore, #tpu.memory_space<semaphore_mem>>) src(%dma_wait3A_264 : memref<16x128xi32, #tpu.memory_space<hbm>>) dst(%arg9 : memref<16x128xi32, #tpu.memory_space<vmem>>)
    %mul3A_265 = arith.constant 10000 : i32
    %mul3A_266 = arith.muli %arg0, %mul3A_265 : i32
    %scan3A_267 = arith.constant 0 : i32
    %scan3A_268 = arith.constant 0 : i32
    %scan3A_269 = arith.constant 128 : i32
    %scan3A_270 = arith.addi %scan3A_268, %scan3A_269 : i32
    %scan3A_271 = arith.constant 1 : i32
    scf.for %scan3A_295 = %scan3A_268 to %scan3A_270 step %scan3A_271  : i32 {
      %jit3A = arith.constant 8 : i32
      %div3A = arith.divsi %scan3A_295, %jit3A : i32
      %sign3A = arith.constant 0 : i32
      %sign3A_296 = arith.cmpi sgt, %scan3A_295, %sign3A : i32
      %sign3A_297 = arith.extui %sign3A_296 : i1 to i32
      %sign3A_298 = arith.constant 0 : i32
      %sign3A_299 = arith.cmpi slt, %scan3A_295, %sign3A_298 : i32
      %sign3A_300 = arith.extui %sign3A_299 : i1 to i32
      %sign3A_301 = arith.subi %sign3A_297, %sign3A_300 : i32
      %sign3A_302 = arith.constant 0 : i32
      %sign3A_303 = arith.cmpi sgt, %jit3A, %sign3A_302 : i32
      %sign3A_304 = arith.extui %sign3A_303 : i1 to i32
      %sign3A_305 = arith.constant 0 : i32
      %sign3A_306 = arith.cmpi slt, %jit3A, %sign3A_305 : i32
      %sign3A_307 = arith.extui %sign3A_306 : i1 to i32
      %sign3A_308 = arith.subi %sign3A_304, %sign3A_307 : i32
      %ne3A = arith.cmpi ne, %sign3A_301, %sign3A_308 : i32
      %rem3A = arith.remsi %scan3A_295, %jit3A : i32
      %ne3A_309 = arith.constant 0 : i32
      %ne3A_310 = arith.cmpi ne, %rem3A, %ne3A_309 : i32
      %and3A = arith.andi %ne3A, %ne3A_310 : i1
      %sub3A = arith.constant 1 : i32
      %sub3A_311 = arith.subi %div3A, %sub3A : i32
      %select_n3A = arith.select %and3A, %sub3A_311, %div3A : i32
      %jit3A_312 = arith.constant 8 : i32
      %eq3A = arith.constant 0 : i32
      %eq3A_313 = arith.cmpi eq, %jit3A_312, %eq3A : i32
      %jit3A_314 = arith.constant 1 : i32
      %select_n3A_315 = arith.select %eq3A_313, %jit3A_314, %jit3A_312 : i32
      %rem3A_316 = arith.remsi %scan3A_295, %select_n3A_315 : i32
      %ne3A_317 = arith.constant 0 : i32
      %ne3A_318 = arith.cmpi ne, %rem3A_316, %ne3A_317 : i32
      %lt3A = arith.constant 0 : i32
      %lt3A_319 = arith.cmpi slt, %rem3A_316, %lt3A : i32
      %lt3A_320 = arith.constant 0 : i32
      %lt3A_321 = arith.cmpi slt, %select_n3A_315, %lt3A_320 : i32
      %ne3A_322 = arith.xori %lt3A_319, %lt3A_321 : i1
      %and3A_323 = arith.andi %ne3A_322, %ne3A_318 : i1
      %add3A_324 = arith.addi %rem3A_316, %select_n3A_315 : i32
      %select_n3A_325 = arith.select %and3A_323, %add3A_324, %rem3A_316 : i32
      %mul3A_326 = arith.constant 16 : i32
      %mul3A_327 = arith.muli %select_n3A_325, %mul3A_326 : i32
      %get3A = arith.index_cast %select_n3A : i32 to index
      %get3A_328 = arith.index_cast %mul3A_327 : i32 to index
      %get3A_329 = tpu.vector_load %arg7[%get3A, %get3A_328] {strides = array<i32>} : memref<16x128xi32, #tpu.memory_space<vmem>>, vector<1x16xi32>,
      %get3A_330 = vector.shape_cast %get3A_329 : vector<1x16xi32> to vector<16xi32>
      %add3A_331 = vector.broadcast %mul3A_266 : i32 to vector<16xi32>
      %add3A_332 = arith.addi %get3A_330, %add3A_331 : vector<16xi32>
      %mul3A_333 = arith.constant 16 : i32
      %mul3A_334 = arith.muli %select_n3A_325, %mul3A_333 : i32
      %swap3A = arith.index_cast %select_n3A : i32 to index
      %swap3A_335 = arith.index_cast %mul3A_334 : i32 to index
      %swap3A_336 = tpu.vector_load %arg7[%swap3A, %swap3A_335] {strides = array<i32>} : memref<16x128xi32, #tpu.memory_space<vmem>>, vector<1x16xi32>,
      %swap3A_337 = vector.shape_cast %swap3A_336 : vector<1x16xi32> to vector<16xi32>
      %swap3A_338 = vector.shape_cast %add3A_332 : vector<16xi32> to vector<1x16xi32>
      tpu.vector_store %arg7[%swap3A, %swap3A_335], %swap3A_338 {strides = array<i32>} : memref<16x128xi32, #tpu.memory_space<vmem>>, vector<1x16xi32>,
    }
    %scan3A_272 = arith.constant 128 : i32
    %dma_start3A_273 = arith.constant 0 : i32
    %dma_start3A_274 = arith.constant 0 : i32
    %dma_start3A_275 = tpu.memref_slice %arg7[%dma_start3A_273, %dma_start3A_274] : memref<16x128xi32, #tpu.memory_space<vmem>> -> memref<1x128xi32, #tpu.memory_space<vmem>>
    %dma_start3A_276 = tpu.memref_squeeze %dma_start3A_275 : memref<1x128xi32, #tpu.memory_space<vmem>> -> memref<128xi32, #tpu.memory_space<vmem>>
    %dma_start3A_277 = arith.constant 0 : i32
    %dma_start3A_278 = arith.constant 0 : i32
    %dma_start3A_279 = tpu.memref_slice %arg2[%dma_start3A_277, %dma_start3A_278] : memref<20000x128xbf16, #tpu.memory_space<hbm>> -> memref<20000x128xbf16, #tpu.memory_space<hbm>>
    tpu.enqueue_indirect_dma source(%dma_start3A_279 : memref<20000x128xbf16, #tpu.memory_space<hbm>>) target(%arg11 : memref<128x128xbf16, #tpu.memory_space<vmem>>) offsets(%dma_start3A_276 : memref<128xi32, #tpu.memory_space<vmem>>) semaphore(%arg18 : memref<!tpu.dma_semaphore, #tpu.memory_space<semaphore_mem>>)
    %scan3A_280 = arith.constant 0 : i32
    %scan3A_281 = arith.constant 0 : i32
    %scan3A_282 = arith.constant 16 : i32
    %scan3A_283 = arith.addi %scan3A_281, %scan3A_282 : i32
    %scan3A_284 = arith.constant 1 : i32
    scf.for %scan3A_295 = %scan3A_281 to %scan3A_283 step %scan3A_284  : i32 {
      %add3A_296 = arith.constant 1 : i32
      %add3A_297 = arith.addi %scan3A_295, %add3A_296 : i32
      %lt3A = arith.constant 16 : i32
      %lt3A_298 = arith.cmpi slt, %add3A_297, %lt3A : i32
      %add3A_299 = arith.constant 1 : i32
      %add3A_300 = arith.addi %scan3A_295, %add3A_299 : i32
      %jit3A = arith.constant 2 : i32
      %eq3A = arith.constant 0 : i32
      %eq3A_301 = arith.cmpi eq, %jit3A, %eq3A : i32
      %jit3A_302 = arith.constant 1 : i32
      %select_n3A = arith.select %eq3A_301, %jit3A_302, %jit3A : i32
      %rem3A = arith.remsi %add3A_300, %select_n3A : i32
      %ne3A = arith.constant 0 : i32
      %ne3A_303 = arith.cmpi ne, %rem3A, %ne3A : i32
      %lt3A_304 = arith.constant 0 : i32
      %lt3A_305 = arith.cmpi slt, %rem3A, %lt3A_304 : i32
      %lt3A_306 = arith.constant 0 : i32
      %lt3A_307 = arith.cmpi slt, %select_n3A, %lt3A_306 : i32
      %ne3A_308 = arith.xori %lt3A_305, %lt3A_307 : i1
      %and3A = arith.andi %ne3A_308, %ne3A_303 : i1
      %add3A_309 = arith.addi %rem3A, %select_n3A : i32
      %select_n3A_310 = arith.select %and3A, %add3A_309, %rem3A : i32
      %eq3A_311 = arith.constant 0 : i32
      %eq3A_312 = arith.cmpi eq, %select_n3A_310, %eq3A_311 : i32
      %and3A_313 = arith.andi %lt3A_298, %eq3A_312 : i1
      %convert_element_type3A = arith.extui %and3A_313 : i1 to i32
      %cond3A = arith.constant 0 : i32
      %cond3A_314 = arith.cmpi ne, %convert_element_type3A, %cond3A : i32
      scf.if %cond3A_314 {
        %add3A_396 = arith.constant 1 : i32
        %add3A_397 = arith.addi %scan3A_295, %add3A_396 : i32
        %dma_start3A_398 = arith.constant 0 : i32
        %dma_start3A_399 = tpu.memref_slice %arg7[%add3A_397, %dma_start3A_398] : memref<16x128xi32, #tpu.memory_space<vmem>> -> memref<1x128xi32, #tpu.memory_space<vmem>>
        %dma_start3A_400 = tpu.memref_squeeze %dma_start3A_399 : memref<1x128xi32, #tpu.memory_space<vmem>> -> memref<128xi32, #tpu.memory_space<vmem>>
        %dma_start3A_401 = arith.constant 0 : i32
        %dma_start3A_402 = arith.constant 0 : i32
        %dma_start3A_403 = tpu.memref_slice %arg2[%dma_start3A_401, %dma_start3A_402] : memref<20000x128xbf16, #tpu.memory_space<hbm>> -> memref<20000x128xbf16, #tpu.memory_space<hbm>>
        tpu.enqueue_indirect_dma source(%dma_start3A_403 : memref<20000x128xbf16, #tpu.memory_space<hbm>>) target(%arg11 : memref<128x128xbf16, #tpu.memory_space<vmem>>) offsets(%dma_start3A_400 : memref<128xi32, #tpu.memory_space<vmem>>) semaphore(%arg18 : memref<!tpu.dma_semaphore, #tpu.memory_space<semaphore_mem>>)
      } else {
      }
      %add3A_315 = arith.constant 1 : i32
      %add3A_316 = arith.addi %scan3A_295, %add3A_315 : i32
      %lt3A_317 = arith.constant 16 : i32
      %lt3A_318 = arith.cmpi slt, %add3A_316, %lt3A_317 : i32
      %add3A_319 = arith.constant 1 : i32
      %add3A_320 = arith.addi %scan3A_295, %add3A_319 : i32
      %jit3A_321 = arith.constant 2 : i32
      %eq3A_322 = arith.constant 0 : i32
      %eq3A_323 = arith.cmpi eq, %jit3A_321, %eq3A_322 : i32
      %jit3A_324 = arith.constant 1 : i32
      %select_n3A_325 = arith.select %eq3A_323, %jit3A_324, %jit3A_321 : i32
      %rem3A_326 = arith.remsi %add3A_320, %select_n3A_325 : i32
      %ne3A_327 = arith.constant 0 : i32
      %ne3A_328 = arith.cmpi ne, %rem3A_326, %ne3A_327 : i32
      %lt3A_329 = arith.constant 0 : i32
      %lt3A_330 = arith.cmpi slt, %rem3A_326, %lt3A_329 : i32
      %lt3A_331 = arith.constant 0 : i32
      %lt3A_332 = arith.cmpi slt, %select_n3A_325, %lt3A_331 : i32
      %ne3A_333 = arith.xori %lt3A_330, %lt3A_332 : i1
      %and3A_334 = arith.andi %ne3A_333, %ne3A_328 : i1
      %add3A_335 = arith.addi %rem3A_326, %select_n3A_325 : i32
      %select_n3A_336 = arith.select %and3A_334, %add3A_335, %rem3A_326 : i32
      %eq3A_337 = arith.constant 1 : i32
      %eq3A_338 = arith.cmpi eq, %select_n3A_336, %eq3A_337 : i32
      %and3A_339 = arith.andi %lt3A_318, %eq3A_338 : i1
      %convert_element_type3A_340 = arith.extui %and3A_339 : i1 to i32
      %cond3A_341 = arith.constant 0 : i32
      %cond3A_342 = arith.cmpi ne, %convert_element_type3A_340, %cond3A_341 : i32
      scf.if %cond3A_342 {
        %add3A_396 = arith.constant 1 : i32
        %add3A_397 = arith.addi %scan3A_295, %add3A_396 : i32
        %dma_start3A_398 = arith.constant 0 : i32
        %dma_start3A_399 = tpu.memref_slice %arg7[%add3A_397, %dma_start3A_398] : memref<16x128xi32, #tpu.memory_space<vmem>> -> memref<1x128xi32, #tpu.memory_space<vmem>>
        %dma_start3A_400 = tpu.memref_squeeze %dma_start3A_399 : memref<1x128xi32, #tpu.memory_space<vmem>> -> memref<128xi32, #tpu.memory_space<vmem>>
        %dma_start3A_401 = arith.constant 0 : i32
        %dma_start3A_402 = arith.constant 0 : i32
        %dma_start3A_403 = tpu.memref_slice %arg2[%dma_start3A_401, %dma_start3A_402] : memref<20000x128xbf16, #tpu.memory_space<hbm>> -> memref<20000x128xbf16, #tpu.memory_space<hbm>>
        tpu.enqueue_indirect_dma source(%dma_start3A_403 : memref<20000x128xbf16, #tpu.memory_space<hbm>>) target(%arg12 : memref<128x128xbf16, #tpu.memory_space<vmem>>) offsets(%dma_start3A_400 : memref<128xi32, #tpu.memory_space<vmem>>) semaphore(%arg19 : memref<!tpu.dma_semaphore, #tpu.memory_space<semaphore_mem>>)
      } else {
      }
      %add3A_343 = arith.constant 64 : i32
      %add3A_344 = arith.addi %add3A_343, %scan3A_295 : i32
      %lt3A_345 = arith.constant 40 : i32
      %lt3A_346 = arith.cmpi slt, %add3A_344, %lt3A_345 : i32
      %eq3A_347 = arith.constant 0 : i32
      %eq3A_348 = arith.cmpi eq, %arg0, %eq3A_347 : i32
      %not3A = arith.constant true
      %not3A_349 = arith.xori %lt3A_346, %not3A : i1
      %select_n3A_350 = arith.select %eq3A_348, %lt3A_346, %not3A_349 : i1
      %convert_element_type3A_351 = arith.extui %select_n3A_350 : i1 to i32
      %cond3A_352 = arith.constant 0 : i32
      %cond3A_353 = arith.cmpi ne, %convert_element_type3A_351, %cond3A_352 : i32
      scf.if %cond3A_353 {
        "tpu.region"() ({
          %run_scoped3A = tpu.sem_alloc : memref<!tpu.dma_semaphore, #tpu.memory_space<semaphore_mem>>
          %dma_start3A_396 = arith.constant 0 : i32
          %dma_start3A_397 = tpu.memref_slice %arg9[%scan3A_295, %dma_start3A_396] : memref<16x128xi32, #tpu.memory_space<vmem>> -> memref<1x128xi32, #tpu.memory_space<vmem>>
          %dma_start3A_398 = tpu.memref_squeeze %dma_start3A_397 : memref<1x128xi32, #tpu.memory_space<vmem>> -> memref<128xi32, #tpu.memory_space<vmem>>
          %dma_start3A_399 = arith.constant 0 : i32
          %dma_start3A_400 = arith.constant 0 : i32
          %dma_start3A_401 = tpu.memref_slice %arg15[%dma_start3A_399, %dma_start3A_400] : memref<10016x16xf32, #tpu.memory_space<vmem_shared>> -> memref<10016x16xf32, #tpu.memory_space<vmem_shared>>
          tpu.enqueue_indirect_dma source(%arg13 : memref<128x16xf32, #tpu.memory_space<vmem>>) target(%dma_start3A_401 : memref<10016x16xf32, #tpu.memory_space<vmem_shared>>) offsets(%dma_start3A_398 : memref<128xi32, #tpu.memory_space<vmem>>) semaphore(%run_scoped3A : memref<!tpu.dma_semaphore, #tpu.memory_space<semaphore_mem>>) {add = true}
          %dma_wait3A_402 = arith.constant 0 : i32
          %dma_wait3A_403 = tpu.memref_slice %arg9[%scan3A_295, %dma_wait3A_402] : memref<16x128xi32, #tpu.memory_space<vmem>> -> memref<1x128xi32, #tpu.memory_space<vmem>>
          %dma_wait3A_404 = tpu.memref_squeeze %dma_wait3A_403 : memref<1x128xi32, #tpu.memory_space<vmem>> -> memref<128xi32, #tpu.memory_space<vmem>>
          %dma_wait3A_405 = arith.constant 0 : i32
          %dma_wait3A_406 = arith.constant 0 : i32
          %dma_wait3A_407 = tpu.memref_slice %arg15[%dma_wait3A_405, %dma_wait3A_406] : memref<10016x16xf32, #tpu.memory_space<vmem_shared>> -> memref<10016x16xf32, #tpu.memory_space<vmem_shared>>
          tpu.wait_indirect_dma semaphore(%run_scoped3A : memref<!tpu.dma_semaphore, #tpu.memory_space<semaphore_mem>>) src(%arg13 : memref<128x16xf32, #tpu.memory_space<vmem>>) dst(%dma_wait3A_407 : memref<10016x16xf32, #tpu.memory_space<vmem_shared>>)
          tpu.yield
        }) : () -> ()
      } else {
      }
      %jit3A_354 = arith.constant 2 : i32
      %eq3A_355 = arith.constant 0 : i32
      %eq3A_356 = arith.cmpi eq, %jit3A_354, %eq3A_355 : i32
      %jit3A_357 = arith.constant 1 : i32
      %select_n3A_358 = arith.select %eq3A_356, %jit3A_357, %jit3A_354 : i32
      %rem3A_359 = arith.remsi %scan3A_295, %select_n3A_358 : i32
      %ne3A_360 = arith.constant 0 : i32
      %ne3A_361 = arith.cmpi ne, %rem3A_359, %ne3A_360 : i32
      %lt3A_362 = arith.constant 0 : i32
      %lt3A_363 = arith.cmpi slt, %rem3A_359, %lt3A_362 : i32
      %lt3A_364 = arith.constant 0 : i32
      %lt3A_365 = arith.cmpi slt, %select_n3A_358, %lt3A_364 : i32
      %ne3A_366 = arith.xori %lt3A_363, %lt3A_365 : i1
      %and3A_367 = arith.andi %ne3A_366, %ne3A_361 : i1
      %add3A_368 = arith.addi %rem3A_359, %select_n3A_358 : i32
      %select_n3A_369 = arith.select %and3A_367, %add3A_368, %rem3A_359 : i32
      %eq3A_370 = arith.constant 0 : i32
      %eq3A_371 = arith.cmpi eq, %select_n3A_369, %eq3A_370 : i32
      %convert_element_type3A_372 = arith.extui %eq3A_371 : i1 to i32
      %cond3A_373 = arith.constant 0 : i32
      %cond3A_374 = arith.cmpi ne, %convert_element_type3A_372, %cond3A_373 : i32
      scf.if %cond3A_374 {
        %dma_wait3A_396 = arith.constant 0 : i32
        %dma_wait3A_397 = tpu.memref_slice %arg7[%scan3A_295, %dma_wait3A_396] : memref<16x128xi32, #tpu.memory_space<vmem>> -> memref<1x128xi32, #tpu.memory_space<vmem>>
        %dma_wait3A_398 = tpu.memref_squeeze %dma_wait3A_397 : memref<1x128xi32, #tpu.memory_space<vmem>> -> memref<128xi32, #tpu.memory_space<vmem>>
        %dma_wait3A_399 = arith.constant 0 : i32
        %dma_wait3A_400 = arith.constant 0 : i32
        %dma_wait3A_401 = tpu.memref_slice %arg2[%dma_wait3A_399, %dma_wait3A_400] : memref<20000x128xbf16, #tpu.memory_space<hbm>> -> memref<20000x128xbf16, #tpu.memory_space<hbm>>
        tpu.wait_indirect_dma semaphore(%arg18 : memref<!tpu.dma_semaphore, #tpu.memory_space<semaphore_mem>>) src(%dma_wait3A_401 : memref<20000x128xbf16, #tpu.memory_space<hbm>>) dst(%arg11 : memref<128x128xbf16, #tpu.memory_space<vmem>>)
        "tpu.region"() ({
          %run_scoped3A = tpu.sem_alloc : memref<!tpu.dma_semaphore, #tpu.memory_space<semaphore_mem>>
          %dma_start3A_402 = arith.constant 0 : i32
          %dma_start3A_403 = tpu.memref_slice %arg9[%scan3A_295, %dma_start3A_402] : memref<16x128xi32, #tpu.memory_space<vmem>> -> memref<1x128xi32, #tpu.memory_space<vmem>>
          %dma_start3A_404 = tpu.memref_squeeze %dma_start3A_403 : memref<1x128xi32, #tpu.memory_space<vmem>> -> memref<128xi32, #tpu.memory_space<vmem>>
          %dma_start3A_405 = arith.constant 0 : i32
          %dma_start3A_406 = arith.constant 0 : i32
          %dma_start3A_407 = tpu.memref_slice %arg14[%dma_start3A_405, %dma_start3A_406] : memref<10016x128xbf16, #tpu.memory_space<vmem_shared>> -> memref<10016x128xbf16, #tpu.memory_space<vmem_shared>>
          tpu.enqueue_indirect_dma source(%arg11 : memref<128x128xbf16, #tpu.memory_space<vmem>>) target(%dma_start3A_407 : memref<10016x128xbf16, #tpu.memory_space<vmem_shared>>) offsets(%dma_start3A_404 : memref<128xi32, #tpu.memory_space<vmem>>) semaphore(%run_scoped3A : memref<!tpu.dma_semaphore, #tpu.memory_space<semaphore_mem>>) {add = true}
          %dma_wait3A_408 = arith.constant 0 : i32
          %dma_wait3A_409 = tpu.memref_slice %arg9[%scan3A_295, %dma_wait3A_408] : memref<16x128xi32, #tpu.memory_space<vmem>> -> memref<1x128xi32, #tpu.memory_space<vmem>>
          %dma_wait3A_410 = tpu.memref_squeeze %dma_wait3A_409 : memref<1x128xi32, #tpu.memory_space<vmem>> -> memref<128xi32, #tpu.memory_space<vmem>>
          %dma_wait3A_411 = arith.constant 0 : i32
          %dma_wait3A_412 = arith.constant 0 : i32
          %dma_wait3A_413 = tpu.memref_slice %arg14[%dma_wait3A_411, %dma_wait3A_412] : memref<10016x128xbf16, #tpu.memory_space<vmem_shared>> -> memref<10016x128xbf16, #tpu.memory_space<vmem_shared>>
          tpu.wait_indirect_dma semaphore(%run_scoped3A : memref<!tpu.dma_semaphore, #tpu.memory_space<semaphore_mem>>) src(%arg11 : memref<128x128xbf16, #tpu.memory_space<vmem>>) dst(%dma_wait3A_413 : memref<10016x128xbf16, #tpu.memory_space<vmem_shared>>)
          tpu.yield
        }) : () -> ()
      } else {
      }
      %jit3A_375 = arith.constant 2 : i32
      %eq3A_376 = arith.constant 0 : i32
      %eq3A_377 = arith.cmpi eq, %jit3A_375, %eq3A_376 : i32
      %jit3A_378 = arith.constant 1 : i32
      %select_n3A_379 = arith.select %eq3A_377, %jit3A_378, %jit3A_375 : i32
      %rem3A_380 = arith.remsi %scan3A_295, %select_n3A_379 : i32
      %ne3A_381 = arith.constant 0 : i32
      %ne3A_382 = arith.cmpi ne, %rem3A_380, %ne3A_381 : i32
      %lt3A_383 = arith.constant 0 : i32
      %lt3A_384 = arith.cmpi slt, %rem3A_380, %lt3A_383 : i32
      %lt3A_385 = arith.constant 0 : i32
      %lt3A_386 = arith.cmpi slt, %select_n3A_379, %lt3A_385 : i32
      %ne3A_387 = arith.xori %lt3A_384, %lt3A_386 : i1
      %and3A_388 = arith.andi %ne3A_387, %ne3A_382 : i1
      %add3A_389 = arith.addi %rem3A_380, %select_n3A_379 : i32
      %select_n3A_390 = arith.select %and3A_388, %add3A_389, %rem3A_380 : i32
      %eq3A_391 = arith.constant 1 : i32
      %eq3A_392 = arith.cmpi eq, %select_n3A_390, %eq3A_391 : i32
      %convert_element_type3A_393 = arith.extui %eq3A_392 : i1 to i32
      %cond3A_394 = arith.constant 0 : i32
      %cond3A_395 = arith.cmpi ne, %convert_element_type3A_393, %cond3A_394 : i32
      scf.if %cond3A_395 {
        %dma_wait3A_396 = arith.constant 0 : i32
        %dma_wait3A_397 = tpu.memref_slice %arg7[%scan3A_295, %dma_wait3A_396] : memref<16x128xi32, #tpu.memory_space<vmem>> -> memref<1x128xi32, #tpu.memory_space<vmem>>
        %dma_wait3A_398 = tpu.memref_squeeze %dma_wait3A_397 : memref<1x128xi32, #tpu.memory_space<vmem>> -> memref<128xi32, #tpu.memory_space<vmem>>
        %dma_wait3A_399 = arith.constant 0 : i32
        %dma_wait3A_400 = arith.constant 0 : i32
        %dma_wait3A_401 = tpu.memref_slice %arg2[%dma_wait3A_399, %dma_wait3A_400] : memref<20000x128xbf16, #tpu.memory_space<hbm>> -> memref<20000x128xbf16, #tpu.memory_space<hbm>>
        tpu.wait_indirect_dma semaphore(%arg19 : memref<!tpu.dma_semaphore, #tpu.memory_space<semaphore_mem>>) src(%dma_wait3A_401 : memref<20000x128xbf16, #tpu.memory_space<hbm>>) dst(%arg12 : memref<128x128xbf16, #tpu.memory_space<vmem>>)
        "tpu.region"() ({
          %run_scoped3A = tpu.sem_alloc : memref<!tpu.dma_semaphore, #tpu.memory_space<semaphore_mem>>
          %dma_start3A_402 = arith.constant 0 : i32
          %dma_start3A_403 = tpu.memref_slice %arg9[%scan3A_295, %dma_start3A_402] : memref<16x128xi32, #tpu.memory_space<vmem>> -> memref<1x128xi32, #tpu.memory_space<vmem>>
          %dma_start3A_404 = tpu.memref_squeeze %dma_start3A_403 : memref<1x128xi32, #tpu.memory_space<vmem>> -> memref<128xi32, #tpu.memory_space<vmem>>
          %dma_start3A_405 = arith.constant 0 : i32
          %dma_start3A_406 = arith.constant 0 : i32
          %dma_start3A_407 = tpu.memref_slice %arg14[%dma_start3A_405, %dma_start3A_406] : memref<10016x128xbf16, #tpu.memory_space<vmem_shared>> -> memref<10016x128xbf16, #tpu.memory_space<vmem_shared>>
          tpu.enqueue_indirect_dma source(%arg12 : memref<128x128xbf16, #tpu.memory_space<vmem>>) target(%dma_start3A_407 : memref<10016x128xbf16, #tpu.memory_space<vmem_shared>>) offsets(%dma_start3A_404 : memref<128xi32, #tpu.memory_space<vmem>>) semaphore(%run_scoped3A : memref<!tpu.dma_semaphore, #tpu.memory_space<semaphore_mem>>) {add = true}
          %dma_wait3A_408 = arith.constant 0 : i32
          %dma_wait3A_409 = tpu.memref_slice %arg9[%scan3A_295, %dma_wait3A_408] : memref<16x128xi32, #tpu.memory_space<vmem>> -> memref<1x128xi32, #tpu.memory_space<vmem>>
          %dma_wait3A_410 = tpu.memref_squeeze %dma_wait3A_409 : memref<1x128xi32, #tpu.memory_space<vmem>> -> memref<128xi32, #tpu.memory_space<vmem>>
          %dma_wait3A_411 = arith.constant 0 : i32
          %dma_wait3A_412 = arith.constant 0 : i32
          %dma_wait3A_413 = tpu.memref_slice %arg14[%dma_wait3A_411, %dma_wait3A_412] : memref<10016x128xbf16, #tpu.memory_space<vmem_shared>> -> memref<10016x128xbf16, #tpu.memory_space<vmem_shared>>
          tpu.wait_indirect_dma semaphore(%run_scoped3A : memref<!tpu.dma_semaphore, #tpu.memory_space<semaphore_mem>>) src(%arg12 : memref<128x128xbf16, #tpu.memory_space<vmem>>) dst(%dma_wait3A_413 : memref<10016x128xbf16, #tpu.memory_space<vmem_shared>>)
          tpu.yield
        }) : () -> ()
      } else {
      }
    }
    %scan3A_285 = arith.constant 16 : i32
    %barrier3A_286 = arith.constant 0 : index
    tpu.barrier barrier_id(%barrier3A_286)
    %mul3A_287 = arith.constant 626 : i32
    %mul3A_288 = arith.muli %arg1, %mul3A_287 : i32
    %mul3A_289 = arith.constant 626 : i32
    %mul3A_290 = arith.muli %arg1, %mul3A_289 : i32
    "tpu.region"() ({
      %run_scoped3A = tpu.sem_alloc : memref<!tpu.dma_semaphore, #tpu.memory_space<semaphore_mem>>
      %dma_start3A_295 = arith.constant 0 : i32
      %dma_start3A_296 = tpu.memref_slice %arg5[%arg0, %mul3A_290, %dma_start3A_295] : memref<2x10016x128xbf16, #tpu.memory_space<hbm>> -> memref<1x626x128xbf16, #tpu.memory_space<hbm>>
      %dma_start3A_297 = tpu.memref_squeeze %dma_start3A_296 : memref<1x626x128xbf16, #tpu.memory_space<hbm>> -> memref<626x128xbf16, #tpu.memory_space<hbm>>
      %dma_start3A_298 = arith.constant 0 : i32
      %dma_start3A_299 = tpu.memref_slice %arg14[%mul3A_288, %dma_start3A_298] : memref<10016x128xbf16, #tpu.memory_space<vmem_shared>> -> memref<626x128xbf16, #tpu.memory_space<vmem_shared>>
      tpu.enqueue_dma source(%dma_start3A_299 : memref<626x128xbf16, #tpu.memory_space<vmem_shared>>) target(%dma_start3A_297 : memref<626x128xbf16, #tpu.memory_space<hbm>>) target_semaphore(%run_scoped3A : memref<!tpu.dma_semaphore, #tpu.memory_space<semaphore_mem>>)
      %dma_wait3A_300 = arith.constant 0 : i32
      %dma_wait3A_301 = tpu.memref_slice %arg5[%arg0, %mul3A_290, %dma_wait3A_300] : memref<2x10016x128xbf16, #tpu.memory_space<hbm>> -> memref<1x626x128xbf16, #tpu.memory_space<hbm>>
      %dma_wait3A_302 = tpu.memref_squeeze %dma_wait3A_301 : memref<1x626x128xbf16, #tpu.memory_space<hbm>> -> memref<626x128xbf16, #tpu.memory_space<hbm>>
      %dma_wait3A_303 = arith.constant 0 : i32
      %dma_wait3A_304 = tpu.memref_slice %arg14[%mul3A_288, %dma_wait3A_303] : memref<10016x128xbf16, #tpu.memory_space<vmem_shared>> -> memref<626x128xbf16, #tpu.memory_space<vmem_shared>>
      tpu.wait_dma2 semaphore(%run_scoped3A : memref<!tpu.dma_semaphore, #tpu.memory_space<semaphore_mem>>) src(%dma_wait3A_304 : memref<626x128xbf16, #tpu.memory_space<vmem_shared>>) dst(%dma_wait3A_302 : memref<626x128xbf16, #tpu.memory_space<hbm>>)
      tpu.yield
    }) : () -> ()
    %mul3A_291 = arith.constant 626 : i32
    %mul3A_292 = arith.muli %arg1, %mul3A_291 : i32
    %mul3A_293 = arith.constant 626 : i32
    %mul3A_294 = arith.muli %arg1, %mul3A_293 : i32
    "tpu.region"() ({
      %run_scoped3A = tpu.sem_alloc : memref<!tpu.dma_semaphore, #tpu.memory_space<semaphore_mem>>
      %dma_start3A_295 = arith.constant 0 : i32
      %dma_start3A_296 = tpu.memref_slice %arg6[%arg0, %mul3A_294, %dma_start3A_295] : memref<2x10016x16xf32, #tpu.memory_space<hbm>> -> memref<1x626x16xf32, #tpu.memory_space<hbm>>
      %dma_start3A_297 = tpu.memref_squeeze %dma_start3A_296 : memref<1x626x16xf32, #tpu.memory_space<hbm>> -> memref<626x16xf32, #tpu.memory_space<hbm>>
      %dma_start3A_298 = arith.constant 0 : i32
      %dma_start3A_299 = tpu.memref_slice %arg15[%mul3A_292, %dma_start3A_298] : memref<10016x16xf32, #tpu.memory_space<vmem_shared>> -> memref<626x16xf32, #tpu.memory_space<vmem_shared>>
      tpu.enqueue_dma source(%dma_start3A_299 : memref<626x16xf32, #tpu.memory_space<vmem_shared>>) target(%dma_start3A_297 : memref<626x16xf32, #tpu.memory_space<hbm>>) target_semaphore(%run_scoped3A : memref<!tpu.dma_semaphore, #tpu.memory_space<semaphore_mem>>)
      %dma_wait3A_300 = arith.constant 0 : i32
      %dma_wait3A_301 = tpu.memref_slice %arg6[%arg0, %mul3A_294, %dma_wait3A_300] : memref<2x10016x16xf32, #tpu.memory_space<hbm>> -> memref<1x626x16xf32, #tpu.memory_space<hbm>>
      %dma_wait3A_302 = tpu.memref_squeeze %dma_wait3A_301 : memref<1x626x16xf32, #tpu.memory_space<hbm>> -> memref<626x16xf32, #tpu.memory_space<hbm>>
      %dma_wait3A_303 = arith.constant 0 : i32
      %dma_wait3A_304 = tpu.memref_slice %arg15[%mul3A_292, %dma_wait3A_303] : memref<10016x16xf32, #tpu.memory_space<vmem_shared>> -> memref<626x16xf32, #tpu.memory_space<vmem_shared>>
      tpu.wait_dma2 semaphore(%run_scoped3A : memref<!tpu.dma_semaphore, #tpu.memory_space<semaphore_mem>>) src(%dma_wait3A_304 : memref<626x16xf32, #tpu.memory_space<vmem_shared>>) dst(%dma_wait3A_302 : memref<626x16xf32, #tpu.memory_space<hbm>>)
      tpu.yield
    }) : () -> ()
    return
  }
}

module attributes {stable_mosaic.version = 14 : i64} {
  func.func @_tc_a_body(%arg0: i32, %arg1: memref<1000x256xf32, #tpu.memory_space<vmem>>, %arg2: memref<128x256xf32, #tpu.memory_space<vmem>>, %arg3: memref<1000x128xbf16, #tpu.memory_space<vmem>>) attributes {dimension_semantics = [#tpu.dimension_semantics<arbitrary>], iteration_bounds = array<i64: 20>, scalar_prefetch = 0 : i64, scratch_operands = 0 : i64, tpu.core_type = #tpu.core_type<tc>, window_params = [{transform_indices = @transform_0, window_bounds = array<i64: 1000, 256>}, {transform_indices = @transform_1, window_bounds = array<i64: 128, 256>}, {transform_indices = @transform_2, window_bounds = array<i64: 1000, 128>}]} {
    %get3A = arith.constant 0 : index
    %get3A_0 = arith.constant 0 : index
    %get3A_1 = vector.load %arg1[%get3A, %get3A_0] : memref<1000x256xf32, #tpu.memory_space<vmem>>, vector<1000x256xf32>
    %get3A_2 = arith.constant 0 : index
    %get3A_3 = arith.constant 0 : index
    %get3A_4 = vector.load %arg2[%get3A_2, %get3A_3] : memref<128x256xf32, #tpu.memory_space<vmem>>, vector<128x256xf32>
    %dot_general3A = arith.constant dense<0.000000e+00> : vector<1000x128xf32>
    %dot_general3A_5 = tpu.matmul %get3A_1, %get3A_4, %dot_general3A {dimension_numbers = #tpu.dot_dimension_numbers<[1], [1], [0], [0], [0, 0, 1, 0], [], []>, transpose_lhs_hint = false} : vector<1000x256xf32>, vector<128x256xf32>, vector<1000x128xf32> -> vector<1000x128xf32>
    %convert_element_type3A = arith.truncf %dot_general3A_5 : vector<1000x128xf32> to vector<1000x128xbf16>
    %swap3A = arith.constant 0 : index
    %swap3A_6 = arith.constant 0 : index
    %swap3A_7 = vector.load %arg3[%swap3A, %swap3A_6] : memref<1000x128xbf16, #tpu.memory_space<vmem>>, vector<1000x128xbf16>
    tpu.vector_store %arg3[%swap3A, %swap3A_6], %convert_element_type3A {strides = array<i32>} : memref<1000x128xbf16, #tpu.memory_space<vmem>>, vector<1000x128xbf16>,
    return
  }
  func.func @transform_0(%arg0: i32) -> (i32, i32) {
    %jit3A = arith.constant 10 : i32
    %eq3A = arith.constant 0 : i32
    %eq3A_0 = arith.cmpi eq, %jit3A, %eq3A : i32
    %jit3A_1 = arith.constant 1 : i32
    %select_n3A = arith.select %eq3A_0, %jit3A_1, %jit3A : i32
    %rem3A = arith.remsi %arg0, %select_n3A : i32
    %ne3A = arith.constant 0 : i32
    %ne3A_2 = arith.cmpi ne, %rem3A, %ne3A : i32
    %lt3A = arith.constant 0 : i32
    %lt3A_3 = arith.cmpi slt, %rem3A, %lt3A : i32
    %lt3A_4 = arith.constant 0 : i32
    %lt3A_5 = arith.cmpi slt, %select_n3A, %lt3A_4 : i32
    %ne3A_6 = arith.xori %lt3A_3, %lt3A_5 : i1
    %and3A = arith.andi %ne3A_6, %ne3A_2 : i1
    %add3A = arith.addi %rem3A, %select_n3A : i32
    %select_n3A_7 = arith.select %and3A, %add3A, %rem3A : i32
    %c0_i32 = arith.constant 0 : i32
    %c0_i32_8 = arith.constant 0 : i32
    return %select_n3A_7, %c0_i32 : i32, i32
  }
  func.func @transform_1(%arg0: i32) -> (i32, i32) {
    %jit3A = arith.constant 10 : i32
    %div3A = arith.divsi %arg0, %jit3A : i32
    %sign3A = arith.constant 0 : i32
    %sign3A_0 = arith.cmpi sgt, %arg0, %sign3A : i32
    %sign3A_1 = arith.extui %sign3A_0 : i1 to i32
    %sign3A_2 = arith.constant 0 : i32
    %sign3A_3 = arith.cmpi slt, %arg0, %sign3A_2 : i32
    %sign3A_4 = arith.extui %sign3A_3 : i1 to i32
    %sign3A_5 = arith.subi %sign3A_1, %sign3A_4 : i32
    %sign3A_6 = arith.constant 0 : i32
    %sign3A_7 = arith.cmpi sgt, %jit3A, %sign3A_6 : i32
    %sign3A_8 = arith.extui %sign3A_7 : i1 to i32
    %sign3A_9 = arith.constant 0 : i32
    %sign3A_10 = arith.cmpi slt, %jit3A, %sign3A_9 : i32
    %sign3A_11 = arith.extui %sign3A_10 : i1 to i32
    %sign3A_12 = arith.subi %sign3A_8, %sign3A_11 : i32
    %ne3A = arith.cmpi ne, %sign3A_5, %sign3A_12 : i32
    %rem3A = arith.remsi %arg0, %jit3A : i32
    %ne3A_13 = arith.constant 0 : i32
    %ne3A_14 = arith.cmpi ne, %rem3A, %ne3A_13 : i32
    %and3A = arith.andi %ne3A, %ne3A_14 : i1
    %sub3A = arith.constant 1 : i32
    %sub3A_15 = arith.subi %div3A, %sub3A : i32
    %select_n3A = arith.select %and3A, %sub3A_15, %div3A : i32
    %c0_i32 = arith.constant 0 : i32
    %c0_i32_16 = arith.constant 0 : i32
    return %select_n3A, %c0_i32 : i32, i32
  }
  func.func @transform_2(%arg0: i32) -> (i32, i32) {
    %c0_i32 = arith.constant 0 : i32
    %c0_i32_0 = arith.constant 0 : i32
    return %arg0, %c0_i32 : i32, i32
  }
}

module attributes {stable_mosaic.version = 14 : i64} {
  func.func @_tc_b_body(%arg0: i32, %arg1: memref<2x1000x128xbf16, #tpu.memory_space<vmem>>, %arg2: memref<2x1000x16xf32, #tpu.memory_space<vmem>>, %arg3: memref<1000x256xf32, #tpu.memory_space<vmem>>, %arg4: memref<256x256xf32, #tpu.memory_space<vmem>>, %arg5: memref<1x256xf32, #tpu.memory_space<vmem>>, %arg6: memref<16x256xf32, #tpu.memory_space<vmem>>, %arg7: memref<16x256xf32, #tpu.memory_space<vmem>>, %arg8: memref<1x16xf32, #tpu.memory_space<vmem>>, %arg9: memref<1000x16xf32, #tpu.memory_space<vmem>>, %arg10: memref<1000x16xf32, #tpu.memory_space<vmem>>) attributes {dimension_semantics = [#tpu.dimension_semantics<arbitrary>], iteration_bounds = array<i64: 10>, scalar_prefetch = 0 : i64, scratch_operands = 0 : i64, tpu.core_type = #tpu.core_type<tc>, window_params = [{transform_indices = @transform_0, window_bounds = array<i64: 2, 1000, 128>}, {transform_indices = @transform_1, window_bounds = array<i64: 2, 1000, 16>}, {transform_indices = @transform_2, window_bounds = array<i64: 1000, 256>}, {pipeline_mode = #tpu.pipeline_mode<synchronous>, transform_indices = @transform_3, window_bounds = array<i64: 256, 256>}, {pipeline_mode = #tpu.pipeline_mode<synchronous>, transform_indices = @transform_4, window_bounds = array<i64: 1, 256>}, {pipeline_mode = #tpu.pipeline_mode<synchronous>, transform_indices = @transform_5, window_bounds = array<i64: 16, 256>}, {pipeline_mode = #tpu.pipeline_mode<synchronous>, transform_indices = @transform_6, window_bounds = array<i64: 16, 256>}, {pipeline_mode = #tpu.pipeline_mode<synchronous>, transform_indices = @transform_7, window_bounds = array<i64: 1, 16>}, {transform_indices = @transform_8, window_bounds = array<i64: 1000, 16>}, {transform_indices = @transform_9, window_bounds = array<i64: 1000, 16>}]} {
    %get3A = arith.constant 0 : index
    %get3A_0 = arith.constant 0 : index
    %get3A_1 = arith.constant 0 : index
    %get3A_2 = vector.load %arg1[%get3A, %get3A_0, %get3A_1] : memref<2x1000x128xbf16, #tpu.memory_space<vmem>>, vector<1x1000x128xbf16>
    %get3A_3 = vector.shape_cast %get3A_2 : vector<1x1000x128xbf16> to vector<1000x128xbf16>
    %get3A_4 = arith.constant 1 : index
    %get3A_5 = arith.constant 0 : index
    %get3A_6 = arith.constant 0 : index
    %get3A_7 = vector.load %arg1[%get3A_4, %get3A_5, %get3A_6] : memref<2x1000x128xbf16, #tpu.memory_space<vmem>>, vector<1x1000x128xbf16>
    %get3A_8 = vector.shape_cast %get3A_7 : vector<1x1000x128xbf16> to vector<1000x128xbf16>
    %concatenate3A = tpu.concatenate %get3A_3, %get3A_8 in 1 : vector<1000x128xbf16>, vector<1000x128xbf16> -> vector<1000x256xbf16>
    %convert_element_type3A = arith.extf %concatenate3A : vector<1000x256xbf16> to vector<1000x256xf32>
    %get3A_9 = arith.constant 0 : index
    %get3A_10 = arith.constant 0 : index
    %get3A_11 = arith.constant 0 : index
    %get3A_12 = vector.load %arg2[%get3A_9, %get3A_10, %get3A_11] : memref<2x1000x16xf32, #tpu.memory_space<vmem>>, vector<1x1000x1xf32>
    %get3A_13 = vector.shape_cast %get3A_12 : vector<1x1000x1xf32> to vector<1000x1xf32>
    %get3A_14 = arith.constant 1 : index
    %get3A_15 = arith.constant 0 : index
    %get3A_16 = arith.constant 0 : index
    %get3A_17 = vector.load %arg2[%get3A_14, %get3A_15, %get3A_16] : memref<2x1000x16xf32, #tpu.memory_space<vmem>>, vector<1x1000x1xf32>
    %get3A_18 = vector.shape_cast %get3A_17 : vector<1x1000x1xf32> to vector<1000x1xf32>
    %add3A = arith.addf %get3A_13, %get3A_18 : vector<1000x1xf32>
    %max3A = arith.constant 1.000000e+00 : f32
    %max3A_19 = vector.broadcast %max3A : f32 to vector<1000x1xf32>
    %max3A_20 = arith.maximumf %add3A, %max3A_19 : vector<1000x1xf32>
    %get3A_21 = arith.constant 0 : index
    %get3A_22 = arith.constant 0 : index
    %get3A_23 = vector.load %arg3[%get3A_21, %get3A_22] : memref<1000x256xf32, #tpu.memory_space<vmem>>, vector<1000x256xf32>
    %get3A_24 = arith.constant 0 : index
    %get3A_25 = arith.constant 0 : index
    %get3A_26 = vector.load %arg4[%get3A_24, %get3A_25] : memref<256x256xf32, #tpu.memory_space<vmem>>, vector<256x256xf32>
    %dot_general3A = arith.constant dense<0.000000e+00> : vector<1000x256xf32>
    %dot_general3A_27 = tpu.matmul %get3A_23, %get3A_26, %dot_general3A {dimension_numbers = #tpu.dot_dimension_numbers<[1], [1], [0], [0], [0, 0, 1, 0], [], []>, transpose_lhs_hint = false} : vector<1000x256xf32>, vector<256x256xf32>, vector<1000x256xf32> -> vector<1000x256xf32>
    %get3A_28 = arith.constant 0 : index
    %get3A_29 = arith.constant 0 : index
    %get3A_30 = vector.load %arg5[%get3A_28, %get3A_29] : memref<1x256xf32, #tpu.memory_space<vmem>>, vector<1x256xf32>
    %add3A_31 = vector.broadcast %get3A_30 : vector<1x256xf32> to vector<1000x256xf32>
    %add3A_32 = arith.addf %dot_general3A_27, %add3A_31 : vector<1000x256xf32>
    %div3A = vector.broadcast %max3A_20 : vector<1000x1xf32> to vector<1000x256xf32>
    %div3A_33 = arith.divf %convert_element_type3A, %div3A : vector<1000x256xf32>
    %add3A_34 = arith.addf %div3A_33, %add3A_32 : vector<1000x256xf32>
    %max3A_35 = arith.constant 0.000000e+00 : f32
    %max3A_36 = vector.broadcast %max3A_35 : f32 to vector<1000x256xf32>
    %max3A_37 = arith.maximumf %add3A_34, %max3A_36 : vector<1000x256xf32>
    %get3A_38 = arith.constant 0 : index
    %get3A_39 = arith.constant 0 : index
    %get3A_40 = vector.load %arg6[%get3A_38, %get3A_39] : memref<16x256xf32, #tpu.memory_space<vmem>>, vector<16x256xf32>
    %dot_general3A_41 = arith.constant dense<0.000000e+00> : vector<1000x16xf32>
    %dot_general3A_42 = tpu.matmul %max3A_37, %get3A_40, %dot_general3A_41 {dimension_numbers = #tpu.dot_dimension_numbers<[1], [1], [0], [0], [0, 0, 1, 0], [], []>, transpose_lhs_hint = false} : vector<1000x256xf32>, vector<16x256xf32>, vector<1000x16xf32> -> vector<1000x16xf32>
    %get3A_43 = arith.constant 0 : index
    %get3A_44 = arith.constant 0 : index
    %get3A_45 = vector.load %arg7[%get3A_43, %get3A_44] : memref<16x256xf32, #tpu.memory_space<vmem>>, vector<16x256xf32>
    %dot_general3A_46 = arith.constant dense<0.000000e+00> : vector<1000x16xf32>
    %dot_general3A_47 = tpu.matmul %max3A_37, %get3A_45, %dot_general3A_46 {dimension_numbers = #tpu.dot_dimension_numbers<[1], [1], [0], [0], [0, 0, 1, 0], [], []>, transpose_lhs_hint = false} : vector<1000x256xf32>, vector<16x256xf32>, vector<1000x16xf32> -> vector<1000x16xf32>
    %get3A_48 = arith.constant 0 : index
    %get3A_49 = arith.constant 0 : index
    %get3A_50 = vector.load %arg8[%get3A_48, %get3A_49] : memref<1x16xf32, #tpu.memory_space<vmem>>, vector<1x16xf32>
    %add3A_51 = vector.broadcast %get3A_50 : vector<1x16xf32> to vector<1000x16xf32>
    %add3A_52 = arith.addf %dot_general3A_47, %add3A_51 : vector<1000x16xf32>
    %swap3A = arith.constant 0 : index
    %swap3A_53 = arith.constant 0 : index
    %swap3A_54 = vector.load %arg9[%swap3A, %swap3A_53] : memref<1000x16xf32, #tpu.memory_space<vmem>>, vector<1000x16xf32>
    tpu.vector_store %arg9[%swap3A, %swap3A_53], %dot_general3A_42 {strides = array<i32>} : memref<1000x16xf32, #tpu.memory_space<vmem>>, vector<1000x16xf32>,
    %slice3A = vector.extract_strided_slice %add3A_52 {offsets = [0, 0], sizes = [1000, 2], strides = [1, 1]} : vector<1000x16xf32> to vector<1000x2xf32>
    %broadcast_in_dim3A = arith.constant 0.000000e+00 : f32
    %broadcast_in_dim3A_55 = vector.broadcast %broadcast_in_dim3A : f32 to vector<1000x13xf32>
    %concatenate3A_56 = tpu.concatenate %slice3A, %max3A_20, %broadcast_in_dim3A_55 in 1 : vector<1000x2xf32>, vector<1000x1xf32>, vector<1000x13xf32> -> vector<1000x16xf32>
    %swap3A_57 = arith.constant 0 : index
    %swap3A_58 = arith.constant 0 : index
    %swap3A_59 = vector.load %arg10[%swap3A_57, %swap3A_58] : memref<1000x16xf32, #tpu.memory_space<vmem>>, vector<1000x16xf32>
    tpu.vector_store %arg10[%swap3A_57, %swap3A_58], %concatenate3A_56 {strides = array<i32>} : memref<1000x16xf32, #tpu.memory_space<vmem>>, vector<1000x16xf32>,
    return
  }
  func.func @transform_0(%arg0: i32) -> (i32, i32, i32) {
    %c0_i32 = arith.constant 0 : i32
    %c0_i32_0 = arith.constant 0 : i32
    %c0_i32_1 = arith.constant 0 : i32
    return %c0_i32, %arg0, %c0_i32_0 : i32, i32, i32
  }
  func.func @transform_1(%arg0: i32) -> (i32, i32, i32) {
    %c0_i32 = arith.constant 0 : i32
    %c0_i32_0 = arith.constant 0 : i32
    %c0_i32_1 = arith.constant 0 : i32
    return %c0_i32, %arg0, %c0_i32_0 : i32, i32, i32
  }
  func.func @transform_2(%arg0: i32) -> (i32, i32) {
    %c0_i32 = arith.constant 0 : i32
    %c0_i32_0 = arith.constant 0 : i32
    return %arg0, %c0_i32 : i32, i32
  }
  func.func @transform_3(%arg0: i32) -> (i32, i32) {
    %c0_i32 = arith.constant 0 : i32
    %c0_i32_0 = arith.constant 0 : i32
    %c0_i32_1 = arith.constant 0 : i32
    return %c0_i32, %c0_i32_0 : i32, i32
  }
  func.func @transform_4(%arg0: i32) -> (i32, i32) {
    %c0_i32 = arith.constant 0 : i32
    %c0_i32_0 = arith.constant 0 : i32
    %c0_i32_1 = arith.constant 0 : i32
    return %c0_i32, %c0_i32_0 : i32, i32
  }
  func.func @transform_5(%arg0: i32) -> (i32, i32) {
    %c0_i32 = arith.constant 0 : i32
    %c0_i32_0 = arith.constant 0 : i32
    %c0_i32_1 = arith.constant 0 : i32
    return %c0_i32, %c0_i32_0 : i32, i32
  }
  func.func @transform_6(%arg0: i32) -> (i32, i32) {
    %c0_i32 = arith.constant 0 : i32
    %c0_i32_0 = arith.constant 0 : i32
    %c0_i32_1 = arith.constant 0 : i32
    return %c0_i32, %c0_i32_0 : i32, i32
  }
  func.func @transform_7(%arg0: i32) -> (i32, i32) {
    %c0_i32 = arith.constant 0 : i32
    %c0_i32_0 = arith.constant 0 : i32
    %c0_i32_1 = arith.constant 0 : i32
    return %c0_i32, %c0_i32_0 : i32, i32
  }
  func.func @transform_8(%arg0: i32) -> (i32, i32) {
    %c0_i32 = arith.constant 0 : i32
    %c0_i32_0 = arith.constant 0 : i32
    return %arg0, %c0_i32 : i32, i32
  }
  func.func @transform_9(%arg0: i32) -> (i32, i32) {
    %c0_i32 = arith.constant 0 : i32
    %c0_i32_0 = arith.constant 0 : i32
    return %arg0, %c0_i32 : i32, i32
  }
}

module attributes {stable_mosaic.version = 14 : i64} {
  func.func @_tc_c_body(%arg0: i32, %arg1: memref<2x2000x16xf32, #tpu.memory_space<vmem>>, %arg2: memref<2000x16xf32, #tpu.memory_space<vmem>>, %arg3: memref<2000x2xf32, #tpu.memory_space<vmem>>) attributes {dimension_semantics = [#tpu.dimension_semantics<arbitrary>], iteration_bounds = array<i64: 5>, scalar_prefetch = 0 : i64, scratch_operands = 0 : i64, tpu.core_type = #tpu.core_type<tc>, window_params = [{transform_indices = @transform_0, window_bounds = array<i64: 2, 2000, 16>}, {transform_indices = @transform_1, window_bounds = array<i64: 2000, 16>}, {transform_indices = @transform_2, window_bounds = array<i64: 2000, 2>}]} {
    %get3A = arith.constant 0 : index
    %get3A_0 = arith.constant 0 : index
    %get3A_1 = arith.constant 0 : index
    %get3A_2 = vector.load %arg1[%get3A, %get3A_0, %get3A_1] : memref<2x2000x16xf32, #tpu.memory_space<vmem>>, vector<1x2000x16xf32>
    %get3A_3 = vector.shape_cast %get3A_2 : vector<1x2000x16xf32> to vector<2000x16xf32>
    %get3A_4 = arith.constant 1 : index
    %get3A_5 = arith.constant 0 : index
    %get3A_6 = arith.constant 0 : index
    %get3A_7 = vector.load %arg1[%get3A_4, %get3A_5, %get3A_6] : memref<2x2000x16xf32, #tpu.memory_space<vmem>>, vector<1x2000x16xf32>
    %get3A_8 = vector.shape_cast %get3A_7 : vector<1x2000x16xf32> to vector<2000x16xf32>
    %add3A = arith.addf %get3A_3, %get3A_8 : vector<2000x16xf32>
    %get3A_9 = arith.constant 0 : index
    %get3A_10 = arith.constant 0 : index
    %get3A_11 = vector.load %arg2[%get3A_9, %get3A_10] : memref<2000x16xf32, #tpu.memory_space<vmem>>, vector<2000x16xf32>
    %slice3A = vector.extract_strided_slice %add3A {offsets = [0, 0], sizes = [2000, 2], strides = [1, 1]} : vector<2000x16xf32> to vector<2000x2xf32>
    %slice3A_12 = vector.extract_strided_slice %get3A_11 {offsets = [0, 2], sizes = [2000, 1], strides = [1, 1]} : vector<2000x16xf32> to vector<2000x1xf32>
    %div3A = vector.broadcast %slice3A_12 : vector<2000x1xf32> to vector<2000x2xf32>
    %div3A_13 = arith.divf %slice3A, %div3A : vector<2000x2xf32>
    %slice3A_14 = vector.extract_strided_slice %get3A_11 {offsets = [0, 0], sizes = [2000, 2], strides = [1, 1]} : vector<2000x16xf32> to vector<2000x2xf32>
    %add3A_15 = arith.addf %div3A_13, %slice3A_14 : vector<2000x2xf32>
    %swap3A = arith.constant 0 : index
    %swap3A_16 = arith.constant 0 : index
    %swap3A_17 = vector.load %arg3[%swap3A, %swap3A_16] : memref<2000x2xf32, #tpu.memory_space<vmem>>, vector<2000x2xf32>
    tpu.vector_store %arg3[%swap3A, %swap3A_16], %add3A_15 {strides = array<i32>} : memref<2000x2xf32, #tpu.memory_space<vmem>>, vector<2000x2xf32>,
    return
  }
  func.func @transform_0(%arg0: i32) -> (i32, i32, i32) {
    %c0_i32 = arith.constant 0 : i32
    %c0_i32_0 = arith.constant 0 : i32
    %c0_i32_1 = arith.constant 0 : i32
    return %c0_i32, %arg0, %c0_i32_0 : i32, i32, i32
  }
  func.func @transform_1(%arg0: i32) -> (i32, i32) {
    %c0_i32 = arith.constant 0 : i32
    %c0_i32_0 = arith.constant 0 : i32
    return %arg0, %c0_i32 : i32, i32
  }
  func.func @transform_2(%arg0: i32) -> (i32, i32) {
    %c0_i32 = arith.constant 0 : i32
    %c0_i32_0 = arith.constant 0 : i32
    return %arg0, %c0_i32 : i32, i32
  }
}

</mosaic_0001>

<sc_bundles>
// kernel: kernel.10.cloned.1.call-start
scs
__scs_entry_jumppad:
0x0: {  	(pc) =	sbr.rel $0x88, $3  }
0x1: {  	(tag) =	ssettag $0x0;
	lr =	simm.s32 $0x1  }
0x2: {  	[smem:$0x3F99] =	sst lr;
	_ =	strace $0xD0000000  }
0x3: {  	_ = 	snop  }
0x4: {  	_ = 	snop  }
0x5: {  	_ = 	snop  }
0x6: {  	_ = 	snop  }
0x7: {  	_ = 	snop  }
__scs_overlays_trampoline_lowered:
0x8: {  	[smem:$0x3FA8] =	sst s0  }
0x9: {  	[smem:$0x3FA9] =	sst s1  }
0xa: {  	[smem:$0x3FAA] =	sst s2  }
0xb: {  	[smem:$0x3FAB] =	sst s3  }
0xc: {  	[smem:$0x3FAC] =	sst s4  }
0xd: {  	[smem:$0x3FAD] =	sst s5  }
0xe: {  	[smem:$0x3FAE] =	sst s6  }
0xf: {  	[smem:$0x3FAF] =	sst s7  }
0x10: {  	[smem:$0x3FB0] =	sst s8  }
0x11: {  	[smem:$0x3FB1] =	sst s9;
	s0 =	simm.s32 @!p0 $0x0  }
0x12: {  	s1 =	sld [smem:$0x3F97];
	s0 =	simm.s32 @p0 $0x1  }
0x13: {  	[smem:$0x3FB2] =	sst s0;
	s0 =	simm.s32 @!p1 $0x0  }
0x14: {  	s2 =	sld [smem:$0x3F96];
	s0 =	simm.s32 @p1 $0x1  }
0x15: {  	[smem:$0x3FB3] =	sst s0;
	s0 =	simm.s32 @!p2 $0x0  }
0x16: {  	s3 =	sld [smem:$0x3FDB];
	s0 =	simm.s32 @p2 $0x1  }
0x17: {  	s4 =	simm.s32 $0x1BF5;
	[smem:$0x3FB5] =	sst s0  }
0x18: {  	s0 =	sld [smem:$0x3F98];
	_ =	swait.ge [sflag:s4], $0x0  }
0x19: {  	s7 =	sld [smem:$0x3F99]  }
0x1a: {  	s8 =	sadd.s32 $0xFFFFE003, lr  }
0x1b: {  	s9 =	sadd.s32 $0xFFFFFEF7, lr;
	s5 =	simm.s32 $0xFFFFFFFF;
	p2 =	slt.u32 s8, $0xFFFFF086  }
0x1c: {  	p1 =	slt.u32 s9, $0xF7A;
	s5 =	simm.s32 @!p2 $0x0  }
0x1d: {  	s5 =	simm.s32 @p1 $0x1;
	p0 =	seq.s32 s7, s2  }
0x1e: {  	s7 =	smul.u32 @!p0 $0xF7A, s2;
	p2 =	seq.s32 @!p0 s5, $0x0  }
0x1f: {  	s9 =	smul.u32 $0xF7A, s1;
	s8 =	simm.s32 @!p0 $0x1BF5;
	p2 =	por !p2, p0  }
0x20: {  	[sflag:s8] =	ssyncset.s32 @!p0 $0xFFFFF086;
	s6 =	sadd.s32 @!p0 s3, s7;
	s7 =	simm.s32 @!p0 $0x108  }
0x21: {  	s3 =	sadd.s32 s3, s9;
	s6 =	sadd.s32 @!p0 $0x88, s6;
	s7 =	simm.s32 @p2 $0x1082  }
0x22: {  	[simem:s7], [sflag:s8] =	dma.local @!p0 [hbm:s6], $0xF7A  }
0x23: {  	s9 =	sor.u32 $0xD0000000, s2;
	s6 =	simm.s32 $0x108;
	_ =	swait.ge @!p0 [sflag:s8], $0x0  }
0x24: {  	s3 =	sadd.s32 $0x88, s3;
	s6 =	simm.s32 @!p1 $0x1082;
	[sflag:s4] =	ssyncset.s32 $0xFFFFF086  }
0x25: {  	[simem:s6], [sflag:s4] =	dma.local [hbm:s3], $0xF7A  }
0x26: {  	[smem:$0x3F99] =	sst s1;
	(tag) =	ssettag s2;
	_ =	strace s9  }
0x27: {  	s1 =	sld [smem:$0x3FA9]  }
0x28: {  	s2 =	sld [smem:$0x3FAA]  }
0x29: {  	s4 =	sld [smem:$0x3FAC]  }
0x2a: {  	p0 =	seq.s32 s5, $0x0;
	s5 =	sld [smem:$0x3FAD]  }
0x2b: {  	s6 =	sld [smem:$0x3FAE]  }
0x2c: {  	s7 =	sld [smem:$0x3FAF]  }
0x2d: {  	s3 =	simm.s32 $0x108;
	s8 =	sld [smem:$0x3FB0]  }
0x2e: {  	s3 =	simm.s32 @!p0 $0x1082;
	s9 =	sld [smem:$0x3FB1]  }
0x2f: {  	lr =	sadd.s32 s0, s3;
	s0 =	sld [smem:$0x3FA8]  }
0x30: {  	s3 =	sld [smem:$0x3FAB]  }
0x31: {  	[smem:$0x3FB4] =	sst s10  }
0x32: {  	s10 =	sld [smem:$0x3FB2];
	_ =	sdelay $0x3  }
0x33: {  	p0 =	seq.s32 s10, $0x1;
	s10 =	sld [smem:$0x3FB4];
	_ =	sdelay $0x3  }
0x34: {  	[smem:$0x3FB4] =	sst s10  }
0x35: {  	s10 =	sld [smem:$0x3FB3];
	_ =	sdelay $0x3  }
0x36: {  	p1 =	seq.s32 s10, $0x1;
	s10 =	sld [smem:$0x3FB4];
	_ =	sdelay $0x3  }
0x37: {  	[smem:$0x3FB4] =	sst s10  }
0x38: {  	s10 =	sld [smem:$0x3FB5]  }
0x39: {  	_ = 	snop;
	(pc) =	sbr.ind lr, $3  }
0x3a: {  	_ = 	snop  }
0x3b: {  	_ = 	snop  }
0x3c: {  	p2 =	seq.s32 s10, $0x1;
	s10 =	sld [smem:$0x3FB4]  }
0x3d: {  	_ =	shalt  }
0x3e: {  	_ =	shalt  }
0x3f: {  	_ =	shalt  }
0x40: {  	_ =	shalt  }
0x41: {  	_ =	shalt  }
0x42: {  	_ =	shalt  }
0x43: {  	_ =	shalt  }
0x44: {  	_ =	shalt  }
0x45: {  	_ =	shalt  }
0x46: {  	_ =	shalt  }
0x47: {  	_ =	shalt  }
0x48: {  	_ =	shalt  }
0x49: {  	_ =	shalt  }
0x4a: {  	_ =	shalt  }
0x4b: {  	_ =	shalt  }
0x4c: {  	_ =	shalt  }
0x4d: {  	_ =	shalt  }
0x4e: {  	_ =	shalt  }
0x4f: {  	_ =	shalt  }
0x50: {  	_ =	shalt  }
0x51: {  	_ =	shalt  }
0x52: {  	_ =	shalt  }
0x53: {  	_ =	shalt  }
0x54: {  	_ =	shalt  }
0x55: {  	_ =	shalt  }
0x56: {  	_ =	shalt  }
0x57: {  	_ =	shalt  }
0x58: {  	_ =	shalt  }
0x59: {  	_ =	shalt  }
0x5a: {  	_ =	shalt  }
0x5b: {  	_ =	shalt  }
0x5c: {  	_ =	shalt  }
0x5d: {  	_ =	shalt  }
0x5e: {  	_ =	shalt  }
0x5f: {  	_ =	shalt  }
0x60: {  	_ =	shalt  }
0x61: {  	_ =	shalt  }
0x62: {  	_ =	shalt  }
0x63: {  	_ =	shalt  }
0x64: {  	_ =	shalt  }
0x65: {  	_ =	shalt  }
0x66: {  	_ =	shalt  }
0x67: {  	_ =	shalt  }
0x68: {  	_ =	shalt  }
0x69: {  	_ =	shalt  }
0x6a: {  	_ =	shalt  }
0x6b: {  	_ =	shalt  }
0x6c: {  	_ =	shalt  }
0x6d: {  	_ =	shalt  }
0x6e: {  	_ =	shalt  }
0x6f: {  	_ =	shalt  }
0x70: {  	_ =	shalt  }
0x71: {  	_ =	shalt  }
0x72: {  	_ =	shalt  }
0x73: {  	_ =	shalt  }
0x74: {  	_ =	shalt  }
0x75: {  	_ =	shalt  }
0x76: {  	_ =	shalt  }
0x77: {  	_ =	shalt  }
0x78: {  	_ =	shalt  }
0x79: {  	_ =	shalt  }
0x7a: {  	_ =	shalt  }
0x7b: {  	_ =	shalt  }
0x7c: {  	_ =	shalt  }
0x7d: {  	_ =	shalt  }
0x7e: {  	_ =	shalt  }
0x7f: {  	_ =	shalt  }
0x80: {  	_ =	shalt  }
0x81: {  	_ =	shalt  }
0x82: {  	_ =	shalt  }
0x83: {  	_ =	shalt  }
0x84: {  	_ =	shalt  }
0x85: {  	_ =	shalt  }
0x86: {  	_ =	shalt  }
0x87: {  	_ =	shalt  }
.Lfunc_end0:
.L_simem_size_0:
called_computation.1_lowered:
.L_overlay_start_0:
0x88: {  	s2 =	sld [smem:$0x3FD9]  }
0x89: {  	s3 =	sld [smem:$0x3FFE];
	_ =	sdelay $0x1  }
0x8a: {  	s1 =	srdreg.scid  }
0x8b: {  	s0 =	sand.u32 $0x1, s1  }
0x8c: {  	s16 =	sshll.u32 s0, $0xA;
	s2 =	sadd.s32 s3, s2  }
0x8d: {  	s2 =	sadd.s32 s2, s16  }
0x8e: {  	[smem:$0x3FC0] =	sst s2  }
0x8f: {  	_ = 	snop  }
0x90: {  	(tm) =	ssettm $0x1  }
0x91: {  	s17 =	sld [smem:$0x3FFB];
	_ =	sdelay $0x3  }
0x92: {  	_ =	strace s17  }
0x93: {  	s2 =	sld [smem:$0x3FFC];
	_ =	sdelay $0x3  }
0x94: {  	_ =	strace s2  }
0x95: {  	s2 =	sld [smem:$0x3FFD];
	_ =	sdelay $0x3  }
0x96: {  	_ =	strace s2  }
0x97: {  	_ =	strace $0x8FFFFFFF  }
0x98: {  	s18 =	sld [smem:$0x3FDB];
	_ =	sdelay $0x1  }
0x99: {  	s19 =	simm.s32 $_scs_section_size  }
0x9a: {  	s4 =	simm.s32 $_size__tile_overlayer_lowered;
	s5 =	simm.s32 $_tile_overlayer_lowered  }
0x9b: {  	s22 =	simm.s32 $0x1BFF;
	s21 =	sshll.u32 s5, $0x1;
	s2 =	sadd.s32 s19, s18  }
0x9c: {  	s6 =	simm.s32 $0x0;
	s20 =	sshll.u32 s4, $0x1;
	s4 =	sadd.s32 s21, s2  }
0x9d: {  	[timem:s6], [sflag:s22] =	dma.local [hbm:s4], s20  }
0x9e: {  	_ =	swait.ge [sflag:s22], s20  }
0x9f: {  	s3 =	ssub.s32 $0x0, s20;
	[sflag:s22] =	ssyncset.done $0x0  }
0xa0: {  	[sflag:s22] =	ssyncadd.s32 s3;
	_ =	sdelay $0x1  }
0xa1: {  	s23 =	simm.s32 $0x1B8B  }
0xa2: {  	_ =	swait.ge [sflag:s23], $0x1  }
0xa3: {  	[sflag:s23] =	ssyncset.done $0x0  }
0xa4: {  	s25 =	simm.s32 $0x1B8E;
	s24 =	sld [smem:$0x3FFE];
	[sflag:s23] =	ssyncadd.s32 $0xFFFFFFFF  }
0xa5: {  	s26 =	simm.s32 $execute0_lowered;
	[smem:$0x3FD2] =	sst s25  }
0xa6: {  	s4 =	sshll.u32 s26, $0x1;
	_ =	strace $0x80000049;
	[dreg:$0x1] =	wrdreg $0xFFFFFFFF  }
0xa7: {  	s28 =	simm.s32 $_size_execute0_lowered;
	s2 =	sadd.s32 s2, s4;
	[dreg:$0x0] =	wrdreg $0x0  }
0xa8: {  	s4 =	sshll.u32 s28, $0x1;
	[dreg:$0x2] =	wrdreg s2  }
0xa9: {  	[dreg:$0x3] =	wrdreg s4  }
0xaa: {  	[dreg:$0x4] =	wrdreg $0xC0  }
0xab: {  	_ =	task [dreg:s6], $0x5FFFF  }
0xac: {  	[dreg:$0x1] =	wrdreg $0xFFFFFFFF  }
0xad: {  	[dreg:$0x0] =	wrdreg $0x60  }
0xae: {  	[dreg:$0x2] =	wrdreg s24  }
0xaf: {  	[dreg:$0x3] =	wrdreg $0x20000  }
0xb0: {  	[dreg:$0x4] =	wrdreg $0x9  }
0xb1: {  	_ =	task.clear_ibuf [dreg:s6], $0x5FFFF;
	_ =	strace $0x90000049  }
0xb2: {  	s29 =	simm.s32 $0x9;
	_ =	strace $0x8000004B  }
0xb3: {  	_ =	swait.ge [sflag:s29], $0x1  }
0xb4: {  	[sflag:s29] =	ssyncadd.s32 $0xFFFFFFFF  }
0xb5: {  	_ =	strace $0x9000004B  }
0xb6: {  	_ =	sfence  }
0xb7: {  	s30 =	sld [smem:$0x0];
	_ =	sdelay $0x2  }
0xb8: {  	s31 =	sshll.u32 s1, $0xD;
	s1 =	sshrl.u32 s1, $0x2  }
0xb9: {  	s3 =	sand.u32 $0x4000, s31;
	s1 =	sadd.s32 s1, s30  }
0xba: {  	s0 =	sor.u32 s3, s0;
	s1 =	sshll.u32 s1, $0x11  }
0xbb: {  	s0 =	sor.u32 s1, s0  }
0xbc: {  	s0 =	sadd.s32 $0x8F2B, s0  }
0xbd: {  	[sflag:s0] =	ssyncadd.remote.s32 $0x1  }
0xbe: {  	_ =	sfence.sel $0xFFFF  }
0xbf: {  	[dreg:$0x0] =	wrdreg $0xFFFFFFFF;
	(pc) =	sbr.abs _section_cstart, $3  }
0xc0: {  	[dreg:$0x1] =	wrdreg $0xFFFFFFFF  }
0xc1: {  	_ =	task.clear_ibuf [dreg:s6], $0x2FFFF;
	_ =	strace $0x9FFFFFFF  }
0xc2: {  	(tm) =	ssettm $0x7FFFFFFF  }
0xc3: {  	_ =	shalt  }
tec
execute0_lowered:
.L_overlay_start_1:
0x0: {  	(tag) =	ssettag $0x1  }
0x1: {  	s0 =	rddreg [dreg:$0x0]  }
0x2: {  	s2 =	rddreg [dreg:$0x1]  }
0x3: {  	s1 =	srdreg.scid;
	s12 =	stileid.u32  }
0x4: {  	s3 =	simm.s32 $0x0;
	s28 =	simm.s32 $0x80;
	s29 =	simm.s32 $0x1800  }
0x5: {  	s30 =	simm.s32 $0x3;
	s31 =	simm.s32 $0x6;
	s5 =	smul.u32 $0x2720, s12  }
0x6: {  	s13 =	simm.s32 $0x680;
	s1 =	sand.u32 $0x1, s1;
	s9 =	smul.u32 $0x9C80, s12  }
0x7: {  	[smem:$0x7FF] =	sst s3;
	s4 =	sadd.s32 $0x1000, s0;
	s12 =	smul.u32 $0x1400, s12  }
0x8: {  	s7 =	sadd.s32 $0x68200, s0;
	s8 =	sadd.s32 $0x63200, s0;
	s6 =	smul.u32 $0x27200, s1  }
0x9: {  	_ =	strace $0x8000004A;
	s10 =	ssub.s32 $0x2, s1;
	s1 =	smul.u32 $0x14000, s1  }
0xa: {  	s11 =	sshrl.u32 s10, $0x1;
	s9 =	sshrl.u32 s9, $0x2;
	s6 =	sadd.s32 s5, s6  }
0xb: {  	s14 =	ssub.s32 s10, s11;
	s9 =	sadd.s32 s9, s2;
	s5 =	sadd.s32 s5, s2  }
0xc: {  	s1 =	sadd.s32 s12, s1;
	s11 =	simm.s32 $0x600;
	s12 =	simm.s32 $0xD80  }
0xd: {  	s6 =	sshrl.u32 s6, $0x3;
	[dreg:$0x13] =	wrdreg s5;
	s15 =	sadd.s32 $0x800, s9  }
0xe: {  	s16 =	sadd.s32 $0x1000, s9;
	s17 =	sadd.s32 $0x1800, s9;
	[dreg:$0x3] =	wrdreg s15  }
0xf: {  	s1 =	sshrl.u32 s1, $0x3;
	s9 =	sadd.s32 $0x2000, s9;
	[dreg:$0x4] =	wrdreg s16  }
0x10: {  	s26 =	smax.u32 s14, $0x1;
	s14 =	simm.s32 $0xE00;
	[dreg:$0x5] =	wrdreg s17  }
0x11: {  	s0 =	sadd.s32 s6, s0;
	[dreg:$0x6] =	wrdreg s9;
	s18 =	sadd.s32 s7, s1  }
0x12: {  	s19 =	sadd.s32 $0x80, s1;
	s20 =	sadd.s32 s8, s1;
	[dreg:$0x12] =	wrdreg s26  }
0x13: {  	s22 =	sadd.s32 $0x100, s1;
	s24 =	sadd.s32 $0x180, s1;
	[dreg:$0x7] =	wrdreg s18  }
0x14: {  	s1 =	sadd.s32 $0x200, s1;
	[dreg:$0x8] =	wrdreg s20;
	s21 =	sadd.s32 s7, s19  }
0x15: {  	s26 =	simm.s32 $0x400;
	s9 =	sadd.s32 s8, s19;
	[dreg:$0x9] =	wrdreg s21  }
0x16: {  	s15 =	simm.s32 $0x700;
	s23 =	sadd.s32 s7, s22;
	[dreg:$0xa] =	wrdreg s9  }
0x17: {  	s16 =	simm.s32 $0xE80;
	s10 =	sadd.s32 s8, s22;
	[dreg:$0xb] =	wrdreg s23  }
0x18: {  	s17 =	simm.s32 $0x780;
	s25 =	sadd.s32 s7, s24;
	[dreg:$0xc] =	wrdreg s10  }
0x19: {  	s7 =	sadd.s32 s7, s1;
	s1 =	sadd.s32 s8, s1;
	[dreg:$0xd] =	wrdreg s25  }
0x1a: {  	s0 =	sadd.s32 $0x6000, s0;
	s22 =	simm.s32 $0x1000;
	[dreg:$0xf] =	wrdreg s7  }
0x1b: {  	s18 =	simm.s32 $0x2;
	s19 =	simm.s32 $0x0;
	[dreg:$0x10] =	wrdreg s1  }
0x1c: {  	s9 =	sadd.s32 s8, s24;
	[dreg:$0x11] =	wrdreg s0;
	s23 =	simm.s32 $0x5  }
0x1d: {  	s1 =	simm.s32 $0x4;
	s21 =	simm.s32 $0x1;
	s24 =	simm.s32 $0xC00  }
0x1e: {  	s7 =	simm.s32 $0x480;
	s8 =	simm.s32 $0xC80;
	s10 =	simm.s32 $0xD00  }
0x1f: {  	v0 =	vimm.f32 $0.0e+00;
	s25 =	simm.s32 $0xF80;
	[dreg:$0xe] =	wrdreg s9;
	s9 =	simm.s32 $0x580  }
.LBB2_1:
0x20: {  	s20 =	simm.s32 $0x40;
	s0 =	simm.s32 $0x0  }
.LBB2_2:
0x21: {  	p0 =	sne.s32 s20, $0x1FC0;
	[tilespmem:s0+$0x1000] =	vst v0;
	s0 =	smov.u32 s20;
	s20 =	sadd.s32 $0x40, s20  }
.Ltmp0:
0x22: {  	(pc) =	sbr.rel @p0 .LBB2_2-.Ltmp0, $2  }
0x23: {  	_ =	sdelay $0x2  }
0x24: {  	s0 =	sshra.s32 s0, $0x2  }
0x25: {  	[tilespmem:s0+$0x1000] =	vst v0;
	s6 =	rddreg [dreg:$0x13]  }
0x26: {  	[spmem:s6] =	stream.linear.scatter [tilespmem:s22], [sflag:$0x5], $0x800, $0x38;
	[tilespmem:$0x4720] =	vst v63  }
0x27: {  	_ =	swait.ge [sflag:s23], $0x800  }
0x28: {  	[sflag:s23] =	ssyncset.done $0x0  }
0x29: {  	s20 =	rddreg [dreg:$0x3];
	[sflag:s23] =	ssyncadd.s32 $0xFFFFF800  }
0x2a: {  	[spmem:s20] =	stream.linear.scatter [tilespmem:s22], [sflag:$0x5], $0x800, $0x38;
	[tilespmem:$0x4720] =	vst v63  }
0x2b: {  	_ =	swait.ge [sflag:s23], $0x800  }
0x2c: {  	[sflag:s23] =	ssyncset.done $0x0  }
0x2d: {  	s5 =	rddreg [dreg:$0x4];
	[sflag:s23] =	ssyncadd.s32 $0xFFFFF800  }
0x2e: {  	[spmem:s5] =	stream.linear.scatter [tilespmem:s22], [sflag:$0x5], $0x800, $0x38;
	[tilespmem:$0x4720] =	vst v63  }
0x2f: {  	_ =	swait.ge [sflag:s23], $0x800  }
0x30: {  	[sflag:s23] =	ssyncset.done $0x0  }
0x31: {  	s6 =	rddreg [dreg:$0x5];
	[sflag:s23] =	ssyncadd.s32 $0xFFFFF800  }
0x32: {  	[spmem:s6] =	stream.linear.scatter [tilespmem:s22], [sflag:$0x5], $0x800, $0x38;
	[tilespmem:$0x4720] =	vst v63  }
0x33: {  	_ =	swait.ge [sflag:s23], $0x800  }
0x34: {  	[sflag:s23] =	ssyncset.done $0x0  }
0x35: {  	s20 =	rddreg [dreg:$0x6];
	[sflag:s23] =	ssyncadd.s32 $0xFFFFF800  }
0x36: {  	[spmem:s20] =	stream.linear.scatter [tilespmem:s22], [sflag:$0x5], $0x720, $0x38;
	[tilespmem:$0x4720] =	vst v63  }
0x37: {  	_ =	swait.ge [sflag:s23], $0x720  }
0x38: {  	[sflag:s23] =	ssyncset.done $0x0  }
0x39: {  	s5 =	rddreg [dreg:$0x7];
	[sflag:s23] =	ssyncadd.s32 $0xFFFFF8E0  }
0x3a: {  	[tilespmem:s3], [sflag:$0x5] =	stream.linear.gather [hbm4b:s5+s3], $0x400, $0x38;
	[tilespmem:$0x4720] =	vst v63  }
0x3b: {  	_ =	swait.ge [sflag:s23], $0x400  }
0x3c: {  	[sflag:s23] =	ssyncset.done $0x0  }
0x3d: {  	s5 =	simm.s32 $0x800;
	s6 =	rddreg [dreg:$0x8];
	[sflag:s23] =	ssyncadd.s32 $0xFFFFFC00  }
0x3e: {  	[tilespmem:s5], [sflag:$0x5] =	stream.linear.gather [hbm4b:s6+s3], $0x400, $0x38;
	[tilespmem:$0x4720] =	vst v63  }
0x3f: {  	_ =	swait.ge [sflag:s23], $0x400  }
0x40: {  	[sflag:s23] =	ssyncset.done $0x0  }
0x41: {  	[sflag:s23] =	ssyncadd.s32 $0xFFFFFC00  }
0x42: {  	[bflag:$0x0] =	sbarrier.arrive $0xFFFF  }
0x43: {  	s20 =	rddreg [dreg:$0x9]  }
0x44: {  	[tilespmem:s26], [sflag:$0x2] =	stream.linear.gather [hbm4b:s20+s3], $0x400, $0x38;
	[tilespmem:$0x4720] =	vst v63  }
0x45: {  	s6 =	rddreg [dreg:$0xa]  }
0x46: {  	[tilespmem:s24], [sflag:$0x2] =	stream.linear.gather [hbm4b:s6+s3], $0x400, $0x38;
	[tilespmem:$0x4720] =	vst v63  }
0x47: {  	_ = 	snop  }
0x48: {  	[tilespmem:s22], [sflag:$0x3] =	stream.indirect.gather [hbm4b:s4+s28], $0x10, s3, s28, $0xb8;
	[tilespmem:$0x4720] =	vst v63  }
0x49: {  	_ = 	snop  }
0x4a: {  	[tilespmem:s29], [sflag:$0x4] =	stream.indirect.gather [hbm4b:s4+s28], $0x10, s28, s28, $0xb8;
	[tilespmem:$0x4720] =	vst v63  }
0x4b: {  	_ =	swait.ge [sflag:s30], $0x800  }
0x4c: {  	[sflag:s30] =	ssyncset.done $0x0  }
0x4d: {  	[sflag:s30] =	ssyncadd.s32 $0xFFFFF800  }
0x4e: {  	[spmem:s2] =	stream.indirect.scatter.add.f32 [tilespmem:s22], [sflag:$0x6], $0x10, s5, s28, $0xb8;
	[tilespmem:$0x4720] =	vst v63  }
0x4f: {  	_ =	swait.ge [sflag:s31], $0x800  }
0x50: {  	[sflag:s31] =	ssyncset.done $0x0  }
0x51: {  	s20 =	simm.s32 $0x100;
	[sflag:s31] =	ssyncadd.s32 $0xFFFFF800  }
0x52: {  	[tilespmem:s22], [sflag:$0x3] =	stream.indirect.gather [hbm4b:s4+s28], $0x10, s20, s28, $0xb8;
	[tilespmem:$0x4720] =	vst v63  }
0x53: {  	_ =	swait.ge [sflag:s1], $0x800  }
0x54: {  	[sflag:s1] =	ssyncset.done $0x0  }
0x55: {  	s6 =	simm.s32 $0x880;
	[sflag:s1] =	ssyncadd.s32 $0xFFFFF800  }
0x56: {  	[spmem:s2] =	stream.indirect.scatter.add.f32 [tilespmem:s29], [sflag:$0x5], $0x10, s6, s28, $0xb8;
	[tilespmem:$0x4720] =	vst v63  }
0x57: {  	_ =	swait.ge [sflag:s23], $0x800  }
0x58: {  	[sflag:s23] =	ssyncset.done $0x0  }
0x59: {  	s20 =	simm.s32 $0x180;
	[sflag:s23] =	ssyncadd.s32 $0xFFFFF800  }
0x5a: {  	[tilespmem:s29], [sflag:$0x4] =	stream.indirect.gather [hbm4b:s4+s28], $0x10, s20, s28, $0xb8;
	[tilespmem:$0x4720] =	vst v63  }
0x5b: {  	_ =	swait.ge [sflag:s30], $0x800  }
0x5c: {  	[sflag:s30] =	ssyncset.done $0x0  }
0x5d: {  	s6 =	simm.s32 $0x900;
	[sflag:s30] =	ssyncadd.s32 $0xFFFFF800  }
0x5e: {  	[spmem:s2] =	stream.indirect.scatter.add.f32 [tilespmem:s22], [sflag:$0x6], $0x10, s6, s28, $0xb8;
	[tilespmem:$0x4720] =	vst v63  }
0x5f: {  	_ =	swait.ge [sflag:s31], $0x800  }
0x60: {  	[sflag:s31] =	ssyncset.done $0x0  }
0x61: {  	s20 =	simm.s32 $0x200;
	[sflag:s31] =	ssyncadd.s32 $0xFFFFF800  }
0x62: {  	[tilespmem:s22], [sflag:$0x3] =	stream.indirect.gather [hbm4b:s4+s28], $0x10, s20, s28, $0xb8;
	[tilespmem:$0x4720] =	vst v63  }
0x63: {  	_ =	swait.ge [sflag:s1], $0x800  }
0x64: {  	[sflag:s1] =	ssyncset.done $0x0  }
0x65: {  	s6 =	simm.s32 $0x980;
	[sflag:s1] =	ssyncadd.s32 $0xFFFFF800  }
0x66: {  	[spmem:s2] =	stream.indirect.scatter.add.f32 [tilespmem:s29], [sflag:$0x5], $0x10, s6, s28, $0xb8;
	[tilespmem:$0x4720] =	vst v63  }
0x67: {  	_ =	swait.ge [sflag:s23], $0x800  }
0x68: {  	[sflag:s23] =	ssyncset.done $0x0  }
0x69: {  	s20 =	simm.s32 $0x280;
	[sflag:s23] =	ssyncadd.s32 $0xFFFFF800  }
0x6a: {  	[tilespmem:s29], [sflag:$0x4] =	stream.indirect.gather [hbm4b:s4+s28], $0x10, s20, s28, $0xb8;
	[tilespmem:$0x4720] =	vst v63  }
0x6b: {  	_ =	swait.ge [sflag:s30], $0x800  }
0x6c: {  	[sflag:s30] =	ssyncset.done $0x0  }
0x6d: {  	s6 =	simm.s32 $0xA00;
	[sflag:s30] =	ssyncadd.s32 $0xFFFFF800  }
0x6e: {  	[spmem:s2] =	stream.indirect.scatter.add.f32 [tilespmem:s22], [sflag:$0x6], $0x10, s6, s28, $0xb8;
	[tilespmem:$0x4720] =	vst v63  }
0x6f: {  	_ =	swait.ge [sflag:s31], $0x800  }
0x70: {  	[sflag:s31] =	ssyncset.done $0x0  }
0x71: {  	s20 =	simm.s32 $0x300;
	[sflag:s31] =	ssyncadd.s32 $0xFFFFF800  }
0x72: {  	[tilespmem:s22], [sflag:$0x3] =	stream.indirect.gather [hbm4b:s4+s28], $0x10, s20, s28, $0xb8;
	[tilespmem:$0x4720] =	vst v63  }
0x73: {  	_ =	swait.ge [sflag:s1], $0x800  }
0x74: {  	[sflag:s1] =	ssyncset.done $0x0  }
0x75: {  	s6 =	simm.s32 $0xA80;
	[sflag:s1] =	ssyncadd.s32 $0xFFFFF800  }
0x76: {  	[spmem:s2] =	stream.indirect.scatter.add.f32 [tilespmem:s29], [sflag:$0x5], $0x10, s6, s28, $0xb8;
	[tilespmem:$0x4720] =	vst v63  }
0x77: {  	_ =	swait.ge [sflag:s23], $0x800  }
0x78: {  	[sflag:s23] =	ssyncset.done $0x0  }
0x79: {  	s20 =	simm.s32 $0x380;
	[sflag:s23] =	ssyncadd.s32 $0xFFFFF800  }
0x7a: {  	[tilespmem:s29], [sflag:$0x4] =	stream.indirect.gather [hbm4b:s4+s28], $0x10, s20, s28, $0xb8;
	[tilespmem:$0x4720] =	vst v63  }
0x7b: {  	_ =	swait.ge [sflag:s30], $0x800  }
0x7c: {  	[sflag:s30] =	ssyncset.done $0x0  }
0x7d: {  	s6 =	simm.s32 $0xB00;
	[sflag:s30] =	ssyncadd.s32 $0xFFFFF800  }
0x7e: {  	[spmem:s2] =	stream.indirect.scatter.add.f32 [tilespmem:s22], [sflag:$0x6], $0x10, s6, s28, $0xb8;
	[tilespmem:$0x4720] =	vst v63  }
0x7f: {  	_ =	swait.ge [sflag:s31], $0x800  }
0x80: {  	[sflag:s31] =	ssyncset.done $0x0  }
0x81: {  	[sflag:s31] =	ssyncadd.s32 $0xFFFFF800  }
0x82: {  	_ =	swait.ge [sflag:s1], $0x800  }
0x83: {  	[sflag:s1] =	ssyncset.done $0x0  }
0x84: {  	s20 =	simm.s32 $0xB80;
	[sflag:s1] =	ssyncadd.s32 $0xFFFFF800  }
0x85: {  	[spmem:s2] =	stream.indirect.scatter.add.f32 [tilespmem:s29], [sflag:$0x5], $0x10, s20, s28, $0xb8;
	[tilespmem:$0x4720] =	vst v63  }
0x86: {  	_ =	swait.ge [sflag:s23], $0x800  }
0x87: {  	[sflag:s23] =	ssyncset.done $0x0  }
0x88: {  	[sflag:s23] =	ssyncadd.s32 $0xFFFFF800  }
0x89: {  	_ =	swait.ge [sflag:s18], $0x400  }
0x8a: {  	[sflag:s18] =	ssyncset.done $0x0  }
0x8b: {  	[sflag:s18] =	ssyncadd.s32 $0xFFFFFC00  }
0x8c: {  	_ =	swait.ge [sflag:s18], $0x400  }
0x8d: {  	[sflag:s18] =	ssyncset.done $0x0  }
0x8e: {  	s6 =	rddreg [dreg:$0xb];
	[sflag:s18] =	ssyncadd.s32 $0xFFFFFC00  }
0x8f: {  	[tilespmem:s3], [sflag:$0x1] =	stream.linear.gather [hbm4b:s6+s3], $0x400, $0x38;
	[tilespmem:$0x4720] =	vst v63  }
0x90: {  	s20 =	rddreg [dreg:$0xc]  }
0x91: {  	[tilespmem:s5], [sflag:$0x1] =	stream.linear.gather [hbm4b:s20+s3], $0x400, $0x38;
	[tilespmem:$0x4720] =	vst v63  }
0x92: {  	_ = 	snop  }
0x93: {  	[tilespmem:s22], [sflag:$0x3] =	stream.indirect.gather [hbm4b:s4+s28], $0x10, s26, s28, $0xb8;
	[tilespmem:$0x4720] =	vst v63  }
0x94: {  	_ = 	snop  }
0x95: {  	[tilespmem:s29], [sflag:$0x4] =	stream.indirect.gather [hbm4b:s4+s28], $0x10, s7, s28, $0xb8;
	[tilespmem:$0x4720] =	vst v63  }
0x96: {  	_ =	swait.ge [sflag:s30], $0x800  }
0x97: {  	[sflag:s30] =	ssyncset.done $0x0  }
0x98: {  	[sflag:s30] =	ssyncadd.s32 $0xFFFFF800  }
0x99: {  	[spmem:s2] =	stream.indirect.scatter.add.f32 [tilespmem:s22], [sflag:$0x6], $0x10, s24, s28, $0xb8;
	[tilespmem:$0x4720] =	vst v63  }
0x9a: {  	_ =	swait.ge [sflag:s31], $0x800  }
0x9b: {  	[sflag:s31] =	ssyncset.done $0x0  }
0x9c: {  	s6 =	simm.s32 $0x500;
	[sflag:s31] =	ssyncadd.s32 $0xFFFFF800  }
0x9d: {  	[tilespmem:s22], [sflag:$0x3] =	stream.indirect.gather [hbm4b:s4+s28], $0x10, s6, s28, $0xb8;
	[tilespmem:$0x4720] =	vst v63  }
0x9e: {  	_ =	swait.ge [sflag:s1], $0x800  }
0x9f: {  	[sflag:s1] =	ssyncset.done $0x0  }
0xa0: {  	[sflag:s1] =	ssyncadd.s32 $0xFFFFF800  }
0xa1: {  	[spmem:s2] =	stream.indirect.scatter.add.f32 [tilespmem:s29], [sflag:$0x5], $0x10, s8, s28, $0xb8;
	[tilespmem:$0x4720] =	vst v63  }
0xa2: {  	_ =	swait.ge [sflag:s23], $0x800  }
0xa3: {  	[sflag:s23] =	ssyncset.done $0x0  }
0xa4: {  	[sflag:s23] =	ssyncadd.s32 $0xFFFFF800  }
0xa5: {  	[tilespmem:s29], [sflag:$0x4] =	stream.indirect.gather [hbm4b:s4+s28], $0x10, s9, s28, $0xb8;
	[tilespmem:$0x4720] =	vst v63  }
0xa6: {  	_ =	swait.ge [sflag:s30], $0x800  }
0xa7: {  	[sflag:s30] =	ssyncset.done $0x0  }
0xa8: {  	[sflag:s30] =	ssyncadd.s32 $0xFFFFF800  }
0xa9: {  	[spmem:s2] =	stream.indirect.scatter.add.f32 [tilespmem:s22], [sflag:$0x6], $0x10, s10, s28, $0xb8;
	[tilespmem:$0x4720] =	vst v63  }
0xaa: {  	_ =	swait.ge [sflag:s31], $0x800  }
0xab: {  	[sflag:s31] =	ssyncset.done $0x0  }
0xac: {  	[sflag:s31] =	ssyncadd.s32 $0xFFFFF800  }
0xad: {  	[tilespmem:s22], [sflag:$0x3] =	stream.indirect.gather [hbm4b:s4+s28], $0x10, s11, s28, $0xb8;
	[tilespmem:$0x4720] =	vst v63  }
0xae: {  	_ =	swait.ge [sflag:s1], $0x800  }
0xaf: {  	[sflag:s1] =	ssyncset.done $0x0  }
0xb0: {  	[sflag:s1] =	ssyncadd.s32 $0xFFFFF800  }
0xb1: {  	[spmem:s2] =	stream.indirect.scatter.add.f32 [tilespmem:s29], [sflag:$0x5], $0x10, s12, s28, $0xb8;
	[tilespmem:$0x4720] =	vst v63  }
0xb2: {  	_ =	swait.ge [sflag:s23], $0x800  }
0xb3: {  	[sflag:s23] =	ssyncset.done $0x0  }
0xb4: {  	[sflag:s23] =	ssyncadd.s32 $0xFFFFF800  }
0xb5: {  	[tilespmem:s29], [sflag:$0x4] =	stream.indirect.gather [hbm4b:s4+s28], $0x10, s13, s28, $0xb8;
	[tilespmem:$0x4720] =	vst v63  }
0xb6: {  	_ =	swait.ge [sflag:s30], $0x800  }
0xb7: {  	[sflag:s30] =	ssyncset.done $0x0  }
0xb8: {  	[sflag:s30] =	ssyncadd.s32 $0xFFFFF800  }
0xb9: {  	[spmem:s2] =	stream.indirect.scatter.add.f32 [tilespmem:s22], [sflag:$0x6], $0x10, s14, s28, $0xb8;
	[tilespmem:$0x4720] =	vst v63  }
0xba: {  	_ =	swait.ge [sflag:s31], $0x800  }
0xbb: {  	[sflag:s31] =	ssyncset.done $0x0  }
0xbc: {  	[sflag:s31] =	ssyncadd.s32 $0xFFFFF800  }
0xbd: {  	[tilespmem:s22], [sflag:$0x3] =	stream.indirect.gather [hbm4b:s4+s28], $0x10, s15, s28, $0xb8;
	[tilespmem:$0x4720] =	vst v63  }
0xbe: {  	_ =	swait.ge [sflag:s1], $0x800  }
0xbf: {  	[sflag:s1] =	ssyncset.done $0x0  }
0xc0: {  	[sflag:s1] =	ssyncadd.s32 $0xFFFFF800  }
0xc1: {  	[spmem:s2] =	stream.indirect.scatter.add.f32 [tilespmem:s29], [sflag:$0x5], $0x10, s16, s28, $0xb8;
	[tilespmem:$0x4720] =	vst v63  }
0xc2: {  	_ =	swait.ge [sflag:s23], $0x800  }
0xc3: {  	[sflag:s23] =	ssyncset.done $0x0  }
0xc4: {  	[sflag:s23] =	ssyncadd.s32 $0xFFFFF800  }
0xc5: {  	[tilespmem:s29], [sflag:$0x4] =	stream.indirect.gather [hbm4b:s4+s28], $0x10, s17, s28, $0xb8;
	[tilespmem:$0x4720] =	vst v63  }
0xc6: {  	_ =	swait.ge [sflag:s30], $0x800  }
0xc7: {  	[sflag:s30] =	ssyncset.done $0x0  }
0xc8: {  	s20 =	simm.s32 $0xF00;
	[sflag:s30] =	ssyncadd.s32 $0xFFFFF800  }
0xc9: {  	[spmem:s2] =	stream.indirect.scatter.add.f32 [tilespmem:s22], [sflag:$0x6], $0x10, s20, s28, $0xb8;
	[tilespmem:$0x4720] =	vst v63  }
0xca: {  	_ =	swait.ge [sflag:s31], $0x800  }
0xcb: {  	[sflag:s31] =	ssyncset.done $0x0  }
0xcc: {  	[sflag:s31] =	ssyncadd.s32 $0xFFFFF800  }
0xcd: {  	_ =	swait.ge [sflag:s1], $0x800  }
0xce: {  	[sflag:s1] =	ssyncset.done $0x0  }
0xcf: {  	[sflag:s1] =	ssyncadd.s32 $0xFFFFF800  }
0xd0: {  	[spmem:s2] =	stream.indirect.scatter.add.f32 [tilespmem:s29], [sflag:$0x5], $0x10, s25, s28, $0xb8;
	[tilespmem:$0x4720] =	vst v63  }
0xd1: {  	_ =	swait.ge [sflag:s23], $0x800  }
0xd2: {  	[sflag:s23] =	ssyncset.done $0x0  }
0xd3: {  	[sflag:s23] =	ssyncadd.s32 $0xFFFFF800  }
0xd4: {  	_ =	swait.ge [sflag:s21], $0x400  }
0xd5: {  	[sflag:s21] =	ssyncset.done $0x0  }
0xd6: {  	[sflag:s21] =	ssyncadd.s32 $0xFFFFFC00  }
0xd7: {  	_ =	swait.ge [sflag:s21], $0x400  }
0xd8: {  	[sflag:s21] =	ssyncset.done $0x0  }
0xd9: {  	s0 =	rddreg [dreg:$0xd];
	[sflag:s21] =	ssyncadd.s32 $0xFFFFFC00  }
0xda: {  	[tilespmem:s26], [sflag:$0x2] =	stream.linear.gather [hbm4b:s0+s3], $0x400, $0x38;
	[tilespmem:$0x4720] =	vst v63  }
0xdb: {  	s0 =	rddreg [dreg:$0xe]  }
0xdc: {  	[tilespmem:s24], [sflag:$0x2] =	stream.linear.gather [hbm4b:s0+s3], $0x400, $0x38;
	[tilespmem:$0x4720] =	vst v63  }
0xdd: {  	_ = 	snop  }
0xde: {  	[tilespmem:s22], [sflag:$0x3] =	stream.indirect.gather [hbm4b:s4+s28], $0x10, s3, s28, $0xb8;
	[tilespmem:$0x4720] =	vst v63  }
0xdf: {  	_ = 	snop  }
0xe0: {  	[tilespmem:s29], [sflag:$0x4] =	stream.indirect.gather [hbm4b:s4+s28], $0x10, s28, s28, $0xb8;
	[tilespmem:$0x4720] =	vst v63  }
0xe1: {  	_ =	swait.ge [sflag:s30], $0x800  }
0xe2: {  	[sflag:s30] =	ssyncset.done $0x0  }
0xe3: {  	[sflag:s30] =	ssyncadd.s32 $0xFFFFF800  }
0xe4: {  	[spmem:s2] =	stream.indirect.scatter.add.f32 [tilespmem:s22], [sflag:$0x6], $0x10, s5, s28, $0xb8;
	[tilespmem:$0x4720] =	vst v63  }
0xe5: {  	_ =	swait.ge [sflag:s31], $0x800  }
0xe6: {  	[sflag:s31] =	ssyncset.done $0x0  }
0xe7: {  	s0 =	simm.s32 $0x100;
	[sflag:s31] =	ssyncadd.s32 $0xFFFFF800  }
0xe8: {  	[tilespmem:s22], [sflag:$0x3] =	stream.indirect.gather [hbm4b:s4+s28], $0x10, s0, s28, $0xb8;
	[tilespmem:$0x4720] =	vst v63  }
0xe9: {  	_ =	swait.ge [sflag:s1], $0x800  }
0xea: {  	[sflag:s1] =	ssyncset.done $0x0  }
0xeb: {  	s0 =	simm.s32 $0x880;
	[sflag:s1] =	ssyncadd.s32 $0xFFFFF800  }
0xec: {  	[spmem:s2] =	stream.indirect.scatter.add.f32 [tilespmem:s29], [sflag:$0x5], $0x10, s0, s28, $0xb8;
	[tilespmem:$0x4720] =	vst v63  }
0xed: {  	_ =	swait.ge [sflag:s23], $0x800  }
0xee: {  	[sflag:s23] =	ssyncset.done $0x0  }
0xef: {  	s0 =	simm.s32 $0x180;
	[sflag:s23] =	ssyncadd.s32 $0xFFFFF800  }
0xf0: {  	[tilespmem:s29], [sflag:$0x4] =	stream.indirect.gather [hbm4b:s4+s28], $0x10, s0, s28, $0xb8;
	[tilespmem:$0x4720] =	vst v63  }
0xf1: {  	_ =	swait.ge [sflag:s30], $0x800  }
0xf2: {  	[sflag:s30] =	ssyncset.done $0x0  }
0xf3: {  	s0 =	simm.s32 $0x900;
	[sflag:s30] =	ssyncadd.s32 $0xFFFFF800  }
0xf4: {  	[spmem:s2] =	stream.indirect.scatter.add.f32 [tilespmem:s22], [sflag:$0x6], $0x10, s0, s28, $0xb8;
	[tilespmem:$0x4720] =	vst v63  }
0xf5: {  	_ =	swait.ge [sflag:s31], $0x800  }
0xf6: {  	[sflag:s31] =	ssyncset.done $0x0  }
0xf7: {  	s0 =	simm.s32 $0x200;
	[sflag:s31] =	ssyncadd.s32 $0xFFFFF800  }
0xf8: {  	[tilespmem:s22], [sflag:$0x3] =	stream.indirect.gather [hbm4b:s4+s28], $0x10, s0, s28, $0xb8;
	[tilespmem:$0x4720] =	vst v63  }
0xf9: {  	_ =	swait.ge [sflag:s1], $0x800  }
0xfa: {  	[sflag:s1] =	ssyncset.done $0x0  }
0xfb: {  	s0 =	simm.s32 $0x980;
	[sflag:s1] =	ssyncadd.s32 $0xFFFFF800  }
0xfc: {  	[spmem:s2] =	stream.indirect.scatter.add.f32 [tilespmem:s29], [sflag:$0x5], $0x10, s0, s28, $0xb8;
	[tilespmem:$0x4720] =	vst v63  }
0xfd: {  	_ =	swait.ge [sflag:s23], $0x800  }
0xfe: {  	[sflag:s23] =	ssyncset.done $0x0  }
0xff: {  	s0 =	simm.s32 $0x280;
	[sflag:s23] =	ssyncadd.s32 $0xFFFFF800  }
0x100: {  	[tilespmem:s29], [sflag:$0x4] =	stream.indirect.gather [hbm4b:s4+s28], $0x10, s0, s28, $0xb8;
	[tilespmem:$0x4720] =	vst v63  }
0x101: {  	_ =	swait.ge [sflag:s30], $0x800  }
0x102: {  	[sflag:s30] =	ssyncset.done $0x0  }
0x103: {  	s0 =	simm.s32 $0xA00;
	[sflag:s30] =	ssyncadd.s32 $0xFFFFF800  }
0x104: {  	[spmem:s2] =	stream.indirect.scatter.add.f32 [tilespmem:s22], [sflag:$0x6], $0x10, s0, s28, $0xb8;
	[tilespmem:$0x4720] =	vst v63  }
0x105: {  	_ =	swait.ge [sflag:s31], $0x800  }
0x106: {  	[sflag:s31] =	ssyncset.done $0x0  }
0x107: {  	s0 =	simm.s32 $0x300;
	[sflag:s31] =	ssyncadd.s32 $0xFFFFF800  }
0x108: {  	[tilespmem:s22], [sflag:$0x3] =	stream.indirect.gather [hbm4b:s4+s28], $0x10, s0, s28, $0xb8;
	[tilespmem:$0x4720] =	vst v63  }
0x109: {  	_ =	swait.ge [sflag:s1], $0x800  }
0x10a: {  	[sflag:s1] =	ssyncset.done $0x0  }
0x10b: {  	s0 =	simm.s32 $0xA80;
	[sflag:s1] =	ssyncadd.s32 $0xFFFFF800  }
0x10c: {  	[spmem:s2] =	stream.indirect.scatter.add.f32 [tilespmem:s29], [sflag:$0x5], $0x10, s0, s28, $0xb8;
	[tilespmem:$0x4720] =	vst v63  }
0x10d: {  	_ =	swait.ge [sflag:s23], $0x800  }
0x10e: {  	[sflag:s23] =	ssyncset.done $0x0  }
0x10f: {  	s0 =	simm.s32 $0x380;
	[sflag:s23] =	ssyncadd.s32 $0xFFFFF800  }
0x110: {  	[tilespmem:s29], [sflag:$0x4] =	stream.indirect.gather [hbm4b:s4+s28], $0x10, s0, s28, $0xb8;
	[tilespmem:$0x4720] =	vst v63  }
0x111: {  	_ =	swait.ge [sflag:s30], $0x800  }
0x112: {  	[sflag:s30] =	ssyncset.done $0x0  }
0x113: {  	s0 =	simm.s32 $0xB00;
	[sflag:s30] =	ssyncadd.s32 $0xFFFFF800  }
0x114: {  	[spmem:s2] =	stream.indirect.scatter.add.f32 [tilespmem:s22], [sflag:$0x6], $0x10, s0, s28, $0xb8;
	[tilespmem:$0x4720] =	vst v63  }
0x115: {  	_ =	swait.ge [sflag:s31], $0x800  }
0x116: {  	[sflag:s31] =	ssyncset.done $0x0  }
0x117: {  	[sflag:s31] =	ssyncadd.s32 $0xFFFFF800  }
0x118: {  	_ =	swait.ge [sflag:s1], $0x800  }
0x119: {  	[sflag:s1] =	ssyncset.done $0x0  }
0x11a: {  	s0 =	simm.s32 $0xB80;
	[sflag:s1] =	ssyncadd.s32 $0xFFFFF800  }
0x11b: {  	[spmem:s2] =	stream.indirect.scatter.add.f32 [tilespmem:s29], [sflag:$0x5], $0x10, s0, s28, $0xb8;
	[tilespmem:$0x4720] =	vst v63  }
0x11c: {  	_ =	swait.ge [sflag:s23], $0x800  }
0x11d: {  	[sflag:s23] =	ssyncset.done $0x0  }
0x11e: {  	[sflag:s23] =	ssyncadd.s32 $0xFFFFF800  }
0x11f: {  	_ =	swait.ge [sflag:s18], $0x400  }
0x120: {  	[sflag:s18] =	ssyncset.done $0x0  }
0x121: {  	[sflag:s18] =	ssyncadd.s32 $0xFFFFFC00  }
0x122: {  	_ =	swait.ge [sflag:s18], $0x400  }
0x123: {  	[sflag:s18] =	ssyncset.done $0x0  }
0x124: {  	s0 =	rddreg [dreg:$0xf];
	[sflag:s18] =	ssyncadd.s32 $0xFFFFFC00  }
0x125: {  	[tilespmem:s3], [sflag:$0x1] =	stream.linear.gather [hbm4b:s0+s3], $0x400, $0x38;
	[tilespmem:$0x4720] =	vst v63  }
0x126: {  	s0 =	rddreg [dreg:$0x10]  }
0x127: {  	[tilespmem:s5], [sflag:$0x1] =	stream.linear.gather [hbm4b:s0+s3], $0x400, $0x38;
	[tilespmem:$0x4720] =	vst v63  }
0x128: {  	_ = 	snop  }
0x129: {  	[tilespmem:s22], [sflag:$0x3] =	stream.indirect.gather [hbm4b:s4+s28], $0x10, s26, s28, $0xb8;
	[tilespmem:$0x4720] =	vst v63  }
0x12a: {  	_ = 	snop  }
0x12b: {  	[tilespmem:s29], [sflag:$0x4] =	stream.indirect.gather [hbm4b:s4+s28], $0x10, s7, s28, $0xb8;
	[tilespmem:$0x4720] =	vst v63  }
0x12c: {  	_ =	swait.ge [sflag:s30], $0x800  }
0x12d: {  	[sflag:s30] =	ssyncset.done $0x0  }
0x12e: {  	[sflag:s30] =	ssyncadd.s32 $0xFFFFF800  }
0x12f: {  	[spmem:s2] =	stream.indirect.scatter.add.f32 [tilespmem:s22], [sflag:$0x6], $0x10, s24, s28, $0xb8;
	[tilespmem:$0x4720] =	vst v63  }
0x130: {  	_ =	swait.ge [sflag:s31], $0x800  }
0x131: {  	[sflag:s31] =	ssyncset.done $0x0  }
0x132: {  	[sflag:s31] =	ssyncadd.s32 $0xFFFFF800  }
0x133: {  	[tilespmem:s22], [sflag:$0x3] =	stream.indirect.gather [hbm4b:s4+s28], $0x10, s6, s28, $0xb8;
	[tilespmem:$0x4720] =	vst v63  }
0x134: {  	_ =	swait.ge [sflag:s1], $0x800  }
0x135: {  	[sflag:s1] =	ssyncset.done $0x0  }
0x136: {  	[sflag:s1] =	ssyncadd.s32 $0xFFFFF800  }
0x137: {  	[spmem:s2] =	stream.indirect.scatter.add.f32 [tilespmem:s29], [sflag:$0x5], $0x10, s8, s28, $0xb8;
	[tilespmem:$0x4720] =	vst v63  }
0x138: {  	_ =	swait.ge [sflag:s23], $0x800  }
0x139: {  	[sflag:s23] =	ssyncset.done $0x0  }
0x13a: {  	[sflag:s23] =	ssyncadd.s32 $0xFFFFF800  }
0x13b: {  	[tilespmem:s29], [sflag:$0x4] =	stream.indirect.gather [hbm4b:s4+s28], $0x10, s9, s28, $0xb8;
	[tilespmem:$0x4720] =	vst v63  }
0x13c: {  	_ =	swait.ge [sflag:s30], $0x800  }
0x13d: {  	[sflag:s30] =	ssyncset.done $0x0  }
0x13e: {  	[sflag:s30] =	ssyncadd.s32 $0xFFFFF800  }
0x13f: {  	[spmem:s2] =	stream.indirect.scatter.add.f32 [tilespmem:s22], [sflag:$0x6], $0x10, s10, s28, $0xb8;
	[tilespmem:$0x4720] =	vst v63  }
0x140: {  	_ =	swait.ge [sflag:s31], $0x800  }
0x141: {  	[sflag:s31] =	ssyncset.done $0x0  }
0x142: {  	[sflag:s31] =	ssyncadd.s32 $0xFFFFF800  }
0x143: {  	[tilespmem:s22], [sflag:$0x3] =	stream.indirect.gather [hbm4b:s4+s28], $0x10, s11, s28, $0xb8;
	[tilespmem:$0x4720] =	vst v63  }
0x144: {  	_ =	swait.ge [sflag:s1], $0x800  }
0x145: {  	[sflag:s1] =	ssyncset.done $0x0  }
0x146: {  	[sflag:s1] =	ssyncadd.s32 $0xFFFFF800  }
0x147: {  	[spmem:s2] =	stream.indirect.scatter.add.f32 [tilespmem:s29], [sflag:$0x5], $0x10, s12, s28, $0xb8;
	[tilespmem:$0x4720] =	vst v63  }
0x148: {  	_ =	swait.ge [sflag:s23], $0x800  }
0x149: {  	[sflag:s23] =	ssyncset.done $0x0  }
0x14a: {  	[sflag:s23] =	ssyncadd.s32 $0xFFFFF800  }
0x14b: {  	[tilespmem:s29], [sflag:$0x4] =	stream.indirect.gather [hbm4b:s4+s28], $0x10, s13, s28, $0xb8;
	[tilespmem:$0x4720] =	vst v63  }
0x14c: {  	_ =	swait.ge [sflag:s30], $0x800  }
0x14d: {  	[sflag:s30] =	ssyncset.done $0x0  }
0x14e: {  	[sflag:s30] =	ssyncadd.s32 $0xFFFFF800  }
0x14f: {  	[spmem:s2] =	stream.indirect.scatter.add.f32 [tilespmem:s22], [sflag:$0x6], $0x10, s14, s28, $0xb8;
	[tilespmem:$0x4720] =	vst v63  }
0x150: {  	_ =	swait.ge [sflag:s31], $0x800  }
0x151: {  	[sflag:s31] =	ssyncset.done $0x0  }
0x152: {  	[sflag:s31] =	ssyncadd.s32 $0xFFFFF800  }
0x153: {  	[tilespmem:s22], [sflag:$0x3] =	stream.indirect.gather [hbm4b:s4+s28], $0x10, s15, s28, $0xb8;
	[tilespmem:$0x4720] =	vst v63  }
0x154: {  	_ =	swait.ge [sflag:s1], $0x800  }
0x155: {  	[sflag:s1] =	ssyncset.done $0x0  }
0x156: {  	[sflag:s1] =	ssyncadd.s32 $0xFFFFF800  }
0x157: {  	[spmem:s2] =	stream.indirect.scatter.add.f32 [tilespmem:s29], [sflag:$0x5], $0x10, s16, s28, $0xb8;
	[tilespmem:$0x4720] =	vst v63  }
0x158: {  	_ =	swait.ge [sflag:s23], $0x800  }
0x159: {  	[sflag:s23] =	ssyncset.done $0x0  }
0x15a: {  	[sflag:s23] =	ssyncadd.s32 $0xFFFFF800  }
0x15b: {  	[tilespmem:s29], [sflag:$0x4] =	stream.indirect.gather [hbm4b:s4+s28], $0x10, s17, s28, $0xb8;
	[tilespmem:$0x4720] =	vst v63  }
0x15c: {  	_ =	swait.ge [sflag:s30], $0x800  }
0x15d: {  	[sflag:s30] =	ssyncset.done $0x0  }
0x15e: {  	[sflag:s30] =	ssyncadd.s32 $0xFFFFF800  }
0x15f: {  	[spmem:s2] =	stream.indirect.scatter.add.f32 [tilespmem:s22], [sflag:$0x6], $0x10, s20, s28, $0xb8;
	[tilespmem:$0x4720] =	vst v63  }
0x160: {  	_ =	swait.ge [sflag:s31], $0x800  }
0x161: {  	[sflag:s31] =	ssyncset.done $0x0  }
0x162: {  	[sflag:s31] =	ssyncadd.s32 $0xFFFFF800  }
0x163: {  	_ =	swait.ge [sflag:s1], $0x800  }
0x164: {  	[sflag:s1] =	ssyncset.done $0x0  }
0x165: {  	[sflag:s1] =	ssyncadd.s32 $0xFFFFF800  }
0x166: {  	[spmem:s2] =	stream.indirect.scatter.add.f32 [tilespmem:s29], [sflag:$0x5], $0x10, s25, s28, $0xb8;
	[tilespmem:$0x4720] =	vst v63  }
0x167: {  	_ =	swait.ge [sflag:s23], $0x800  }
0x168: {  	[sflag:s23] =	ssyncset.done $0x0  }
0x169: {  	[sflag:s23] =	ssyncadd.s32 $0xFFFFF800  }
0x16a: {  	_ =	swait.ge [sflag:s21], $0x400  }
0x16b: {  	[sflag:s21] =	ssyncset.done $0x0  }
0x16c: {  	[sflag:s21] =	ssyncadd.s32 $0xFFFFFC00  }
0x16d: {  	_ =	swait.ge [sflag:s21], $0x400  }
0x16e: {  	[sflag:s21] =	ssyncset.done $0x0  }
0x16f: {  	[sflag:s21] =	ssyncadd.s32 $0xFFFFFC00  }
0x170: {  	[tilespmem:s22], [sflag:$0x3] =	stream.indirect.gather [hbm4b:s4+s28], $0x10, s3, s28, $0xb8;
	[tilespmem:$0x4720] =	vst v63  }
0x171: {  	_ = 	snop  }
0x172: {  	[tilespmem:s29], [sflag:$0x4] =	stream.indirect.gather [hbm4b:s4+s28], $0x10, s28, s28, $0xb8;
	[tilespmem:$0x4720] =	vst v63  }
0x173: {  	_ =	swait.ge [sflag:s30], $0x800  }
0x174: {  	[sflag:s30] =	ssyncset.done $0x0  }
0x175: {  	[sflag:s30] =	ssyncadd.s32 $0xFFFFF800  }
0x176: {  	[spmem:s2] =	stream.indirect.scatter.add.f32 [tilespmem:s22], [sflag:$0x6], $0x10, s5, s28, $0xb8;
	[tilespmem:$0x4720] =	vst v63  }
0x177: {  	_ =	swait.ge [sflag:s31], $0x800  }
0x178: {  	[sflag:s31] =	ssyncset.done $0x0  }
0x179: {  	s5 =	simm.s32 $0x100;
	[sflag:s31] =	ssyncadd.s32 $0xFFFFF800  }
0x17a: {  	[tilespmem:s22], [sflag:$0x3] =	stream.indirect.gather [hbm4b:s4+s28], $0x10, s5, s28, $0xb8;
	[tilespmem:$0x4720] =	vst v63  }
0x17b: {  	_ =	swait.ge [sflag:s1], $0x800  }
0x17c: {  	[sflag:s1] =	ssyncset.done $0x0  }
0x17d: {  	s6 =	simm.s32 $0x880;
	[sflag:s1] =	ssyncadd.s32 $0xFFFFF800  }
0x17e: {  	[spmem:s2] =	stream.indirect.scatter.add.f32 [tilespmem:s29], [sflag:$0x5], $0x10, s6, s28, $0xb8;
	[tilespmem:$0x4720] =	vst v63  }
0x17f: {  	_ =	swait.ge [sflag:s23], $0x800  }
0x180: {  	[sflag:s23] =	ssyncset.done $0x0  }
0x181: {  	s20 =	simm.s32 $0x180;
	[sflag:s23] =	ssyncadd.s32 $0xFFFFF800  }
0x182: {  	[tilespmem:s29], [sflag:$0x4] =	stream.indirect.gather [hbm4b:s4+s28], $0x10, s20, s28, $0xb8;
	[tilespmem:$0x4720] =	vst v63  }
0x183: {  	_ =	swait.ge [sflag:s30], $0x800  }
0x184: {  	[sflag:s30] =	ssyncset.done $0x0  }
0x185: {  	s5 =	simm.s32 $0x900;
	[sflag:s30] =	ssyncadd.s32 $0xFFFFF800  }
0x186: {  	[spmem:s2] =	stream.indirect.scatter.add.f32 [tilespmem:s22], [sflag:$0x6], $0x10, s5, s28, $0xb8;
	[tilespmem:$0x4720] =	vst v63  }
0x187: {  	_ =	swait.ge [sflag:s31], $0x800  }
0x188: {  	[sflag:s31] =	ssyncset.done $0x0  }
0x189: {  	s6 =	simm.s32 $0x200;
	[sflag:s31] =	ssyncadd.s32 $0xFFFFF800  }
0x18a: {  	[tilespmem:s22], [sflag:$0x3] =	stream.indirect.gather [hbm4b:s4+s28], $0x10, s6, s28, $0xb8;
	[tilespmem:$0x4720] =	vst v63  }
0x18b: {  	_ =	swait.ge [sflag:s1], $0x800  }
0x18c: {  	[sflag:s1] =	ssyncset.done $0x0  }
0x18d: {  	s20 =	simm.s32 $0x980;
	[sflag:s1] =	ssyncadd.s32 $0xFFFFF800  }
0x18e: {  	[spmem:s2] =	stream.indirect.scatter.add.f32 [tilespmem:s29], [sflag:$0x5], $0x10, s20, s28, $0xb8;
	[tilespmem:$0x4720] =	vst v63  }
0x18f: {  	_ =	swait.ge [sflag:s23], $0x800  }
0x190: {  	[sflag:s23] =	ssyncset.done $0x0  }
0x191: {  	s5 =	simm.s32 $0x280;
	[sflag:s23] =	ssyncadd.s32 $0xFFFFF800  }
0x192: {  	[tilespmem:s29], [sflag:$0x4] =	stream.indirect.gather [hbm4b:s4+s28], $0x10, s5, s28, $0xb8;
	[tilespmem:$0x4720] =	vst v63  }
0x193: {  	_ =	swait.ge [sflag:s30], $0x800  }
0x194: {  	[sflag:s30] =	ssyncset.done $0x0  }
0x195: {  	s6 =	simm.s32 $0xA00;
	[sflag:s30] =	ssyncadd.s32 $0xFFFFF800  }
0x196: {  	[spmem:s2] =	stream.indirect.scatter.add.f32 [tilespmem:s22], [sflag:$0x6], $0x10, s6, s28, $0xb8;
	[tilespmem:$0x4720] =	vst v63  }
0x197: {  	_ =	swait.ge [sflag:s31], $0x800  }
0x198: {  	[sflag:s31] =	ssyncset.done $0x0  }
0x199: {  	s20 =	simm.s32 $0x300;
	[sflag:s31] =	ssyncadd.s32 $0xFFFFF800  }
0x19a: {  	[tilespmem:s22], [sflag:$0x3] =	stream.indirect.gather [hbm4b:s4+s28], $0x10, s20, s28, $0xb8;
	[tilespmem:$0x4720] =	vst v63  }
0x19b: {  	_ =	swait.ge [sflag:s1], $0x800  }
0x19c: {  	[sflag:s1] =	ssyncset.done $0x0  }
0x19d: {  	s5 =	simm.s32 $0xA80;
	[sflag:s1] =	ssyncadd.s32 $0xFFFFF800  }
0x19e: {  	[spmem:s2] =	stream.indirect.scatter.add.f32 [tilespmem:s29], [sflag:$0x5], $0x10, s5, s28, $0xb8;
	[tilespmem:$0x4720] =	vst v63  }
0x19f: {  	_ =	swait.ge [sflag:s23], $0x800  }
0x1a0: {  	[sflag:s23] =	ssyncset.done $0x0  }
0x1a1: {  	s6 =	simm.s32 $0x380;
	[sflag:s23] =	ssyncadd.s32 $0xFFFFF800  }
0x1a2: {  	[tilespmem:s29], [sflag:$0x4] =	stream.indirect.gather [hbm4b:s4+s28], $0x10, s6, s28, $0xb8;
	[tilespmem:$0x4720] =	vst v63  }
0x1a3: {  	_ =	swait.ge [sflag:s30], $0x800  }
0x1a4: {  	[sflag:s30] =	ssyncset.done $0x0  }
0x1a5: {  	s20 =	simm.s32 $0xB00;
	[sflag:s30] =	ssyncadd.s32 $0xFFFFF800  }
0x1a6: {  	[spmem:s2] =	stream.indirect.scatter.add.f32 [tilespmem:s22], [sflag:$0x6], $0x10, s20, s28, $0xb8;
	[tilespmem:$0x4720] =	vst v63  }
0x1a7: {  	_ =	swait.ge [sflag:s31], $0x800  }
0x1a8: {  	[sflag:s31] =	ssyncset.done $0x0  }
0x1a9: {  	[sflag:s31] =	ssyncadd.s32 $0xFFFFF800  }
0x1aa: {  	_ =	swait.ge [sflag:s1], $0x800  }
0x1ab: {  	[sflag:s1] =	ssyncset.done $0x0  }
0x1ac: {  	s5 =	simm.s32 $0xB80;
	[sflag:s1] =	ssyncadd.s32 $0xFFFFF800  }
0x1ad: {  	[spmem:s2] =	stream.indirect.scatter.add.f32 [tilespmem:s29], [sflag:$0x5], $0x10, s5, s28, $0xb8;
	[tilespmem:$0x4720] =	vst v63  }
0x1ae: {  	_ =	swait.ge [sflag:s23], $0x800  }
0x1af: {  	[sflag:s23] =	ssyncset.done $0x0  }
0x1b0: {  	[sflag:s23] =	ssyncadd.s32 $0xFFFFF800  }
0x1b1: {  	s6 =	stileid.u32;
	[bflag:$0x0] =	sbarrier.arrive $0xFFFF  }
0x1b2: {  	s0 =	sshll.u32 s6, $0x6;
	s20 =	rddreg [dreg:$0x13]  }
0x1b3: {  	s0 =	sor.u32 $0x1C05, s0;
	s5 =	rddreg [dreg:$0x11];
	s6 =	sshrl.u32 s20, $0x3  }
0x1b4: {  	[hbm:s5], [sflag:s0] =	dma.local [spmem:s6], $0x4E4  }
0x1b5: {  	_ =	swait.ge [sflag:s23], $0x4E4  }
0x1b6: {  	s19 =	sadd.s32 $0x1, s19;
	s20 =	rddreg [dreg:$0x12]  }
0x1b7: {  	p0 =	sne.s32 s19, s20  }
.Ltmp1:
0x1b8: {  	_ = 	snop;
	(pc) =	sbr.rel @p0 .LBB2_1-.Ltmp1, $3  }
0x1b9: {  	_ =	sdelay $0x1  }
0x1ba: {  	[sflag:s23] =	ssyncset.done $0x0  }
0x1bb: {  	[sflag:s23] =	ssyncadd.s32 $0xFFFFFB1C  }
0x1bc: {  	_ =	sfence.sel $0x180000  }
0x1bd: {  	[bflag:$0x0] =	sbarrier.arrive $0xFFFF  }
0x1be: {  	_ =	strace $0x9000004A  }
0x1bf: {  	s0 =	stileid.u32;
	[bflag:$0x2] =	sbarrier.arrive $0xFFFF  }
0x1c0: {  	p0 =	sne.s32 s0, $0x0;
	s0 =	rddreg [dreg:$0x2]  }
0x1c1: {  	s0 =	sadd.s32 @!p0 $0x100000, s0  }
0x1c2: {  	[sflag:s0] =	ssyncadd.tile.s32 @!p0 $0x1;
	_ =	shalt  }
.Lfunc_end2:
_tile_overlayer_lowered:
.L_overlay_start_2:
0x1c3: {  	(tag) =	ssettag $0x2  }
0x1c4: {  	s0 =	rddreg [dreg:$0x0];
	s2 =	stileid.u32  }
0x1c5: {  	s1 =	rddreg [dreg:$0x1];
	p0 =	sne.s32 s2, $0x0  }
0x1c6: {  	s3 =	rddreg [dreg:$0x2];
	[bflag:$0x3] =	sbarrier.arrive $0xFFFF;
	s2 =	simm.s32 @!p0 $0x1C05  }
0x1c7: {  	[timem:s3], [sflag:s2] =	dma.local @!p0 [hbm:s0], s1  }
0x1c8: {  	s0 =	simm.s32 @!p0 $0x5  }
0x1c9: {  	_ =	swait.ge @!p0 [sflag:s0], s1  }
0x1ca: {  	s1 =	ssub.s32 @!p0 $0x0, s1;
	[sflag:s0] =	ssyncset.done @!p0 $0x0  }
0x1cb: {  	[sflag:s0] =	ssyncadd.s32 @!p0 s1  }
0x1cc: {  	[bflag:$0x3] =	sbarrier.arrive $0xFFFF  }
0x1cd: {  	_ =	shalt  }

// kernel: kernel.7.cloned.1.call-start
scs
__scs_entry_jumppad:
0x0: {  	(pc) =	sbr.rel $0x88, $3  }
0x1: {  	(tag) =	ssettag $0x0;
	lr =	simm.s32 $0x1  }
0x2: {  	[smem:$0x3F99] =	sst lr;
	_ =	strace $0xD0000000  }
0x3: {  	_ = 	snop  }
0x4: {  	_ = 	snop  }
0x5: {  	_ = 	snop  }
0x6: {  	_ = 	snop  }
0x7: {  	_ = 	snop  }
__scs_overlays_trampoline_lowered:
0x8: {  	[smem:$0x3FA8] =	sst s0  }
0x9: {  	[smem:$0x3FA9] =	sst s1  }
0xa: {  	[smem:$0x3FAA] =	sst s2  }
0xb: {  	[smem:$0x3FAB] =	sst s3  }
0xc: {  	[smem:$0x3FAC] =	sst s4  }
0xd: {  	[smem:$0x3FAD] =	sst s5  }
0xe: {  	[smem:$0x3FAE] =	sst s6  }
0xf: {  	[smem:$0x3FAF] =	sst s7  }
0x10: {  	[smem:$0x3FB0] =	sst s8  }
0x11: {  	[smem:$0x3FB1] =	sst s9;
	s0 =	simm.s32 @!p0 $0x0  }
0x12: {  	s1 =	sld [smem:$0x3F97];
	s0 =	simm.s32 @p0 $0x1  }
0x13: {  	[smem:$0x3FB2] =	sst s0;
	s0 =	simm.s32 @!p1 $0x0  }
0x14: {  	s2 =	sld [smem:$0x3F96];
	s0 =	simm.s32 @p1 $0x1  }
0x15: {  	[smem:$0x3FB3] =	sst s0;
	s0 =	simm.s32 @!p2 $0x0  }
0x16: {  	s3 =	sld [smem:$0x3FDB];
	s0 =	simm.s32 @p2 $0x1  }
0x17: {  	s4 =	simm.s32 $0x1BF5;
	[smem:$0x3FB5] =	sst s0  }
0x18: {  	s0 =	sld [smem:$0x3F98];
	_ =	swait.ge [sflag:s4], $0x0  }
0x19: {  	s7 =	sld [smem:$0x3F99]  }
0x1a: {  	s8 =	sadd.s32 $0xFFFFE003, lr  }
0x1b: {  	s9 =	sadd.s32 $0xFFFFFEF7, lr;
	s5 =	simm.s32 $0xFFFFFFFF;
	p2 =	slt.u32 s8, $0xFFFFF086  }
0x1c: {  	p1 =	slt.u32 s9, $0xF7A;
	s5 =	simm.s32 @!p2 $0x0  }
0x1d: {  	s5 =	simm.s32 @p1 $0x1;
	p0 =	seq.s32 s7, s2  }
0x1e: {  	s7 =	smul.u32 @!p0 $0xF7A, s2;
	p2 =	seq.s32 @!p0 s5, $0x0  }
0x1f: {  	s9 =	smul.u32 $0xF7A, s1;
	s8 =	simm.s32 @!p0 $0x1BF5;
	p2 =	por !p2, p0  }
0x20: {  	[sflag:s8] =	ssyncset.s32 @!p0 $0xFFFFF086;
	s6 =	sadd.s32 @!p0 s3, s7;
	s7 =	simm.s32 @!p0 $0x108  }
0x21: {  	s3 =	sadd.s32 s3, s9;
	s6 =	sadd.s32 @!p0 $0x88, s6;
	s7 =	simm.s32 @p2 $0x1082  }
0x22: {  	[simem:s7], [sflag:s8] =	dma.local @!p0 [hbm:s6], $0xF7A  }
0x23: {  	s9 =	sor.u32 $0xD0000000, s2;
	s6 =	simm.s32 $0x108;
	_ =	swait.ge @!p0 [sflag:s8], $0x0  }
0x24: {  	s3 =	sadd.s32 $0x88, s3;
	s6 =	simm.s32 @!p1 $0x1082;
	[sflag:s4] =	ssyncset.s32 $0xFFFFF086  }
0x25: {  	[simem:s6], [sflag:s4] =	dma.local [hbm:s3], $0xF7A  }
0x26: {  	[smem:$0x3F99] =	sst s1;
	(tag) =	ssettag s2;
	_ =	strace s9  }
0x27: {  	s1 =	sld [smem:$0x3FA9]  }
0x28: {  	s2 =	sld [smem:$0x3FAA]  }
0x29: {  	s4 =	sld [smem:$0x3FAC]  }
0x2a: {  	p0 =	seq.s32 s5, $0x0;
	s5 =	sld [smem:$0x3FAD]  }
0x2b: {  	s6 =	sld [smem:$0x3FAE]  }
0x2c: {  	s7 =	sld [smem:$0x3FAF]  }
0x2d: {  	s3 =	simm.s32 $0x108;
	s8 =	sld [smem:$0x3FB0]  }
0x2e: {  	s3 =	simm.s32 @!p0 $0x1082;
	s9 =	sld [smem:$0x3FB1]  }
0x2f: {  	lr =	sadd.s32 s0, s3;
	s0 =	sld [smem:$0x3FA8]  }
0x30: {  	s3 =	sld [smem:$0x3FAB]  }
0x31: {  	[smem:$0x3FB4] =	sst s10  }
0x32: {  	s10 =	sld [smem:$0x3FB2];
	_ =	sdelay $0x3  }
0x33: {  	p0 =	seq.s32 s10, $0x1;
	s10 =	sld [smem:$0x3FB4];
	_ =	sdelay $0x3  }
0x34: {  	[smem:$0x3FB4] =	sst s10  }
0x35: {  	s10 =	sld [smem:$0x3FB3];
	_ =	sdelay $0x3  }
0x36: {  	p1 =	seq.s32 s10, $0x1;
	s10 =	sld [smem:$0x3FB4];
	_ =	sdelay $0x3  }
0x37: {  	[smem:$0x3FB4] =	sst s10  }
0x38: {  	s10 =	sld [smem:$0x3FB5]  }
0x39: {  	_ = 	snop;
	(pc) =	sbr.ind lr, $3  }
0x3a: {  	_ = 	snop  }
0x3b: {  	_ = 	snop  }
0x3c: {  	p2 =	seq.s32 s10, $0x1;
	s10 =	sld [smem:$0x3FB4]  }
0x3d: {  	_ =	shalt  }
0x3e: {  	_ =	shalt  }
0x3f: {  	_ =	shalt  }
0x40: {  	_ =	shalt  }
0x41: {  	_ =	shalt  }
0x42: {  	_ =	shalt  }
0x43: {  	_ =	shalt  }
0x44: {  	_ =	shalt  }
0x45: {  	_ =	shalt  }
0x46: {  	_ =	shalt  }
0x47: {  	_ =	shalt  }
0x48: {  	_ =	shalt  }
0x49: {  	_ =	shalt  }
0x4a: {  	_ =	shalt  }
0x4b: {  	_ =	shalt  }
0x4c: {  	_ =	shalt  }
0x4d: {  	_ =	shalt  }
0x4e: {  	_ =	shalt  }
0x4f: {  	_ =	shalt  }
0x50: {  	_ =	shalt  }
0x51: {  	_ =	shalt  }
0x52: {  	_ =	shalt  }
0x53: {  	_ =	shalt  }
0x54: {  	_ =	shalt  }
0x55: {  	_ =	shalt  }
0x56: {  	_ =	shalt  }
0x57: {  	_ =	shalt  }
0x58: {  	_ =	shalt  }
0x59: {  	_ =	shalt  }
0x5a: {  	_ =	shalt  }
0x5b: {  	_ =	shalt  }
0x5c: {  	_ =	shalt  }
0x5d: {  	_ =	shalt  }
0x5e: {  	_ =	shalt  }
0x5f: {  	_ =	shalt  }
0x60: {  	_ =	shalt  }
0x61: {  	_ =	shalt  }
0x62: {  	_ =	shalt  }
0x63: {  	_ =	shalt  }
0x64: {  	_ =	shalt  }
0x65: {  	_ =	shalt  }
0x66: {  	_ =	shalt  }
0x67: {  	_ =	shalt  }
0x68: {  	_ =	shalt  }
0x69: {  	_ =	shalt  }
0x6a: {  	_ =	shalt  }
0x6b: {  	_ =	shalt  }
0x6c: {  	_ =	shalt  }
0x6d: {  	_ =	shalt  }
0x6e: {  	_ =	shalt  }
0x6f: {  	_ =	shalt  }
0x70: {  	_ =	shalt  }
0x71: {  	_ =	shalt  }
0x72: {  	_ =	shalt  }
0x73: {  	_ =	shalt  }
0x74: {  	_ =	shalt  }
0x75: {  	_ =	shalt  }
0x76: {  	_ =	shalt  }
0x77: {  	_ =	shalt  }
0x78: {  	_ =	shalt  }
0x79: {  	_ =	shalt  }
0x7a: {  	_ =	shalt  }
0x7b: {  	_ =	shalt  }
0x7c: {  	_ =	shalt  }
0x7d: {  	_ =	shalt  }
0x7e: {  	_ =	shalt  }
0x7f: {  	_ =	shalt  }
0x80: {  	_ =	shalt  }
0x81: {  	_ =	shalt  }
0x82: {  	_ =	shalt  }
0x83: {  	_ =	shalt  }
0x84: {  	_ =	shalt  }
0x85: {  	_ =	shalt  }
0x86: {  	_ =	shalt  }
0x87: {  	_ =	shalt  }
.Lfunc_end0:
.L_simem_size_0:
called_computation_lowered:
.L_overlay_start_0:
0x88: {  	s2 =	sld [smem:$0x3FD9]  }
0x89: {  	s3 =	sld [smem:$0x3FFE];
	_ =	sdelay $0x1  }
0x8a: {  	s1 =	srdreg.scid  }
0x8b: {  	s0 =	sand.u32 $0x1, s1  }
0x8c: {  	s16 =	sshll.u32 s0, $0xA;
	s2 =	sadd.s32 s3, s2  }
0x8d: {  	s2 =	sadd.s32 s2, s16  }
0x8e: {  	[smem:$0x3FC0] =	sst s2  }
0x8f: {  	_ = 	snop  }
0x90: {  	(tm) =	ssettm $0x1  }
0x91: {  	s17 =	sld [smem:$0x3FFB];
	_ =	sdelay $0x3  }
0x92: {  	_ =	strace s17  }
0x93: {  	s2 =	sld [smem:$0x3FFC];
	_ =	sdelay $0x3  }
0x94: {  	_ =	strace s2  }
0x95: {  	s2 =	sld [smem:$0x3FFD];
	_ =	sdelay $0x3  }
0x96: {  	_ =	strace s2  }
0x97: {  	_ =	strace $0x8FFFFFFF  }
0x98: {  	s18 =	sld [smem:$0x3FDB];
	_ =	sdelay $0x1  }
0x99: {  	s19 =	simm.s32 $_scs_section_size  }
0x9a: {  	s4 =	simm.s32 $_size__tile_overlayer_lowered;
	s5 =	simm.s32 $_tile_overlayer_lowered  }
0x9b: {  	s22 =	simm.s32 $0x1BFF;
	s21 =	sshll.u32 s5, $0x1;
	s2 =	sadd.s32 s19, s18  }
0x9c: {  	s6 =	simm.s32 $0x0;
	s20 =	sshll.u32 s4, $0x1;
	s4 =	sadd.s32 s21, s2  }
0x9d: {  	[timem:s6], [sflag:s22] =	dma.local [hbm:s4], s20  }
0x9e: {  	_ =	swait.ge [sflag:s22], s20  }
0x9f: {  	s3 =	ssub.s32 $0x0, s20;
	[sflag:s22] =	ssyncset.done $0x0  }
0xa0: {  	[sflag:s22] =	ssyncadd.s32 s3;
	_ =	sdelay $0x1  }
0xa1: {  	s23 =	simm.s32 $0x1B8B  }
0xa2: {  	_ =	swait.ge [sflag:s23], $0x1  }
0xa3: {  	[sflag:s23] =	ssyncset.done $0x0  }
0xa4: {  	s25 =	simm.s32 $0x1B8E;
	s24 =	sld [smem:$0x3FFE];
	[sflag:s23] =	ssyncadd.s32 $0xFFFFFFFF  }
0xa5: {  	s26 =	simm.s32 $execute0_lowered;
	[smem:$0x3FD2] =	sst s25  }
0xa6: {  	s4 =	sshll.u32 s26, $0x1;
	_ =	strace $0x80000046;
	[dreg:$0x1] =	wrdreg $0xFFFFFFFF  }
0xa7: {  	s28 =	simm.s32 $_size_execute0_lowered;
	s2 =	sadd.s32 s2, s4;
	[dreg:$0x0] =	wrdreg $0x0  }
0xa8: {  	s4 =	sshll.u32 s28, $0x1;
	[dreg:$0x2] =	wrdreg s2  }
0xa9: {  	[dreg:$0x3] =	wrdreg s4  }
0xaa: {  	[dreg:$0x4] =	wrdreg $0xC0  }
0xab: {  	_ =	task [dreg:s6], $0x5FFFF  }
0xac: {  	[dreg:$0x1] =	wrdreg $0xFFFFFFFF  }
0xad: {  	[dreg:$0x0] =	wrdreg $0x60  }
0xae: {  	[dreg:$0x2] =	wrdreg s24  }
0xaf: {  	[dreg:$0x3] =	wrdreg $0x68000  }
0xb0: {  	[dreg:$0x4] =	wrdreg $0x104800  }
0xb1: {  	[dreg:$0x5] =	wrdreg $0x9  }
0xb2: {  	_ =	task.clear_ibuf [dreg:s6], $0x6FFFF;
	_ =	strace $0x90000046  }
0xb3: {  	s29 =	simm.s32 $0x9;
	_ =	strace $0x80000048  }
0xb4: {  	_ =	swait.ge [sflag:s29], $0x1  }
0xb5: {  	[sflag:s29] =	ssyncadd.s32 $0xFFFFFFFF  }
0xb6: {  	_ =	strace $0x90000048  }
0xb7: {  	_ =	sfence  }
0xb8: {  	s30 =	sld [smem:$0x0];
	_ =	sdelay $0x2  }
0xb9: {  	s31 =	sshll.u32 s1, $0xD;
	s1 =	sshrl.u32 s1, $0x2  }
0xba: {  	s3 =	sand.u32 $0x4000, s31;
	s1 =	sadd.s32 s1, s30  }
0xbb: {  	s0 =	sor.u32 s3, s0;
	s1 =	sshll.u32 s1, $0x11  }
0xbc: {  	s0 =	sor.u32 s1, s0  }
0xbd: {  	s0 =	sadd.s32 $0x8F2B, s0  }
0xbe: {  	[sflag:s0] =	ssyncadd.remote.s32 $0x1  }
0xbf: {  	_ =	sfence.sel $0xFFFF  }
0xc0: {  	[dreg:$0x0] =	wrdreg $0xFFFFFFFF;
	(pc) =	sbr.abs _section_cstart, $3  }
0xc1: {  	[dreg:$0x1] =	wrdreg $0xFFFFFFFF  }
0xc2: {  	_ =	task.clear_ibuf [dreg:s6], $0x2FFFF;
	_ =	strace $0x9FFFFFFF  }
0xc3: {  	(tm) =	ssettm $0x7FFFFFFF  }
tec
execute0_lowered:
.L_overlay_start_1:
0x0: {  	(tag) =	ssettag $0x1  }
0x1: {  	s1 =	rddreg [dreg:$0x0]  }
0x2: {  	s2 =	rddreg [dreg:$0x1];
	s0 =	srdreg.scid  }
0x3: {  	s14 =	stileid.u32;
	s3 =	rddreg [dreg:$0x2];
	s6 =	simm.s32 $0x0  }
0x4: {  	s30 =	simm.s32 $0x2000;
	s31 =	simm.s32 $0x5;
	s4 =	smul.u32 $0x13900, s14  }
0x5: {  	s0 =	sand.u32 $0x1, s0;
	[smem:$0x7FF] =	sst s6;
	s7 =	smul.u32 $0x2720, s14  }
0x6: {  	s9 =	sadd.s32 $0x6000, s1;
	s10 =	sadd.s32 $0x1000, s1;
	s5 =	smul.u32 $0x139000, s0  }
0x7: {  	_ =	strace $0x80000047;
	s8 =	smul.u32 $0x27200, s0;
	s15 =	ssub.s32 $0x2, s0  }
0x8: {  	p0 =	sne.s32 s0, $0x0;
	p1 =	seq.s32 s0, $0x0;
	s12 =	sadd.s32 s4, s5  }
0x9: {  	s5 =	sadd.s32 $0xB000, s1;
	s6 =	sshrl.u32 s12, $0x4;
	s12 =	smul.u32 $0x272, s14  }
0xa: {  	s13 =	sadd.s32 s7, s8;
	s4 =	sshrl.u32 s4, $0x1;
	s14 =	smul.u32 $0x2800, s14  }
0xb: {  	s11 =	sadd.s32 s6, s1;
	s6 =	sshrl.u32 s13, $0x3;
	s13 =	sshrl.u32 s15, $0x1  }
0xc: {  	s1 =	sadd.s32 s6, s1;
	s8 =	ssub.s32 s15, s13;
	s13 =	sadd.s32 $0x80, s12  }
0xd: {  	s14 =	sshrl.u32 s14, $0x3;
	s6 =	sadd.s32 s4, s2;
	s15 =	sshll.u32 s13, $0x6  }
0xe: {  	s17 =	sadd.s32 s9, s14;
	s18 =	sadd.s32 s10, s14;
	s19 =	sadd.s32 $0x100, s14  }
0xf: {  	s20 =	sadd.s32 $0x200, s14;
	s23 =	sadd.s32 $0x300, s14;
	s14 =	sadd.s32 $0x400, s14  }
0x10: {  	s28 =	sadd.s32 $0x59400, s1;
	s29 =	smax.u32 s8, $0x1;
	[dreg:$0x5] =	wrdreg s17  }
0x11: {  	s1 =	simm.s32 $0x6000;
	s16 =	sadd.s32 s15, s2;
	[dreg:$0x6] =	wrdreg s18  }
0x12: {  	s8 =	simm.s32 $0x4;
	s4 =	sadd.s32 s10, s19;
	[dreg:$0x4] =	wrdreg s16  }
0x13: {  	s21 =	sadd.s32 s9, s20;
	s22 =	sadd.s32 s10, s20;
	[dreg:$0x8] =	wrdreg s4  }
0x14: {  	s24 =	sadd.s32 s9, s23;
	s25 =	sadd.s32 s9, s14;
	[dreg:$0x9] =	wrdreg s21  }
0x15: {  	s26 =	sadd.s32 s10, s14;
	s15 =	sadd.s32 $0x200, s12;
	[dreg:$0xa] =	wrdreg s22  }
0x16: {  	s20 =	sshll.u32 s13, $0x4;
	s14 =	simm.s32 $0x1;
	[dreg:$0xb] =	wrdreg s24  }
0x17: {  	s16 =	sadd.s32 s9, s19;
	s4 =	sadd.s32 s10, s23;
	[dreg:$0xd] =	wrdreg s25  }
0x18: {  	[dreg:$0xe] =	wrdreg s26;
	s9 =	sadd.s32 $0x100, s12;
	s10 =	sadd.s32 $0x180, s12  }
0x19: {  	s19 =	sshll.u32 s15, $0x6;
	s21 =	sadd.s32 s7, s3;
	s7 =	sadd.s32 s20, s3  }
0x1a: {  	s24 =	sshll.u32 s15, $0x4;
	s25 =	smul.u32 $0x2710, s0;
	[dreg:$0x7] =	wrdreg s16  }
0x1b: {  	s26 =	sadd.s32 $0x32200, s11;
	s0 =	simm.s32 $0x1000;
	[dreg:$0xc] =	wrdreg s4  }
0x1c: {  	s11 =	simm.s32 $0x4000;
	s16 =	sshll.u32 s9, $0x6;
	[dreg:$0x12] =	wrdreg s7  }
0x1d: {  	s17 =	sshll.u32 s10, $0x6;
	[dreg:$0x16] =	wrdreg s26;
	s12 =	sadd.s32 s16, s2  }
0x1e: {  	s4 =	sshll.u32 s9, $0x4;
	s18 =	sadd.s32 s17, s2;
	[dreg:$0xf] =	wrdreg s12  }
0x1f: {  	s22 =	sshll.u32 s10, $0x4;
	s4 =	sadd.s32 s4, s3;
	[dreg:$0x10] =	wrdreg s18  }
0x20: {  	s15 =	simm.s32 $0x0;
	s23 =	sadd.s32 s22, s3;
	[dreg:$0x13] =	wrdreg s4  }
0x21: {  	s9 =	simm.s32 $0x80;
	s12 =	sadd.s32 s19, s2;
	[dreg:$0x14] =	wrdreg s23  }
0x22: {  	v1 =	vimm.bf16 $0.0e+00;
	s10 =	simm.s32 $0x1780;
	s4 =	sadd.s32 s24, s3;
	[dreg:$0x11] =	wrdreg s12  }
0x23: {  	v2 =	vimm.f32 $0.0e+00;
	v3 =	vimm.f32 $1.000000000e+00;
	v0 =	vmov s25;
	[dreg:$0x15] =	wrdreg s4;
	s4 =	simm.s32 $0x800;
	s12 =	simm.s32 $0x2  }
.LBB2_1:
0x24: {  	s13 =	simm.s32 $0x0  }
0x25: {  	s7 =	sand.u32 $0x7F00, s13;
	s16 =	sand.u32 $0x60, s13  }
0x26: {  	s7 =	sshrl.u32 s7, $0x2;
	s16 =	sshrl.u32 s16, $0x1  }
0x27: {  	s16 =	sor.u32 s16, s7  }
0x28: {  	s7 =	simm.s32 $0x40;
	[tilespmem:s16+$0x2000] =	vst v1;
	s16 =	simm.s32 $0x0  }
.LBB2_2:
0x29: {  	p2 =	sne.s32 s7, $0x7FC0  }
.Ltmp0:
0x2a: {  	s17 =	sand.u32 $0x7F00, s7;
	s16 =	sadd.s32 $0x20, s16;
	(pc) =	sbr.rel @p2 .LBB2_2-.Ltmp0, $4  }
0x2b: {  	s7 =	sadd.s32 $0x40, s7;
	s18 =	sand.u32 $0x60, s16  }
0x2c: {  	s17 =	sshrl.u32 s17, $0x2;
	s18 =	sshrl.u32 s18, $0x1  }
0x2d: {  	s17 =	sor.u32 s18, s17  }
0x2e: {  	[tilespmem:s17+$0x2000] =	vst v1  }
0x2f: {  	[spmem:s6] =	stream.linear.scatter [tilespmem:s30], [sflag:$0x5], $0x2000, $0x38;
	[tilespmem:$0x12BA0] =	vst v63  }
0x30: {  	_ =	swait.ge [sflag:s31], $0x2000  }
0x31: {  	[sflag:s31] =	ssyncset.done $0x0  }
0x32: {  	s7 =	rddreg [dreg:$0x4];
	[sflag:s31] =	ssyncadd.s32 $0xFFFFE000  }
0x33: {  	[spmem:s7] =	stream.linear.scatter [tilespmem:s30], [sflag:$0x5], $0x2000, $0x38;
	[tilespmem:$0x12BA0] =	vst v63  }
0x34: {  	_ =	swait.ge [sflag:s31], $0x2000  }
0x35: {  	[sflag:s31] =	ssyncset.done $0x0  }
0x36: {  	s24 =	rddreg [dreg:$0xf];
	[sflag:s31] =	ssyncadd.s32 $0xFFFFE000  }
0x37: {  	[spmem:s24] =	stream.linear.scatter [tilespmem:s30], [sflag:$0x5], $0x2000, $0x38;
	[tilespmem:$0x12BA0] =	vst v63  }
0x38: {  	_ =	swait.ge [sflag:s31], $0x2000  }
0x39: {  	[sflag:s31] =	ssyncset.done $0x0  }
0x3a: {  	s25 =	rddreg [dreg:$0x10];
	[sflag:s31] =	ssyncadd.s32 $0xFFFFE000  }
0x3b: {  	[spmem:s25] =	stream.linear.scatter [tilespmem:s30], [sflag:$0x5], $0x2000, $0x38;
	[tilespmem:$0x12BA0] =	vst v63  }
0x3c: {  	_ =	swait.ge [sflag:s31], $0x2000  }
0x3d: {  	[sflag:s31] =	ssyncset.done $0x0  }
0x3e: {  	s26 =	rddreg [dreg:$0x11];
	[sflag:s31] =	ssyncadd.s32 $0xFFFFE000  }
0x3f: {  	[spmem:s26] =	stream.linear.scatter [tilespmem:s30], [sflag:$0x5], $0x1C80, $0x38;
	[tilespmem:$0x12BA0] =	vst v63  }
0x40: {  	_ =	swait.ge [sflag:s31], $0x1C80  }
0x41: {  	[sflag:s31] =	ssyncset.done $0x0  }
0x42: {  	s16 =	simm.s32 $0x0;
	s7 =	simm.s32 $0x40;
	[sflag:s31] =	ssyncadd.s32 $0xFFFFE380  }
.LBB2_4:
0x43: {  	p2 =	sne.s32 s7, $0x1FC0;
	[tilespmem:s16+$0x6000] =	vst v2;
	s16 =	smov.u32 s7;
	s7 =	sadd.s32 $0x40, s7  }
.Ltmp1:
0x44: {  	(pc) =	sbr.rel @p2 .LBB2_4-.Ltmp1, $2  }
0x45: {  	_ =	sdelay $0x2  }
0x46: {  	s16 =	sshra.s32 s16, $0x2  }
0x47: {  	[tilespmem:s16+$0x6000] =	vst v2  }
0x48: {  	[spmem:s21] =	stream.linear.scatter [tilespmem:s1], [sflag:$0x5], $0x800, $0x38;
	[tilespmem:$0x12BA0] =	vst v63  }
0x49: {  	_ =	swait.ge [sflag:s31], $0x800  }
0x4a: {  	[sflag:s31] =	ssyncset.done $0x0  }
0x4b: {  	s7 =	rddreg [dreg:$0x12];
	[sflag:s31] =	ssyncadd.s32 $0xFFFFF800  }
0x4c: {  	[spmem:s7] =	stream.linear.scatter [tilespmem:s1], [sflag:$0x5], $0x800, $0x38;
	[tilespmem:$0x12BA0] =	vst v63  }
0x4d: {  	_ =	swait.ge [sflag:s31], $0x800  }
0x4e: {  	[sflag:s31] =	ssyncset.done $0x0  }
0x4f: {  	s24 =	rddreg [dreg:$0x13];
	[sflag:s31] =	ssyncadd.s32 $0xFFFFF800  }
0x50: {  	[spmem:s24] =	stream.linear.scatter [tilespmem:s1], [sflag:$0x5], $0x800, $0x38;
	[tilespmem:$0x12BA0] =	vst v63  }
0x51: {  	_ =	swait.ge [sflag:s31], $0x800  }
0x52: {  	[sflag:s31] =	ssyncset.done $0x0  }
0x53: {  	s25 =	rddreg [dreg:$0x14];
	[sflag:s31] =	ssyncadd.s32 $0xFFFFF800  }
0x54: {  	[spmem:s25] =	stream.linear.scatter [tilespmem:s1], [sflag:$0x5], $0x800, $0x38;
	[tilespmem:$0x12BA0] =	vst v63  }
0x55: {  	_ =	swait.ge [sflag:s31], $0x800  }
0x56: {  	[sflag:s31] =	ssyncset.done $0x0  }
0x57: {  	s26 =	rddreg [dreg:$0x15];
	[sflag:s31] =	ssyncadd.s32 $0xFFFFF800  }
0x58: {  	[spmem:s26] =	stream.linear.scatter [tilespmem:s1], [sflag:$0x5], $0x720, $0x38;
	[tilespmem:$0x12BA0] =	vst v63  }
0x59: {  	_ =	swait.ge [sflag:s31], $0x720  }
0x5a: {  	[sflag:s31] =	ssyncset.done $0x0  }
0x5b: {  	s16 =	simm.s32 $0x0;
	s7 =	simm.s32 $0x40;
	[sflag:s31] =	ssyncadd.s32 $0xFFFFF8E0  }
.LBB2_6:
0x5c: {  	p2 =	sne.s32 s7, $0x1FC0;
	[tilespmem:s16+$0x6000] =	vst v3;
	s16 =	smov.u32 s7;
	s7 =	sadd.s32 $0x40, s7  }
.Ltmp2:
0x5d: {  	(pc) =	sbr.rel @p2 .LBB2_6-.Ltmp2, $2  }
0x5e: {  	_ =	sdelay $0x2  }
0x5f: {  	s16 =	sshra.s32 s16, $0x2  }
0x60: {  	[tilespmem:s16+$0x6000] =	vst v3;
	s7 =	simm.s32 $0x0;
	s13 =	rddreg [dreg:$0x5]  }
0x61: {  	[tilespmem:s7], [sflag:$0x5] =	stream.linear.gather [hbm4b:s13+s7], $0x800, $0x38;
	[tilespmem:$0x12BA0] =	vst v63  }
0x62: {  	_ =	swait.ge [sflag:s31], $0x800  }
0x63: {  	[sflag:s31] =	ssyncset.done $0x0  }
0x64: {  	s22 =	rddreg [dreg:$0x6];
	[sflag:s31] =	ssyncadd.s32 $0xFFFFF800  }
0x65: {  	[tilespmem:s0], [sflag:$0x5] =	stream.linear.gather [hbm4b:s22+s7], $0x800, $0x38;
	[tilespmem:$0x12BA0] =	vst v63  }
0x66: {  	_ =	swait.ge [sflag:s31], $0x800  }
0x67: {  	[sflag:s31] =	ssyncset.done $0x0  }
0x68: {  	[sflag:s31] =	ssyncadd.s32 $0xFFFFF800  }
0x69: {  	[bflag:$0x0] =	sbarrier.arrive $0xFFFF  }
0x6a: {  	s23 =	rddreg [dreg:$0x7]  }
0x6b: {  	[tilespmem:s4], [sflag:$0x2] =	stream.linear.gather [hbm4b:s23+s7], $0x800, $0x38;
	[tilespmem:$0x12BA0] =	vst v63  }
0x6c: {  	s25 =	simm.s32 $0x1800;
	s26 =	sand.u32 $0x1E00, s7;
	s24 =	rddreg [dreg:$0x8]  }
0x6d: {  	[tilespmem:s25], [sflag:$0x2] =	stream.linear.gather [hbm4b:s24+s7], $0x800, $0x38;
	[tilespmem:$0x12BA0] =	vst v63  }
0x6e: {  	s16 =	sshrl.u32 s26, $0x2;
	s7 =	sand.u32 $0x70, s7  }
0x6f: {  	s7 =	sor.u32 s7, s16  }
0x70: {  	v4 =	vld [tilespmem:s7+$0x0];
	_ =	sdelay $0x2  }
0x71: {  	s17 =	simm.s32 $0x40  }
0x72: {  	s18 =	sand.u32 $0x1E00, s17;
	s17 =	simm.s32 $0x80;
	s16 =	simm.s32 $0x10  }
.LBB2_8:
0x73: {  	p2 =	sne.s32 s17, $0x1FC0;
	s19 =	sand.u32 $0x70, s16;
	s18 =	sshrl.u32 s18, $0x2;
	v4 =	vadd.s32 v0, v4  }
0x74: {  	[tilespmem:s7+$0x0] =	vst v4;
	s7 =	sor.u32 s19, s18  }
.Ltmp3:
0x75: {  	v4 =	vld [tilespmem:s7+$0x0];
	(pc) =	sbr.rel @p2 .LBB2_8-.Ltmp3, $2  }
0x76: {  	_ =	sdelay $0x2  }
0x77: {  	s16 =	sadd.s32 $0x10, s16;
	s18 =	sand.u32 $0x1E00, s17;
	s17 =	sadd.s32 $0x40, s17  }
0x78: {  	s16 =	sand.u32 $0x70, s16;
	s17 =	sshrl.u32 s18, $0x2;
	v4 =	vadd.s32 v0, v4  }
0x79: {  	s16 =	sor.u32 s16, s17;
	[tilespmem:s7+$0x0] =	vst v4  }
0x7a: {  	v4 =	vld [tilespmem:s16+$0x0];
	_ =	sdelay $0x3  }
0x7b: {  	s24 =	simm.s32 $0x0  }
0x7c: {  	s22 =	simm.s32 $0x1;
	s25 =	sand.u32 $0x1, s24;
	v4 =	vadd.s32 v0, v4  }
0x7d: {  	s7 =	simm.s32 $0x80;
	s26 =	sand.u32 $0x1, s22;
	p2 =	seq.s32 s25, $0x0;
	[tilespmem:s16+$0x0] =	vst v4  }
0x7e: {  	[tilespmem:s30], [sflag:$0x3] =	stream.indirect.gather [hbm4b:s5+s7], $0x40, s24, s7, $0xb8;
	[tilespmem:$0x12BA0] =	vst v63  }
0x7f: {  	p3 =	seq.s32 s26, $0x0;
	s18 =	simm.s32 @!p2 $0x2000;
	s16 =	simm.s32 @!p2 $0x80  }
0x80: {  	[tilespmem:s18], [sflag:$0x3] =	stream.indirect.gather @!p2 [hbm4b:s5+s16], $0x40, s7, s16, $0xb8;
	[tilespmem:$0x12BA0] =	vst v63  }
0x81: {  	s19 =	simm.s32 @!p0 $0x6000;
	s16 =	simm.s32 @!p3 $0x80;
	s18 =	simm.s32 @!p3 $0x4000  }
0x82: {  	[tilespmem:s18], [sflag:$0x4] =	stream.indirect.gather @!p3 [hbm4b:s5+s16], $0x40, s7, s16, $0xb8;
	[tilespmem:$0x12BA0] =	vst v63  }
0x83: {  	s24 =	simm.s32 $0x1000;
	s16 =	simm.s32 @!p0 $0x6;
	s18 =	simm.s32 @!p0 $0x80  }
0x84: {  	[spmem:s3] =	stream.indirect.scatter.add.f32 @!p0 [tilespmem:s19], [sflag:$0x6], $0x10, s24, s18, $0xb8;
	[tilespmem:$0x12BA0] =	vst v63  }
0x85: {  	_ =	swait.ge @!p0 [sflag:s16], $0x800  }
0x86: {  	p2 =	seq.s32 s25, $0x1;
	[sflag:s16] =	ssyncset.done @!p0 $0x0  }
0x87: {  	s7 =	simm.s32 @p2 $0x4;
	[sflag:s16] =	ssyncadd.s32 @!p0 $0xFFFFF800  }
0x88: {  	_ =	swait.ge @p2 [sflag:s7], $0x2000  }
0x89: {  	s20 =	simm.s32 $0x2;
	s17 =	simm.s32 @p2 $0x80;
	[sflag:s7] =	ssyncset.done @p2 $0x0  }
0x8a: {  	s25 =	simm.s32 @!p2 $0x3;
	[sflag:s7] =	ssyncadd.s32 @p2 $0xFFFFE000;
	s7 =	simm.s32 @p2 $0x4000  }
0x8b: {  	[spmem:s2] =	stream.indirect.scatter.add.bf16 @p2 [tilespmem:s7], [sflag:$0x5], $0x40, s24, s17, $0xb8;
	[tilespmem:$0x12BA0] =	vst v63  }
0x8c: {  	s13 =	sand.u32 $0x1, s20;
	s23 =	simm.s32 @!p2 $0x6;
	_ =	swait.ge @!p2 [sflag:s25], $0x2000  }
0x8d: {  	s22 =	sand.u32 $0x1, s22;
	s23 =	simm.s32 @p2 $0x5;
	[sflag:s25] =	ssyncset.done @!p2 $0x0  }
0x8e: {  	s17 =	simm.s32 @!p2 $0x80;
	[sflag:s25] =	ssyncadd.s32 @!p2 $0xFFFFE000;
	s25 =	simm.s32 @!p2 $0x2000  }
0x8f: {  	[spmem:s2] =	stream.indirect.scatter.add.bf16 @!p2 [tilespmem:s25], [sflag:$0x6], $0x40, s24, s17, $0xb8;
	[tilespmem:$0x12BA0] =	vst v63  }
0x90: {  	p4 =	seq.s32 s22, $0x0;
	p3 =	seq.s32 s13, $0x0;
	_ =	swait.ge [sflag:s23], $0x2000  }
0x91: {  	s7 =	simm.s32 $0x100;
	s17 =	simm.s32 $0x1080;
	[sflag:s23] =	ssyncset.done $0x0  }
.LBB2_10:
0x92: {  	s13 =	simm.s32 @!p4 $0x80;
	s24 =	simm.s32 @!p4 $0x2000  }
0x93: {  	[sflag:s23] =	ssyncadd.s32 $0xFFFFE000;
	s25 =	smov.u32 s20;
	s26 =	smov.u32 s17  }
0x94: {  	[tilespmem:s24], [sflag:$0x3] =	stream.indirect.gather @!p4 [hbm4b:s5+s13], $0x40, s7, s13, $0xb8;
	[tilespmem:$0x12BA0] =	vst v63  }
0x95: {  	s20 =	sadd.s32 $0x1, s20;
	s23 =	simm.s32 @!p3 $0x4000;
	s13 =	simm.s32 @!p3 $0x80  }
0x96: {  	[tilespmem:s23], [sflag:$0x4] =	stream.indirect.gather @!p3 [hbm4b:s5+s13], $0x40, s7, s13, $0xb8;
	[tilespmem:$0x12BA0] =	vst v63  }
0x97: {  	s13 =	sand.u32 $0x1, s20  }
0x98: {  	[spmem:s3] =	stream.indirect.scatter.add.f32 @!p0 [tilespmem:s19], [sflag:$0x6], $0x10, s17, s18, $0xb8;
	[tilespmem:$0x12BA0] =	vst v63  }
0x99: {  	p2 =	sne.s32 s20, $0xF;
	_ =	swait.ge @!p0 [sflag:s16], $0x800  }
0x9a: {  	p3 =	seq.s32 s22, $0x1;
	[sflag:s16] =	ssyncset.done @!p0 $0x0  }
0x9b: {  	s22 =	simm.s32 @p3 $0x4;
	[sflag:s16] =	ssyncadd.s32 @!p0 $0xFFFFF800  }
0x9c: {  	_ =	swait.ge @p3 [sflag:s22], $0x2000  }
0x9d: {  	s7 =	sadd.s32 $0x80, s7;
	s23 =	simm.s32 @p3 $0x80;
	[sflag:s22] =	ssyncset.done @p3 $0x0  }
0x9e: {  	s24 =	simm.s32 @!p3 $0x3;
	[sflag:s22] =	ssyncadd.s32 @p3 $0xFFFFE000;
	s22 =	simm.s32 @p3 $0x4000  }
0x9f: {  	[spmem:s2] =	stream.indirect.scatter.add.bf16 @p3 [tilespmem:s22], [sflag:$0x5], $0x40, s17, s23, $0xb8;
	[tilespmem:$0x12BA0] =	vst v63  }
0xa0: {  	s23 =	simm.s32 @!p3 $0x6;
	s17 =	sadd.s32 $0x80, s17;
	_ =	swait.ge @!p3 [sflag:s24], $0x2000  }
.Ltmp4:
0xa1: {  	s23 =	simm.s32 @p3 $0x5;
	[sflag:s24] =	ssyncset.done @!p3 $0x0;
	(pc) =	sbr.rel @p2 .LBB2_10-.Ltmp4, $4  }
0xa2: {  	s22 =	simm.s32 @!p3 $0x80;
	[sflag:s24] =	ssyncadd.s32 @!p3 $0xFFFFE000;
	s24 =	simm.s32 @!p3 $0x2000  }
0xa3: {  	[spmem:s2] =	stream.indirect.scatter.add.bf16 @!p3 [tilespmem:s24], [sflag:$0x6], $0x40, s26, s22, $0xb8;
	[tilespmem:$0x12BA0] =	vst v63  }
0xa4: {  	s22 =	sand.u32 $0x1, s25;
	_ =	swait.ge [sflag:s23], $0x2000  }
0xa5: {  	p3 =	seq.s32 s13, $0x0;
	p4 =	seq.s32 s22, $0x0;
	[sflag:s23] =	ssyncset.done $0x0  }
0xa6: {  	s13 =	simm.s32 @!p4 $0x80;
	s18 =	simm.s32 @!p4 $0x2000;
	[sflag:s23] =	ssyncadd.s32 $0xFFFFE000  }
0xa7: {  	[tilespmem:s18], [sflag:$0x3] =	stream.indirect.gather @!p4 [hbm4b:s5+s13], $0x40, s7, s13, $0xb8;
	[tilespmem:$0x12BA0] =	vst v63  }
0xa8: {  	s13 =	simm.s32 @!p3 $0x80;
	s18 =	simm.s32 @!p3 $0x4000  }
0xa9: {  	[tilespmem:s18], [sflag:$0x4] =	stream.indirect.gather @!p3 [hbm4b:s5+s13], $0x40, s7, s13, $0xb8;
	[tilespmem:$0x12BA0] =	vst v63  }
0xaa: {  	s7 =	simm.s32 @!p0 $0x80;
	s13 =	simm.s32 @!p0 $0x6000  }
0xab: {  	[spmem:s3] =	stream.indirect.scatter.add.f32 @!p0 [tilespmem:s13], [sflag:$0x6], $0x10, s17, s7, $0xb8;
	[tilespmem:$0x12BA0] =	vst v63  }
0xac: {  	_ =	swait.ge @!p0 [sflag:s16], $0x800  }
0xad: {  	p2 =	seq.s32 s22, $0x1;
	[sflag:s16] =	ssyncset.done @!p0 $0x0  }
0xae: {  	s18 =	simm.s32 @p2 $0x4;
	[sflag:s16] =	ssyncadd.s32 @!p0 $0xFFFFF800  }
0xaf: {  	_ =	swait.ge @p2 [sflag:s18], $0x2000  }
0xb0: {  	s19 =	simm.s32 @p2 $0x80;
	[sflag:s18] =	ssyncset.done @p2 $0x0  }
0xb1: {  	s20 =	simm.s32 @!p2 $0x3;
	[sflag:s18] =	ssyncadd.s32 @p2 $0xFFFFE000;
	s18 =	simm.s32 @p2 $0x4000  }
0xb2: {  	[spmem:s2] =	stream.indirect.scatter.add.bf16 @p2 [tilespmem:s18], [sflag:$0x5], $0x40, s17, s19, $0xb8;
	[tilespmem:$0x12BA0] =	vst v63  }
0xb3: {  	_ =	swait.ge @!p2 [sflag:s20], $0x2000  }
0xb4: {  	s18 =	simm.s32 @!p2 $0x6;
	s19 =	simm.s32 @!p2 $0x80;
	[sflag:s20] =	ssyncset.done @!p2 $0x0  }
0xb5: {  	s18 =	simm.s32 @p2 $0x5;
	[sflag:s20] =	ssyncadd.s32 @!p2 $0xFFFFE000;
	s20 =	simm.s32 @!p2 $0x2000  }
0xb6: {  	[spmem:s2] =	stream.indirect.scatter.add.bf16 @!p2 [tilespmem:s20], [sflag:$0x6], $0x40, s17, s19, $0xb8;
	[tilespmem:$0x12BA0] =	vst v63  }
0xb7: {  	_ =	swait.ge [sflag:s18], $0x2000  }
0xb8: {  	[sflag:s18] =	ssyncset.done $0x0  }
0xb9: {  	s17 =	simm.s32 @!p0 $0x1780;
	[sflag:s18] =	ssyncadd.s32 $0xFFFFE000  }
0xba: {  	[spmem:s3] =	stream.indirect.scatter.add.f32 @!p0 [tilespmem:s13], [sflag:$0x6], $0x10, s17, s7, $0xb8;
	[tilespmem:$0x12BA0] =	vst v63  }
0xbb: {  	_ =	swait.ge @!p0 [sflag:s16], $0x800  }
0xbc: {  	[sflag:s16] =	ssyncset.done @!p0 $0x0  }
0xbd: {  	[sflag:s16] =	ssyncadd.s32 @!p0 $0xFFFFF800  }
0xbe: {  	_ =	swait.ge [sflag:s8], $0x2000  }
0xbf: {  	[sflag:s8] =	ssyncset.done $0x0  }
0xc0: {  	[sflag:s8] =	ssyncadd.s32 $0xFFFFE000  }
0xc1: {  	[spmem:s2] =	stream.indirect.scatter.add.bf16 [tilespmem:s11], [sflag:$0x5], $0x40, s10, s9, $0xb8;
	[tilespmem:$0x12BA0] =	vst v63  }
0xc2: {  	_ =	swait.ge [sflag:s31], $0x2000  }
0xc3: {  	[sflag:s31] =	ssyncset.done $0x0  }
0xc4: {  	[sflag:s31] =	ssyncadd.s32 $0xFFFFE000  }
0xc5: {  	_ =	swait.ge [sflag:s12], $0x800  }
0xc6: {  	[sflag:s12] =	ssyncset.done $0x0  }
0xc7: {  	[sflag:s12] =	ssyncadd.s32 $0xFFFFF800  }
0xc8: {  	s22 =	simm.s32 $0x0;
	_ =	swait.ge [sflag:s12], $0x800  }
0xc9: {  	s25 =	sand.u32 $0x1E00, s22;
	s7 =	sand.u32 $0x70, s22;
	[sflag:s12] =	ssyncset.done $0x0  }
0xca: {  	s13 =	sshrl.u32 s25, $0x2;
	s23 =	rddreg [dreg:$0x9];
	[sflag:s12] =	ssyncadd.s32 $0xFFFFF800  }
0xcb: {  	[tilespmem:s22], [sflag:$0x1] =	stream.linear.gather [hbm4b:s23+s22], $0x800, $0x38;
	[tilespmem:$0x12BA0] =	vst v63  }
0xcc: {  	s7 =	sor.u32 s7, s13;
	s24 =	rddreg [dreg:$0xa]  }
0xcd: {  	[tilespmem:s0], [sflag:$0x1] =	stream.linear.gather [hbm4b:s24+s22], $0x800, $0x38;
	[tilespmem:$0x12BA0] =	vst v63  }
0xce: {  	v4 =	vld [tilespmem:s7+$0x800];
	_ =	sdelay $0x2  }
0xcf: {  	s26 =	simm.s32 $0x40  }
0xd0: {  	s18 =	sand.u32 $0x1E00, s26;
	s17 =	simm.s32 $0x80;
	s16 =	simm.s32 $0x10  }
.LBB2_12:
0xd1: {  	p2 =	sne.s32 s17, $0x1FC0;
	s13 =	sand.u32 $0x70, s16;
	s18 =	sshrl.u32 s18, $0x2;
	v4 =	vadd.s32 v0, v4  }
0xd2: {  	[tilespmem:s7+$0x800] =	vst v4;
	s7 =	sor.u32 s13, s18  }
.Ltmp5:
0xd3: {  	v4 =	vld [tilespmem:s7+$0x800];
	(pc) =	sbr.rel @p2 .LBB2_12-.Ltmp5, $2  }
0xd4: {  	_ =	sdelay $0x2  }
0xd5: {  	s16 =	sadd.s32 $0x10, s16;
	s18 =	sand.u32 $0x1E00, s17;
	s17 =	sadd.s32 $0x40, s17  }
0xd6: {  	s13 =	sand.u32 $0x70, s16;
	s24 =	sshrl.u32 s18, $0x2;
	v4 =	vadd.s32 v0, v4  }
0xd7: {  	s13 =	sor.u32 s13, s24;
	[tilespmem:s7+$0x800] =	vst v4  }
0xd8: {  	v4 =	vld [tilespmem:s13+$0x800];
	_ =	sdelay $0x3  }
0xd9: {  	s25 =	simm.s32 $0x0  }
0xda: {  	s26 =	simm.s32 $0x1;
	s7 =	sand.u32 $0x1, s25;
	v4 =	vadd.s32 v0, v4  }
0xdb: {  	s16 =	simm.s32 $0x880;
	s17 =	sand.u32 $0x1, s26;
	p2 =	seq.s32 s7, $0x0;
	[tilespmem:s13+$0x800] =	vst v4  }
0xdc: {  	[tilespmem:s30], [sflag:$0x3] =	stream.indirect.gather [hbm4b:s5+s9], $0x40, s4, s9, $0xb8;
	[tilespmem:$0x12BA0] =	vst v63  }
0xdd: {  	p3 =	seq.s32 s17, $0x0;
	s17 =	simm.s32 @!p2 $0x80;
	s18 =	simm.s32 @!p2 $0x2000  }
0xde: {  	[tilespmem:s18], [sflag:$0x3] =	stream.indirect.gather @!p2 [hbm4b:s5+s17], $0x40, s16, s17, $0xb8;
	[tilespmem:$0x12BA0] =	vst v63  }
0xdf: {  	s19 =	simm.s32 @!p3 $0x4000;
	s17 =	simm.s32 $0x1800;
	s18 =	simm.s32 @!p3 $0x80  }
0xe0: {  	[tilespmem:s19], [sflag:$0x4] =	stream.indirect.gather @!p3 [hbm4b:s5+s18], $0x40, s16, s18, $0xb8;
	[tilespmem:$0x12BA0] =	vst v63  }
0xe1: {  	s16 =	simm.s32 @!p0 $0x6;
	s18 =	simm.s32 @!p0 $0x80;
	s19 =	simm.s32 @!p0 $0x6000  }
0xe2: {  	[spmem:s3] =	stream.indirect.scatter.add.f32 @!p0 [tilespmem:s19], [sflag:$0x6], $0x10, s17, s18, $0xb8;
	[tilespmem:$0x12BA0] =	vst v63  }
0xe3: {  	_ =	swait.ge @!p0 [sflag:s16], $0x800  }
0xe4: {  	p2 =	seq.s32 s7, $0x1;
	[sflag:s16] =	ssyncset.done @!p0 $0x0  }
0xe5: {  	s7 =	simm.s32 @p2 $0x4;
	[sflag:s16] =	ssyncadd.s32 @!p0 $0xFFFFF800  }
0xe6: {  	_ =	swait.ge @p2 [sflag:s7], $0x2000  }
0xe7: {  	s20 =	simm.s32 $0x2;
	s22 =	simm.s32 @p2 $0x80;
	[sflag:s7] =	ssyncset.done @p2 $0x0  }
0xe8: {  	s24 =	simm.s32 @!p2 $0x3;
	[sflag:s7] =	ssyncadd.s32 @p2 $0xFFFFE000;
	s7 =	simm.s32 @p2 $0x4000  }
0xe9: {  	[spmem:s2] =	stream.indirect.scatter.add.bf16 @p2 [tilespmem:s7], [sflag:$0x5], $0x40, s17, s22, $0xb8;
	[tilespmem:$0x12BA0] =	vst v63  }
0xea: {  	s25 =	sand.u32 $0x1, s20;
	s23 =	simm.s32 @!p2 $0x6;
	_ =	swait.ge @!p2 [sflag:s24], $0x2000  }
0xeb: {  	s23 =	simm.s32 @p2 $0x5;
	p3 =	seq.s32 s25, $0x0;
	[sflag:s24] =	ssyncset.done @!p2 $0x0  }
0xec: {  	s22 =	simm.s32 @!p2 $0x80;
	[sflag:s24] =	ssyncadd.s32 @!p2 $0xFFFFE000;
	s24 =	simm.s32 @!p2 $0x2000  }
0xed: {  	[spmem:s2] =	stream.indirect.scatter.add.bf16 @!p2 [tilespmem:s24], [sflag:$0x6], $0x40, s17, s22, $0xb8;
	[tilespmem:$0x12BA0] =	vst v63  }
0xee: {  	s7 =	simm.s32 $0x900;
	s22 =	sand.u32 $0x1, s26;
	_ =	swait.ge [sflag:s23], $0x2000  }
0xef: {  	s17 =	simm.s32 $0x1880;
	p4 =	seq.s32 s22, $0x0;
	[sflag:s23] =	ssyncset.done $0x0  }
.LBB2_14:
0xf0: {  	s13 =	simm.s32 @!p4 $0x80;
	s24 =	simm.s32 @!p4 $0x2000  }
0xf1: {  	[sflag:s23] =	ssyncadd.s32 $0xFFFFE000;
	s25 =	smov.u32 s20;
	s26 =	smov.u32 s17  }
0xf2: {  	[tilespmem:s24], [sflag:$0x3] =	stream.indirect.gather @!p4 [hbm4b:s5+s13], $0x40, s7, s13, $0xb8;
	[tilespmem:$0x12BA0] =	vst v63  }
0xf3: {  	s20 =	sadd.s32 $0x1, s20;
	s23 =	simm.s32 @!p3 $0x4000;
	s13 =	simm.s32 @!p3 $0x80  }
0xf4: {  	[tilespmem:s23], [sflag:$0x4] =	stream.indirect.gather @!p3 [hbm4b:s5+s13], $0x40, s7, s13, $0xb8;
	[tilespmem:$0x12BA0] =	vst v63  }
0xf5: {  	s13 =	sand.u32 $0x1, s20  }
0xf6: {  	[spmem:s3] =	stream.indirect.scatter.add.f32 @!p0 [tilespmem:s19], [sflag:$0x6], $0x10, s17, s18, $0xb8;
	[tilespmem:$0x12BA0] =	vst v63  }
0xf7: {  	p2 =	sne.s32 s20, $0xF;
	_ =	swait.ge @!p0 [sflag:s16], $0x800  }
0xf8: {  	p3 =	seq.s32 s22, $0x1;
	[sflag:s16] =	ssyncset.done @!p0 $0x0  }
0xf9: {  	s22 =	simm.s32 @p3 $0x4;
	[sflag:s16] =	ssyncadd.s32 @!p0 $0xFFFFF800  }
0xfa: {  	_ =	swait.ge @p3 [sflag:s22], $0x2000  }
0xfb: {  	s7 =	sadd.s32 $0x80, s7;
	s23 =	simm.s32 @p3 $0x80;
	[sflag:s22] =	ssyncset.done @p3 $0x0  }
0xfc: {  	s24 =	simm.s32 @!p3 $0x3;
	[sflag:s22] =	ssyncadd.s32 @p3 $0xFFFFE000;
	s22 =	simm.s32 @p3 $0x4000  }
0xfd: {  	[spmem:s2] =	stream.indirect.scatter.add.bf16 @p3 [tilespmem:s22], [sflag:$0x5], $0x40, s17, s23, $0xb8;
	[tilespmem:$0x12BA0] =	vst v63  }
0xfe: {  	s23 =	simm.s32 @!p3 $0x6;
	s17 =	sadd.s32 $0x80, s17;
	_ =	swait.ge @!p3 [sflag:s24], $0x2000  }
.Ltmp6:
0xff: {  	s23 =	simm.s32 @p3 $0x5;
	[sflag:s24] =	ssyncset.done @!p3 $0x0;
	(pc) =	sbr.rel @p2 .LBB2_14-.Ltmp6, $4  }
0x100: {  	s22 =	simm.s32 @!p3 $0x80;
	[sflag:s24] =	ssyncadd.s32 @!p3 $0xFFFFE000;
	s24 =	simm.s32 @!p3 $0x2000  }
0x101: {  	[spmem:s2] =	stream.indirect.scatter.add.bf16 @!p3 [tilespmem:s24], [sflag:$0x6], $0x40, s26, s22, $0xb8;
	[tilespmem:$0x12BA0] =	vst v63  }
0x102: {  	s22 =	sand.u32 $0x1, s25;
	_ =	swait.ge [sflag:s23], $0x2000  }
0x103: {  	p3 =	seq.s32 s13, $0x0;
	p4 =	seq.s32 s22, $0x0;
	[sflag:s23] =	ssyncset.done $0x0  }
0x104: {  	s13 =	simm.s32 @!p4 $0x80;
	s18 =	simm.s32 @!p4 $0x2000;
	[sflag:s23] =	ssyncadd.s32 $0xFFFFE000  }
0x105: {  	[tilespmem:s18], [sflag:$0x3] =	stream.indirect.gather @!p4 [hbm4b:s5+s13], $0x40, s7, s13, $0xb8;
	[tilespmem:$0x12BA0] =	vst v63  }
0x106: {  	s13 =	simm.s32 @!p3 $0x80;
	s18 =	simm.s32 @!p3 $0x4000  }
0x107: {  	[tilespmem:s18], [sflag:$0x4] =	stream.indirect.gather @!p3 [hbm4b:s5+s13], $0x40, s7, s13, $0xb8;
	[tilespmem:$0x12BA0] =	vst v63  }
0x108: {  	s7 =	simm.s32 @!p0 $0x80;
	s13 =	simm.s32 @!p0 $0x6000  }
0x109: {  	[spmem:s3] =	stream.indirect.scatter.add.f32 @!p0 [tilespmem:s13], [sflag:$0x6], $0x10, s17, s7, $0xb8;
	[tilespmem:$0x12BA0] =	vst v63  }
0x10a: {  	_ =	swait.ge @!p0 [sflag:s16], $0x800  }
0x10b: {  	p2 =	seq.s32 s22, $0x1;
	[sflag:s16] =	ssyncset.done @!p0 $0x0  }
0x10c: {  	s18 =	simm.s32 @p2 $0x4;
	[sflag:s16] =	ssyncadd.s32 @!p0 $0xFFFFF800  }
0x10d: {  	_ =	swait.ge @p2 [sflag:s18], $0x2000  }
0x10e: {  	s19 =	simm.s32 @p2 $0x80;
	[sflag:s18] =	ssyncset.done @p2 $0x0  }
0x10f: {  	s20 =	simm.s32 @!p2 $0x3;
	[sflag:s18] =	ssyncadd.s32 @p2 $0xFFFFE000;
	s18 =	simm.s32 @p2 $0x4000  }
0x110: {  	[spmem:s2] =	stream.indirect.scatter.add.bf16 @p2 [tilespmem:s18], [sflag:$0x5], $0x40, s17, s19, $0xb8;
	[tilespmem:$0x12BA0] =	vst v63  }
0x111: {  	_ =	swait.ge @!p2 [sflag:s20], $0x2000  }
0x112: {  	s18 =	simm.s32 @!p2 $0x6;
	s19 =	simm.s32 @!p2 $0x80;
	[sflag:s20] =	ssyncset.done @!p2 $0x0  }
0x113: {  	s18 =	simm.s32 @p2 $0x5;
	[sflag:s20] =	ssyncadd.s32 @!p2 $0xFFFFE000;
	s20 =	simm.s32 @!p2 $0x2000  }
0x114: {  	[spmem:s2] =	stream.indirect.scatter.add.bf16 @!p2 [tilespmem:s20], [sflag:$0x6], $0x40, s17, s19, $0xb8;
	[tilespmem:$0x12BA0] =	vst v63  }
0x115: {  	_ =	swait.ge [sflag:s18], $0x2000  }
0x116: {  	[sflag:s18] =	ssyncset.done $0x0  }
0x117: {  	s17 =	simm.s32 @!p0 $0x1F80;
	[sflag:s18] =	ssyncadd.s32 $0xFFFFE000  }
0x118: {  	[spmem:s3] =	stream.indirect.scatter.add.f32 @!p0 [tilespmem:s13], [sflag:$0x6], $0x10, s17, s7, $0xb8;
	[tilespmem:$0x12BA0] =	vst v63  }
0x119: {  	_ =	swait.ge @!p0 [sflag:s16], $0x800  }
0x11a: {  	[sflag:s16] =	ssyncset.done @!p0 $0x0  }
0x11b: {  	[sflag:s16] =	ssyncadd.s32 @!p0 $0xFFFFF800  }
0x11c: {  	_ =	swait.ge [sflag:s8], $0x2000  }
0x11d: {  	[sflag:s8] =	ssyncset.done $0x0  }
0x11e: {  	s19 =	simm.s32 $0x1F80;
	[sflag:s8] =	ssyncadd.s32 $0xFFFFE000  }
0x11f: {  	[spmem:s2] =	stream.indirect.scatter.add.bf16 [tilespmem:s11], [sflag:$0x5], $0x40, s19, s9, $0xb8;
	[tilespmem:$0x12BA0] =	vst v63  }
0x120: {  	_ =	swait.ge [sflag:s31], $0x2000  }
0x121: {  	[sflag:s31] =	ssyncset.done $0x0  }
0x122: {  	[sflag:s31] =	ssyncadd.s32 $0xFFFFE000  }
0x123: {  	_ =	swait.ge [sflag:s14], $0x800  }
0x124: {  	[sflag:s14] =	ssyncset.done $0x0  }
0x125: {  	[sflag:s14] =	ssyncadd.s32 $0xFFFFF800  }
0x126: {  	s20 =	simm.s32 $0x0;
	_ =	swait.ge [sflag:s14], $0x800  }
0x127: {  	s25 =	sand.u32 $0x1E00, s20;
	s7 =	sand.u32 $0x70, s20;
	[sflag:s14] =	ssyncset.done $0x0  }
0x128: {  	s13 =	sshrl.u32 s25, $0x2;
	s22 =	rddreg [dreg:$0xb];
	[sflag:s14] =	ssyncadd.s32 $0xFFFFF800  }
0x129: {  	[tilespmem:s4], [sflag:$0x2] =	stream.linear.gather [hbm4b:s22+s20], $0x800, $0x38;
	[tilespmem:$0x12BA0] =	vst v63  }
0x12a: {  	s24 =	simm.s32 $0x1800;
	s7 =	sor.u32 s7, s13;
	s23 =	rddreg [dreg:$0xc]  }
0x12b: {  	[tilespmem:s24], [sflag:$0x2] =	stream.linear.gather [hbm4b:s23+s20], $0x800, $0x38;
	[tilespmem:$0x12BA0] =	vst v63  }
0x12c: {  	v4 =	vld [tilespmem:s7+$0x0];
	_ =	sdelay $0x2  }
0x12d: {  	s26 =	simm.s32 $0x40  }
0x12e: {  	s18 =	sand.u32 $0x1E00, s26;
	s17 =	simm.s32 $0x80;
	s16 =	simm.s32 $0x10  }
.LBB2_16:
0x12f: {  	p2 =	sne.s32 s17, $0x1FC0;
	s13 =	sand.u32 $0x70, s16;
	s18 =	sshrl.u32 s18, $0x2;
	v4 =	vadd.s32 v0, v4  }
0x130: {  	[tilespmem:s7+$0x0] =	vst v4;
	s7 =	sor.u32 s13, s18  }
.Ltmp7:
0x131: {  	v4 =	vld [tilespmem:s7+$0x0];
	(pc) =	sbr.rel @p2 .LBB2_16-.Ltmp7, $2  }
0x132: {  	_ =	sdelay $0x2  }
0x133: {  	s16 =	sadd.s32 $0x10, s16;
	s18 =	sand.u32 $0x1E00, s17;
	s17 =	sadd.s32 $0x40, s17  }
0x134: {  	s13 =	sand.u32 $0x70, s16;
	s23 =	sshrl.u32 s18, $0x2;
	v4 =	vadd.s32 v0, v4  }
0x135: {  	s13 =	sor.u32 s13, s23;
	[tilespmem:s7+$0x0] =	vst v4  }
0x136: {  	v4 =	vld [tilespmem:s13+$0x0];
	_ =	sdelay $0x4  }
0x137: {  	s24 =	simm.s32 $0x0;
	v4 =	vadd.s32 v0, v4  }
0x138: {  	s18 =	simm.s32 $0x1;
	s7 =	simm.s32 $0x80;
	[tilespmem:s13+$0x0] =	vst v4;
	s13 =	sand.u32 $0x1, s24  }
0x139: {  	[tilespmem:s30], [sflag:$0x3] =	stream.indirect.gather [hbm4b:s5+s7], $0x40, s24, s7, $0xb8;
	[tilespmem:$0x12BA0] =	vst v63  }
0x13a: {  	s16 =	simm.s32 $0x1;
	s25 =	sand.u32 $0x1, s18;
	p3 =	seq.s32 s13, $0x0  }
0x13b: {  	s16 =	simm.s32 @!p1 $0x0;
	s17 =	simm.s32 @!p3 $0x80;
	s19 =	simm.s32 @!p3 $0x2000  }
0x13c: {  	[tilespmem:s19], [sflag:$0x3] =	stream.indirect.gather @!p3 [hbm4b:s5+s17], $0x40, s7, s17, $0xb8;
	[tilespmem:$0x12BA0] =	vst v63  }
0x13d: {  	p2 =	seq.s32 s25, $0x0;
	p3 =	por $0x0, $0x0;
	s17 =	simm.s32 $0x1  }
0x13e: {  	s20 =	simm.s32 @!p2 $0x4000;
	s19 =	simm.s32 @!p2 $0x80;
	s17 =	simm.s32 @!p3 $0x0  }
0x13f: {  	[tilespmem:s20], [sflag:$0x4] =	stream.indirect.gather @!p2 [hbm4b:s5+s19], $0x40, s7, s19, $0xb8;
	[tilespmem:$0x12BA0] =	vst v63  }
0x140: {  	s7 =	simm.s32 $0x1000;
	p2 =	seq.s32 s16, s17  }
0x141: {  	s17 =	simm.s32 @!p2 $0x80;
	s19 =	simm.s32 @!p2 $0x6000;
	s20 =	simm.s32 @!p2 $0x6  }
0x142: {  	[spmem:s3] =	stream.indirect.scatter.add.f32 @!p2 [tilespmem:s19], [sflag:$0x6], $0x10, s7, s17, $0xb8;
	[tilespmem:$0x12BA0] =	vst v63  }
0x143: {  	_ =	swait.ge @!p2 [sflag:s20], $0x800  }
0x144: {  	p3 =	seq.s32 s13, $0x1;
	[sflag:s20] =	ssyncset.done @!p2 $0x0  }
0x145: {  	s13 =	simm.s32 @p3 $0x4;
	[sflag:s20] =	ssyncadd.s32 @!p2 $0xFFFFF800  }
0x146: {  	_ =	swait.ge @p3 [sflag:s13], $0x2000  }
0x147: {  	s17 =	simm.s32 @!p3 $0x3;
	[sflag:s13] =	ssyncset.done @p3 $0x0  }
0x148: {  	s19 =	simm.s32 @p3 $0x80;
	s20 =	simm.s32 @p3 $0x4000;
	[sflag:s13] =	ssyncadd.s32 @p3 $0xFFFFE000  }
0x149: {  	[spmem:s2] =	stream.indirect.scatter.add.bf16 @p3 [tilespmem:s20], [sflag:$0x5], $0x40, s7, s19, $0xb8;
	[tilespmem:$0x12BA0] =	vst v63  }
0x14a: {  	_ =	swait.ge @!p3 [sflag:s17], $0x2000  }
0x14b: {  	s22 =	simm.s32 @!p3 $0x2000;
	s20 =	simm.s32 $0x2;
	[sflag:s17] =	ssyncset.done @!p3 $0x0  }
0x14c: {  	s19 =	simm.s32 @!p3 $0x80;
	s26 =	sand.u32 $0x1, s20;
	[sflag:s17] =	ssyncadd.s32 @!p3 $0xFFFFE000  }
0x14d: {  	[spmem:s2] =	stream.indirect.scatter.add.bf16 @!p3 [tilespmem:s22], [sflag:$0x6], $0x40, s7, s19, $0xb8;
	[tilespmem:$0x12BA0] =	vst v63  }
0x14e: {  	p2 =	seq.s32 s26, $0x0;
	s17 =	simm.s32 $0x1080;
	s7 =	simm.s32 @!p3 $0x6  }
0x14f: {  	s19 =	simm.s32 $0x100;
	s22 =	sand.u32 $0x1, s18;
	s7 =	simm.s32 @p3 $0x5  }
.LBB2_18:
0x150: {  	p3 =	seq.s32 s22, $0x0;
	_ =	swait.ge [sflag:s7], $0x2000  }
0x151: {  	s13 =	smov.u32 s20;
	s20 =	sadd.s32 $0x1, s20;
	s23 =	smov.u32 s17  }
0x152: {  	s24 =	sand.u32 $0x1, s20;
	s25 =	simm.s32 @!p3 $0x80;
	[sflag:s7] =	ssyncset.done $0x0  }
0x153: {  	p4 =	sgt.u32 s18, $0x7;
	s26 =	simm.s32 @!p3 $0x2000;
	[sflag:s7] =	ssyncadd.s32 $0xFFFFE000  }
0x154: {  	[tilespmem:s26], [sflag:$0x3] =	stream.indirect.gather @!p3 [hbm4b:s5+s25], $0x40, s19, s25, $0xb8;
	[tilespmem:$0x12BA0] =	vst v63  }
0x155: {  	s25 =	simm.s32 $0x1  }
0x156: {  	s18 =	simm.s32 @!p2 $0x4000;
	s7 =	simm.s32 @!p2 $0x80;
	s25 =	simm.s32 @!p4 $0x0  }
0x157: {  	[tilespmem:s18], [sflag:$0x4] =	stream.indirect.gather @!p2 [hbm4b:s5+s7], $0x40, s19, s7, $0xb8;
	[tilespmem:$0x12BA0] =	vst v63  }
0x158: {  	p3 =	sne.s32 s20, $0xF;
	p4 =	seq.s32 s22, $0x1;
	p2 =	seq.s32 s16, s25  }
0x159: {  	s7 =	simm.s32 @!p2 $0x80;
	s18 =	simm.s32 @!p2 $0x6000;
	s22 =	simm.s32 @!p2 $0x6  }
0x15a: {  	[spmem:s3] =	stream.indirect.scatter.add.f32 @!p2 [tilespmem:s18], [sflag:$0x6], $0x10, s17, s7, $0xb8;
	[tilespmem:$0x12BA0] =	vst v63  }
0x15b: {  	s25 =	simm.s32 @p4 $0x4;
	s7 =	simm.s32 @!p4 $0x6;
	_ =	swait.ge @!p2 [sflag:s22], $0x800  }
0x15c: {  	s18 =	smov.u32 s13;
	[sflag:s22] =	ssyncset.done @!p2 $0x0  }
0x15d: {  	s13 =	simm.s32 @!p4 $0x3;
	[sflag:s22] =	ssyncadd.s32 @!p2 $0xFFFFF800  }
0x15e: {  	s26 =	simm.s32 @p4 $0x4000;
	s22 =	simm.s32 @p4 $0x80;
	_ =	swait.ge @p4 [sflag:s25], $0x2000  }
0x15f: {  	[sflag:s25] =	ssyncset.done @p4 $0x0  }
0x160: {  	s19 =	sadd.s32 $0x80, s19;
	s17 =	sadd.s32 $0x80, s17;
	[sflag:s25] =	ssyncadd.s32 @p4 $0xFFFFE000  }
0x161: {  	[spmem:s2] =	stream.indirect.scatter.add.bf16 @p4 [tilespmem:s26], [sflag:$0x5], $0x40, s23, s22, $0xb8;
	[tilespmem:$0x12BA0] =	vst v63  }
.Ltmp8:
0x162: {  	_ = 	snop;
	(pc) =	sbr.rel @p3 .LBB2_18-.Ltmp8, $4  }
0x163: {  	s25 =	simm.s32 @!p4 $0x80;
	s26 =	simm.s32 @!p4 $0x2000;
	_ =	swait.ge @!p4 [sflag:s13], $0x2000  }
0x164: {  	p2 =	seq.s32 s24, $0x0;
	[sflag:s13] =	ssyncset.done @!p4 $0x0  }
0x165: {  	s7 =	simm.s32 @p4 $0x5;
	s22 =	sand.u32 $0x1, s18;
	[sflag:s13] =	ssyncadd.s32 @!p4 $0xFFFFE000  }
0x166: {  	[spmem:s2] =	stream.indirect.scatter.add.bf16 @!p4 [tilespmem:s26], [sflag:$0x6], $0x40, s23, s25, $0xb8;
	[tilespmem:$0x12BA0] =	vst v63  }
0x167: {  	_ =	swait.ge [sflag:s7], $0x2000  }
0x168: {  	p3 =	seq.s32 s22, $0x0;
	[sflag:s7] =	ssyncset.done $0x0  }
0x169: {  	s13 =	simm.s32 @!p3 $0x80;
	s20 =	simm.s32 @!p3 $0x2000;
	[sflag:s7] =	ssyncadd.s32 $0xFFFFE000  }
0x16a: {  	[tilespmem:s20], [sflag:$0x3] =	stream.indirect.gather @!p3 [hbm4b:s5+s13], $0x40, s19, s13, $0xb8;
	[tilespmem:$0x12BA0] =	vst v63  }
0x16b: {  	s7 =	simm.s32 $0x1;
	p3 =	sgt.u32 s18, $0x7  }
0x16c: {  	s13 =	simm.s32 @!p2 $0x80;
	s18 =	simm.s32 @!p2 $0x4000;
	s7 =	simm.s32 @!p3 $0x0  }
0x16d: {  	[tilespmem:s18], [sflag:$0x4] =	stream.indirect.gather @!p2 [hbm4b:s5+s13], $0x40, s19, s13, $0xb8;
	[tilespmem:$0x12BA0] =	vst v63  }
0x16e: {  	p3 =	seq.s32 s16, s7  }
0x16f: {  	s7 =	simm.s32 @!p3 $0x80;
	s13 =	simm.s32 @!p3 $0x6000;
	s16 =	simm.s32 @!p3 $0x6  }
0x170: {  	[spmem:s3] =	stream.indirect.scatter.add.f32 @!p3 [tilespmem:s13], [sflag:$0x6], $0x10, s17, s7, $0xb8;
	[tilespmem:$0x12BA0] =	vst v63  }
0x171: {  	_ =	swait.ge @!p3 [sflag:s16], $0x800  }
0x172: {  	p2 =	seq.s32 s22, $0x1;
	[sflag:s16] =	ssyncset.done @!p3 $0x0  }
0x173: {  	s7 =	simm.s32 @p2 $0x4;
	[sflag:s16] =	ssyncadd.s32 @!p3 $0xFFFFF800  }
0x174: {  	_ =	swait.ge @p2 [sflag:s7], $0x2000  }
0x175: {  	s18 =	simm.s32 @p2 $0x4000;
	[sflag:s7] =	ssyncset.done @p2 $0x0  }
0x176: {  	s13 =	simm.s32 @!p2 $0x3;
	s16 =	simm.s32 @p2 $0x80;
	[sflag:s7] =	ssyncadd.s32 @p2 $0xFFFFE000  }
0x177: {  	[spmem:s2] =	stream.indirect.scatter.add.bf16 @p2 [tilespmem:s18], [sflag:$0x5], $0x40, s17, s16, $0xb8;
	[tilespmem:$0x12BA0] =	vst v63  }
0x178: {  	_ =	swait.ge @!p2 [sflag:s13], $0x2000  }
0x179: {  	s7 =	simm.s32 @!p2 $0x6;
	s16 =	simm.s32 @!p2 $0x80;
	[sflag:s13] =	ssyncset.done @!p2 $0x0  }
0x17a: {  	s18 =	simm.s32 @!p2 $0x2000;
	s7 =	simm.s32 @p2 $0x5;
	[sflag:s13] =	ssyncadd.s32 @!p2 $0xFFFFE000  }
0x17b: {  	[spmem:s2] =	stream.indirect.scatter.add.bf16 @!p2 [tilespmem:s18], [sflag:$0x6], $0x40, s17, s16, $0xb8;
	[tilespmem:$0x12BA0] =	vst v63  }
0x17c: {  	_ =	swait.ge [sflag:s7], $0x2000  }
0x17d: {  	s13 =	simm.s32 @!p1 $0x1780;
	[sflag:s7] =	ssyncset.done $0x0  }
0x17e: {  	s16 =	simm.s32 @!p1 $0x6000;
	[sflag:s7] =	ssyncadd.s32 $0xFFFFE000;
	s7 =	simm.s32 @!p1 $0x80  }
0x17f: {  	[spmem:s3] =	stream.indirect.scatter.add.f32 @!p1 [tilespmem:s16], [sflag:$0x6], $0x10, s13, s7, $0xb8;
	[tilespmem:$0x12BA0] =	vst v63  }
0x180: {  	s7 =	simm.s32 @!p1 $0x6  }
0x181: {  	_ =	swait.ge @!p1 [sflag:s7], $0x800  }
0x182: {  	[sflag:s7] =	ssyncset.done @!p1 $0x0  }
0x183: {  	[sflag:s7] =	ssyncadd.s32 @!p1 $0xFFFFF800  }
0x184: {  	_ =	swait.ge [sflag:s8], $0x2000  }
0x185: {  	[sflag:s8] =	ssyncset.done $0x0  }
0x186: {  	[sflag:s8] =	ssyncadd.s32 $0xFFFFE000  }
0x187: {  	[spmem:s2] =	stream.indirect.scatter.add.bf16 [tilespmem:s11], [sflag:$0x5], $0x40, s10, s9, $0xb8;
	[tilespmem:$0x12BA0] =	vst v63  }
0x188: {  	_ =	swait.ge [sflag:s31], $0x2000  }
0x189: {  	[sflag:s31] =	ssyncset.done $0x0  }
0x18a: {  	[sflag:s31] =	ssyncadd.s32 $0xFFFFE000  }
0x18b: {  	_ =	swait.ge [sflag:s12], $0x800  }
0x18c: {  	[sflag:s12] =	ssyncset.done $0x0  }
0x18d: {  	s22 =	simm.s32 $0x0;
	[sflag:s12] =	ssyncadd.s32 $0xFFFFF800  }
0x18e: {  	s25 =	sand.u32 $0x1E00, s22;
	_ =	swait.ge [sflag:s12], $0x800  }
0x18f: {  	s13 =	sshrl.u32 s25, $0x2;
	[sflag:s12] =	ssyncset.done $0x0  }
0x190: {  	s7 =	sand.u32 $0x70, s22;
	s23 =	rddreg [dreg:$0xd];
	[sflag:s12] =	ssyncadd.s32 $0xFFFFF800  }
0x191: {  	[tilespmem:s22], [sflag:$0x1] =	stream.linear.gather [hbm4b:s23+s22], $0x800, $0x38;
	[tilespmem:$0x12BA0] =	vst v63  }
0x192: {  	s7 =	sor.u32 s7, s13;
	s24 =	rddreg [dreg:$0xe]  }
0x193: {  	[tilespmem:s0], [sflag:$0x1] =	stream.linear.gather [hbm4b:s24+s22], $0x800, $0x38;
	[tilespmem:$0x12BA0] =	vst v63  }
0x194: {  	v4 =	vld [tilespmem:s7+$0x800];
	_ =	sdelay $0x2  }
0x195: {  	s26 =	simm.s32 $0x40  }
0x196: {  	s18 =	sand.u32 $0x1E00, s26;
	s17 =	simm.s32 $0x80;
	s16 =	simm.s32 $0x10  }
.LBB2_20:
0x197: {  	p2 =	sne.s32 s17, $0x1FC0;
	s13 =	sand.u32 $0x70, s16;
	s18 =	sshrl.u32 s18, $0x2;
	v4 =	vadd.s32 v0, v4  }
0x198: {  	[tilespmem:s7+$0x800] =	vst v4;
	s7 =	sor.u32 s13, s18  }
.Ltmp9:
0x199: {  	v4 =	vld [tilespmem:s7+$0x800];
	(pc) =	sbr.rel @p2 .LBB2_20-.Ltmp9, $2  }
0x19a: {  	_ =	sdelay $0x2  }
0x19b: {  	s16 =	sadd.s32 $0x10, s16;
	s18 =	sand.u32 $0x1E00, s17;
	s17 =	sadd.s32 $0x40, s17  }
0x19c: {  	s13 =	sand.u32 $0x70, s16;
	s24 =	sshrl.u32 s18, $0x2;
	v4 =	vadd.s32 v0, v4  }
0x19d: {  	s13 =	sor.u32 s13, s24;
	[tilespmem:s7+$0x800] =	vst v4  }
0x19e: {  	v4 =	vld [tilespmem:s13+$0x800];
	_ =	sdelay $0x3  }
0x19f: {  	s25 =	simm.s32 $0x0  }
0x1a0: {  	s26 =	simm.s32 $0x1;
	s7 =	sand.u32 $0x1, s25;
	v4 =	vadd.s32 v0, v4  }
0x1a1: {  	s16 =	simm.s32 $0x880;
	s17 =	sand.u32 $0x1, s26;
	p2 =	seq.s32 s7, $0x0;
	[tilespmem:s13+$0x800] =	vst v4  }
0x1a2: {  	[tilespmem:s30], [sflag:$0x3] =	stream.indirect.gather [hbm4b:s5+s9], $0x40, s4, s9, $0xb8;
	[tilespmem:$0x12BA0] =	vst v63  }
0x1a3: {  	p3 =	seq.s32 s17, $0x0;
	s17 =	simm.s32 @!p2 $0x80;
	s18 =	simm.s32 @!p2 $0x2000  }
0x1a4: {  	[tilespmem:s18], [sflag:$0x3] =	stream.indirect.gather @!p2 [hbm4b:s5+s17], $0x40, s16, s17, $0xb8;
	[tilespmem:$0x12BA0] =	vst v63  }
0x1a5: {  	s19 =	simm.s32 @!p3 $0x4000;
	s17 =	simm.s32 $0x1800;
	s18 =	simm.s32 @!p3 $0x80  }
0x1a6: {  	[tilespmem:s19], [sflag:$0x4] =	stream.indirect.gather @!p3 [hbm4b:s5+s18], $0x40, s16, s18, $0xb8;
	[tilespmem:$0x12BA0] =	vst v63  }
0x1a7: {  	s16 =	simm.s32 @!p1 $0x6;
	s18 =	simm.s32 @!p1 $0x80;
	s19 =	simm.s32 @!p1 $0x6000  }
0x1a8: {  	[spmem:s3] =	stream.indirect.scatter.add.f32 @!p1 [tilespmem:s19], [sflag:$0x6], $0x10, s17, s18, $0xb8;
	[tilespmem:$0x12BA0] =	vst v63  }
0x1a9: {  	_ =	swait.ge @!p1 [sflag:s16], $0x800  }
0x1aa: {  	p2 =	seq.s32 s7, $0x1;
	[sflag:s16] =	ssyncset.done @!p1 $0x0  }
0x1ab: {  	s7 =	simm.s32 @p2 $0x4;
	[sflag:s16] =	ssyncadd.s32 @!p1 $0xFFFFF800  }
0x1ac: {  	_ =	swait.ge @p2 [sflag:s7], $0x2000  }
0x1ad: {  	s20 =	simm.s32 $0x2;
	s22 =	simm.s32 @p2 $0x80;
	[sflag:s7] =	ssyncset.done @p2 $0x0  }
0x1ae: {  	s24 =	simm.s32 @!p2 $0x3;
	[sflag:s7] =	ssyncadd.s32 @p2 $0xFFFFE000;
	s7 =	simm.s32 @p2 $0x4000  }
0x1af: {  	[spmem:s2] =	stream.indirect.scatter.add.bf16 @p2 [tilespmem:s7], [sflag:$0x5], $0x40, s17, s22, $0xb8;
	[tilespmem:$0x12BA0] =	vst v63  }
0x1b0: {  	s25 =	sand.u32 $0x1, s20;
	s23 =	simm.s32 @!p2 $0x6;
	_ =	swait.ge @!p2 [sflag:s24], $0x2000  }
0x1b1: {  	s23 =	simm.s32 @p2 $0x5;
	p3 =	seq.s32 s25, $0x0;
	[sflag:s24] =	ssyncset.done @!p2 $0x0  }
0x1b2: {  	s22 =	simm.s32 @!p2 $0x80;
	[sflag:s24] =	ssyncadd.s32 @!p2 $0xFFFFE000;
	s24 =	simm.s32 @!p2 $0x2000  }
0x1b3: {  	[spmem:s2] =	stream.indirect.scatter.add.bf16 @!p2 [tilespmem:s24], [sflag:$0x6], $0x40, s17, s22, $0xb8;
	[tilespmem:$0x12BA0] =	vst v63  }
0x1b4: {  	s7 =	simm.s32 $0x900;
	s22 =	sand.u32 $0x1, s26;
	_ =	swait.ge [sflag:s23], $0x2000  }
0x1b5: {  	s17 =	simm.s32 $0x1880;
	p4 =	seq.s32 s22, $0x0;
	[sflag:s23] =	ssyncset.done $0x0  }
.LBB2_22:
0x1b6: {  	s13 =	simm.s32 @!p4 $0x80;
	s24 =	simm.s32 @!p4 $0x2000  }
0x1b7: {  	[sflag:s23] =	ssyncadd.s32 $0xFFFFE000;
	s25 =	smov.u32 s20;
	s26 =	smov.u32 s17  }
0x1b8: {  	[tilespmem:s24], [sflag:$0x3] =	stream.indirect.gather @!p4 [hbm4b:s5+s13], $0x40, s7, s13, $0xb8;
	[tilespmem:$0x12BA0] =	vst v63  }
0x1b9: {  	s20 =	sadd.s32 $0x1, s20;
	s23 =	simm.s32 @!p3 $0x4000;
	s13 =	simm.s32 @!p3 $0x80  }
0x1ba: {  	[tilespmem:s23], [sflag:$0x4] =	stream.indirect.gather @!p3 [hbm4b:s5+s13], $0x40, s7, s13, $0xb8;
	[tilespmem:$0x12BA0] =	vst v63  }
0x1bb: {  	s13 =	sand.u32 $0x1, s20  }
0x1bc: {  	[spmem:s3] =	stream.indirect.scatter.add.f32 @!p1 [tilespmem:s19], [sflag:$0x6], $0x10, s17, s18, $0xb8;
	[tilespmem:$0x12BA0] =	vst v63  }
0x1bd: {  	p2 =	sne.s32 s20, $0xF;
	_ =	swait.ge @!p1 [sflag:s16], $0x800  }
0x1be: {  	p3 =	seq.s32 s22, $0x1;
	[sflag:s16] =	ssyncset.done @!p1 $0x0  }
0x1bf: {  	s22 =	simm.s32 @p3 $0x4;
	[sflag:s16] =	ssyncadd.s32 @!p1 $0xFFFFF800  }
0x1c0: {  	_ =	swait.ge @p3 [sflag:s22], $0x2000  }
0x1c1: {  	s7 =	sadd.s32 $0x80, s7;
	s23 =	simm.s32 @p3 $0x80;
	[sflag:s22] =	ssyncset.done @p3 $0x0  }
0x1c2: {  	s24 =	simm.s32 @!p3 $0x3;
	[sflag:s22] =	ssyncadd.s32 @p3 $0xFFFFE000;
	s22 =	simm.s32 @p3 $0x4000  }
0x1c3: {  	[spmem:s2] =	stream.indirect.scatter.add.bf16 @p3 [tilespmem:s22], [sflag:$0x5], $0x40, s17, s23, $0xb8;
	[tilespmem:$0x12BA0] =	vst v63  }
0x1c4: {  	s23 =	simm.s32 @!p3 $0x6;
	s17 =	sadd.s32 $0x80, s17;
	_ =	swait.ge @!p3 [sflag:s24], $0x2000  }
.Ltmp10:
0x1c5: {  	s23 =	simm.s32 @p3 $0x5;
	[sflag:s24] =	ssyncset.done @!p3 $0x0;
	(pc) =	sbr.rel @p2 .LBB2_22-.Ltmp10, $4  }
0x1c6: {  	s22 =	simm.s32 @!p3 $0x80;
	[sflag:s24] =	ssyncadd.s32 @!p3 $0xFFFFE000;
	s24 =	simm.s32 @!p3 $0x2000  }
0x1c7: {  	[spmem:s2] =	stream.indirect.scatter.add.bf16 @!p3 [tilespmem:s24], [sflag:$0x6], $0x40, s26, s22, $0xb8;
	[tilespmem:$0x12BA0] =	vst v63  }
0x1c8: {  	s22 =	sand.u32 $0x1, s25;
	_ =	swait.ge [sflag:s23], $0x2000  }
0x1c9: {  	p3 =	seq.s32 s13, $0x0;
	p4 =	seq.s32 s22, $0x0;
	[sflag:s23] =	ssyncset.done $0x0  }
0x1ca: {  	s13 =	simm.s32 @!p4 $0x80;
	s18 =	simm.s32 @!p4 $0x2000;
	[sflag:s23] =	ssyncadd.s32 $0xFFFFE000  }
0x1cb: {  	[tilespmem:s18], [sflag:$0x3] =	stream.indirect.gather @!p4 [hbm4b:s5+s13], $0x40, s7, s13, $0xb8;
	[tilespmem:$0x12BA0] =	vst v63  }
0x1cc: {  	s13 =	simm.s32 @!p3 $0x80;
	s18 =	simm.s32 @!p3 $0x4000  }
0x1cd: {  	[tilespmem:s18], [sflag:$0x4] =	stream.indirect.gather @!p3 [hbm4b:s5+s13], $0x40, s7, s13, $0xb8;
	[tilespmem:$0x12BA0] =	vst v63  }
0x1ce: {  	s7 =	simm.s32 @!p1 $0x80;
	s13 =	simm.s32 @!p1 $0x6000  }
0x1cf: {  	[spmem:s3] =	stream.indirect.scatter.add.f32 @!p1 [tilespmem:s13], [sflag:$0x6], $0x10, s17, s7, $0xb8;
	[tilespmem:$0x12BA0] =	vst v63  }
0x1d0: {  	_ =	swait.ge @!p1 [sflag:s16], $0x800  }
0x1d1: {  	p2 =	seq.s32 s22, $0x1;
	[sflag:s16] =	ssyncset.done @!p1 $0x0  }
0x1d2: {  	s18 =	simm.s32 @p2 $0x4;
	[sflag:s16] =	ssyncadd.s32 @!p1 $0xFFFFF800  }
0x1d3: {  	_ =	swait.ge @p2 [sflag:s18], $0x2000  }
0x1d4: {  	s19 =	simm.s32 @p2 $0x80;
	[sflag:s18] =	ssyncset.done @p2 $0x0  }
0x1d5: {  	s20 =	simm.s32 @!p2 $0x3;
	[sflag:s18] =	ssyncadd.s32 @p2 $0xFFFFE000;
	s18 =	simm.s32 @p2 $0x4000  }
0x1d6: {  	[spmem:s2] =	stream.indirect.scatter.add.bf16 @p2 [tilespmem:s18], [sflag:$0x5], $0x40, s17, s19, $0xb8;
	[tilespmem:$0x12BA0] =	vst v63  }
0x1d7: {  	_ =	swait.ge @!p2 [sflag:s20], $0x2000  }
0x1d8: {  	s18 =	simm.s32 @!p2 $0x6;
	s19 =	simm.s32 @!p2 $0x80;
	[sflag:s20] =	ssyncset.done @!p2 $0x0  }
0x1d9: {  	s18 =	simm.s32 @p2 $0x5;
	[sflag:s20] =	ssyncadd.s32 @!p2 $0xFFFFE000;
	s20 =	simm.s32 @!p2 $0x2000  }
0x1da: {  	[spmem:s2] =	stream.indirect.scatter.add.bf16 @!p2 [tilespmem:s20], [sflag:$0x6], $0x40, s17, s19, $0xb8;
	[tilespmem:$0x12BA0] =	vst v63  }
0x1db: {  	_ =	swait.ge [sflag:s18], $0x2000  }
0x1dc: {  	[sflag:s18] =	ssyncset.done $0x0  }
0x1dd: {  	s17 =	simm.s32 @!p1 $0x1F80;
	[sflag:s18] =	ssyncadd.s32 $0xFFFFE000  }
0x1de: {  	[spmem:s3] =	stream.indirect.scatter.add.f32 @!p1 [tilespmem:s13], [sflag:$0x6], $0x10, s17, s7, $0xb8;
	[tilespmem:$0x12BA0] =	vst v63  }
0x1df: {  	_ =	swait.ge @!p1 [sflag:s16], $0x800  }
0x1e0: {  	[sflag:s16] =	ssyncset.done @!p1 $0x0  }
0x1e1: {  	[sflag:s16] =	ssyncadd.s32 @!p1 $0xFFFFF800  }
0x1e2: {  	_ =	swait.ge [sflag:s8], $0x2000  }
0x1e3: {  	[sflag:s8] =	ssyncset.done $0x0  }
0x1e4: {  	s23 =	simm.s32 $0x1F80;
	[sflag:s8] =	ssyncadd.s32 $0xFFFFE000  }
0x1e5: {  	[spmem:s2] =	stream.indirect.scatter.add.bf16 [tilespmem:s11], [sflag:$0x5], $0x40, s23, s9, $0xb8;
	[tilespmem:$0x12BA0] =	vst v63  }
0x1e6: {  	_ =	swait.ge [sflag:s31], $0x2000  }
0x1e7: {  	[sflag:s31] =	ssyncset.done $0x0  }
0x1e8: {  	[sflag:s31] =	ssyncadd.s32 $0xFFFFE000  }
0x1e9: {  	_ =	swait.ge [sflag:s14], $0x800  }
0x1ea: {  	[sflag:s14] =	ssyncset.done $0x0  }
0x1eb: {  	s24 =	simm.s32 $0x0;
	[sflag:s14] =	ssyncadd.s32 $0xFFFFF800  }
0x1ec: {  	s25 =	sand.u32 $0x1E00, s24;
	_ =	swait.ge [sflag:s14], $0x800  }
0x1ed: {  	s7 =	sand.u32 $0x70, s24;
	s13 =	sshrl.u32 s25, $0x2;
	[sflag:s14] =	ssyncset.done $0x0  }
0x1ee: {  	s7 =	sor.u32 s7, s13;
	[sflag:s14] =	ssyncadd.s32 $0xFFFFF800  }
0x1ef: {  	v4 =	vld [tilespmem:s7+$0x0];
	_ =	sdelay $0x2  }
0x1f0: {  	s26 =	simm.s32 $0x40  }
0x1f1: {  	s18 =	sand.u32 $0x1E00, s26;
	s17 =	simm.s32 $0x80;
	s16 =	simm.s32 $0x10  }
.LBB2_24:
0x1f2: {  	p2 =	sne.s32 s17, $0x1FC0;
	s13 =	sand.u32 $0x70, s16;
	s18 =	sshrl.u32 s18, $0x2;
	v4 =	vadd.s32 v0, v4  }
0x1f3: {  	[tilespmem:s7+$0x0] =	vst v4;
	s7 =	sor.u32 s13, s18  }
.Ltmp11:
0x1f4: {  	v4 =	vld [tilespmem:s7+$0x0];
	(pc) =	sbr.rel @p2 .LBB2_24-.Ltmp11, $2  }
0x1f5: {  	_ =	sdelay $0x2  }
0x1f6: {  	s16 =	sadd.s32 $0x10, s16;
	s18 =	sand.u32 $0x1E00, s17;
	s17 =	sadd.s32 $0x40, s17  }
0x1f7: {  	s13 =	sand.u32 $0x70, s16;
	s23 =	sshrl.u32 s18, $0x2;
	v4 =	vadd.s32 v0, v4  }
0x1f8: {  	s13 =	sor.u32 s13, s23;
	[tilespmem:s7+$0x0] =	vst v4  }
0x1f9: {  	v4 =	vld [tilespmem:s13+$0x0];
	_ =	sdelay $0x4  }
0x1fa: {  	s24 =	simm.s32 $0x0;
	v4 =	vadd.s32 v0, v4  }
0x1fb: {  	s22 =	simm.s32 $0x1;
	s7 =	simm.s32 $0x80;
	[tilespmem:s13+$0x0] =	vst v4;
	s13 =	sand.u32 $0x1, s24  }
0x1fc: {  	[tilespmem:s30], [sflag:$0x3] =	stream.indirect.gather [hbm4b:s5+s7], $0x40, s24, s7, $0xb8;
	[tilespmem:$0x12BA0] =	vst v63  }
0x1fd: {  	s25 =	sand.u32 $0x1, s22;
	p2 =	seq.s32 s13, $0x0  }
0x1fe: {  	p3 =	seq.s32 s25, $0x0;
	s16 =	simm.s32 @!p2 $0x80;
	s17 =	simm.s32 @!p2 $0x2000  }
0x1ff: {  	[tilespmem:s17], [sflag:$0x3] =	stream.indirect.gather @!p2 [hbm4b:s5+s16], $0x40, s7, s16, $0xb8;
	[tilespmem:$0x12BA0] =	vst v63  }
0x200: {  	s19 =	simm.s32 @!p1 $0x6000;
	s18 =	simm.s32 @!p3 $0x4000;
	s16 =	simm.s32 @!p3 $0x80  }
0x201: {  	[tilespmem:s18], [sflag:$0x4] =	stream.indirect.gather @!p3 [hbm4b:s5+s16], $0x40, s7, s16, $0xb8;
	[tilespmem:$0x12BA0] =	vst v63  }
0x202: {  	s17 =	simm.s32 $0x1000;
	s16 =	simm.s32 @!p1 $0x6;
	s18 =	simm.s32 @!p1 $0x80  }
0x203: {  	[spmem:s3] =	stream.indirect.scatter.add.f32 @!p1 [tilespmem:s19], [sflag:$0x6], $0x10, s17, s18, $0xb8;
	[tilespmem:$0x12BA0] =	vst v63  }
0x204: {  	_ =	swait.ge @!p1 [sflag:s16], $0x800  }
0x205: {  	p2 =	seq.s32 s13, $0x1;
	[sflag:s16] =	ssyncset.done @!p1 $0x0  }
0x206: {  	s7 =	simm.s32 @p2 $0x4;
	[sflag:s16] =	ssyncadd.s32 @!p1 $0xFFFFF800  }
0x207: {  	_ =	swait.ge @p2 [sflag:s7], $0x2000  }
0x208: {  	s20 =	simm.s32 $0x2;
	s13 =	simm.s32 @p2 $0x80;
	[sflag:s7] =	ssyncset.done @p2 $0x0  }
0x209: {  	s24 =	simm.s32 @!p2 $0x3;
	[sflag:s7] =	ssyncadd.s32 @p2 $0xFFFFE000;
	s7 =	simm.s32 @p2 $0x4000  }
0x20a: {  	[spmem:s2] =	stream.indirect.scatter.add.bf16 @p2 [tilespmem:s7], [sflag:$0x5], $0x40, s17, s13, $0xb8;
	[tilespmem:$0x12BA0] =	vst v63  }
0x20b: {  	s26 =	sand.u32 $0x1, s20;
	s22 =	sand.u32 $0x1, s22;
	_ =	swait.ge @!p2 [sflag:s24], $0x2000  }
0x20c: {  	s23 =	simm.s32 @!p2 $0x6;
	s25 =	simm.s32 @!p2 $0x2000;
	[sflag:s24] =	ssyncset.done @!p2 $0x0  }
0x20d: {  	s23 =	simm.s32 @p2 $0x5;
	[sflag:s24] =	ssyncadd.s32 @!p2 $0xFFFFE000;
	s24 =	simm.s32 @!p2 $0x80  }
0x20e: {  	[spmem:s2] =	stream.indirect.scatter.add.bf16 @!p2 [tilespmem:s25], [sflag:$0x6], $0x40, s17, s24, $0xb8;
	[tilespmem:$0x12BA0] =	vst v63  }
0x20f: {  	p4 =	seq.s32 s22, $0x0;
	p3 =	seq.s32 s26, $0x0;
	_ =	swait.ge [sflag:s23], $0x2000  }
0x210: {  	s7 =	simm.s32 $0x100;
	s17 =	simm.s32 $0x1080;
	[sflag:s23] =	ssyncset.done $0x0  }
.LBB2_26:
0x211: {  	s13 =	simm.s32 @!p4 $0x80;
	s24 =	simm.s32 @!p4 $0x2000  }
0x212: {  	[sflag:s23] =	ssyncadd.s32 $0xFFFFE000;
	s25 =	smov.u32 s20;
	s26 =	smov.u32 s17  }
0x213: {  	[tilespmem:s24], [sflag:$0x3] =	stream.indirect.gather @!p4 [hbm4b:s5+s13], $0x40, s7, s13, $0xb8;
	[tilespmem:$0x12BA0] =	vst v63  }
0x214: {  	s20 =	sadd.s32 $0x1, s20;
	s23 =	simm.s32 @!p3 $0x4000;
	s13 =	simm.s32 @!p3 $0x80  }
0x215: {  	[tilespmem:s23], [sflag:$0x4] =	stream.indirect.gather @!p3 [hbm4b:s5+s13], $0x40, s7, s13, $0xb8;
	[tilespmem:$0x12BA0] =	vst v63  }
0x216: {  	s13 =	sand.u32 $0x1, s20  }
0x217: {  	[spmem:s3] =	stream.indirect.scatter.add.f32 @!p1 [tilespmem:s19], [sflag:$0x6], $0x10, s17, s18, $0xb8;
	[tilespmem:$0x12BA0] =	vst v63  }
0x218: {  	p2 =	sne.s32 s20, $0xF;
	_ =	swait.ge @!p1 [sflag:s16], $0x800  }
0x219: {  	p3 =	seq.s32 s22, $0x1;
	[sflag:s16] =	ssyncset.done @!p1 $0x0  }
0x21a: {  	s22 =	simm.s32 @p3 $0x4;
	[sflag:s16] =	ssyncadd.s32 @!p1 $0xFFFFF800  }
0x21b: {  	_ =	swait.ge @p3 [sflag:s22], $0x2000  }
0x21c: {  	s7 =	sadd.s32 $0x80, s7;
	s23 =	simm.s32 @p3 $0x80;
	[sflag:s22] =	ssyncset.done @p3 $0x0  }
0x21d: {  	s24 =	simm.s32 @!p3 $0x3;
	[sflag:s22] =	ssyncadd.s32 @p3 $0xFFFFE000;
	s22 =	simm.s32 @p3 $0x4000  }
0x21e: {  	[spmem:s2] =	stream.indirect.scatter.add.bf16 @p3 [tilespmem:s22], [sflag:$0x5], $0x40, s17, s23, $0xb8;
	[tilespmem:$0x12BA0] =	vst v63  }
0x21f: {  	s23 =	simm.s32 @!p3 $0x6;
	s17 =	sadd.s32 $0x80, s17;
	_ =	swait.ge @!p3 [sflag:s24], $0x2000  }
.Ltmp12:
0x220: {  	s23 =	simm.s32 @p3 $0x5;
	[sflag:s24] =	ssyncset.done @!p3 $0x0;
	(pc) =	sbr.rel @p2 .LBB2_26-.Ltmp12, $4  }
0x221: {  	s22 =	simm.s32 @!p3 $0x80;
	[sflag:s24] =	ssyncadd.s32 @!p3 $0xFFFFE000;
	s24 =	simm.s32 @!p3 $0x2000  }
0x222: {  	[spmem:s2] =	stream.indirect.scatter.add.bf16 @!p3 [tilespmem:s24], [sflag:$0x6], $0x40, s26, s22, $0xb8;
	[tilespmem:$0x12BA0] =	vst v63  }
0x223: {  	s22 =	sand.u32 $0x1, s25;
	_ =	swait.ge [sflag:s23], $0x2000  }
0x224: {  	p3 =	seq.s32 s13, $0x0;
	p4 =	seq.s32 s22, $0x0;
	[sflag:s23] =	ssyncset.done $0x0  }
0x225: {  	s13 =	simm.s32 @!p4 $0x80;
	s18 =	simm.s32 @!p4 $0x2000;
	[sflag:s23] =	ssyncadd.s32 $0xFFFFE000  }
0x226: {  	[tilespmem:s18], [sflag:$0x3] =	stream.indirect.gather @!p4 [hbm4b:s5+s13], $0x40, s7, s13, $0xb8;
	[tilespmem:$0x12BA0] =	vst v63  }
0x227: {  	s13 =	simm.s32 @!p3 $0x80;
	s18 =	simm.s32 @!p3 $0x4000  }
0x228: {  	[tilespmem:s18], [sflag:$0x4] =	stream.indirect.gather @!p3 [hbm4b:s5+s13], $0x40, s7, s13, $0xb8;
	[tilespmem:$0x12BA0] =	vst v63  }
0x229: {  	s7 =	simm.s32 @!p1 $0x80;
	s13 =	simm.s32 @!p1 $0x6000  }
0x22a: {  	[spmem:s3] =	stream.indirect.scatter.add.f32 @!p1 [tilespmem:s13], [sflag:$0x6], $0x10, s17, s7, $0xb8;
	[tilespmem:$0x12BA0] =	vst v63  }
0x22b: {  	_ =	swait.ge @!p1 [sflag:s16], $0x800  }
0x22c: {  	p2 =	seq.s32 s22, $0x1;
	[sflag:s16] =	ssyncset.done @!p1 $0x0  }
0x22d: {  	s18 =	simm.s32 @p2 $0x4;
	[sflag:s16] =	ssyncadd.s32 @!p1 $0xFFFFF800  }
0x22e: {  	_ =	swait.ge @p2 [sflag:s18], $0x2000  }
0x22f: {  	s19 =	simm.s32 @p2 $0x80;
	[sflag:s18] =	ssyncset.done @p2 $0x0  }
0x230: {  	s20 =	simm.s32 @!p2 $0x3;
	[sflag:s18] =	ssyncadd.s32 @p2 $0xFFFFE000;
	s18 =	simm.s32 @p2 $0x4000  }
0x231: {  	[spmem:s2] =	stream.indirect.scatter.add.bf16 @p2 [tilespmem:s18], [sflag:$0x5], $0x40, s17, s19, $0xb8;
	[tilespmem:$0x12BA0] =	vst v63  }
0x232: {  	_ =	swait.ge @!p2 [sflag:s20], $0x2000  }
0x233: {  	s18 =	simm.s32 @!p2 $0x6;
	s19 =	simm.s32 @!p2 $0x80;
	[sflag:s20] =	ssyncset.done @!p2 $0x0  }
0x234: {  	s18 =	simm.s32 @p2 $0x5;
	[sflag:s20] =	ssyncadd.s32 @!p2 $0xFFFFE000;
	s20 =	simm.s32 @!p2 $0x2000  }
0x235: {  	[spmem:s2] =	stream.indirect.scatter.add.bf16 @!p2 [tilespmem:s20], [sflag:$0x6], $0x40, s17, s19, $0xb8;
	[tilespmem:$0x12BA0] =	vst v63  }
0x236: {  	_ =	swait.ge [sflag:s18], $0x2000  }
0x237: {  	[sflag:s18] =	ssyncset.done $0x0  }
0x238: {  	s17 =	simm.s32 @!p1 $0x1780;
	[sflag:s18] =	ssyncadd.s32 $0xFFFFE000  }
0x239: {  	[spmem:s3] =	stream.indirect.scatter.add.f32 @!p1 [tilespmem:s13], [sflag:$0x6], $0x10, s17, s7, $0xb8;
	[tilespmem:$0x12BA0] =	vst v63  }
0x23a: {  	_ =	swait.ge @!p1 [sflag:s16], $0x800  }
0x23b: {  	[sflag:s16] =	ssyncset.done @!p1 $0x0  }
0x23c: {  	[sflag:s16] =	ssyncadd.s32 @!p1 $0xFFFFF800  }
0x23d: {  	_ =	swait.ge [sflag:s8], $0x2000  }
0x23e: {  	[sflag:s8] =	ssyncset.done $0x0  }
0x23f: {  	[sflag:s8] =	ssyncadd.s32 $0xFFFFE000  }
0x240: {  	[spmem:s2] =	stream.indirect.scatter.add.bf16 [tilespmem:s11], [sflag:$0x5], $0x40, s10, s9, $0xb8;
	[tilespmem:$0x12BA0] =	vst v63  }
0x241: {  	_ =	swait.ge [sflag:s31], $0x2000  }
0x242: {  	[sflag:s31] =	ssyncset.done $0x0  }
0x243: {  	s23 =	stileid.u32;
	[sflag:s31] =	ssyncadd.s32 $0xFFFFE000  }
0x244: {  	s7 =	sshll.u32 s23, $0x6;
	[bflag:$0x0] =	sbarrier.arrive $0xFFFF  }
0x245: {  	s24 =	sshrl.u32 s6, $0x3;
	s7 =	sor.u32 $0x1C05, s7;
	s25 =	rddreg [dreg:$0x16]  }
0x246: {  	[hbm:s25], [sflag:s7] =	dma.local [spmem:s24], $0x1390  }
0x247: {  	s15 =	sadd.s32 $0x1, s15;
	_ =	swait.ge [sflag:s31], $0x1390  }
0x248: {  	p2 =	sne.s32 s15, s29;
	[sflag:s31] =	ssyncset.done $0x0  }
.Ltmp13:
0x249: {  	s26 =	sshrl.u32 s21, $0x3;
	[sflag:s31] =	ssyncadd.s32 $0xFFFFEC70;
	(pc) =	sbr.rel @p2 .LBB2_1-.Ltmp13, $4  }
0x24a: {  	[hbm:s28], [sflag:s7] =	dma.local [spmem:s26], $0x4E4  }
0x24b: {  	_ =	swait.ge [sflag:s31], $0x4E4  }
0x24c: {  	[sflag:s31] =	ssyncset.done $0x0  }
0x24d: {  	[sflag:s31] =	ssyncadd.s32 $0xFFFFFB1C  }
0x24e: {  	_ =	sfence.sel $0x180000  }
0x24f: {  	[bflag:$0x0] =	sbarrier.arrive $0xFFFF  }
0x250: {  	_ =	strace $0x90000047  }
0x251: {  	s0 =	stileid.u32;
	[bflag:$0x2] =	sbarrier.arrive $0xFFFF  }
0x252: {  	p0 =	sne.s32 s0, $0x0;
	s0 =	rddreg [dreg:$0x3]  }
0x253: {  	s0 =	sadd.s32 @!p0 $0x100000, s0  }
0x254: {  	[sflag:s0] =	ssyncadd.tile.s32 @!p0 $0x1;
	_ =	shalt  }
.Lfunc_end2:
_tile_overlayer_lowered:
.L_overlay_start_2:
0x255: {  	(tag) =	ssettag $0x2  }
0x256: {  	s0 =	rddreg [dreg:$0x0];
	s2 =	stileid.u32  }
0x257: {  	s1 =	rddreg [dreg:$0x1];
	p0 =	sne.s32 s2, $0x0  }
0x258: {  	s3 =	rddreg [dreg:$0x2];
	[bflag:$0x3] =	sbarrier.arrive $0xFFFF;
	s2 =	simm.s32 @!p0 $0x1C05  }
0x259: {  	[timem:s3], [sflag:s2] =	dma.local @!p0 [hbm:s0], s1  }
0x25a: {  	s0 =	simm.s32 @!p0 $0x5  }
0x25b: {  	_ =	swait.ge @!p0 [sflag:s0], s1  }
0x25c: {  	s1 =	ssub.s32 @!p0 $0x0, s1;
	[sflag:s0] =	ssyncset.done @!p0 $0x0  }
0x25d: {  	[sflag:s0] =	ssyncadd.s32 @!p0 s1  }
0x25e: {  	[bflag:$0x3] =	sbarrier.arrive $0xFFFF  }
0x25f: {  	_ =	shalt  }

</sc_bundles>
